<compile_context>
chip_gen: v7x
topology: tpu7x:2x2x1
jax: 0.10.2.dev20260603
libtpu: 0.0.44.dev20260713+nightly
codegen_flags: <defaults>
</compile_context>

<pallas_src>
import functools

import jax
import jax.numpy as jnp
from jax import lax
from jax.experimental import pallas as pl
from jax.experimental.pallas import tpu as pltpu
from jax.experimental.pallas import tpu_sc as plsc

N = 10000
E = 320000
D = 128
NPAD = 10240
NC, NS, L = 2, 16, 16
NW = NC * NS
EPW = E // NW
BK = 80
NBLK = EPW // BK
NROW = NPAD // NS


def _g_body(feat_ref, nkw_ref, nkb_ref, g_ref):
    g_ref[...] = feat_ref[...] * (1.0 + nkw_ref[...]) + nkb_ref[...]


def _build_g(feat, nkw, nkb):
    return pl.pallas_call(
        _g_body,
        grid=(25,),
        in_specs=[pl.BlockSpec((400, D), lambda i: (i, 0))] * 3,
        out_specs=pl.BlockSpec((400, D), lambda i: (i, 0)),
        out_shape=jax.ShapeDtypeStruct((N, D), jnp.float32),
    )(feat, nkw, nkb)


def _edge_body(feat_hbm, g_hbm, q_hbm, ekw_hbm, ekb_hbm, src_hbm, dst_hbm,
               ex_out, s2_out,
               src_c, dst_c, ekb_c, frows, grows, qrows, ekwrows,
               s_loc, accA, accB, accQ, exblk, s_stage, stmp, sacc, sem):
    cid = lax.axis_index("c")
    sid = lax.axis_index("s")
    wid = cid * NS + sid
    ebase = wid * EPW

    pltpu.sync_copy(src_hbm.at[pl.ds(ebase, EPW)], src_c)
    pltpu.sync_copy(dst_hbm.at[pl.ds(ebase, EPW)], dst_c)
    pltpu.sync_copy(ekb_hbm.at[pl.ds(ebase, EPW)], ekb_c)

    zero16 = jnp.zeros((L,), jnp.float32)

    def zloop(i, _):
        s_loc[pl.ds(i * L, L)] = zero16
        return 0

    lax.fori_loop(0, NPAD // L, zloop, 0)

    rowi = lax.iota(jnp.int32, L)

    def blk(b, _):
        bb = b * BK
        h1 = pltpu.async_copy(feat_hbm.at[src_c.at[pl.ds(bb, BK)]], frows, sem)
        h2 = pltpu.async_copy(g_hbm.at[src_c.at[pl.ds(bb, BK)]], grows, sem)
        h3 = pltpu.async_copy(q_hbm.at[dst_c.at[pl.ds(bb, BK)]], qrows, sem)
        h4 = pltpu.async_copy(ekw_hbm.at[pl.ds(ebase + bb, BK)], ekwrows, sem)
        h1.wait()
        h2.wait()
        h3.wait()
        h4.wait()

        def sub(t, _):
            be = t * L
            for e in range(L):
                r = be + e
                fa = frows[r, pl.ds(0, L)] * ekwrows[r, pl.ds(0, L)]
                qv = qrows[r, pl.ds(0, L)]
                fb = grows[r, pl.ds(0, L)] * qv
                fq = qv
                for j in range(1, D // L):
                    fa = fa + frows[r, pl.ds(j * L, L)] * ekwrows[r, pl.ds(j * L, L)]
                    qv = qrows[r, pl.ds(j * L, L)]
                    fb = fb + grows[r, pl.ds(j * L, L)] * qv
                    fq = fq + qv
                accA[pl.ds(e * (L + 1), L)] = fa
                accB[pl.ds(e * (L + 1), L)] = fb
                accQ[pl.ds(e * (L + 1), L)] = fq
            av = zero16
            bv = zero16
            qs = zero16
            coli = rowi * (L + 1)
            for l in range(L):
                li = coli + l
                av = av + plsc.load_gather(accA, [li])
                bv = bv + plsc.load_gather(accB, [li])
                qs = qs + plsc.load_gather(accQ, [li])
            ekb_v = ekb_c[pl.ds(bb + be, L)]
            dst_v = dst_c[pl.ds(bb + be, L)]
            logit = (av + ekb_v) * qs + bv
            exv = jnp.exp(logit)
            exblk[pl.ds(be, L)] = exv
            plsc.addupdate_scatter(s_loc, [dst_v], exv)
            return 0

        lax.fori_loop(0, BK // L, sub, 0)
        pltpu.sync_copy(exblk, ex_out.at[pl.ds(ebase + bb, BK)])
        return 0

    lax.fori_loop(0, NBLK, blk, 0)

    pltpu.sync_copy(s_loc, s_stage.at[sid])
    plsc.subcore_barrier()
    nb = sid * NROW

    def srow(i, _):
        sacc[pl.ds(i * L, L)] = zero16
        return 0

    lax.fori_loop(0, NROW // L, srow, 0)

    def comb(t, _):
        pltpu.sync_copy(s_stage.at[t, pl.ds(nb, NROW)], stmp)

        def addv(i, _):
            sacc[pl.ds(i * L, L)] = sacc[pl.ds(i * L, L)] + stmp[pl.ds(i * L, L)]
            return 0

        lax.fori_loop(0, NROW // L, addv, 0)
        return 0

    lax.fori_loop(0, NS, comb, 0)
    pltpu.sync_copy(sacc, s2_out.at[cid, pl.ds(nb, NROW)])


def _norm_body(ex_hbm, s2_hbm, dst_hbm, alpha_out,
               s_tot, stmp, dst_c, ex_c, al_c, sem):
    cid = lax.axis_index("c")
    sid = lax.axis_index("s")
    wid = cid * NS + sid
    ebase = wid * EPW

    pltpu.sync_copy(s2_hbm.at[0], s_tot)
    pltpu.sync_copy(s2_hbm.at[1], stmp)

    def addv(i, _):
        s_tot[pl.ds(i * L, L)] = s_tot[pl.ds(i * L, L)] + stmp[pl.ds(i * L, L)]
        return 0

    lax.fori_loop(0, NPAD // L, addv, 0)

    pltpu.sync_copy(dst_hbm.at[pl.ds(ebase, EPW)], dst_c)
    pltpu.sync_copy(ex_hbm.at[pl.ds(ebase, EPW)], ex_c)

    one16 = jnp.ones((L,), jnp.float32)

    def grp(i, _):
        dst_v = dst_c[pl.ds(i * L, L)]
        sv = plsc.load_gather(s_tot, [dst_v])
        exv = ex_c[pl.ds(i * L, L)]
        al_c[pl.ds(i * L, L)] = exv / jnp.where(sv > 0.0, sv, one16)
        return 0

    lax.fori_loop(0, EPW // L, grp, 0)
    pltpu.sync_copy(al_c, alpha_out.at[pl.ds(ebase, EPW)])


def kernel(feat, edge_index, node_key_w, node_key_b, node_query, edge_key_w, edge_key_b):
    src = edge_index[0]
    dst = edge_index[1]
    nkw = node_key_w[:, :, 0]
    ekb = edge_key_b[:, 0]

    g = _build_g(feat, nkw, node_key_b)

    mesh = plsc.VectorSubcoreMesh(core_axis_name="c", subcore_axis_name="s")

    sc_params = pltpu.CompilerParams(needs_layout_passes=False)

    edge_k = pl.kernel(
        _edge_body,
        compiler_params=sc_params,
        out_type=(
            jax.ShapeDtypeStruct((E,), jnp.float32),
            jax.ShapeDtypeStruct((NC, NPAD), jnp.float32),
        ),
        mesh=mesh,
        scratch_types=[
            pltpu.VMEM((EPW,), jnp.int32),
            pltpu.VMEM((EPW,), jnp.int32),
            pltpu.VMEM((EPW,), jnp.float32),
            pltpu.VMEM((BK, D), jnp.float32),
            pltpu.VMEM((BK, D), jnp.float32),
            pltpu.VMEM((BK, D), jnp.float32),
            pltpu.VMEM((BK, D), jnp.float32),
            pltpu.VMEM((NPAD,), jnp.float32),
            pltpu.VMEM((L * (L + 1),), jnp.float32),
            pltpu.VMEM((L * (L + 1),), jnp.float32),
            pltpu.VMEM((L * (L + 1),), jnp.float32),
            pltpu.VMEM((BK,), jnp.float32),
            pltpu.VMEM_SHARED((NS, NPAD), jnp.float32),
            pltpu.VMEM((NROW,), jnp.float32),
            pltpu.VMEM((NROW,), jnp.float32),
            pltpu.SemaphoreType.DMA,
        ],
    )
    ex, s2 = edge_k(feat, g, node_query, edge_key_w, ekb, src, dst)

    norm_k = pl.kernel(
        _norm_body,
        compiler_params=sc_params,
        out_type=jax.ShapeDtypeStruct((E,), jnp.float32),
        mesh=mesh,
        scratch_types=[
            pltpu.VMEM((NPAD,), jnp.float32),
            pltpu.VMEM((NPAD,), jnp.float32),
            pltpu.VMEM((EPW,), jnp.int32),
            pltpu.VMEM((EPW,), jnp.float32),
            pltpu.VMEM((EPW,), jnp.float32),
            pltpu.SemaphoreType.DMA,
        ],
    )
    alpha = norm_k(ex, s2, dst)
    return alpha[:, None]

# --- scband reference (transcript-rebuilt; emitter-appended) ---
"""Pipeline reference for scband-conv-68693706932655 (READ-ONLY COPY).

The authoritative reference and input builder live on the scoring server;
editing this copy changes nothing except your own understanding.
"""

import jax, jax.numpy as jnp
import numpy as np

N = 10000
E = 320000
D = 128


def setup_inputs(seed: int = 0) -> dict:
    key = jax.random.key(seed)
    ks = jax.random.split(key, 8)
    feat = jax.random.normal(ks[0], (N, D), dtype=jnp.float32)
    edge_index = jax.random.randint(ks[1], (2, E), 0, N, dtype=jnp.int32)
    node_key_w = jax.random.normal(ks[2], (N, D, 1), dtype=jnp.float32) * 0.1
    node_key_b = jax.random.normal(ks[3], (N, D), dtype=jnp.float32) * 0.1
    node_query = jax.random.normal(ks[4], (N, D), dtype=jnp.float32) * 0.1
    edge_key_w = jax.random.normal(ks[5], (E, D), dtype=jnp.float32) * 0.1
    edge_key_b = jax.random.normal(ks[6], (E, 1), dtype=jnp.float32) * 0.1
    return {
        'feat': feat,
        'edge_index': edge_index,
        'node_key_w': node_key_w,
        'node_key_b': node_key_b,
        'node_query': node_query,
        'edge_key_w': edge_key_w,
        'edge_key_b': edge_key_b,
    }


def reference(feat, edge_index, node_key_w, node_key_b, node_query, edge_key_w, edge_key_b):
    src = edge_index[0]
    dst = edge_index[1]
    # apply_edges(copy_u): edata[FEATURE] = feat[src]
    e_feat = jnp.take(feat, src, axis=0)                                   # [E, D]
    # ndata[KEY] = (feat.view(N, D, 1) * ndata[ATTN_KEY_W]).sum(-1) + ndata[ATTN_KEY_B]
    node_key = jnp.sum(feat[:, :, None] * node_key_w, axis=-1) + node_key_b  # [N, D]
    # apply_edges(u_dot_e): edata[KEY] = <feat[src], edata[ATTN_KEY_W]>
    key_e = jnp.sum(e_feat * edge_key_w, axis=-1, keepdims=True)           # [E, 1]
    # edata[KEY] += edata[ATTN_KEY_B] + edata[FEATURE]  (broadcasts to [E, D])
    key_e = key_e + edge_key_b + e_feat                                    # [E, D]
    # apply_edges(e_add_u): edata[KEY] = edata[KEY] + ndata[KEY][src]
    key_e = key_e + jnp.take(node_key, src, axis=0)                        # [E, D]
    # apply_edges(e_dot_v): edata[ATTN_W] = <edata[KEY], ndata[QUERY][dst]>
    logits = jnp.sum(key_e * jnp.take(node_query, dst, axis=0), axis=-1)   # [E]
    # edge_softmax over incoming edges grouped by destination node
    m = jax.ops.segment_max(logits, dst, num_segments=N)
    m = jnp.where(jnp.isfinite(m), m, 0.0)
    ex = jnp.exp(logits - jnp.take(m, dst, axis=0))
    s = jax.ops.segment_sum(ex, dst, num_segments=N)
    denom = jnp.take(s, dst, axis=0)
    alpha = ex / jnp.where(denom > 0, denom, 1.0)
    return alpha[:, None]

if __name__ == "__main__":
    import jax
    _d = setup_inputs()
    print(jax.jit(kernel)(*tuple(_d.values())))

</pallas_src>

<mosaic_0001>
#map = affine_map<(d0, d1) -> (0)>
#map1 = affine_map<(d0, d1) -> (0, 0)>
module attributes {stable_mosaic.version = 14 : i64} {
  func.func @_norm_body(%arg0: i32, %arg1: i32, %arg2: memref<320000xf32, #tpu.memory_space<hbm>>, %arg3: memref<2x10240xf32, #tpu.memory_space<hbm>>, %arg4: memref<320000xi32, #tpu.memory_space<hbm>>, %arg5: memref<320000xf32, #tpu.memory_space<hbm>>, %arg6: memref<10240xf32, #tpu.memory_space<vmem>>, %arg7: memref<10240xf32, #tpu.memory_space<vmem>>, %arg8: memref<10000xi32, #tpu.memory_space<vmem>>, %arg9: memref<10000xf32, #tpu.memory_space<vmem>>, %arg10: memref<10000xf32, #tpu.memory_space<vmem>>, %arg11: memref<!tpu.dma_semaphore, #tpu.memory_space<semaphore_mem>>) attributes {dimension_semantics = [#tpu.dimension_semantics<core_parallel>, #tpu.dimension_semantics<subcore_parallel>], iteration_bounds = array<i64: 2, 16>, scalar_prefetch = 0 : i64, scratch_operands = 6 : i64, tpu.core_type = #tpu.core_type<sc_vector_subcore>, window_params = [{transform_indices = #map}, {transform_indices = #map1}, {transform_indices = #map}, {transform_indices = #map}]} {
    %mul3A = arith.constant 16 : i32
    %mul3A_0 = arith.muli %arg0, %mul3A : i32
    %add3A = arith.addi %mul3A_0, %arg1 : i32
    %mul3A_1 = arith.constant 10000 : i32
    %mul3A_2 = arith.muli %add3A, %mul3A_1 : i32
    %run_scoped3A = arith.constant 0 : i32
    "tpu.region"() ({
      %run_scoped3A_18 = tpu.sem_alloc : memref<!tpu.dma_semaphore, #tpu.memory_space<semaphore_mem>>
      %dma_start3A = arith.constant 0 : i32
      %dma_start3A_19 = tpu.memref_slice %arg3[%run_scoped3A, %dma_start3A] : memref<2x10240xf32, #tpu.memory_space<hbm>> -> memref<1x10240xf32, #tpu.memory_space<hbm>>
      %dma_start3A_20 = tpu.memref_squeeze %dma_start3A_19 : memref<1x10240xf32, #tpu.memory_space<hbm>> -> memref<10240xf32, #tpu.memory_space<hbm>>
      %dma_start3A_21 = arith.constant 0 : i32
      %dma_start3A_22 = tpu.memref_slice %arg3[%run_scoped3A, %dma_start3A_21] : memref<2x10240xf32, #tpu.memory_space<hbm>> -> memref<1x10240xf32, #tpu.memory_space<hbm>>
      %dma_start3A_23 = tpu.memref_squeeze %dma_start3A_22 : memref<1x10240xf32, #tpu.memory_space<hbm>> -> memref<10240xf32, #tpu.memory_space<hbm>>
      tpu.enqueue_dma source(%dma_start3A_23 : memref<10240xf32, #tpu.memory_space<hbm>>) target(%arg6 : memref<10240xf32, #tpu.memory_space<vmem>>) target_semaphore(%run_scoped3A_18 : memref<!tpu.dma_semaphore, #tpu.memory_space<semaphore_mem>>)
      %dma_wait3A = arith.constant 0 : i32
      %dma_wait3A_24 = tpu.memref_slice %arg3[%run_scoped3A, %dma_wait3A] : memref<2x10240xf32, #tpu.memory_space<hbm>> -> memref<1x10240xf32, #tpu.memory_space<hbm>>
      %dma_wait3A_25 = tpu.memref_squeeze %dma_wait3A_24 : memref<1x10240xf32, #tpu.memory_space<hbm>> -> memref<10240xf32, #tpu.memory_space<hbm>>
      %dma_wait3A_26 = arith.constant 0 : i32
      %dma_wait3A_27 = tpu.memref_slice %arg3[%run_scoped3A, %dma_wait3A_26] : memref<2x10240xf32, #tpu.memory_space<hbm>> -> memref<1x10240xf32, #tpu.memory_space<hbm>>
      %dma_wait3A_28 = tpu.memref_squeeze %dma_wait3A_27 : memref<1x10240xf32, #tpu.memory_space<hbm>> -> memref<10240xf32, #tpu.memory_space<hbm>>
      tpu.wait_dma2 semaphore(%run_scoped3A_18 : memref<!tpu.dma_semaphore, #tpu.memory_space<semaphore_mem>>) src(%dma_wait3A_28 : memref<10240xf32, #tpu.memory_space<hbm>>) dst(%arg6 : memref<10240xf32, #tpu.memory_space<vmem>>)
      tpu.yield
    }) : () -> ()
    %run_scoped3A_3 = arith.constant 1 : i32
    "tpu.region"() ({
      %run_scoped3A_18 = tpu.sem_alloc : memref<!tpu.dma_semaphore, #tpu.memory_space<semaphore_mem>>
      %dma_start3A = arith.constant 0 : i32
      %dma_start3A_19 = tpu.memref_slice %arg3[%run_scoped3A_3, %dma_start3A] : memref<2x10240xf32, #tpu.memory_space<hbm>> -> memref<1x10240xf32, #tpu.memory_space<hbm>>
      %dma_start3A_20 = tpu.memref_squeeze %dma_start3A_19 : memref<1x10240xf32, #tpu.memory_space<hbm>> -> memref<10240xf32, #tpu.memory_space<hbm>>
      %dma_start3A_21 = arith.constant 0 : i32
      %dma_start3A_22 = tpu.memref_slice %arg3[%run_scoped3A_3, %dma_start3A_21] : memref<2x10240xf32, #tpu.memory_space<hbm>> -> memref<1x10240xf32, #tpu.memory_space<hbm>>
      %dma_start3A_23 = tpu.memref_squeeze %dma_start3A_22 : memref<1x10240xf32, #tpu.memory_space<hbm>> -> memref<10240xf32, #tpu.memory_space<hbm>>
      tpu.enqueue_dma source(%dma_start3A_23 : memref<10240xf32, #tpu.memory_space<hbm>>) target(%arg7 : memref<10240xf32, #tpu.memory_space<vmem>>) target_semaphore(%run_scoped3A_18 : memref<!tpu.dma_semaphore, #tpu.memory_space<semaphore_mem>>)
      %dma_wait3A = arith.constant 0 : i32
      %dma_wait3A_24 = tpu.memref_slice %arg3[%run_scoped3A_3, %dma_wait3A] : memref<2x10240xf32, #tpu.memory_space<hbm>> -> memref<1x10240xf32, #tpu.memory_space<hbm>>
      %dma_wait3A_25 = tpu.memref_squeeze %dma_wait3A_24 : memref<1x10240xf32, #tpu.memory_space<hbm>> -> memref<10240xf32, #tpu.memory_space<hbm>>
      %dma_wait3A_26 = arith.constant 0 : i32
      %dma_wait3A_27 = tpu.memref_slice %arg3[%run_scoped3A_3, %dma_wait3A_26] : memref<2x10240xf32, #tpu.memory_space<hbm>> -> memref<1x10240xf32, #tpu.memory_space<hbm>>
      %dma_wait3A_28 = tpu.memref_squeeze %dma_wait3A_27 : memref<1x10240xf32, #tpu.memory_space<hbm>> -> memref<10240xf32, #tpu.memory_space<hbm>>
      tpu.wait_dma2 semaphore(%run_scoped3A_18 : memref<!tpu.dma_semaphore, #tpu.memory_space<semaphore_mem>>) src(%dma_wait3A_28 : memref<10240xf32, #tpu.memory_space<hbm>>) dst(%arg7 : memref<10240xf32, #tpu.memory_space<vmem>>)
      tpu.yield
    }) : () -> ()
    %scan3A = arith.constant 0 : i32
    %scan3A_4 = arith.constant 0 : i32
    %scan3A_5 = arith.constant 640 : i32
    %scan3A_6 = arith.addi %scan3A_4, %scan3A_5 : i32
    %scan3A_7 = arith.constant 1 : i32
    %scan3A_8 = scf.for %scan3A_18 = %scan3A_4 to %scan3A_6 step %scan3A_7 iter_args(%scan3A_19 = %scan3A) -> (i32)  : i32 {
      %mul3A_20 = arith.constant 16 : i32
      %mul3A_21 = arith.muli %scan3A_18, %mul3A_20 : i32
      %get3A = arith.index_cast %mul3A_21 : i32 to index
      %get3A_22 = tpu.vector_load %arg6[%get3A] {strides = array<i32>} : memref<10240xf32, #tpu.memory_space<vmem>>, vector<16xf32>,
      %mul3A_23 = arith.constant 16 : i32
      %mul3A_24 = arith.muli %scan3A_18, %mul3A_23 : i32
      %get3A_25 = arith.index_cast %mul3A_24 : i32 to index
      %get3A_26 = tpu.vector_load %arg7[%get3A_25] {strides = array<i32>} : memref<10240xf32, #tpu.memory_space<vmem>>, vector<16xf32>,
      %add3A_27 = arith.addf %get3A_22, %get3A_26 : vector<16xf32>
      %mul3A_28 = arith.constant 16 : i32
      %mul3A_29 = arith.muli %scan3A_18, %mul3A_28 : i32
      %swap3A = arith.index_cast %mul3A_29 : i32 to index
      %swap3A_30 = tpu.vector_load %arg6[%swap3A] {strides = array<i32>} : memref<10240xf32, #tpu.memory_space<vmem>>, vector<16xf32>,
      tpu.vector_store %arg6[%swap3A], %add3A_27 {strides = array<i32>} : memref<10240xf32, #tpu.memory_space<vmem>>, vector<16xf32>,
      %scan3A_31 = arith.constant 0 : i32
      scf.yield %scan3A_31 : i32
    }
    %scan3A_9 = arith.constant 640 : i32
    "tpu.region"() ({
      %run_scoped3A_18 = tpu.sem_alloc : memref<!tpu.dma_semaphore, #tpu.memory_space<semaphore_mem>>
      %dma_start3A = tpu.memref_slice %arg4[%mul3A_2] : memref<320000xi32, #tpu.memory_space<hbm>> -> memref<10000xi32, #tpu.memory_space<hbm>>
      %dma_start3A_19 = tpu.memref_slice %arg4[%mul3A_2] : memref<320000xi32, #tpu.memory_space<hbm>> -> memref<10000xi32, #tpu.memory_space<hbm>>
      tpu.enqueue_dma source(%dma_start3A_19 : memref<10000xi32, #tpu.memory_space<hbm>>) target(%arg8 : memref<10000xi32, #tpu.memory_space<vmem>>) target_semaphore(%run_scoped3A_18 : memref<!tpu.dma_semaphore, #tpu.memory_space<semaphore_mem>>)
      %dma_wait3A = tpu.memref_slice %arg4[%mul3A_2] : memref<320000xi32, #tpu.memory_space<hbm>> -> memref<10000xi32, #tpu.memory_space<hbm>>
      %dma_wait3A_20 = tpu.memref_slice %arg4[%mul3A_2] : memref<320000xi32, #tpu.memory_space<hbm>> -> memref<10000xi32, #tpu.memory_space<hbm>>
      tpu.wait_dma2 semaphore(%run_scoped3A_18 : memref<!tpu.dma_semaphore, #tpu.memory_space<semaphore_mem>>) src(%dma_wait3A_20 : memref<10000xi32, #tpu.memory_space<hbm>>) dst(%arg8 : memref<10000xi32, #tpu.memory_space<vmem>>)
      tpu.yield
    }) : () -> ()
    "tpu.region"() ({
      %run_scoped3A_18 = tpu.sem_alloc : memref<!tpu.dma_semaphore, #tpu.memory_space<semaphore_mem>>
      %dma_start3A = tpu.memref_slice %arg2[%mul3A_2] : memref<320000xf32, #tpu.memory_space<hbm>> -> memref<10000xf32, #tpu.memory_space<hbm>>
      %dma_start3A_19 = tpu.memref_slice %arg2[%mul3A_2] : memref<320000xf32, #tpu.memory_space<hbm>> -> memref<10000xf32, #tpu.memory_space<hbm>>
      tpu.enqueue_dma source(%dma_start3A_19 : memref<10000xf32, #tpu.memory_space<hbm>>) target(%arg9 : memref<10000xf32, #tpu.memory_space<vmem>>) target_semaphore(%run_scoped3A_18 : memref<!tpu.dma_semaphore, #tpu.memory_space<semaphore_mem>>)
      %dma_wait3A = tpu.memref_slice %arg2[%mul3A_2] : memref<320000xf32, #tpu.memory_space<hbm>> -> memref<10000xf32, #tpu.memory_space<hbm>>
      %dma_wait3A_20 = tpu.memref_slice %arg2[%mul3A_2] : memref<320000xf32, #tpu.memory_space<hbm>> -> memref<10000xf32, #tpu.memory_space<hbm>>
      tpu.wait_dma2 semaphore(%run_scoped3A_18 : memref<!tpu.dma_semaphore, #tpu.memory_space<semaphore_mem>>) src(%dma_wait3A_20 : memref<10000xf32, #tpu.memory_space<hbm>>) dst(%arg9 : memref<10000xf32, #tpu.memory_space<vmem>>)
      tpu.yield
    }) : () -> ()
    %broadcast_in_dim3A = arith.constant 1.000000e+00 : f32
    %broadcast_in_dim3A_10 = vector.broadcast %broadcast_in_dim3A : f32 to vector<16xf32>
    %scan3A_11 = arith.constant 0 : i32
    %scan3A_12 = arith.constant 0 : i32
    %scan3A_13 = arith.constant 625 : i32
    %scan3A_14 = arith.addi %scan3A_12, %scan3A_13 : i32
    %scan3A_15 = arith.constant 1 : i32
    %scan3A_16 = scf.for %scan3A_18 = %scan3A_12 to %scan3A_14 step %scan3A_15 iter_args(%scan3A_19 = %scan3A_11) -> (i32)  : i32 {
      %mul3A_20 = arith.constant 16 : i32
      %mul3A_21 = arith.muli %scan3A_18, %mul3A_20 : i32
      %get3A = arith.index_cast %mul3A_21 : i32 to index
      %get3A_22 = tpu.vector_load %arg8[%get3A] {strides = array<i32>} : memref<10000xi32, #tpu.memory_space<vmem>>, vector<16xi32>,
      %gather3A = tpu.vector_load_idx %arg6[%get3A_22] : memref<10240xf32, #tpu.memory_space<vmem>>[vector<16xi32>], vector<16xf32>,
      %mul3A_23 = arith.constant 16 : i32
      %mul3A_24 = arith.muli %scan3A_18, %mul3A_23 : i32
      %get3A_25 = arith.index_cast %mul3A_24 : i32 to index
      %get3A_26 = tpu.vector_load %arg9[%get3A_25] {strides = array<i32>} : memref<10000xf32, #tpu.memory_space<vmem>>, vector<16xf32>,
      %gt3A = arith.constant 0.000000e+00 : f32
      %gt3A_27 = vector.broadcast %gt3A : f32 to vector<16xf32>
      %gt3A_28 = arith.cmpf ogt, %gather3A, %gt3A_27 : vector<16xf32>
      %select_n3A = arith.select %gt3A_28, %gather3A, %broadcast_in_dim3A_10 : vector<16xi1>, vector<16xf32>
      %div3A = arith.divf %get3A_26, %select_n3A : vector<16xf32>
      %mul3A_29 = arith.constant 16 : i32
      %mul3A_30 = arith.muli %scan3A_18, %mul3A_29 : i32
      %swap3A = arith.index_cast %mul3A_30 : i32 to index
      %swap3A_31 = tpu.vector_load %arg10[%swap3A] {strides = array<i32>} : memref<10000xf32, #tpu.memory_space<vmem>>, vector<16xf32>,
      tpu.vector_store %arg10[%swap3A], %div3A {strides = array<i32>} : memref<10000xf32, #tpu.memory_space<vmem>>, vector<16xf32>,
      %scan3A_32 = arith.constant 0 : i32
      scf.yield %scan3A_32 : i32
    }
    %scan3A_17 = arith.constant 625 : i32
    "tpu.region"() ({
      %run_scoped3A_18 = tpu.sem_alloc : memref<!tpu.dma_semaphore, #tpu.memory_space<semaphore_mem>>
      %dma_start3A = tpu.memref_slice %arg5[%mul3A_2] : memref<320000xf32, #tpu.memory_space<hbm>> -> memref<10000xf32, #tpu.memory_space<hbm>>
      %dma_start3A_19 = tpu.memref_slice %arg5[%mul3A_2] : memref<320000xf32, #tpu.memory_space<hbm>> -> memref<10000xf32, #tpu.memory_space<hbm>>
      tpu.enqueue_dma source(%arg10 : memref<10000xf32, #tpu.memory_space<vmem>>) target(%dma_start3A_19 : memref<10000xf32, #tpu.memory_space<hbm>>) target_semaphore(%run_scoped3A_18 : memref<!tpu.dma_semaphore, #tpu.memory_space<semaphore_mem>>)
      %dma_wait3A = tpu.memref_slice %arg5[%mul3A_2] : memref<320000xf32, #tpu.memory_space<hbm>> -> memref<10000xf32, #tpu.memory_space<hbm>>
      %dma_wait3A_20 = tpu.memref_slice %arg5[%mul3A_2] : memref<320000xf32, #tpu.memory_space<hbm>> -> memref<10000xf32, #tpu.memory_space<hbm>>
      tpu.wait_dma2 semaphore(%run_scoped3A_18 : memref<!tpu.dma_semaphore, #tpu.memory_space<semaphore_mem>>) src(%arg10 : memref<10000xf32, #tpu.memory_space<vmem>>) dst(%dma_wait3A_20 : memref<10000xf32, #tpu.memory_space<hbm>>)
      tpu.yield
    }) : () -> ()
    return
  }
}

#map = affine_map<(d0, d1) -> (0, 0)>
#map1 = affine_map<(d0, d1) -> (0)>
module attributes {stable_mosaic.version = 14 : i64} {
  func.func @_edge_body(%arg0: i32, %arg1: i32, %arg2: memref<10000x128xf32, #tpu.memory_space<hbm>>, %arg3: memref<10000x128xf32, #tpu.memory_space<hbm>>, %arg4: memref<10000x128xf32, #tpu.memory_space<hbm>>, %arg5: memref<320000x128xf32, #tpu.memory_space<hbm>>, %arg6: memref<320000xf32, #tpu.memory_space<hbm>>, %arg7: memref<320000xi32, #tpu.memory_space<hbm>>, %arg8: memref<320000xi32, #tpu.memory_space<hbm>>, %arg9: memref<320000xf32, #tpu.memory_space<hbm>>, %arg10: memref<2x10240xf32, #tpu.memory_space<hbm>>, %arg11: memref<10000xi32, #tpu.memory_space<vmem>>, %arg12: memref<10000xi32, #tpu.memory_space<vmem>>, %arg13: memref<10000xf32, #tpu.memory_space<vmem>>, %arg14: memref<80x128xf32, #tpu.memory_space<vmem>>, %arg15: memref<80x128xf32, #tpu.memory_space<vmem>>, %arg16: memref<80x128xf32, #tpu.memory_space<vmem>>, %arg17: memref<80x128xf32, #tpu.memory_space<vmem>>, %arg18: memref<10240xf32, #tpu.memory_space<vmem>>, %arg19: memref<272xf32, #tpu.memory_space<vmem>>, %arg20: memref<272xf32, #tpu.memory_space<vmem>>, %arg21: memref<272xf32, #tpu.memory_space<vmem>>, %arg22: memref<80xf32, #tpu.memory_space<vmem>>, %arg23: memref<16x10240xf32, #tpu.memory_space<vmem_shared>>, %arg24: memref<640xf32, #tpu.memory_space<vmem>>, %arg25: memref<640xf32, #tpu.memory_space<vmem>>, %arg26: memref<!tpu.dma_semaphore, #tpu.memory_space<semaphore_mem>>) attributes {dimension_semantics = [#tpu.dimension_semantics<core_parallel>, #tpu.dimension_semantics<subcore_parallel>], iteration_bounds = array<i64: 2, 16>, scalar_prefetch = 0 : i64, scratch_operands = 16 : i64, tpu.core_type = #tpu.core_type<sc_vector_subcore>, window_params = [{transform_indices = #map}, {transform_indices = #map}, {transform_indices = #map}, {transform_indices = #map}, {transform_indices = #map1}, {transform_indices = #map1}, {transform_indices = #map1}, {transform_indices = #map1}, {transform_indices = #map}]} {
    %mul3A = arith.constant 16 : i32
    %mul3A_0 = arith.muli %arg0, %mul3A : i32
    %add3A = arith.addi %mul3A_0, %arg1 : i32
    %mul3A_1 = arith.constant 10000 : i32
    %mul3A_2 = arith.muli %add3A, %mul3A_1 : i32
    "tpu.region"() ({
      %run_scoped3A = tpu.sem_alloc : memref<!tpu.dma_semaphore, #tpu.memory_space<semaphore_mem>>
      %dma_start3A = tpu.memref_slice %arg7[%mul3A_2] : memref<320000xi32, #tpu.memory_space<hbm>> -> memref<10000xi32, #tpu.memory_space<hbm>>
      %dma_start3A_33 = tpu.memref_slice %arg7[%mul3A_2] : memref<320000xi32, #tpu.memory_space<hbm>> -> memref<10000xi32, #tpu.memory_space<hbm>>
      tpu.enqueue_dma source(%dma_start3A_33 : memref<10000xi32, #tpu.memory_space<hbm>>) target(%arg11 : memref<10000xi32, #tpu.memory_space<vmem>>) target_semaphore(%run_scoped3A : memref<!tpu.dma_semaphore, #tpu.memory_space<semaphore_mem>>)
      %dma_wait3A = tpu.memref_slice %arg7[%mul3A_2] : memref<320000xi32, #tpu.memory_space<hbm>> -> memref<10000xi32, #tpu.memory_space<hbm>>
      %dma_wait3A_34 = tpu.memref_slice %arg7[%mul3A_2] : memref<320000xi32, #tpu.memory_space<hbm>> -> memref<10000xi32, #tpu.memory_space<hbm>>
      tpu.wait_dma2 semaphore(%run_scoped3A : memref<!tpu.dma_semaphore, #tpu.memory_space<semaphore_mem>>) src(%dma_wait3A_34 : memref<10000xi32, #tpu.memory_space<hbm>>) dst(%arg11 : memref<10000xi32, #tpu.memory_space<vmem>>)
      tpu.yield
    }) : () -> ()
    "tpu.region"() ({
      %run_scoped3A = tpu.sem_alloc : memref<!tpu.dma_semaphore, #tpu.memory_space<semaphore_mem>>
      %dma_start3A = tpu.memref_slice %arg8[%mul3A_2] : memref<320000xi32, #tpu.memory_space<hbm>> -> memref<10000xi32, #tpu.memory_space<hbm>>
      %dma_start3A_33 = tpu.memref_slice %arg8[%mul3A_2] : memref<320000xi32, #tpu.memory_space<hbm>> -> memref<10000xi32, #tpu.memory_space<hbm>>
      tpu.enqueue_dma source(%dma_start3A_33 : memref<10000xi32, #tpu.memory_space<hbm>>) target(%arg12 : memref<10000xi32, #tpu.memory_space<vmem>>) target_semaphore(%run_scoped3A : memref<!tpu.dma_semaphore, #tpu.memory_space<semaphore_mem>>)
      %dma_wait3A = tpu.memref_slice %arg8[%mul3A_2] : memref<320000xi32, #tpu.memory_space<hbm>> -> memref<10000xi32, #tpu.memory_space<hbm>>
      %dma_wait3A_34 = tpu.memref_slice %arg8[%mul3A_2] : memref<320000xi32, #tpu.memory_space<hbm>> -> memref<10000xi32, #tpu.memory_space<hbm>>
      tpu.wait_dma2 semaphore(%run_scoped3A : memref<!tpu.dma_semaphore, #tpu.memory_space<semaphore_mem>>) src(%dma_wait3A_34 : memref<10000xi32, #tpu.memory_space<hbm>>) dst(%arg12 : memref<10000xi32, #tpu.memory_space<vmem>>)
      tpu.yield
    }) : () -> ()
    "tpu.region"() ({
      %run_scoped3A = tpu.sem_alloc : memref<!tpu.dma_semaphore, #tpu.memory_space<semaphore_mem>>
      %dma_start3A = tpu.memref_slice %arg6[%mul3A_2] : memref<320000xf32, #tpu.memory_space<hbm>> -> memref<10000xf32, #tpu.memory_space<hbm>>
      %dma_start3A_33 = tpu.memref_slice %arg6[%mul3A_2] : memref<320000xf32, #tpu.memory_space<hbm>> -> memref<10000xf32, #tpu.memory_space<hbm>>
      tpu.enqueue_dma source(%dma_start3A_33 : memref<10000xf32, #tpu.memory_space<hbm>>) target(%arg13 : memref<10000xf32, #tpu.memory_space<vmem>>) target_semaphore(%run_scoped3A : memref<!tpu.dma_semaphore, #tpu.memory_space<semaphore_mem>>)
      %dma_wait3A = tpu.memref_slice %arg6[%mul3A_2] : memref<320000xf32, #tpu.memory_space<hbm>> -> memref<10000xf32, #tpu.memory_space<hbm>>
      %dma_wait3A_34 = tpu.memref_slice %arg6[%mul3A_2] : memref<320000xf32, #tpu.memory_space<hbm>> -> memref<10000xf32, #tpu.memory_space<hbm>>
      tpu.wait_dma2 semaphore(%run_scoped3A : memref<!tpu.dma_semaphore, #tpu.memory_space<semaphore_mem>>) src(%dma_wait3A_34 : memref<10000xf32, #tpu.memory_space<hbm>>) dst(%arg13 : memref<10000xf32, #tpu.memory_space<vmem>>)
      tpu.yield
    }) : () -> ()
    %broadcast_in_dim3A = arith.constant 0.000000e+00 : f32
    %broadcast_in_dim3A_3 = vector.broadcast %broadcast_in_dim3A : f32 to vector<16xf32>
    %scan3A = arith.constant 0 : i32
    %scan3A_4 = arith.constant 0 : i32
    %scan3A_5 = arith.constant 640 : i32
    %scan3A_6 = arith.addi %scan3A_4, %scan3A_5 : i32
    %scan3A_7 = arith.constant 1 : i32
    %scan3A_8 = scf.for %scan3A_33 = %scan3A_4 to %scan3A_6 step %scan3A_7 iter_args(%scan3A_34 = %scan3A) -> (i32)  : i32 {
      %mul3A_35 = arith.constant 16 : i32
      %mul3A_36 = arith.muli %scan3A_33, %mul3A_35 : i32
      %swap3A = arith.index_cast %mul3A_36 : i32 to index
      %swap3A_37 = tpu.vector_load %arg18[%swap3A] {strides = array<i32>} : memref<10240xf32, #tpu.memory_space<vmem>>, vector<16xf32>,
      tpu.vector_store %arg18[%swap3A], %broadcast_in_dim3A_3 {strides = array<i32>} : memref<10240xf32, #tpu.memory_space<vmem>>, vector<16xf32>,
      %scan3A_38 = arith.constant 0 : i32
      scf.yield %scan3A_38 : i32
    }
    %scan3A_9 = arith.constant 640 : i32
    %iota3A = tpu.iota {dimensions = array<i32: 0>} : vector<16xi32>
    %scan3A_10 = arith.constant 0 : i32
    %scan3A_11 = arith.constant 0 : i32
    %scan3A_12 = arith.constant 125 : i32
    %scan3A_13 = arith.addi %scan3A_11, %scan3A_12 : i32
    %scan3A_14 = arith.constant 1 : i32
    %scan3A_15 = scf.for %scan3A_33 = %scan3A_11 to %scan3A_13 step %scan3A_14 iter_args(%scan3A_34 = %scan3A_10) -> (i32)  : i32 {
      %mul3A_35 = arith.constant 80 : i32
      %mul3A_36 = arith.muli %scan3A_33, %mul3A_35 : i32
      %dma_start3A = tpu.memref_slice %arg11[%mul3A_36] : memref<10000xi32, #tpu.memory_space<vmem>> -> memref<80xi32, #tpu.memory_space<vmem>>
      %dma_start3A_37 = arith.constant 0 : i32
      %dma_start3A_38 = arith.constant 0 : i32
      %dma_start3A_39 = tpu.memref_slice %arg2[%dma_start3A_37, %dma_start3A_38] : memref<10000x128xf32, #tpu.memory_space<hbm>> -> memref<10000x128xf32, #tpu.memory_space<hbm>>
      tpu.enqueue_indirect_dma source(%dma_start3A_39 : memref<10000x128xf32, #tpu.memory_space<hbm>>) target(%arg14 : memref<80x128xf32, #tpu.memory_space<vmem>>) offsets(%dma_start3A : memref<80xi32, #tpu.memory_space<vmem>>) semaphore(%arg26 : memref<!tpu.dma_semaphore, #tpu.memory_space<semaphore_mem>>)
      %dma_start3A_40 = tpu.memref_slice %arg11[%mul3A_36] : memref<10000xi32, #tpu.memory_space<vmem>> -> memref<80xi32, #tpu.memory_space<vmem>>
      %dma_start3A_41 = arith.constant 0 : i32
      %dma_start3A_42 = arith.constant 0 : i32
      %dma_start3A_43 = tpu.memref_slice %arg3[%dma_start3A_41, %dma_start3A_42] : memref<10000x128xf32, #tpu.memory_space<hbm>> -> memref<10000x128xf32, #tpu.memory_space<hbm>>
      tpu.enqueue_indirect_dma source(%dma_start3A_43 : memref<10000x128xf32, #tpu.memory_space<hbm>>) target(%arg15 : memref<80x128xf32, #tpu.memory_space<vmem>>) offsets(%dma_start3A_40 : memref<80xi32, #tpu.memory_space<vmem>>) semaphore(%arg26 : memref<!tpu.dma_semaphore, #tpu.memory_space<semaphore_mem>>)
      %dma_start3A_44 = tpu.memref_slice %arg12[%mul3A_36] : memref<10000xi32, #tpu.memory_space<vmem>> -> memref<80xi32, #tpu.memory_space<vmem>>
      %dma_start3A_45 = arith.constant 0 : i32
      %dma_start3A_46 = arith.constant 0 : i32
      %dma_start3A_47 = tpu.memref_slice %arg4[%dma_start3A_45, %dma_start3A_46] : memref<10000x128xf32, #tpu.memory_space<hbm>> -> memref<10000x128xf32, #tpu.memory_space<hbm>>
      tpu.enqueue_indirect_dma source(%dma_start3A_47 : memref<10000x128xf32, #tpu.memory_space<hbm>>) target(%arg16 : memref<80x128xf32, #tpu.memory_space<vmem>>) offsets(%dma_start3A_44 : memref<80xi32, #tpu.memory_space<vmem>>) semaphore(%arg26 : memref<!tpu.dma_semaphore, #tpu.memory_space<semaphore_mem>>)
      %add3A_48 = arith.addi %mul3A_2, %mul3A_36 : i32
      %dma_start3A_49 = arith.constant 0 : i32
      %dma_start3A_50 = tpu.memref_slice %arg5[%add3A_48, %dma_start3A_49] : memref<320000x128xf32, #tpu.memory_space<hbm>> -> memref<80x128xf32, #tpu.memory_space<hbm>>
      %dma_start3A_51 = arith.constant 0 : i32
      %dma_start3A_52 = tpu.memref_slice %arg5[%add3A_48, %dma_start3A_51] : memref<320000x128xf32, #tpu.memory_space<hbm>> -> memref<80x128xf32, #tpu.memory_space<hbm>>
      tpu.enqueue_dma source(%dma_start3A_52 : memref<80x128xf32, #tpu.memory_space<hbm>>) target(%arg17 : memref<80x128xf32, #tpu.memory_space<vmem>>) target_semaphore(%arg26 : memref<!tpu.dma_semaphore, #tpu.memory_space<semaphore_mem>>)
      %dma_wait3A = tpu.memref_slice %arg11[%mul3A_36] : memref<10000xi32, #tpu.memory_space<vmem>> -> memref<80xi32, #tpu.memory_space<vmem>>
      %dma_wait3A_53 = arith.constant 0 : i32
      %dma_wait3A_54 = arith.constant 0 : i32
      %dma_wait3A_55 = tpu.memref_slice %arg2[%dma_wait3A_53, %dma_wait3A_54] : memref<10000x128xf32, #tpu.memory_space<hbm>> -> memref<10000x128xf32, #tpu.memory_space<hbm>>
      tpu.wait_indirect_dma semaphore(%arg26 : memref<!tpu.dma_semaphore, #tpu.memory_space<semaphore_mem>>) src(%dma_wait3A_55 : memref<10000x128xf32, #tpu.memory_space<hbm>>) dst(%arg14 : memref<80x128xf32, #tpu.memory_space<vmem>>)
      %dma_wait3A_56 = tpu.memref_slice %arg11[%mul3A_36] : memref<10000xi32, #tpu.memory_space<vmem>> -> memref<80xi32, #tpu.memory_space<vmem>>
      %dma_wait3A_57 = arith.constant 0 : i32
      %dma_wait3A_58 = arith.constant 0 : i32
      %dma_wait3A_59 = tpu.memref_slice %arg3[%dma_wait3A_57, %dma_wait3A_58] : memref<10000x128xf32, #tpu.memory_space<hbm>> -> memref<10000x128xf32, #tpu.memory_space<hbm>>
      tpu.wait_indirect_dma semaphore(%arg26 : memref<!tpu.dma_semaphore, #tpu.memory_space<semaphore_mem>>) src(%dma_wait3A_59 : memref<10000x128xf32, #tpu.memory_space<hbm>>) dst(%arg15 : memref<80x128xf32, #tpu.memory_space<vmem>>)
      %dma_wait3A_60 = tpu.memref_slice %arg12[%mul3A_36] : memref<10000xi32, #tpu.memory_space<vmem>> -> memref<80xi32, #tpu.memory_space<vmem>>
      %dma_wait3A_61 = arith.constant 0 : i32
      %dma_wait3A_62 = arith.constant 0 : i32
      %dma_wait3A_63 = tpu.memref_slice %arg4[%dma_wait3A_61, %dma_wait3A_62] : memref<10000x128xf32, #tpu.memory_space<hbm>> -> memref<10000x128xf32, #tpu.memory_space<hbm>>
      tpu.wait_indirect_dma semaphore(%arg26 : memref<!tpu.dma_semaphore, #tpu.memory_space<semaphore_mem>>) src(%dma_wait3A_63 : memref<10000x128xf32, #tpu.memory_space<hbm>>) dst(%arg16 : memref<80x128xf32, #tpu.memory_space<vmem>>)
      %dma_wait3A_64 = arith.constant 0 : i32
      %dma_wait3A_65 = tpu.memref_slice %arg5[%add3A_48, %dma_wait3A_64] : memref<320000x128xf32, #tpu.memory_space<hbm>> -> memref<80x128xf32, #tpu.memory_space<hbm>>
      %dma_wait3A_66 = arith.constant 0 : i32
      %dma_wait3A_67 = tpu.memref_slice %arg5[%add3A_48, %dma_wait3A_66] : memref<320000x128xf32, #tpu.memory_space<hbm>> -> memref<80x128xf32, #tpu.memory_space<hbm>>
      tpu.wait_dma2 semaphore(%arg26 : memref<!tpu.dma_semaphore, #tpu.memory_space<semaphore_mem>>) src(%dma_wait3A_67 : memref<80x128xf32, #tpu.memory_space<hbm>>) dst(%arg17 : memref<80x128xf32, #tpu.memory_space<vmem>>)
      %scan3A_68 = arith.constant 0 : i32
      %scan3A_69 = arith.constant 0 : i32
      %scan3A_70 = arith.constant 5 : i32
      %scan3A_71 = arith.addi %scan3A_69, %scan3A_70 : i32
      %scan3A_72 = arith.constant 1 : i32
      %scan3A_73 = scf.for %scan3A_77 = %scan3A_69 to %scan3A_71 step %scan3A_72 iter_args(%scan3A_78 = %scan3A_68) -> (i32)  : i32 {
        %mul3A_79 = arith.constant 16 : i32
        %mul3A_80 = arith.muli %scan3A_77, %mul3A_79 : i32
        %add3A_81 = arith.constant 0 : i32
        %add3A_82 = arith.addi %mul3A_80, %add3A_81 : i32
        %get3A = arith.index_cast %add3A_82 : i32 to index
        %get3A_83 = arith.constant 0 : index
        %get3A_84 = tpu.vector_load %arg14[%get3A, %get3A_83] {strides = array<i32>} : memref<80x128xf32, #tpu.memory_space<vmem>>, vector<16xf32>,
        %get3A_85 = arith.index_cast %add3A_82 : i32 to index
        %get3A_86 = arith.constant 0 : index
        %get3A_87 = tpu.vector_load %arg17[%get3A_85, %get3A_86] {strides = array<i32>} : memref<80x128xf32, #tpu.memory_space<vmem>>, vector<16xf32>,
        %mul3A_88 = arith.mulf %get3A_84, %get3A_87 : vector<16xf32>
        %get3A_89 = arith.index_cast %add3A_82 : i32 to index
        %get3A_90 = arith.constant 0 : index
        %get3A_91 = tpu.vector_load %arg16[%get3A_89, %get3A_90] {strides = array<i32>} : memref<80x128xf32, #tpu.memory_space<vmem>>, vector<16xf32>,
        %get3A_92 = arith.index_cast %add3A_82 : i32 to index
        %get3A_93 = arith.constant 0 : index
        %get3A_94 = tpu.vector_load %arg15[%get3A_92, %get3A_93] {strides = array<i32>} : memref<80x128xf32, #tpu.memory_space<vmem>>, vector<16xf32>,
        %mul3A_95 = arith.mulf %get3A_94, %get3A_91 : vector<16xf32>
        %get3A_96 = arith.index_cast %add3A_82 : i32 to index
        %get3A_97 = arith.constant 16 : index
        %get3A_98 = tpu.vector_load %arg14[%get3A_96, %get3A_97] {strides = array<i32>} : memref<80x128xf32, #tpu.memory_space<vmem>>, vector<16xf32>,
        %get3A_99 = arith.index_cast %add3A_82 : i32 to index
        %get3A_100 = arith.constant 16 : index
        %get3A_101 = tpu.vector_load %arg17[%get3A_99, %get3A_100] {strides = array<i32>} : memref<80x128xf32, #tpu.memory_space<vmem>>, vector<16xf32>,
        %mul3A_102 = arith.mulf %get3A_98, %get3A_101 : vector<16xf32>
        %add3A_103 = arith.addf %mul3A_88, %mul3A_102 : vector<16xf32>
        %get3A_104 = arith.index_cast %add3A_82 : i32 to index
        %get3A_105 = arith.constant 16 : index
        %get3A_106 = tpu.vector_load %arg16[%get3A_104, %get3A_105] {strides = array<i32>} : memref<80x128xf32, #tpu.memory_space<vmem>>, vector<16xf32>,
        %get3A_107 = arith.index_cast %add3A_82 : i32 to index
        %get3A_108 = arith.constant 16 : index
        %get3A_109 = tpu.vector_load %arg15[%get3A_107, %get3A_108] {strides = array<i32>} : memref<80x128xf32, #tpu.memory_space<vmem>>, vector<16xf32>,
        %mul3A_110 = arith.mulf %get3A_109, %get3A_106 : vector<16xf32>
        %add3A_111 = arith.addf %mul3A_95, %mul3A_110 : vector<16xf32>
        %add3A_112 = arith.addf %get3A_91, %get3A_106 : vector<16xf32>
        %get3A_113 = arith.index_cast %add3A_82 : i32 to index
        %get3A_114 = arith.constant 32 : index
        %get3A_115 = tpu.vector_load %arg14[%get3A_113, %get3A_114] {strides = array<i32>} : memref<80x128xf32, #tpu.memory_space<vmem>>, vector<16xf32>,
        %get3A_116 = arith.index_cast %add3A_82 : i32 to index
        %get3A_117 = arith.constant 32 : index
        %get3A_118 = tpu.vector_load %arg17[%get3A_116, %get3A_117] {strides = array<i32>} : memref<80x128xf32, #tpu.memory_space<vmem>>, vector<16xf32>,
        %mul3A_119 = arith.mulf %get3A_115, %get3A_118 : vector<16xf32>
        %add3A_120 = arith.addf %add3A_103, %mul3A_119 : vector<16xf32>
        %get3A_121 = arith.index_cast %add3A_82 : i32 to index
        %get3A_122 = arith.constant 32 : index
        %get3A_123 = tpu.vector_load %arg16[%get3A_121, %get3A_122] {strides = array<i32>} : memref<80x128xf32, #tpu.memory_space<vmem>>, vector<16xf32>,
        %get3A_124 = arith.index_cast %add3A_82 : i32 to index
        %get3A_125 = arith.constant 32 : index
        %get3A_126 = tpu.vector_load %arg15[%get3A_124, %get3A_125] {strides = array<i32>} : memref<80x128xf32, #tpu.memory_space<vmem>>, vector<16xf32>,
        %mul3A_127 = arith.mulf %get3A_126, %get3A_123 : vector<16xf32>
        %add3A_128 = arith.addf %add3A_111, %mul3A_127 : vector<16xf32>
        %add3A_129 = arith.addf %add3A_112, %get3A_123 : vector<16xf32>
        %get3A_130 = arith.index_cast %add3A_82 : i32 to index
        %get3A_131 = arith.constant 48 : index
        %get3A_132 = tpu.vector_load %arg14[%get3A_130, %get3A_131] {strides = array<i32>} : memref<80x128xf32, #tpu.memory_space<vmem>>, vector<16xf32>,
        %get3A_133 = arith.index_cast %add3A_82 : i32 to index
        %get3A_134 = arith.constant 48 : index
        %get3A_135 = tpu.vector_load %arg17[%get3A_133, %get3A_134] {strides = array<i32>} : memref<80x128xf32, #tpu.memory_space<vmem>>, vector<16xf32>,
        %mul3A_136 = arith.mulf %get3A_132, %get3A_135 : vector<16xf32>
        %add3A_137 = arith.addf %add3A_120, %mul3A_136 : vector<16xf32>
        %get3A_138 = arith.index_cast %add3A_82 : i32 to index
        %get3A_139 = arith.constant 48 : index
        %get3A_140 = tpu.vector_load %arg16[%get3A_138, %get3A_139] {strides = array<i32>} : memref<80x128xf32, #tpu.memory_space<vmem>>, vector<16xf32>,
        %get3A_141 = arith.index_cast %add3A_82 : i32 to index
        %get3A_142 = arith.constant 48 : index
        %get3A_143 = tpu.vector_load %arg15[%get3A_141, %get3A_142] {strides = array<i32>} : memref<80x128xf32, #tpu.memory_space<vmem>>, vector<16xf32>,
        %mul3A_144 = arith.mulf %get3A_143, %get3A_140 : vector<16xf32>
        %add3A_145 = arith.addf %add3A_128, %mul3A_144 : vector<16xf32>
        %add3A_146 = arith.addf %add3A_129, %get3A_140 : vector<16xf32>
        %get3A_147 = arith.index_cast %add3A_82 : i32 to index
        %get3A_148 = arith.constant 64 : index
        %get3A_149 = tpu.vector_load %arg14[%get3A_147, %get3A_148] {strides = array<i32>} : memref<80x128xf32, #tpu.memory_space<vmem>>, vector<16xf32>,
        %get3A_150 = arith.index_cast %add3A_82 : i32 to index
        %get3A_151 = arith.constant 64 : index
        %get3A_152 = tpu.vector_load %arg17[%get3A_150, %get3A_151] {strides = array<i32>} : memref<80x128xf32, #tpu.memory_space<vmem>>, vector<16xf32>,
        %mul3A_153 = arith.mulf %get3A_149, %get3A_152 : vector<16xf32>
        %add3A_154 = arith.addf %add3A_137, %mul3A_153 : vector<16xf32>
        %get3A_155 = arith.index_cast %add3A_82 : i32 to index
        %get3A_156 = arith.constant 64 : index
        %get3A_157 = tpu.vector_load %arg16[%get3A_155, %get3A_156] {strides = array<i32>} : memref<80x128xf32, #tpu.memory_space<vmem>>, vector<16xf32>,
        %get3A_158 = arith.index_cast %add3A_82 : i32 to index
        %get3A_159 = arith.constant 64 : index
        %get3A_160 = tpu.vector_load %arg15[%get3A_158, %get3A_159] {strides = array<i32>} : memref<80x128xf32, #tpu.memory_space<vmem>>, vector<16xf32>,
        %mul3A_161 = arith.mulf %get3A_160, %get3A_157 : vector<16xf32>
        %add3A_162 = arith.addf %add3A_145, %mul3A_161 : vector<16xf32>
        %add3A_163 = arith.addf %add3A_146, %get3A_157 : vector<16xf32>
        %get3A_164 = arith.index_cast %add3A_82 : i32 to index
        %get3A_165 = arith.constant 80 : index
        %get3A_166 = tpu.vector_load %arg14[%get3A_164, %get3A_165] {strides = array<i32>} : memref<80x128xf32, #tpu.memory_space<vmem>>, vector<16xf32>,
        %get3A_167 = arith.index_cast %add3A_82 : i32 to index
        %get3A_168 = arith.constant 80 : index
        %get3A_169 = tpu.vector_load %arg17[%get3A_167, %get3A_168] {strides = array<i32>} : memref<80x128xf32, #tpu.memory_space<vmem>>, vector<16xf32>,
        %mul3A_170 = arith.mulf %get3A_166, %get3A_169 : vector<16xf32>
        %add3A_171 = arith.addf %add3A_154, %mul3A_170 : vector<16xf32>
        %get3A_172 = arith.index_cast %add3A_82 : i32 to index
        %get3A_173 = arith.constant 80 : index
        %get3A_174 = tpu.vector_load %arg16[%get3A_172, %get3A_173] {strides = array<i32>} : memref<80x128xf32, #tpu.memory_space<vmem>>, vector<16xf32>,
        %get3A_175 = arith.index_cast %add3A_82 : i32 to index
        %get3A_176 = arith.constant 80 : index
        %get3A_177 = tpu.vector_load %arg15[%get3A_175, %get3A_176] {strides = array<i32>} : memref<80x128xf32, #tpu.memory_space<vmem>>, vector<16xf32>,
        %mul3A_178 = arith.mulf %get3A_177, %get3A_174 : vector<16xf32>
        %add3A_179 = arith.addf %add3A_162, %mul3A_178 : vector<16xf32>
        %add3A_180 = arith.addf %add3A_163, %get3A_174 : vector<16xf32>
        %get3A_181 = arith.index_cast %add3A_82 : i32 to index
        %get3A_182 = arith.constant 96 : index
        %get3A_183 = tpu.vector_load %arg14[%get3A_181, %get3A_182] {strides = array<i32>} : memref<80x128xf32, #tpu.memory_space<vmem>>, vector<16xf32>,
        %get3A_184 = arith.index_cast %add3A_82 : i32 to index
        %get3A_185 = arith.constant 96 : index
        %get3A_186 = tpu.vector_load %arg17[%get3A_184, %get3A_185] {strides = array<i32>} : memref<80x128xf32, #tpu.memory_space<vmem>>, vector<16xf32>,
        %mul3A_187 = arith.mulf %get3A_183, %get3A_186 : vector<16xf32>
        %add3A_188 = arith.addf %add3A_171, %mul3A_187 : vector<16xf32>
        %get3A_189 = arith.index_cast %add3A_82 : i32 to index
        %get3A_190 = arith.constant 96 : index
        %get3A_191 = tpu.vector_load %arg16[%get3A_189, %get3A_190] {strides = array<i32>} : memref<80x128xf32, #tpu.memory_space<vmem>>, vector<16xf32>,
        %get3A_192 = arith.index_cast %add3A_82 : i32 to index
        %get3A_193 = arith.constant 96 : index
        %get3A_194 = tpu.vector_load %arg15[%get3A_192, %get3A_193] {strides = array<i32>} : memref<80x128xf32, #tpu.memory_space<vmem>>, vector<16xf32>,
        %mul3A_195 = arith.mulf %get3A_194, %get3A_191 : vector<16xf32>
        %add3A_196 = arith.addf %add3A_179, %mul3A_195 : vector<16xf32>
        %add3A_197 = arith.addf %add3A_180, %get3A_191 : vector<16xf32>
        %get3A_198 = arith.index_cast %add3A_82 : i32 to index
        %get3A_199 = arith.constant 112 : index
        %get3A_200 = tpu.vector_load %arg14[%get3A_198, %get3A_199] {strides = array<i32>} : memref<80x128xf32, #tpu.memory_space<vmem>>, vector<16xf32>,
        %get3A_201 = arith.index_cast %add3A_82 : i32 to index
        %get3A_202 = arith.constant 112 : index
        %get3A_203 = tpu.vector_load %arg17[%get3A_201, %get3A_202] {strides = array<i32>} : memref<80x128xf32, #tpu.memory_space<vmem>>, vector<16xf32>,
        %mul3A_204 = arith.mulf %get3A_200, %get3A_203 : vector<16xf32>
        %add3A_205 = arith.addf %add3A_188, %mul3A_204 : vector<16xf32>
        %get3A_206 = arith.index_cast %add3A_82 : i32 to index
        %get3A_207 = arith.constant 112 : index
        %get3A_208 = tpu.vector_load %arg16[%get3A_206, %get3A_207] {strides = array<i32>} : memref<80x128xf32, #tpu.memory_space<vmem>>, vector<16xf32>,
        %get3A_209 = arith.index_cast %add3A_82 : i32 to index
        %get3A_210 = arith.constant 112 : index
        %get3A_211 = tpu.vector_load %arg15[%get3A_209, %get3A_210] {strides = array<i32>} : memref<80x128xf32, #tpu.memory_space<vmem>>, vector<16xf32>,
        %mul3A_212 = arith.mulf %get3A_211, %get3A_208 : vector<16xf32>
        %add3A_213 = arith.addf %add3A_196, %mul3A_212 : vector<16xf32>
        %add3A_214 = arith.addf %add3A_197, %get3A_208 : vector<16xf32>
        %swap3A = arith.constant 0 : index
        %swap3A_215 = tpu.vector_load %arg19[%swap3A] {strides = array<i32>} : memref<272xf32, #tpu.memory_space<vmem>>, vector<16xf32>,
        tpu.vector_store %arg19[%swap3A], %add3A_205 {strides = array<i32>} : memref<272xf32, #tpu.memory_space<vmem>>, vector<16xf32>,
        %swap3A_216 = arith.constant 0 : index
        %swap3A_217 = tpu.vector_load %arg20[%swap3A_216] {strides = array<i32>} : memref<272xf32, #tpu.memory_space<vmem>>, vector<16xf32>,
        tpu.vector_store %arg20[%swap3A_216], %add3A_213 {strides = array<i32>} : memref<272xf32, #tpu.memory_space<vmem>>, vector<16xf32>,
        %swap3A_218 = arith.constant 0 : index
        %swap3A_219 = tpu.vector_load %arg21[%swap3A_218] {strides = array<i32>} : memref<272xf32, #tpu.memory_space<vmem>>, vector<16xf32>,
        tpu.vector_store %arg21[%swap3A_218], %add3A_214 {strides = array<i32>} : memref<272xf32, #tpu.memory_space<vmem>>, vector<16xf32>,
        %add3A_220 = arith.constant 1 : i32
        %add3A_221 = arith.addi %mul3A_80, %add3A_220 : i32
        %get3A_222 = arith.index_cast %add3A_221 : i32 to index
        %get3A_223 = arith.constant 0 : index
        %get3A_224 = tpu.vector_load %arg14[%get3A_222, %get3A_223] {strides = array<i32>} : memref<80x128xf32, #tpu.memory_space<vmem>>, vector<16xf32>,
        %get3A_225 = arith.index_cast %add3A_221 : i32 to index
        %get3A_226 = arith.constant 0 : index
        %get3A_227 = tpu.vector_load %arg17[%get3A_225, %get3A_226] {strides = array<i32>} : memref<80x128xf32, #tpu.memory_space<vmem>>, vector<16xf32>,
        %mul3A_228 = arith.mulf %get3A_224, %get3A_227 : vector<16xf32>
        %get3A_229 = arith.index_cast %add3A_221 : i32 to index
        %get3A_230 = arith.constant 0 : index
        %get3A_231 = tpu.vector_load %arg16[%get3A_229, %get3A_230] {strides = array<i32>} : memref<80x128xf32, #tpu.memory_space<vmem>>, vector<16xf32>,
        %get3A_232 = arith.index_cast %add3A_221 : i32 to index
        %get3A_233 = arith.constant 0 : index
        %get3A_234 = tpu.vector_load %arg15[%get3A_232, %get3A_233] {strides = array<i32>} : memref<80x128xf32, #tpu.memory_space<vmem>>, vector<16xf32>,
        %mul3A_235 = arith.mulf %get3A_234, %get3A_231 : vector<16xf32>
        %get3A_236 = arith.index_cast %add3A_221 : i32 to index
        %get3A_237 = arith.constant 16 : index
        %get3A_238 = tpu.vector_load %arg14[%get3A_236, %get3A_237] {strides = array<i32>} : memref<80x128xf32, #tpu.memory_space<vmem>>, vector<16xf32>,
        %get3A_239 = arith.index_cast %add3A_221 : i32 to index
        %get3A_240 = arith.constant 16 : index
        %get3A_241 = tpu.vector_load %arg17[%get3A_239, %get3A_240] {strides = array<i32>} : memref<80x128xf32, #tpu.memory_space<vmem>>, vector<16xf32>,
        %mul3A_242 = arith.mulf %get3A_238, %get3A_241 : vector<16xf32>
        %add3A_243 = arith.addf %mul3A_228, %mul3A_242 : vector<16xf32>
        %get3A_244 = arith.index_cast %add3A_221 : i32 to index
        %get3A_245 = arith.constant 16 : index
        %get3A_246 = tpu.vector_load %arg16[%get3A_244, %get3A_245] {strides = array<i32>} : memref<80x128xf32, #tpu.memory_space<vmem>>, vector<16xf32>,
        %get3A_247 = arith.index_cast %add3A_221 : i32 to index
        %get3A_248 = arith.constant 16 : index
        %get3A_249 = tpu.vector_load %arg15[%get3A_247, %get3A_248] {strides = array<i32>} : memref<80x128xf32, #tpu.memory_space<vmem>>, vector<16xf32>,
        %mul3A_250 = arith.mulf %get3A_249, %get3A_246 : vector<16xf32>
        %add3A_251 = arith.addf %mul3A_235, %mul3A_250 : vector<16xf32>
        %add3A_252 = arith.addf %get3A_231, %get3A_246 : vector<16xf32>
        %get3A_253 = arith.index_cast %add3A_221 : i32 to index
        %get3A_254 = arith.constant 32 : index
        %get3A_255 = tpu.vector_load %arg14[%get3A_253, %get3A_254] {strides = array<i32>} : memref<80x128xf32, #tpu.memory_space<vmem>>, vector<16xf32>,
        %get3A_256 = arith.index_cast %add3A_221 : i32 to index
        %get3A_257 = arith.constant 32 : index
        %get3A_258 = tpu.vector_load %arg17[%get3A_256, %get3A_257] {strides = array<i32>} : memref<80x128xf32, #tpu.memory_space<vmem>>, vector<16xf32>,
        %mul3A_259 = arith.mulf %get3A_255, %get3A_258 : vector<16xf32>
        %add3A_260 = arith.addf %add3A_243, %mul3A_259 : vector<16xf32>
        %get3A_261 = arith.index_cast %add3A_221 : i32 to index
        %get3A_262 = arith.constant 32 : index
        %get3A_263 = tpu.vector_load %arg16[%get3A_261, %get3A_262] {strides = array<i32>} : memref<80x128xf32, #tpu.memory_space<vmem>>, vector<16xf32>,
        %get3A_264 = arith.index_cast %add3A_221 : i32 to index
        %get3A_265 = arith.constant 32 : index
        %get3A_266 = tpu.vector_load %arg15[%get3A_264, %get3A_265] {strides = array<i32>} : memref<80x128xf32, #tpu.memory_space<vmem>>, vector<16xf32>,
        %mul3A_267 = arith.mulf %get3A_266, %get3A_263 : vector<16xf32>
        %add3A_268 = arith.addf %add3A_251, %mul3A_267 : vector<16xf32>
        %add3A_269 = arith.addf %add3A_252, %get3A_263 : vector<16xf32>
        %get3A_270 = arith.index_cast %add3A_221 : i32 to index
        %get3A_271 = arith.constant 48 : index
        %get3A_272 = tpu.vector_load %arg14[%get3A_270, %get3A_271] {strides = array<i32>} : memref<80x128xf32, #tpu.memory_space<vmem>>, vector<16xf32>,
        %get3A_273 = arith.index_cast %add3A_221 : i32 to index
        %get3A_274 = arith.constant 48 : index
        %get3A_275 = tpu.vector_load %arg17[%get3A_273, %get3A_274] {strides = array<i32>} : memref<80x128xf32, #tpu.memory_space<vmem>>, vector<16xf32>,
        %mul3A_276 = arith.mulf %get3A_272, %get3A_275 : vector<16xf32>
        %add3A_277 = arith.addf %add3A_260, %mul3A_276 : vector<16xf32>
        %get3A_278 = arith.index_cast %add3A_221 : i32 to index
        %get3A_279 = arith.constant 48 : index
        %get3A_280 = tpu.vector_load %arg16[%get3A_278, %get3A_279] {strides = array<i32>} : memref<80x128xf32, #tpu.memory_space<vmem>>, vector<16xf32>,
        %get3A_281 = arith.index_cast %add3A_221 : i32 to index
        %get3A_282 = arith.constant 48 : index
        %get3A_283 = tpu.vector_load %arg15[%get3A_281, %get3A_282] {strides = array<i32>} : memref<80x128xf32, #tpu.memory_space<vmem>>, vector<16xf32>,
        %mul3A_284 = arith.mulf %get3A_283, %get3A_280 : vector<16xf32>
        %add3A_285 = arith.addf %add3A_268, %mul3A_284 : vector<16xf32>
        %add3A_286 = arith.addf %add3A_269, %get3A_280 : vector<16xf32>
        %get3A_287 = arith.index_cast %add3A_221 : i32 to index
        %get3A_288 = arith.constant 64 : index
        %get3A_289 = tpu.vector_load %arg14[%get3A_287, %get3A_288] {strides = array<i32>} : memref<80x128xf32, #tpu.memory_space<vmem>>, vector<16xf32>,
        %get3A_290 = arith.index_cast %add3A_221 : i32 to index
        %get3A_291 = arith.constant 64 : index
        %get3A_292 = tpu.vector_load %arg17[%get3A_290, %get3A_291] {strides = array<i32>} : memref<80x128xf32, #tpu.memory_space<vmem>>, vector<16xf32>,
        %mul3A_293 = arith.mulf %get3A_289, %get3A_292 : vector<16xf32>
        %add3A_294 = arith.addf %add3A_277, %mul3A_293 : vector<16xf32>
        %get3A_295 = arith.index_cast %add3A_221 : i32 to index
        %get3A_296 = arith.constant 64 : index
        %get3A_297 = tpu.vector_load %arg16[%get3A_295, %get3A_296] {strides = array<i32>} : memref<80x128xf32, #tpu.memory_space<vmem>>, vector<16xf32>,
        %get3A_298 = arith.index_cast %add3A_221 : i32 to index
        %get3A_299 = arith.constant 64 : index
        %get3A_300 = tpu.vector_load %arg15[%get3A_298, %get3A_299] {strides = array<i32>} : memref<80x128xf32, #tpu.memory_space<vmem>>, vector<16xf32>,
        %mul3A_301 = arith.mulf %get3A_300, %get3A_297 : vector<16xf32>
        %add3A_302 = arith.addf %add3A_285, %mul3A_301 : vector<16xf32>
        %add3A_303 = arith.addf %add3A_286, %get3A_297 : vector<16xf32>
        %get3A_304 = arith.index_cast %add3A_221 : i32 to index
        %get3A_305 = arith.constant 80 : index
        %get3A_306 = tpu.vector_load %arg14[%get3A_304, %get3A_305] {strides = array<i32>} : memref<80x128xf32, #tpu.memory_space<vmem>>, vector<16xf32>,
        %get3A_307 = arith.index_cast %add3A_221 : i32 to index
        %get3A_308 = arith.constant 80 : index
        %get3A_309 = tpu.vector_load %arg17[%get3A_307, %get3A_308] {strides = array<i32>} : memref<80x128xf32, #tpu.memory_space<vmem>>, vector<16xf32>,
        %mul3A_310 = arith.mulf %get3A_306, %get3A_309 : vector<16xf32>
        %add3A_311 = arith.addf %add3A_294, %mul3A_310 : vector<16xf32>
        %get3A_312 = arith.index_cast %add3A_221 : i32 to index
        %get3A_313 = arith.constant 80 : index
        %get3A_314 = tpu.vector_load %arg16[%get3A_312, %get3A_313] {strides = array<i32>} : memref<80x128xf32, #tpu.memory_space<vmem>>, vector<16xf32>,
        %get3A_315 = arith.index_cast %add3A_221 : i32 to index
        %get3A_316 = arith.constant 80 : index
        %get3A_317 = tpu.vector_load %arg15[%get3A_315, %get3A_316] {strides = array<i32>} : memref<80x128xf32, #tpu.memory_space<vmem>>, vector<16xf32>,
        %mul3A_318 = arith.mulf %get3A_317, %get3A_314 : vector<16xf32>
        %add3A_319 = arith.addf %add3A_302, %mul3A_318 : vector<16xf32>
        %add3A_320 = arith.addf %add3A_303, %get3A_314 : vector<16xf32>
        %get3A_321 = arith.index_cast %add3A_221 : i32 to index
        %get3A_322 = arith.constant 96 : index
        %get3A_323 = tpu.vector_load %arg14[%get3A_321, %get3A_322] {strides = array<i32>} : memref<80x128xf32, #tpu.memory_space<vmem>>, vector<16xf32>,
        %get3A_324 = arith.index_cast %add3A_221 : i32 to index
        %get3A_325 = arith.constant 96 : index
        %get3A_326 = tpu.vector_load %arg17[%get3A_324, %get3A_325] {strides = array<i32>} : memref<80x128xf32, #tpu.memory_space<vmem>>, vector<16xf32>,
        %mul3A_327 = arith.mulf %get3A_323, %get3A_326 : vector<16xf32>
        %add3A_328 = arith.addf %add3A_311, %mul3A_327 : vector<16xf32>
        %get3A_329 = arith.index_cast %add3A_221 : i32 to index
        %get3A_330 = arith.constant 96 : index
        %get3A_331 = tpu.vector_load %arg16[%get3A_329, %get3A_330] {strides = array<i32>} : memref<80x128xf32, #tpu.memory_space<vmem>>, vector<16xf32>,
        %get3A_332 = arith.index_cast %add3A_221 : i32 to index
        %get3A_333 = arith.constant 96 : index
        %get3A_334 = tpu.vector_load %arg15[%get3A_332, %get3A_333] {strides = array<i32>} : memref<80x128xf32, #tpu.memory_space<vmem>>, vector<16xf32>,
        %mul3A_335 = arith.mulf %get3A_334, %get3A_331 : vector<16xf32>
        %add3A_336 = arith.addf %add3A_319, %mul3A_335 : vector<16xf32>
        %add3A_337 = arith.addf %add3A_320, %get3A_331 : vector<16xf32>
        %get3A_338 = arith.index_cast %add3A_221 : i32 to index
        %get3A_339 = arith.constant 112 : index
        %get3A_340 = tpu.vector_load %arg14[%get3A_338, %get3A_339] {strides = array<i32>} : memref<80x128xf32, #tpu.memory_space<vmem>>, vector<16xf32>,
        %get3A_341 = arith.index_cast %add3A_221 : i32 to index
        %get3A_342 = arith.constant 112 : index
        %get3A_343 = tpu.vector_load %arg17[%get3A_341, %get3A_342] {strides = array<i32>} : memref<80x128xf32, #tpu.memory_space<vmem>>, vector<16xf32>,
        %mul3A_344 = arith.mulf %get3A_340, %get3A_343 : vector<16xf32>
        %add3A_345 = arith.addf %add3A_328, %mul3A_344 : vector<16xf32>
        %get3A_346 = arith.index_cast %add3A_221 : i32 to index
        %get3A_347 = arith.constant 112 : index
        %get3A_348 = tpu.vector_load %arg16[%get3A_346, %get3A_347] {strides = array<i32>} : memref<80x128xf32, #tpu.memory_space<vmem>>, vector<16xf32>,
        %get3A_349 = arith.index_cast %add3A_221 : i32 to index
        %get3A_350 = arith.constant 112 : index
        %get3A_351 = tpu.vector_load %arg15[%get3A_349, %get3A_350] {strides = array<i32>} : memref<80x128xf32, #tpu.memory_space<vmem>>, vector<16xf32>,
        %mul3A_352 = arith.mulf %get3A_351, %get3A_348 : vector<16xf32>
        %add3A_353 = arith.addf %add3A_336, %mul3A_352 : vector<16xf32>
        %add3A_354 = arith.addf %add3A_337, %get3A_348 : vector<16xf32>
        %swap3A_355 = arith.constant 17 : index
        %swap3A_356 = tpu.vector_load %arg19[%swap3A_355] {strides = array<i32>} : memref<272xf32, #tpu.memory_space<vmem>>, vector<16xf32>,
        tpu.vector_store %arg19[%swap3A_355], %add3A_345 {strides = array<i32>} : memref<272xf32, #tpu.memory_space<vmem>>, vector<16xf32>,
        %swap3A_357 = arith.constant 17 : index
        %swap3A_358 = tpu.vector_load %arg20[%swap3A_357] {strides = array<i32>} : memref<272xf32, #tpu.memory_space<vmem>>, vector<16xf32>,
        tpu.vector_store %arg20[%swap3A_357], %add3A_353 {strides = array<i32>} : memref<272xf32, #tpu.memory_space<vmem>>, vector<16xf32>,
        %swap3A_359 = arith.constant 17 : index
        %swap3A_360 = tpu.vector_load %arg21[%swap3A_359] {strides = array<i32>} : memref<272xf32, #tpu.memory_space<vmem>>, vector<16xf32>,
        tpu.vector_store %arg21[%swap3A_359], %add3A_354 {strides = array<i32>} : memref<272xf32, #tpu.memory_space<vmem>>, vector<16xf32>,
        %add3A_361 = arith.constant 2 : i32
        %add3A_362 = arith.addi %mul3A_80, %add3A_361 : i32
        %get3A_363 = arith.index_cast %add3A_362 : i32 to index
        %get3A_364 = arith.constant 0 : index
        %get3A_365 = tpu.vector_load %arg14[%get3A_363, %get3A_364] {strides = array<i32>} : memref<80x128xf32, #tpu.memory_space<vmem>>, vector<16xf32>,
        %get3A_366 = arith.index_cast %add3A_362 : i32 to index
        %get3A_367 = arith.constant 0 : index
        %get3A_368 = tpu.vector_load %arg17[%get3A_366, %get3A_367] {strides = array<i32>} : memref<80x128xf32, #tpu.memory_space<vmem>>, vector<16xf32>,
        %mul3A_369 = arith.mulf %get3A_365, %get3A_368 : vector<16xf32>
        %get3A_370 = arith.index_cast %add3A_362 : i32 to index
        %get3A_371 = arith.constant 0 : index
        %get3A_372 = tpu.vector_load %arg16[%get3A_370, %get3A_371] {strides = array<i32>} : memref<80x128xf32, #tpu.memory_space<vmem>>, vector<16xf32>,
        %get3A_373 = arith.index_cast %add3A_362 : i32 to index
        %get3A_374 = arith.constant 0 : index
        %get3A_375 = tpu.vector_load %arg15[%get3A_373, %get3A_374] {strides = array<i32>} : memref<80x128xf32, #tpu.memory_space<vmem>>, vector<16xf32>,
        %mul3A_376 = arith.mulf %get3A_375, %get3A_372 : vector<16xf32>
        %get3A_377 = arith.index_cast %add3A_362 : i32 to index
        %get3A_378 = arith.constant 16 : index
        %get3A_379 = tpu.vector_load %arg14[%get3A_377, %get3A_378] {strides = array<i32>} : memref<80x128xf32, #tpu.memory_space<vmem>>, vector<16xf32>,
        %get3A_380 = arith.index_cast %add3A_362 : i32 to index
        %get3A_381 = arith.constant 16 : index
        %get3A_382 = tpu.vector_load %arg17[%get3A_380, %get3A_381] {strides = array<i32>} : memref<80x128xf32, #tpu.memory_space<vmem>>, vector<16xf32>,
        %mul3A_383 = arith.mulf %get3A_379, %get3A_382 : vector<16xf32>
        %add3A_384 = arith.addf %mul3A_369, %mul3A_383 : vector<16xf32>
        %get3A_385 = arith.index_cast %add3A_362 : i32 to index
        %get3A_386 = arith.constant 16 : index
        %get3A_387 = tpu.vector_load %arg16[%get3A_385, %get3A_386] {strides = array<i32>} : memref<80x128xf32, #tpu.memory_space<vmem>>, vector<16xf32>,
        %get3A_388 = arith.index_cast %add3A_362 : i32 to index
        %get3A_389 = arith.constant 16 : index
        %get3A_390 = tpu.vector_load %arg15[%get3A_388, %get3A_389] {strides = array<i32>} : memref<80x128xf32, #tpu.memory_space<vmem>>, vector<16xf32>,
        %mul3A_391 = arith.mulf %get3A_390, %get3A_387 : vector<16xf32>
        %add3A_392 = arith.addf %mul3A_376, %mul3A_391 : vector<16xf32>
        %add3A_393 = arith.addf %get3A_372, %get3A_387 : vector<16xf32>
        %get3A_394 = arith.index_cast %add3A_362 : i32 to index
        %get3A_395 = arith.constant 32 : index
        %get3A_396 = tpu.vector_load %arg14[%get3A_394, %get3A_395] {strides = array<i32>} : memref<80x128xf32, #tpu.memory_space<vmem>>, vector<16xf32>,
        %get3A_397 = arith.index_cast %add3A_362 : i32 to index
        %get3A_398 = arith.constant 32 : index
        %get3A_399 = tpu.vector_load %arg17[%get3A_397, %get3A_398] {strides = array<i32>} : memref<80x128xf32, #tpu.memory_space<vmem>>, vector<16xf32>,
        %mul3A_400 = arith.mulf %get3A_396, %get3A_399 : vector<16xf32>
        %add3A_401 = arith.addf %add3A_384, %mul3A_400 : vector<16xf32>
        %get3A_402 = arith.index_cast %add3A_362 : i32 to index
        %get3A_403 = arith.constant 32 : index
        %get3A_404 = tpu.vector_load %arg16[%get3A_402, %get3A_403] {strides = array<i32>} : memref<80x128xf32, #tpu.memory_space<vmem>>, vector<16xf32>,
        %get3A_405 = arith.index_cast %add3A_362 : i32 to index
        %get3A_406 = arith.constant 32 : index
        %get3A_407 = tpu.vector_load %arg15[%get3A_405, %get3A_406] {strides = array<i32>} : memref<80x128xf32, #tpu.memory_space<vmem>>, vector<16xf32>,
        %mul3A_408 = arith.mulf %get3A_407, %get3A_404 : vector<16xf32>
        %add3A_409 = arith.addf %add3A_392, %mul3A_408 : vector<16xf32>
        %add3A_410 = arith.addf %add3A_393, %get3A_404 : vector<16xf32>
        %get3A_411 = arith.index_cast %add3A_362 : i32 to index
        %get3A_412 = arith.constant 48 : index
        %get3A_413 = tpu.vector_load %arg14[%get3A_411, %get3A_412] {strides = array<i32>} : memref<80x128xf32, #tpu.memory_space<vmem>>, vector<16xf32>,
        %get3A_414 = arith.index_cast %add3A_362 : i32 to index
        %get3A_415 = arith.constant 48 : index
        %get3A_416 = tpu.vector_load %arg17[%get3A_414, %get3A_415] {strides = array<i32>} : memref<80x128xf32, #tpu.memory_space<vmem>>, vector<16xf32>,
        %mul3A_417 = arith.mulf %get3A_413, %get3A_416 : vector<16xf32>
        %add3A_418 = arith.addf %add3A_401, %mul3A_417 : vector<16xf32>
        %get3A_419 = arith.index_cast %add3A_362 : i32 to index
        %get3A_420 = arith.constant 48 : index
        %get3A_421 = tpu.vector_load %arg16[%get3A_419, %get3A_420] {strides = array<i32>} : memref<80x128xf32, #tpu.memory_space<vmem>>, vector<16xf32>,
        %get3A_422 = arith.index_cast %add3A_362 : i32 to index
        %get3A_423 = arith.constant 48 : index
        %get3A_424 = tpu.vector_load %arg15[%get3A_422, %get3A_423] {strides = array<i32>} : memref<80x128xf32, #tpu.memory_space<vmem>>, vector<16xf32>,
        %mul3A_425 = arith.mulf %get3A_424, %get3A_421 : vector<16xf32>
        %add3A_426 = arith.addf %add3A_409, %mul3A_425 : vector<16xf32>
        %add3A_427 = arith.addf %add3A_410, %get3A_421 : vector<16xf32>
        %get3A_428 = arith.index_cast %add3A_362 : i32 to index
        %get3A_429 = arith.constant 64 : index
        %get3A_430 = tpu.vector_load %arg14[%get3A_428, %get3A_429] {strides = array<i32>} : memref<80x128xf32, #tpu.memory_space<vmem>>, vector<16xf32>,
        %get3A_431 = arith.index_cast %add3A_362 : i32 to index
        %get3A_432 = arith.constant 64 : index
        %get3A_433 = tpu.vector_load %arg17[%get3A_431, %get3A_432] {strides = array<i32>} : memref<80x128xf32, #tpu.memory_space<vmem>>, vector<16xf32>,
        %mul3A_434 = arith.mulf %get3A_430, %get3A_433 : vector<16xf32>
        %add3A_435 = arith.addf %add3A_418, %mul3A_434 : vector<16xf32>
        %get3A_436 = arith.index_cast %add3A_362 : i32 to index
        %get3A_437 = arith.constant 64 : index
        %get3A_438 = tpu.vector_load %arg16[%get3A_436, %get3A_437] {strides = array<i32>} : memref<80x128xf32, #tpu.memory_space<vmem>>, vector<16xf32>,
        %get3A_439 = arith.index_cast %add3A_362 : i32 to index
        %get3A_440 = arith.constant 64 : index
        %get3A_441 = tpu.vector_load %arg15[%get3A_439, %get3A_440] {strides = array<i32>} : memref<80x128xf32, #tpu.memory_space<vmem>>, vector<16xf32>,
        %mul3A_442 = arith.mulf %get3A_441, %get3A_438 : vector<16xf32>
        %add3A_443 = arith.addf %add3A_426, %mul3A_442 : vector<16xf32>
        %add3A_444 = arith.addf %add3A_427, %get3A_438 : vector<16xf32>
        %get3A_445 = arith.index_cast %add3A_362 : i32 to index
        %get3A_446 = arith.constant 80 : index
        %get3A_447 = tpu.vector_load %arg14[%get3A_445, %get3A_446] {strides = array<i32>} : memref<80x128xf32, #tpu.memory_space<vmem>>, vector<16xf32>,
        %get3A_448 = arith.index_cast %add3A_362 : i32 to index
        %get3A_449 = arith.constant 80 : index
        %get3A_450 = tpu.vector_load %arg17[%get3A_448, %get3A_449] {strides = array<i32>} : memref<80x128xf32, #tpu.memory_space<vmem>>, vector<16xf32>,
        %mul3A_451 = arith.mulf %get3A_447, %get3A_450 : vector<16xf32>
        %add3A_452 = arith.addf %add3A_435, %mul3A_451 : vector<16xf32>
        %get3A_453 = arith.index_cast %add3A_362 : i32 to index
        %get3A_454 = arith.constant 80 : index
        %get3A_455 = tpu.vector_load %arg16[%get3A_453, %get3A_454] {strides = array<i32>} : memref<80x128xf32, #tpu.memory_space<vmem>>, vector<16xf32>,
        %get3A_456 = arith.index_cast %add3A_362 : i32 to index
        %get3A_457 = arith.constant 80 : index
        %get3A_458 = tpu.vector_load %arg15[%get3A_456, %get3A_457] {strides = array<i32>} : memref<80x128xf32, #tpu.memory_space<vmem>>, vector<16xf32>,
        %mul3A_459 = arith.mulf %get3A_458, %get3A_455 : vector<16xf32>
        %add3A_460 = arith.addf %add3A_443, %mul3A_459 : vector<16xf32>
        %add3A_461 = arith.addf %add3A_444, %get3A_455 : vector<16xf32>
        %get3A_462 = arith.index_cast %add3A_362 : i32 to index
        %get3A_463 = arith.constant 96 : index
        %get3A_464 = tpu.vector_load %arg14[%get3A_462, %get3A_463] {strides = array<i32>} : memref<80x128xf32, #tpu.memory_space<vmem>>, vector<16xf32>,
        %get3A_465 = arith.index_cast %add3A_362 : i32 to index
        %get3A_466 = arith.constant 96 : index
        %get3A_467 = tpu.vector_load %arg17[%get3A_465, %get3A_466] {strides = array<i32>} : memref<80x128xf32, #tpu.memory_space<vmem>>, vector<16xf32>,
        %mul3A_468 = arith.mulf %get3A_464, %get3A_467 : vector<16xf32>
        %add3A_469 = arith.addf %add3A_452, %mul3A_468 : vector<16xf32>
        %get3A_470 = arith.index_cast %add3A_362 : i32 to index
        %get3A_471 = arith.constant 96 : index
        %get3A_472 = tpu.vector_load %arg16[%get3A_470, %get3A_471] {strides = array<i32>} : memref<80x128xf32, #tpu.memory_space<vmem>>, vector<16xf32>,
        %get3A_473 = arith.index_cast %add3A_362 : i32 to index
        %get3A_474 = arith.constant 96 : index
        %get3A_475 = tpu.vector_load %arg15[%get3A_473, %get3A_474] {strides = array<i32>} : memref<80x128xf32, #tpu.memory_space<vmem>>, vector<16xf32>,
        %mul3A_476 = arith.mulf %get3A_475, %get3A_472 : vector<16xf32>
        %add3A_477 = arith.addf %add3A_460, %mul3A_476 : vector<16xf32>
        %add3A_478 = arith.addf %add3A_461, %get3A_472 : vector<16xf32>
        %get3A_479 = arith.index_cast %add3A_362 : i32 to index
        %get3A_480 = arith.constant 112 : index
        %get3A_481 = tpu.vector_load %arg14[%get3A_479, %get3A_480] {strides = array<i32>} : memref<80x128xf32, #tpu.memory_space<vmem>>, vector<16xf32>,
        %get3A_482 = arith.index_cast %add3A_362 : i32 to index
        %get3A_483 = arith.constant 112 : index
        %get3A_484 = tpu.vector_load %arg17[%get3A_482, %get3A_483] {strides = array<i32>} : memref<80x128xf32, #tpu.memory_space<vmem>>, vector<16xf32>,
        %mul3A_485 = arith.mulf %get3A_481, %get3A_484 : vector<16xf32>
        %add3A_486 = arith.addf %add3A_469, %mul3A_485 : vector<16xf32>
        %get3A_487 = arith.index_cast %add3A_362 : i32 to index
        %get3A_488 = arith.constant 112 : index
        %get3A_489 = tpu.vector_load %arg16[%get3A_487, %get3A_488] {strides = array<i32>} : memref<80x128xf32, #tpu.memory_space<vmem>>, vector<16xf32>,
        %get3A_490 = arith.index_cast %add3A_362 : i32 to index
        %get3A_491 = arith.constant 112 : index
        %get3A_492 = tpu.vector_load %arg15[%get3A_490, %get3A_491] {strides = array<i32>} : memref<80x128xf32, #tpu.memory_space<vmem>>, vector<16xf32>,
        %mul3A_493 = arith.mulf %get3A_492, %get3A_489 : vector<16xf32>
        %add3A_494 = arith.addf %add3A_477, %mul3A_493 : vector<16xf32>
        %add3A_495 = arith.addf %add3A_478, %get3A_489 : vector<16xf32>
        %swap3A_496 = arith.constant 34 : index
        %swap3A_497 = tpu.vector_load %arg19[%swap3A_496] {strides = array<i32>} : memref<272xf32, #tpu.memory_space<vmem>>, vector<16xf32>,
        tpu.vector_store %arg19[%swap3A_496], %add3A_486 {strides = array<i32>} : memref<272xf32, #tpu.memory_space<vmem>>, vector<16xf32>,
        %swap3A_498 = arith.constant 34 : index
        %swap3A_499 = tpu.vector_load %arg20[%swap3A_498] {strides = array<i32>} : memref<272xf32, #tpu.memory_space<vmem>>, vector<16xf32>,
        tpu.vector_store %arg20[%swap3A_498], %add3A_494 {strides = array<i32>} : memref<272xf32, #tpu.memory_space<vmem>>, vector<16xf32>,
        %swap3A_500 = arith.constant 34 : index
        %swap3A_501 = tpu.vector_load %arg21[%swap3A_500] {strides = array<i32>} : memref<272xf32, #tpu.memory_space<vmem>>, vector<16xf32>,
        tpu.vector_store %arg21[%swap3A_500], %add3A_495 {strides = array<i32>} : memref<272xf32, #tpu.memory_space<vmem>>, vector<16xf32>,
        %add3A_502 = arith.constant 3 : i32
        %add3A_503 = arith.addi %mul3A_80, %add3A_502 : i32
        %get3A_504 = arith.index_cast %add3A_503 : i32 to index
        %get3A_505 = arith.constant 0 : index
        %get3A_506 = tpu.vector_load %arg14[%get3A_504, %get3A_505] {strides = array<i32>} : memref<80x128xf32, #tpu.memory_space<vmem>>, vector<16xf32>,
        %get3A_507 = arith.index_cast %add3A_503 : i32 to index
        %get3A_508 = arith.constant 0 : index
        %get3A_509 = tpu.vector_load %arg17[%get3A_507, %get3A_508] {strides = array<i32>} : memref<80x128xf32, #tpu.memory_space<vmem>>, vector<16xf32>,
        %mul3A_510 = arith.mulf %get3A_506, %get3A_509 : vector<16xf32>
        %get3A_511 = arith.index_cast %add3A_503 : i32 to index
        %get3A_512 = arith.constant 0 : index
        %get3A_513 = tpu.vector_load %arg16[%get3A_511, %get3A_512] {strides = array<i32>} : memref<80x128xf32, #tpu.memory_space<vmem>>, vector<16xf32>,
        %get3A_514 = arith.index_cast %add3A_503 : i32 to index
        %get3A_515 = arith.constant 0 : index
        %get3A_516 = tpu.vector_load %arg15[%get3A_514, %get3A_515] {strides = array<i32>} : memref<80x128xf32, #tpu.memory_space<vmem>>, vector<16xf32>,
        %mul3A_517 = arith.mulf %get3A_516, %get3A_513 : vector<16xf32>
        %get3A_518 = arith.index_cast %add3A_503 : i32 to index
        %get3A_519 = arith.constant 16 : index
        %get3A_520 = tpu.vector_load %arg14[%get3A_518, %get3A_519] {strides = array<i32>} : memref<80x128xf32, #tpu.memory_space<vmem>>, vector<16xf32>,
        %get3A_521 = arith.index_cast %add3A_503 : i32 to index
        %get3A_522 = arith.constant 16 : index
        %get3A_523 = tpu.vector_load %arg17[%get3A_521, %get3A_522] {strides = array<i32>} : memref<80x128xf32, #tpu.memory_space<vmem>>, vector<16xf32>,
        %mul3A_524 = arith.mulf %get3A_520, %get3A_523 : vector<16xf32>
        %add3A_525 = arith.addf %mul3A_510, %mul3A_524 : vector<16xf32>
        %get3A_526 = arith.index_cast %add3A_503 : i32 to index
        %get3A_527 = arith.constant 16 : index
        %get3A_528 = tpu.vector_load %arg16[%get3A_526, %get3A_527] {strides = array<i32>} : memref<80x128xf32, #tpu.memory_space<vmem>>, vector<16xf32>,
        %get3A_529 = arith.index_cast %add3A_503 : i32 to index
        %get3A_530 = arith.constant 16 : index
        %get3A_531 = tpu.vector_load %arg15[%get3A_529, %get3A_530] {strides = array<i32>} : memref<80x128xf32, #tpu.memory_space<vmem>>, vector<16xf32>,
        %mul3A_532 = arith.mulf %get3A_531, %get3A_528 : vector<16xf32>
        %add3A_533 = arith.addf %mul3A_517, %mul3A_532 : vector<16xf32>
        %add3A_534 = arith.addf %get3A_513, %get3A_528 : vector<16xf32>
        %get3A_535 = arith.index_cast %add3A_503 : i32 to index
        %get3A_536 = arith.constant 32 : index
        %get3A_537 = tpu.vector_load %arg14[%get3A_535, %get3A_536] {strides = array<i32>} : memref<80x128xf32, #tpu.memory_space<vmem>>, vector<16xf32>,
        %get3A_538 = arith.index_cast %add3A_503 : i32 to index
        %get3A_539 = arith.constant 32 : index
        %get3A_540 = tpu.vector_load %arg17[%get3A_538, %get3A_539] {strides = array<i32>} : memref<80x128xf32, #tpu.memory_space<vmem>>, vector<16xf32>,
        %mul3A_541 = arith.mulf %get3A_537, %get3A_540 : vector<16xf32>
        %add3A_542 = arith.addf %add3A_525, %mul3A_541 : vector<16xf32>
        %get3A_543 = arith.index_cast %add3A_503 : i32 to index
        %get3A_544 = arith.constant 32 : index
        %get3A_545 = tpu.vector_load %arg16[%get3A_543, %get3A_544] {strides = array<i32>} : memref<80x128xf32, #tpu.memory_space<vmem>>, vector<16xf32>,
        %get3A_546 = arith.index_cast %add3A_503 : i32 to index
        %get3A_547 = arith.constant 32 : index
        %get3A_548 = tpu.vector_load %arg15[%get3A_546, %get3A_547] {strides = array<i32>} : memref<80x128xf32, #tpu.memory_space<vmem>>, vector<16xf32>,
        %mul3A_549 = arith.mulf %get3A_548, %get3A_545 : vector<16xf32>
        %add3A_550 = arith.addf %add3A_533, %mul3A_549 : vector<16xf32>
        %add3A_551 = arith.addf %add3A_534, %get3A_545 : vector<16xf32>
        %get3A_552 = arith.index_cast %add3A_503 : i32 to index
        %get3A_553 = arith.constant 48 : index
        %get3A_554 = tpu.vector_load %arg14[%get3A_552, %get3A_553] {strides = array<i32>} : memref<80x128xf32, #tpu.memory_space<vmem>>, vector<16xf32>,
        %get3A_555 = arith.index_cast %add3A_503 : i32 to index
        %get3A_556 = arith.constant 48 : index
        %get3A_557 = tpu.vector_load %arg17[%get3A_555, %get3A_556] {strides = array<i32>} : memref<80x128xf32, #tpu.memory_space<vmem>>, vector<16xf32>,
        %mul3A_558 = arith.mulf %get3A_554, %get3A_557 : vector<16xf32>
        %add3A_559 = arith.addf %add3A_542, %mul3A_558 : vector<16xf32>
        %get3A_560 = arith.index_cast %add3A_503 : i32 to index
        %get3A_561 = arith.constant 48 : index
        %get3A_562 = tpu.vector_load %arg16[%get3A_560, %get3A_561] {strides = array<i32>} : memref<80x128xf32, #tpu.memory_space<vmem>>, vector<16xf32>,
        %get3A_563 = arith.index_cast %add3A_503 : i32 to index
        %get3A_564 = arith.constant 48 : index
        %get3A_565 = tpu.vector_load %arg15[%get3A_563, %get3A_564] {strides = array<i32>} : memref<80x128xf32, #tpu.memory_space<vmem>>, vector<16xf32>,
        %mul3A_566 = arith.mulf %get3A_565, %get3A_562 : vector<16xf32>
        %add3A_567 = arith.addf %add3A_550, %mul3A_566 : vector<16xf32>
        %add3A_568 = arith.addf %add3A_551, %get3A_562 : vector<16xf32>
        %get3A_569 = arith.index_cast %add3A_503 : i32 to index
        %get3A_570 = arith.constant 64 : index
        %get3A_571 = tpu.vector_load %arg14[%get3A_569, %get3A_570] {strides = array<i32>} : memref<80x128xf32, #tpu.memory_space<vmem>>, vector<16xf32>,
        %get3A_572 = arith.index_cast %add3A_503 : i32 to index
        %get3A_573 = arith.constant 64 : index
        %get3A_574 = tpu.vector_load %arg17[%get3A_572, %get3A_573] {strides = array<i32>} : memref<80x128xf32, #tpu.memory_space<vmem>>, vector<16xf32>,
        %mul3A_575 = arith.mulf %get3A_571, %get3A_574 : vector<16xf32>
        %add3A_576 = arith.addf %add3A_559, %mul3A_575 : vector<16xf32>
        %get3A_577 = arith.index_cast %add3A_503 : i32 to index
        %get3A_578 = arith.constant 64 : index
        %get3A_579 = tpu.vector_load %arg16[%get3A_577, %get3A_578] {strides = array<i32>} : memref<80x128xf32, #tpu.memory_space<vmem>>, vector<16xf32>,
        %get3A_580 = arith.index_cast %add3A_503 : i32 to index
        %get3A_581 = arith.constant 64 : index
        %get3A_582 = tpu.vector_load %arg15[%get3A_580, %get3A_581] {strides = array<i32>} : memref<80x128xf32, #tpu.memory_space<vmem>>, vector<16xf32>,
        %mul3A_583 = arith.mulf %get3A_582, %get3A_579 : vector<16xf32>
        %add3A_584 = arith.addf %add3A_567, %mul3A_583 : vector<16xf32>
        %add3A_585 = arith.addf %add3A_568, %get3A_579 : vector<16xf32>
        %get3A_586 = arith.index_cast %add3A_503 : i32 to index
        %get3A_587 = arith.constant 80 : index
        %get3A_588 = tpu.vector_load %arg14[%get3A_586, %get3A_587] {strides = array<i32>} : memref<80x128xf32, #tpu.memory_space<vmem>>, vector<16xf32>,
        %get3A_589 = arith.index_cast %add3A_503 : i32 to index
        %get3A_590 = arith.constant 80 : index
        %get3A_591 = tpu.vector_load %arg17[%get3A_589, %get3A_590] {strides = array<i32>} : memref<80x128xf32, #tpu.memory_space<vmem>>, vector<16xf32>,
        %mul3A_592 = arith.mulf %get3A_588, %get3A_591 : vector<16xf32>
        %add3A_593 = arith.addf %add3A_576, %mul3A_592 : vector<16xf32>
        %get3A_594 = arith.index_cast %add3A_503 : i32 to index
        %get3A_595 = arith.constant 80 : index
        %get3A_596 = tpu.vector_load %arg16[%get3A_594, %get3A_595] {strides = array<i32>} : memref<80x128xf32, #tpu.memory_space<vmem>>, vector<16xf32>,
        %get3A_597 = arith.index_cast %add3A_503 : i32 to index
        %get3A_598 = arith.constant 80 : index
        %get3A_599 = tpu.vector_load %arg15[%get3A_597, %get3A_598] {strides = array<i32>} : memref<80x128xf32, #tpu.memory_space<vmem>>, vector<16xf32>,
        %mul3A_600 = arith.mulf %get3A_599, %get3A_596 : vector<16xf32>
        %add3A_601 = arith.addf %add3A_584, %mul3A_600 : vector<16xf32>
        %add3A_602 = arith.addf %add3A_585, %get3A_596 : vector<16xf32>
        %get3A_603 = arith.index_cast %add3A_503 : i32 to index
        %get3A_604 = arith.constant 96 : index
        %get3A_605 = tpu.vector_load %arg14[%get3A_603, %get3A_604] {strides = array<i32>} : memref<80x128xf32, #tpu.memory_space<vmem>>, vector<16xf32>,
        %get3A_606 = arith.index_cast %add3A_503 : i32 to index
        %get3A_607 = arith.constant 96 : index
        %get3A_608 = tpu.vector_load %arg17[%get3A_606, %get3A_607] {strides = array<i32>} : memref<80x128xf32, #tpu.memory_space<vmem>>, vector<16xf32>,
        %mul3A_609 = arith.mulf %get3A_605, %get3A_608 : vector<16xf32>
        %add3A_610 = arith.addf %add3A_593, %mul3A_609 : vector<16xf32>
        %get3A_611 = arith.index_cast %add3A_503 : i32 to index
        %get3A_612 = arith.constant 96 : index
        %get3A_613 = tpu.vector_load %arg16[%get3A_611, %get3A_612] {strides = array<i32>} : memref<80x128xf32, #tpu.memory_space<vmem>>, vector<16xf32>,
        %get3A_614 = arith.index_cast %add3A_503 : i32 to index
        %get3A_615 = arith.constant 96 : index
        %get3A_616 = tpu.vector_load %arg15[%get3A_614, %get3A_615] {strides = array<i32>} : memref<80x128xf32, #tpu.memory_space<vmem>>, vector<16xf32>,
        %mul3A_617 = arith.mulf %get3A_616, %get3A_613 : vector<16xf32>
        %add3A_618 = arith.addf %add3A_601, %mul3A_617 : vector<16xf32>
        %add3A_619 = arith.addf %add3A_602, %get3A_613 : vector<16xf32>
        %get3A_620 = arith.index_cast %add3A_503 : i32 to index
        %get3A_621 = arith.constant 112 : index
        %get3A_622 = tpu.vector_load %arg14[%get3A_620, %get3A_621] {strides = array<i32>} : memref<80x128xf32, #tpu.memory_space<vmem>>, vector<16xf32>,
        %get3A_623 = arith.index_cast %add3A_503 : i32 to index
        %get3A_624 = arith.constant 112 : index
        %get3A_625 = tpu.vector_load %arg17[%get3A_623, %get3A_624] {strides = array<i32>} : memref<80x128xf32, #tpu.memory_space<vmem>>, vector<16xf32>,
        %mul3A_626 = arith.mulf %get3A_622, %get3A_625 : vector<16xf32>
        %add3A_627 = arith.addf %add3A_610, %mul3A_626 : vector<16xf32>
        %get3A_628 = arith.index_cast %add3A_503 : i32 to index
        %get3A_629 = arith.constant 112 : index
        %get3A_630 = tpu.vector_load %arg16[%get3A_628, %get3A_629] {strides = array<i32>} : memref<80x128xf32, #tpu.memory_space<vmem>>, vector<16xf32>,
        %get3A_631 = arith.index_cast %add3A_503 : i32 to index
        %get3A_632 = arith.constant 112 : index
        %get3A_633 = tpu.vector_load %arg15[%get3A_631, %get3A_632] {strides = array<i32>} : memref<80x128xf32, #tpu.memory_space<vmem>>, vector<16xf32>,
        %mul3A_634 = arith.mulf %get3A_633, %get3A_630 : vector<16xf32>
        %add3A_635 = arith.addf %add3A_618, %mul3A_634 : vector<16xf32>
        %add3A_636 = arith.addf %add3A_619, %get3A_630 : vector<16xf32>
        %swap3A_637 = arith.constant 51 : index
        %swap3A_638 = tpu.vector_load %arg19[%swap3A_637] {strides = array<i32>} : memref<272xf32, #tpu.memory_space<vmem>>, vector<16xf32>,
        tpu.vector_store %arg19[%swap3A_637], %add3A_627 {strides = array<i32>} : memref<272xf32, #tpu.memory_space<vmem>>, vector<16xf32>,
        %swap3A_639 = arith.constant 51 : index
        %swap3A_640 = tpu.vector_load %arg20[%swap3A_639] {strides = array<i32>} : memref<272xf32, #tpu.memory_space<vmem>>, vector<16xf32>,
        tpu.vector_store %arg20[%swap3A_639], %add3A_635 {strides = array<i32>} : memref<272xf32, #tpu.memory_space<vmem>>, vector<16xf32>,
        %swap3A_641 = arith.constant 51 : index
        %swap3A_642 = tpu.vector_load %arg21[%swap3A_641] {strides = array<i32>} : memref<272xf32, #tpu.memory_space<vmem>>, vector<16xf32>,
        tpu.vector_store %arg21[%swap3A_641], %add3A_636 {strides = array<i32>} : memref<272xf32, #tpu.memory_space<vmem>>, vector<16xf32>,
        %add3A_643 = arith.constant 4 : i32
        %add3A_644 = arith.addi %mul3A_80, %add3A_643 : i32
        %get3A_645 = arith.index_cast %add3A_644 : i32 to index
        %get3A_646 = arith.constant 0 : index
        %get3A_647 = tpu.vector_load %arg14[%get3A_645, %get3A_646] {strides = array<i32>} : memref<80x128xf32, #tpu.memory_space<vmem>>, vector<16xf32>,
        %get3A_648 = arith.index_cast %add3A_644 : i32 to index
        %get3A_649 = arith.constant 0 : index
        %get3A_650 = tpu.vector_load %arg17[%get3A_648, %get3A_649] {strides = array<i32>} : memref<80x128xf32, #tpu.memory_space<vmem>>, vector<16xf32>,
        %mul3A_651 = arith.mulf %get3A_647, %get3A_650 : vector<16xf32>
        %get3A_652 = arith.index_cast %add3A_644 : i32 to index
        %get3A_653 = arith.constant 0 : index
        %get3A_654 = tpu.vector_load %arg16[%get3A_652, %get3A_653] {strides = array<i32>} : memref<80x128xf32, #tpu.memory_space<vmem>>, vector<16xf32>,
        %get3A_655 = arith.index_cast %add3A_644 : i32 to index
        %get3A_656 = arith.constant 0 : index
        %get3A_657 = tpu.vector_load %arg15[%get3A_655, %get3A_656] {strides = array<i32>} : memref<80x128xf32, #tpu.memory_space<vmem>>, vector<16xf32>,
        %mul3A_658 = arith.mulf %get3A_657, %get3A_654 : vector<16xf32>
        %get3A_659 = arith.index_cast %add3A_644 : i32 to index
        %get3A_660 = arith.constant 16 : index
        %get3A_661 = tpu.vector_load %arg14[%get3A_659, %get3A_660] {strides = array<i32>} : memref<80x128xf32, #tpu.memory_space<vmem>>, vector<16xf32>,
        %get3A_662 = arith.index_cast %add3A_644 : i32 to index
        %get3A_663 = arith.constant 16 : index
        %get3A_664 = tpu.vector_load %arg17[%get3A_662, %get3A_663] {strides = array<i32>} : memref<80x128xf32, #tpu.memory_space<vmem>>, vector<16xf32>,
        %mul3A_665 = arith.mulf %get3A_661, %get3A_664 : vector<16xf32>
        %add3A_666 = arith.addf %mul3A_651, %mul3A_665 : vector<16xf32>
        %get3A_667 = arith.index_cast %add3A_644 : i32 to index
        %get3A_668 = arith.constant 16 : index
        %get3A_669 = tpu.vector_load %arg16[%get3A_667, %get3A_668] {strides = array<i32>} : memref<80x128xf32, #tpu.memory_space<vmem>>, vector<16xf32>,
        %get3A_670 = arith.index_cast %add3A_644 : i32 to index
        %get3A_671 = arith.constant 16 : index
        %get3A_672 = tpu.vector_load %arg15[%get3A_670, %get3A_671] {strides = array<i32>} : memref<80x128xf32, #tpu.memory_space<vmem>>, vector<16xf32>,
        %mul3A_673 = arith.mulf %get3A_672, %get3A_669 : vector<16xf32>
        %add3A_674 = arith.addf %mul3A_658, %mul3A_673 : vector<16xf32>
        %add3A_675 = arith.addf %get3A_654, %get3A_669 : vector<16xf32>
        %get3A_676 = arith.index_cast %add3A_644 : i32 to index
        %get3A_677 = arith.constant 32 : index
        %get3A_678 = tpu.vector_load %arg14[%get3A_676, %get3A_677] {strides = array<i32>} : memref<80x128xf32, #tpu.memory_space<vmem>>, vector<16xf32>,
        %get3A_679 = arith.index_cast %add3A_644 : i32 to index
        %get3A_680 = arith.constant 32 : index
        %get3A_681 = tpu.vector_load %arg17[%get3A_679, %get3A_680] {strides = array<i32>} : memref<80x128xf32, #tpu.memory_space<vmem>>, vector<16xf32>,
        %mul3A_682 = arith.mulf %get3A_678, %get3A_681 : vector<16xf32>
        %add3A_683 = arith.addf %add3A_666, %mul3A_682 : vector<16xf32>
        %get3A_684 = arith.index_cast %add3A_644 : i32 to index
        %get3A_685 = arith.constant 32 : index
        %get3A_686 = tpu.vector_load %arg16[%get3A_684, %get3A_685] {strides = array<i32>} : memref<80x128xf32, #tpu.memory_space<vmem>>, vector<16xf32>,
        %get3A_687 = arith.index_cast %add3A_644 : i32 to index
        %get3A_688 = arith.constant 32 : index
        %get3A_689 = tpu.vector_load %arg15[%get3A_687, %get3A_688] {strides = array<i32>} : memref<80x128xf32, #tpu.memory_space<vmem>>, vector<16xf32>,
        %mul3A_690 = arith.mulf %get3A_689, %get3A_686 : vector<16xf32>
        %add3A_691 = arith.addf %add3A_674, %mul3A_690 : vector<16xf32>
        %add3A_692 = arith.addf %add3A_675, %get3A_686 : vector<16xf32>
        %get3A_693 = arith.index_cast %add3A_644 : i32 to index
        %get3A_694 = arith.constant 48 : index
        %get3A_695 = tpu.vector_load %arg14[%get3A_693, %get3A_694] {strides = array<i32>} : memref<80x128xf32, #tpu.memory_space<vmem>>, vector<16xf32>,
        %get3A_696 = arith.index_cast %add3A_644 : i32 to index
        %get3A_697 = arith.constant 48 : index
        %get3A_698 = tpu.vector_load %arg17[%get3A_696, %get3A_697] {strides = array<i32>} : memref<80x128xf32, #tpu.memory_space<vmem>>, vector<16xf32>,
        %mul3A_699 = arith.mulf %get3A_695, %get3A_698 : vector<16xf32>
        %add3A_700 = arith.addf %add3A_683, %mul3A_699 : vector<16xf32>
        %get3A_701 = arith.index_cast %add3A_644 : i32 to index
        %get3A_702 = arith.constant 48 : index
        %get3A_703 = tpu.vector_load %arg16[%get3A_701, %get3A_702] {strides = array<i32>} : memref<80x128xf32, #tpu.memory_space<vmem>>, vector<16xf32>,
        %get3A_704 = arith.index_cast %add3A_644 : i32 to index
        %get3A_705 = arith.constant 48 : index
        %get3A_706 = tpu.vector_load %arg15[%get3A_704, %get3A_705] {strides = array<i32>} : memref<80x128xf32, #tpu.memory_space<vmem>>, vector<16xf32>,
        %mul3A_707 = arith.mulf %get3A_706, %get3A_703 : vector<16xf32>
        %add3A_708 = arith.addf %add3A_691, %mul3A_707 : vector<16xf32>
        %add3A_709 = arith.addf %add3A_692, %get3A_703 : vector<16xf32>
        %get3A_710 = arith.index_cast %add3A_644 : i32 to index
        %get3A_711 = arith.constant 64 : index
        %get3A_712 = tpu.vector_load %arg14[%get3A_710, %get3A_711] {strides = array<i32>} : memref<80x128xf32, #tpu.memory_space<vmem>>, vector<16xf32>,
        %get3A_713 = arith.index_cast %add3A_644 : i32 to index
        %get3A_714 = arith.constant 64 : index
        %get3A_715 = tpu.vector_load %arg17[%get3A_713, %get3A_714] {strides = array<i32>} : memref<80x128xf32, #tpu.memory_space<vmem>>, vector<16xf32>,
        %mul3A_716 = arith.mulf %get3A_712, %get3A_715 : vector<16xf32>
        %add3A_717 = arith.addf %add3A_700, %mul3A_716 : vector<16xf32>
        %get3A_718 = arith.index_cast %add3A_644 : i32 to index
        %get3A_719 = arith.constant 64 : index
        %get3A_720 = tpu.vector_load %arg16[%get3A_718, %get3A_719] {strides = array<i32>} : memref<80x128xf32, #tpu.memory_space<vmem>>, vector<16xf32>,
        %get3A_721 = arith.index_cast %add3A_644 : i32 to index
        %get3A_722 = arith.constant 64 : index
        %get3A_723 = tpu.vector_load %arg15[%get3A_721, %get3A_722] {strides = array<i32>} : memref<80x128xf32, #tpu.memory_space<vmem>>, vector<16xf32>,
        %mul3A_724 = arith.mulf %get3A_723, %get3A_720 : vector<16xf32>
        %add3A_725 = arith.addf %add3A_708, %mul3A_724 : vector<16xf32>
        %add3A_726 = arith.addf %add3A_709, %get3A_720 : vector<16xf32>
        %get3A_727 = arith.index_cast %add3A_644 : i32 to index
        %get3A_728 = arith.constant 80 : index
        %get3A_729 = tpu.vector_load %arg14[%get3A_727, %get3A_728] {strides = array<i32>} : memref<80x128xf32, #tpu.memory_space<vmem>>, vector<16xf32>,
        %get3A_730 = arith.index_cast %add3A_644 : i32 to index
        %get3A_731 = arith.constant 80 : index
        %get3A_732 = tpu.vector_load %arg17[%get3A_730, %get3A_731] {strides = array<i32>} : memref<80x128xf32, #tpu.memory_space<vmem>>, vector<16xf32>,
        %mul3A_733 = arith.mulf %get3A_729, %get3A_732 : vector<16xf32>
        %add3A_734 = arith.addf %add3A_717, %mul3A_733 : vector<16xf32>
        %get3A_735 = arith.index_cast %add3A_644 : i32 to index
        %get3A_736 = arith.constant 80 : index
        %get3A_737 = tpu.vector_load %arg16[%get3A_735, %get3A_736] {strides = array<i32>} : memref<80x128xf32, #tpu.memory_space<vmem>>, vector<16xf32>,
        %get3A_738 = arith.index_cast %add3A_644 : i32 to index
        %get3A_739 = arith.constant 80 : index
        %get3A_740 = tpu.vector_load %arg15[%get3A_738, %get3A_739] {strides = array<i32>} : memref<80x128xf32, #tpu.memory_space<vmem>>, vector<16xf32>,
        %mul3A_741 = arith.mulf %get3A_740, %get3A_737 : vector<16xf32>
        %add3A_742 = arith.addf %add3A_725, %mul3A_741 : vector<16xf32>
        %add3A_743 = arith.addf %add3A_726, %get3A_737 : vector<16xf32>
        %get3A_744 = arith.index_cast %add3A_644 : i32 to index
        %get3A_745 = arith.constant 96 : index
        %get3A_746 = tpu.vector_load %arg14[%get3A_744, %get3A_745] {strides = array<i32>} : memref<80x128xf32, #tpu.memory_space<vmem>>, vector<16xf32>,
        %get3A_747 = arith.index_cast %add3A_644 : i32 to index
        %get3A_748 = arith.constant 96 : index
        %get3A_749 = tpu.vector_load %arg17[%get3A_747, %get3A_748] {strides = array<i32>} : memref<80x128xf32, #tpu.memory_space<vmem>>, vector<16xf32>,
        %mul3A_750 = arith.mulf %get3A_746, %get3A_749 : vector<16xf32>
        %add3A_751 = arith.addf %add3A_734, %mul3A_750 : vector<16xf32>
        %get3A_752 = arith.index_cast %add3A_644 : i32 to index
        %get3A_753 = arith.constant 96 : index
        %get3A_754 = tpu.vector_load %arg16[%get3A_752, %get3A_753] {strides = array<i32>} : memref<80x128xf32, #tpu.memory_space<vmem>>, vector<16xf32>,
        %get3A_755 = arith.index_cast %add3A_644 : i32 to index
        %get3A_756 = arith.constant 96 : index
        %get3A_757 = tpu.vector_load %arg15[%get3A_755, %get3A_756] {strides = array<i32>} : memref<80x128xf32, #tpu.memory_space<vmem>>, vector<16xf32>,
        %mul3A_758 = arith.mulf %get3A_757, %get3A_754 : vector<16xf32>
        %add3A_759 = arith.addf %add3A_742, %mul3A_758 : vector<16xf32>
        %add3A_760 = arith.addf %add3A_743, %get3A_754 : vector<16xf32>
        %get3A_761 = arith.index_cast %add3A_644 : i32 to index
        %get3A_762 = arith.constant 112 : index
        %get3A_763 = tpu.vector_load %arg14[%get3A_761, %get3A_762] {strides = array<i32>} : memref<80x128xf32, #tpu.memory_space<vmem>>, vector<16xf32>,
        %get3A_764 = arith.index_cast %add3A_644 : i32 to index
        %get3A_765 = arith.constant 112 : index
        %get3A_766 = tpu.vector_load %arg17[%get3A_764, %get3A_765] {strides = array<i32>} : memref<80x128xf32, #tpu.memory_space<vmem>>, vector<16xf32>,
        %mul3A_767 = arith.mulf %get3A_763, %get3A_766 : vector<16xf32>
        %add3A_768 = arith.addf %add3A_751, %mul3A_767 : vector<16xf32>
        %get3A_769 = arith.index_cast %add3A_644 : i32 to index
        %get3A_770 = arith.constant 112 : index
        %get3A_771 = tpu.vector_load %arg16[%get3A_769, %get3A_770] {strides = array<i32>} : memref<80x128xf32, #tpu.memory_space<vmem>>, vector<16xf32>,
        %get3A_772 = arith.index_cast %add3A_644 : i32 to index
        %get3A_773 = arith.constant 112 : index
        %get3A_774 = tpu.vector_load %arg15[%get3A_772, %get3A_773] {strides = array<i32>} : memref<80x128xf32, #tpu.memory_space<vmem>>, vector<16xf32>,
        %mul3A_775 = arith.mulf %get3A_774, %get3A_771 : vector<16xf32>
        %add3A_776 = arith.addf %add3A_759, %mul3A_775 : vector<16xf32>
        %add3A_777 = arith.addf %add3A_760, %get3A_771 : vector<16xf32>
        %swap3A_778 = arith.constant 68 : index
        %swap3A_779 = tpu.vector_load %arg19[%swap3A_778] {strides = array<i32>} : memref<272xf32, #tpu.memory_space<vmem>>, vector<16xf32>,
        tpu.vector_store %arg19[%swap3A_778], %add3A_768 {strides = array<i32>} : memref<272xf32, #tpu.memory_space<vmem>>, vector<16xf32>,
        %swap3A_780 = arith.constant 68 : index
        %swap3A_781 = tpu.vector_load %arg20[%swap3A_780] {strides = array<i32>} : memref<272xf32, #tpu.memory_space<vmem>>, vector<16xf32>,
        tpu.vector_store %arg20[%swap3A_780], %add3A_776 {strides = array<i32>} : memref<272xf32, #tpu.memory_space<vmem>>, vector<16xf32>,
        %swap3A_782 = arith.constant 68 : index
        %swap3A_783 = tpu.vector_load %arg21[%swap3A_782] {strides = array<i32>} : memref<272xf32, #tpu.memory_space<vmem>>, vector<16xf32>,
        tpu.vector_store %arg21[%swap3A_782], %add3A_777 {strides = array<i32>} : memref<272xf32, #tpu.memory_space<vmem>>, vector<16xf32>,
        %add3A_784 = arith.constant 5 : i32
        %add3A_785 = arith.addi %mul3A_80, %add3A_784 : i32
        %get3A_786 = arith.index_cast %add3A_785 : i32 to index
        %get3A_787 = arith.constant 0 : index
        %get3A_788 = tpu.vector_load %arg14[%get3A_786, %get3A_787] {strides = array<i32>} : memref<80x128xf32, #tpu.memory_space<vmem>>, vector<16xf32>,
        %get3A_789 = arith.index_cast %add3A_785 : i32 to index
        %get3A_790 = arith.constant 0 : index
        %get3A_791 = tpu.vector_load %arg17[%get3A_789, %get3A_790] {strides = array<i32>} : memref<80x128xf32, #tpu.memory_space<vmem>>, vector<16xf32>,
        %mul3A_792 = arith.mulf %get3A_788, %get3A_791 : vector<16xf32>
        %get3A_793 = arith.index_cast %add3A_785 : i32 to index
        %get3A_794 = arith.constant 0 : index
        %get3A_795 = tpu.vector_load %arg16[%get3A_793, %get3A_794] {strides = array<i32>} : memref<80x128xf32, #tpu.memory_space<vmem>>, vector<16xf32>,
        %get3A_796 = arith.index_cast %add3A_785 : i32 to index
        %get3A_797 = arith.constant 0 : index
        %get3A_798 = tpu.vector_load %arg15[%get3A_796, %get3A_797] {strides = array<i32>} : memref<80x128xf32, #tpu.memory_space<vmem>>, vector<16xf32>,
        %mul3A_799 = arith.mulf %get3A_798, %get3A_795 : vector<16xf32>
        %get3A_800 = arith.index_cast %add3A_785 : i32 to index
        %get3A_801 = arith.constant 16 : index
        %get3A_802 = tpu.vector_load %arg14[%get3A_800, %get3A_801] {strides = array<i32>} : memref<80x128xf32, #tpu.memory_space<vmem>>, vector<16xf32>,
        %get3A_803 = arith.index_cast %add3A_785 : i32 to index
        %get3A_804 = arith.constant 16 : index
        %get3A_805 = tpu.vector_load %arg17[%get3A_803, %get3A_804] {strides = array<i32>} : memref<80x128xf32, #tpu.memory_space<vmem>>, vector<16xf32>,
        %mul3A_806 = arith.mulf %get3A_802, %get3A_805 : vector<16xf32>
        %add3A_807 = arith.addf %mul3A_792, %mul3A_806 : vector<16xf32>
        %get3A_808 = arith.index_cast %add3A_785 : i32 to index
        %get3A_809 = arith.constant 16 : index
        %get3A_810 = tpu.vector_load %arg16[%get3A_808, %get3A_809] {strides = array<i32>} : memref<80x128xf32, #tpu.memory_space<vmem>>, vector<16xf32>,
        %get3A_811 = arith.index_cast %add3A_785 : i32 to index
        %get3A_812 = arith.constant 16 : index
        %get3A_813 = tpu.vector_load %arg15[%get3A_811, %get3A_812] {strides = array<i32>} : memref<80x128xf32, #tpu.memory_space<vmem>>, vector<16xf32>,
        %mul3A_814 = arith.mulf %get3A_813, %get3A_810 : vector<16xf32>
        %add3A_815 = arith.addf %mul3A_799, %mul3A_814 : vector<16xf32>
        %add3A_816 = arith.addf %get3A_795, %get3A_810 : vector<16xf32>
        %get3A_817 = arith.index_cast %add3A_785 : i32 to index
        %get3A_818 = arith.constant 32 : index
        %get3A_819 = tpu.vector_load %arg14[%get3A_817, %get3A_818] {strides = array<i32>} : memref<80x128xf32, #tpu.memory_space<vmem>>, vector<16xf32>,
        %get3A_820 = arith.index_cast %add3A_785 : i32 to index
        %get3A_821 = arith.constant 32 : index
        %get3A_822 = tpu.vector_load %arg17[%get3A_820, %get3A_821] {strides = array<i32>} : memref<80x128xf32, #tpu.memory_space<vmem>>, vector<16xf32>,
        %mul3A_823 = arith.mulf %get3A_819, %get3A_822 : vector<16xf32>
        %add3A_824 = arith.addf %add3A_807, %mul3A_823 : vector<16xf32>
        %get3A_825 = arith.index_cast %add3A_785 : i32 to index
        %get3A_826 = arith.constant 32 : index
        %get3A_827 = tpu.vector_load %arg16[%get3A_825, %get3A_826] {strides = array<i32>} : memref<80x128xf32, #tpu.memory_space<vmem>>, vector<16xf32>,
        %get3A_828 = arith.index_cast %add3A_785 : i32 to index
        %get3A_829 = arith.constant 32 : index
        %get3A_830 = tpu.vector_load %arg15[%get3A_828, %get3A_829] {strides = array<i32>} : memref<80x128xf32, #tpu.memory_space<vmem>>, vector<16xf32>,
        %mul3A_831 = arith.mulf %get3A_830, %get3A_827 : vector<16xf32>
        %add3A_832 = arith.addf %add3A_815, %mul3A_831 : vector<16xf32>
        %add3A_833 = arith.addf %add3A_816, %get3A_827 : vector<16xf32>
        %get3A_834 = arith.index_cast %add3A_785 : i32 to index
        %get3A_835 = arith.constant 48 : index
        %get3A_836 = tpu.vector_load %arg14[%get3A_834, %get3A_835] {strides = array<i32>} : memref<80x128xf32, #tpu.memory_space<vmem>>, vector<16xf32>,
        %get3A_837 = arith.index_cast %add3A_785 : i32 to index
        %get3A_838 = arith.constant 48 : index
        %get3A_839 = tpu.vector_load %arg17[%get3A_837, %get3A_838] {strides = array<i32>} : memref<80x128xf32, #tpu.memory_space<vmem>>, vector<16xf32>,
        %mul3A_840 = arith.mulf %get3A_836, %get3A_839 : vector<16xf32>
        %add3A_841 = arith.addf %add3A_824, %mul3A_840 : vector<16xf32>
        %get3A_842 = arith.index_cast %add3A_785 : i32 to index
        %get3A_843 = arith.constant 48 : index
        %get3A_844 = tpu.vector_load %arg16[%get3A_842, %get3A_843] {strides = array<i32>} : memref<80x128xf32, #tpu.memory_space<vmem>>, vector<16xf32>,
        %get3A_845 = arith.index_cast %add3A_785 : i32 to index
        %get3A_846 = arith.constant 48 : index
        %get3A_847 = tpu.vector_load %arg15[%get3A_845, %get3A_846] {strides = array<i32>} : memref<80x128xf32, #tpu.memory_space<vmem>>, vector<16xf32>,
        %mul3A_848 = arith.mulf %get3A_847, %get3A_844 : vector<16xf32>
        %add3A_849 = arith.addf %add3A_832, %mul3A_848 : vector<16xf32>
        %add3A_850 = arith.addf %add3A_833, %get3A_844 : vector<16xf32>
        %get3A_851 = arith.index_cast %add3A_785 : i32 to index
        %get3A_852 = arith.constant 64 : index
        %get3A_853 = tpu.vector_load %arg14[%get3A_851, %get3A_852] {strides = array<i32>} : memref<80x128xf32, #tpu.memory_space<vmem>>, vector<16xf32>,
        %get3A_854 = arith.index_cast %add3A_785 : i32 to index
        %get3A_855 = arith.constant 64 : index
        %get3A_856 = tpu.vector_load %arg17[%get3A_854, %get3A_855] {strides = array<i32>} : memref<80x128xf32, #tpu.memory_space<vmem>>, vector<16xf32>,
        %mul3A_857 = arith.mulf %get3A_853, %get3A_856 : vector<16xf32>
        %add3A_858 = arith.addf %add3A_841, %mul3A_857 : vector<16xf32>
        %get3A_859 = arith.index_cast %add3A_785 : i32 to index
        %get3A_860 = arith.constant 64 : index
        %get3A_861 = tpu.vector_load %arg16[%get3A_859, %get3A_860] {strides = array<i32>} : memref<80x128xf32, #tpu.memory_space<vmem>>, vector<16xf32>,
        %get3A_862 = arith.index_cast %add3A_785 : i32 to index
        %get3A_863 = arith.constant 64 : index
        %get3A_864 = tpu.vector_load %arg15[%get3A_862, %get3A_863] {strides = array<i32>} : memref<80x128xf32, #tpu.memory_space<vmem>>, vector<16xf32>,
        %mul3A_865 = arith.mulf %get3A_864, %get3A_861 : vector<16xf32>
        %add3A_866 = arith.addf %add3A_849, %mul3A_865 : vector<16xf32>
        %add3A_867 = arith.addf %add3A_850, %get3A_861 : vector<16xf32>
        %get3A_868 = arith.index_cast %add3A_785 : i32 to index
        %get3A_869 = arith.constant 80 : index
        %get3A_870 = tpu.vector_load %arg14[%get3A_868, %get3A_869] {strides = array<i32>} : memref<80x128xf32, #tpu.memory_space<vmem>>, vector<16xf32>,
        %get3A_871 = arith.index_cast %add3A_785 : i32 to index
        %get3A_872 = arith.constant 80 : index
        %get3A_873 = tpu.vector_load %arg17[%get3A_871, %get3A_872] {strides = array<i32>} : memref<80x128xf32, #tpu.memory_space<vmem>>, vector<16xf32>,
        %mul3A_874 = arith.mulf %get3A_870, %get3A_873 : vector<16xf32>
        %add3A_875 = arith.addf %add3A_858, %mul3A_874 : vector<16xf32>
        %get3A_876 = arith.index_cast %add3A_785 : i32 to index
        %get3A_877 = arith.constant 80 : index
        %get3A_878 = tpu.vector_load %arg16[%get3A_876, %get3A_877] {strides = array<i32>} : memref<80x128xf32, #tpu.memory_space<vmem>>, vector<16xf32>,
        %get3A_879 = arith.index_cast %add3A_785 : i32 to index
        %get3A_880 = arith.constant 80 : index
        %get3A_881 = tpu.vector_load %arg15[%get3A_879, %get3A_880] {strides = array<i32>} : memref<80x128xf32, #tpu.memory_space<vmem>>, vector<16xf32>,
        %mul3A_882 = arith.mulf %get3A_881, %get3A_878 : vector<16xf32>
        %add3A_883 = arith.addf %add3A_866, %mul3A_882 : vector<16xf32>
        %add3A_884 = arith.addf %add3A_867, %get3A_878 : vector<16xf32>
        %get3A_885 = arith.index_cast %add3A_785 : i32 to index
        %get3A_886 = arith.constant 96 : index
        %get3A_887 = tpu.vector_load %arg14[%get3A_885, %get3A_886] {strides = array<i32>} : memref<80x128xf32, #tpu.memory_space<vmem>>, vector<16xf32>,
        %get3A_888 = arith.index_cast %add3A_785 : i32 to index
        %get3A_889 = arith.constant 96 : index
        %get3A_890 = tpu.vector_load %arg17[%get3A_888, %get3A_889] {strides = array<i32>} : memref<80x128xf32, #tpu.memory_space<vmem>>, vector<16xf32>,
        %mul3A_891 = arith.mulf %get3A_887, %get3A_890 : vector<16xf32>
        %add3A_892 = arith.addf %add3A_875, %mul3A_891 : vector<16xf32>
        %get3A_893 = arith.index_cast %add3A_785 : i32 to index
        %get3A_894 = arith.constant 96 : index
        %get3A_895 = tpu.vector_load %arg16[%get3A_893, %get3A_894] {strides = array<i32>} : memref<80x128xf32, #tpu.memory_space<vmem>>, vector<16xf32>,
        %get3A_896 = arith.index_cast %add3A_785 : i32 to index
        %get3A_897 = arith.constant 96 : index
        %get3A_898 = tpu.vector_load %arg15[%get3A_896, %get3A_897] {strides = array<i32>} : memref<80x128xf32, #tpu.memory_space<vmem>>, vector<16xf32>,
        %mul3A_899 = arith.mulf %get3A_898, %get3A_895 : vector<16xf32>
        %add3A_900 = arith.addf %add3A_883, %mul3A_899 : vector<16xf32>
        %add3A_901 = arith.addf %add3A_884, %get3A_895 : vector<16xf32>
        %get3A_902 = arith.index_cast %add3A_785 : i32 to index
        %get3A_903 = arith.constant 112 : index
        %get3A_904 = tpu.vector_load %arg14[%get3A_902, %get3A_903] {strides = array<i32>} : memref<80x128xf32, #tpu.memory_space<vmem>>, vector<16xf32>,
        %get3A_905 = arith.index_cast %add3A_785 : i32 to index
        %get3A_906 = arith.constant 112 : index
        %get3A_907 = tpu.vector_load %arg17[%get3A_905, %get3A_906] {strides = array<i32>} : memref<80x128xf32, #tpu.memory_space<vmem>>, vector<16xf32>,
        %mul3A_908 = arith.mulf %get3A_904, %get3A_907 : vector<16xf32>
        %add3A_909 = arith.addf %add3A_892, %mul3A_908 : vector<16xf32>
        %get3A_910 = arith.index_cast %add3A_785 : i32 to index
        %get3A_911 = arith.constant 112 : index
        %get3A_912 = tpu.vector_load %arg16[%get3A_910, %get3A_911] {strides = array<i32>} : memref<80x128xf32, #tpu.memory_space<vmem>>, vector<16xf32>,
        %get3A_913 = arith.index_cast %add3A_785 : i32 to index
        %get3A_914 = arith.constant 112 : index
        %get3A_915 = tpu.vector_load %arg15[%get3A_913, %get3A_914] {strides = array<i32>} : memref<80x128xf32, #tpu.memory_space<vmem>>, vector<16xf32>,
        %mul3A_916 = arith.mulf %get3A_915, %get3A_912 : vector<16xf32>
        %add3A_917 = arith.addf %add3A_900, %mul3A_916 : vector<16xf32>
        %add3A_918 = arith.addf %add3A_901, %get3A_912 : vector<16xf32>
        %swap3A_919 = arith.constant 85 : index
        %swap3A_920 = tpu.vector_load %arg19[%swap3A_919] {strides = array<i32>} : memref<272xf32, #tpu.memory_space<vmem>>, vector<16xf32>,
        tpu.vector_store %arg19[%swap3A_919], %add3A_909 {strides = array<i32>} : memref<272xf32, #tpu.memory_space<vmem>>, vector<16xf32>,
        %swap3A_921 = arith.constant 85 : index
        %swap3A_922 = tpu.vector_load %arg20[%swap3A_921] {strides = array<i32>} : memref<272xf32, #tpu.memory_space<vmem>>, vector<16xf32>,
        tpu.vector_store %arg20[%swap3A_921], %add3A_917 {strides = array<i32>} : memref<272xf32, #tpu.memory_space<vmem>>, vector<16xf32>,
        %swap3A_923 = arith.constant 85 : index
        %swap3A_924 = tpu.vector_load %arg21[%swap3A_923] {strides = array<i32>} : memref<272xf32, #tpu.memory_space<vmem>>, vector<16xf32>,
        tpu.vector_store %arg21[%swap3A_923], %add3A_918 {strides = array<i32>} : memref<272xf32, #tpu.memory_space<vmem>>, vector<16xf32>,
        %add3A_925 = arith.constant 6 : i32
        %add3A_926 = arith.addi %mul3A_80, %add3A_925 : i32
        %get3A_927 = arith.index_cast %add3A_926 : i32 to index
        %get3A_928 = arith.constant 0 : index
        %get3A_929 = tpu.vector_load %arg14[%get3A_927, %get3A_928] {strides = array<i32>} : memref<80x128xf32, #tpu.memory_space<vmem>>, vector<16xf32>,
        %get3A_930 = arith.index_cast %add3A_926 : i32 to index
        %get3A_931 = arith.constant 0 : index
        %get3A_932 = tpu.vector_load %arg17[%get3A_930, %get3A_931] {strides = array<i32>} : memref<80x128xf32, #tpu.memory_space<vmem>>, vector<16xf32>,
        %mul3A_933 = arith.mulf %get3A_929, %get3A_932 : vector<16xf32>
        %get3A_934 = arith.index_cast %add3A_926 : i32 to index
        %get3A_935 = arith.constant 0 : index
        %get3A_936 = tpu.vector_load %arg16[%get3A_934, %get3A_935] {strides = array<i32>} : memref<80x128xf32, #tpu.memory_space<vmem>>, vector<16xf32>,
        %get3A_937 = arith.index_cast %add3A_926 : i32 to index
        %get3A_938 = arith.constant 0 : index
        %get3A_939 = tpu.vector_load %arg15[%get3A_937, %get3A_938] {strides = array<i32>} : memref<80x128xf32, #tpu.memory_space<vmem>>, vector<16xf32>,
        %mul3A_940 = arith.mulf %get3A_939, %get3A_936 : vector<16xf32>
        %get3A_941 = arith.index_cast %add3A_926 : i32 to index
        %get3A_942 = arith.constant 16 : index
        %get3A_943 = tpu.vector_load %arg14[%get3A_941, %get3A_942] {strides = array<i32>} : memref<80x128xf32, #tpu.memory_space<vmem>>, vector<16xf32>,
        %get3A_944 = arith.index_cast %add3A_926 : i32 to index
        %get3A_945 = arith.constant 16 : index
        %get3A_946 = tpu.vector_load %arg17[%get3A_944, %get3A_945] {strides = array<i32>} : memref<80x128xf32, #tpu.memory_space<vmem>>, vector<16xf32>,
        %mul3A_947 = arith.mulf %get3A_943, %get3A_946 : vector<16xf32>
        %add3A_948 = arith.addf %mul3A_933, %mul3A_947 : vector<16xf32>
        %get3A_949 = arith.index_cast %add3A_926 : i32 to index
        %get3A_950 = arith.constant 16 : index
        %get3A_951 = tpu.vector_load %arg16[%get3A_949, %get3A_950] {strides = array<i32>} : memref<80x128xf32, #tpu.memory_space<vmem>>, vector<16xf32>,
        %get3A_952 = arith.index_cast %add3A_926 : i32 to index
        %get3A_953 = arith.constant 16 : index
        %get3A_954 = tpu.vector_load %arg15[%get3A_952, %get3A_953] {strides = array<i32>} : memref<80x128xf32, #tpu.memory_space<vmem>>, vector<16xf32>,
        %mul3A_955 = arith.mulf %get3A_954, %get3A_951 : vector<16xf32>
        %add3A_956 = arith.addf %mul3A_940, %mul3A_955 : vector<16xf32>
        %add3A_957 = arith.addf %get3A_936, %get3A_951 : vector<16xf32>
        %get3A_958 = arith.index_cast %add3A_926 : i32 to index
        %get3A_959 = arith.constant 32 : index
        %get3A_960 = tpu.vector_load %arg14[%get3A_958, %get3A_959] {strides = array<i32>} : memref<80x128xf32, #tpu.memory_space<vmem>>, vector<16xf32>,
        %get3A_961 = arith.index_cast %add3A_926 : i32 to index
        %get3A_962 = arith.constant 32 : index
        %get3A_963 = tpu.vector_load %arg17[%get3A_961, %get3A_962] {strides = array<i32>} : memref<80x128xf32, #tpu.memory_space<vmem>>, vector<16xf32>,
        %mul3A_964 = arith.mulf %get3A_960, %get3A_963 : vector<16xf32>
        %add3A_965 = arith.addf %add3A_948, %mul3A_964 : vector<16xf32>
        %get3A_966 = arith.index_cast %add3A_926 : i32 to index
        %get3A_967 = arith.constant 32 : index
        %get3A_968 = tpu.vector_load %arg16[%get3A_966, %get3A_967] {strides = array<i32>} : memref<80x128xf32, #tpu.memory_space<vmem>>, vector<16xf32>,
        %get3A_969 = arith.index_cast %add3A_926 : i32 to index
        %get3A_970 = arith.constant 32 : index
        %get3A_971 = tpu.vector_load %arg15[%get3A_969, %get3A_970] {strides = array<i32>} : memref<80x128xf32, #tpu.memory_space<vmem>>, vector<16xf32>,
        %mul3A_972 = arith.mulf %get3A_971, %get3A_968 : vector<16xf32>
        %add3A_973 = arith.addf %add3A_956, %mul3A_972 : vector<16xf32>
        %add3A_974 = arith.addf %add3A_957, %get3A_968 : vector<16xf32>
        %get3A_975 = arith.index_cast %add3A_926 : i32 to index
        %get3A_976 = arith.constant 48 : index
        %get3A_977 = tpu.vector_load %arg14[%get3A_975, %get3A_976] {strides = array<i32>} : memref<80x128xf32, #tpu.memory_space<vmem>>, vector<16xf32>,
        %get3A_978 = arith.index_cast %add3A_926 : i32 to index
        %get3A_979 = arith.constant 48 : index
        %get3A_980 = tpu.vector_load %arg17[%get3A_978, %get3A_979] {strides = array<i32>} : memref<80x128xf32, #tpu.memory_space<vmem>>, vector<16xf32>,
        %mul3A_981 = arith.mulf %get3A_977, %get3A_980 : vector<16xf32>
        %add3A_982 = arith.addf %add3A_965, %mul3A_981 : vector<16xf32>
        %get3A_983 = arith.index_cast %add3A_926 : i32 to index
        %get3A_984 = arith.constant 48 : index
        %get3A_985 = tpu.vector_load %arg16[%get3A_983, %get3A_984] {strides = array<i32>} : memref<80x128xf32, #tpu.memory_space<vmem>>, vector<16xf32>,
        %get3A_986 = arith.index_cast %add3A_926 : i32 to index
        %get3A_987 = arith.constant 48 : index
        %get3A_988 = tpu.vector_load %arg15[%get3A_986, %get3A_987] {strides = array<i32>} : memref<80x128xf32, #tpu.memory_space<vmem>>, vector<16xf32>,
        %mul3A_989 = arith.mulf %get3A_988, %get3A_985 : vector<16xf32>
        %add3A_990 = arith.addf %add3A_973, %mul3A_989 : vector<16xf32>
        %add3A_991 = arith.addf %add3A_974, %get3A_985 : vector<16xf32>
        %get3A_992 = arith.index_cast %add3A_926 : i32 to index
        %get3A_993 = arith.constant 64 : index
        %get3A_994 = tpu.vector_load %arg14[%get3A_992, %get3A_993] {strides = array<i32>} : memref<80x128xf32, #tpu.memory_space<vmem>>, vector<16xf32>,
        %get3A_995 = arith.index_cast %add3A_926 : i32 to index
        %get3A_996 = arith.constant 64 : index
        %get3A_997 = tpu.vector_load %arg17[%get3A_995, %get3A_996] {strides = array<i32>} : memref<80x128xf32, #tpu.memory_space<vmem>>, vector<16xf32>,
        %mul3A_998 = arith.mulf %get3A_994, %get3A_997 : vector<16xf32>
        %add3A_999 = arith.addf %add3A_982, %mul3A_998 : vector<16xf32>
        %get3A_1000 = arith.index_cast %add3A_926 : i32 to index
        %get3A_1001 = arith.constant 64 : index
        %get3A_1002 = tpu.vector_load %arg16[%get3A_1000, %get3A_1001] {strides = array<i32>} : memref<80x128xf32, #tpu.memory_space<vmem>>, vector<16xf32>,
        %get3A_1003 = arith.index_cast %add3A_926 : i32 to index
        %get3A_1004 = arith.constant 64 : index
        %get3A_1005 = tpu.vector_load %arg15[%get3A_1003, %get3A_1004] {strides = array<i32>} : memref<80x128xf32, #tpu.memory_space<vmem>>, vector<16xf32>,
        %mul3A_1006 = arith.mulf %get3A_1005, %get3A_1002 : vector<16xf32>
        %add3A_1007 = arith.addf %add3A_990, %mul3A_1006 : vector<16xf32>
        %add3A_1008 = arith.addf %add3A_991, %get3A_1002 : vector<16xf32>
        %get3A_1009 = arith.index_cast %add3A_926 : i32 to index
        %get3A_1010 = arith.constant 80 : index
        %get3A_1011 = tpu.vector_load %arg14[%get3A_1009, %get3A_1010] {strides = array<i32>} : memref<80x128xf32, #tpu.memory_space<vmem>>, vector<16xf32>,
        %get3A_1012 = arith.index_cast %add3A_926 : i32 to index
        %get3A_1013 = arith.constant 80 : index
        %get3A_1014 = tpu.vector_load %arg17[%get3A_1012, %get3A_1013] {strides = array<i32>} : memref<80x128xf32, #tpu.memory_space<vmem>>, vector<16xf32>,
        %mul3A_1015 = arith.mulf %get3A_1011, %get3A_1014 : vector<16xf32>
        %add3A_1016 = arith.addf %add3A_999, %mul3A_1015 : vector<16xf32>
        %get3A_1017 = arith.index_cast %add3A_926 : i32 to index
        %get3A_1018 = arith.constant 80 : index
        %get3A_1019 = tpu.vector_load %arg16[%get3A_1017, %get3A_1018] {strides = array<i32>} : memref<80x128xf32, #tpu.memory_space<vmem>>, vector<16xf32>,
        %get3A_1020 = arith.index_cast %add3A_926 : i32 to index
        %get3A_1021 = arith.constant 80 : index
        %get3A_1022 = tpu.vector_load %arg15[%get3A_1020, %get3A_1021] {strides = array<i32>} : memref<80x128xf32, #tpu.memory_space<vmem>>, vector<16xf32>,
        %mul3A_1023 = arith.mulf %get3A_1022, %get3A_1019 : vector<16xf32>
        %add3A_1024 = arith.addf %add3A_1007, %mul3A_1023 : vector<16xf32>
        %add3A_1025 = arith.addf %add3A_1008, %get3A_1019 : vector<16xf32>
        %get3A_1026 = arith.index_cast %add3A_926 : i32 to index
        %get3A_1027 = arith.constant 96 : index
        %get3A_1028 = tpu.vector_load %arg14[%get3A_1026, %get3A_1027] {strides = array<i32>} : memref<80x128xf32, #tpu.memory_space<vmem>>, vector<16xf32>,
        %get3A_1029 = arith.index_cast %add3A_926 : i32 to index
        %get3A_1030 = arith.constant 96 : index
        %get3A_1031 = tpu.vector_load %arg17[%get3A_1029, %get3A_1030] {strides = array<i32>} : memref<80x128xf32, #tpu.memory_space<vmem>>, vector<16xf32>,
        %mul3A_1032 = arith.mulf %get3A_1028, %get3A_1031 : vector<16xf32>
        %add3A_1033 = arith.addf %add3A_1016, %mul3A_1032 : vector<16xf32>
        %get3A_1034 = arith.index_cast %add3A_926 : i32 to index
        %get3A_1035 = arith.constant 96 : index
        %get3A_1036 = tpu.vector_load %arg16[%get3A_1034, %get3A_1035] {strides = array<i32>} : memref<80x128xf32, #tpu.memory_space<vmem>>, vector<16xf32>,
        %get3A_1037 = arith.index_cast %add3A_926 : i32 to index
        %get3A_1038 = arith.constant 96 : index
        %get3A_1039 = tpu.vector_load %arg15[%get3A_1037, %get3A_1038] {strides = array<i32>} : memref<80x128xf32, #tpu.memory_space<vmem>>, vector<16xf32>,
        %mul3A_1040 = arith.mulf %get3A_1039, %get3A_1036 : vector<16xf32>
        %add3A_1041 = arith.addf %add3A_1024, %mul3A_1040 : vector<16xf32>
        %add3A_1042 = arith.addf %add3A_1025, %get3A_1036 : vector<16xf32>
        %get3A_1043 = arith.index_cast %add3A_926 : i32 to index
        %get3A_1044 = arith.constant 112 : index
        %get3A_1045 = tpu.vector_load %arg14[%get3A_1043, %get3A_1044] {strides = array<i32>} : memref<80x128xf32, #tpu.memory_space<vmem>>, vector<16xf32>,
        %get3A_1046 = arith.index_cast %add3A_926 : i32 to index
        %get3A_1047 = arith.constant 112 : index
        %get3A_1048 = tpu.vector_load %arg17[%get3A_1046, %get3A_1047] {strides = array<i32>} : memref<80x128xf32, #tpu.memory_space<vmem>>, vector<16xf32>,
        %mul3A_1049 = arith.mulf %get3A_1045, %get3A_1048 : vector<16xf32>
        %add3A_1050 = arith.addf %add3A_1033, %mul3A_1049 : vector<16xf32>
        %get3A_1051 = arith.index_cast %add3A_926 : i32 to index
        %get3A_1052 = arith.constant 112 : index
        %get3A_1053 = tpu.vector_load %arg16[%get3A_1051, %get3A_1052] {strides = array<i32>} : memref<80x128xf32, #tpu.memory_space<vmem>>, vector<16xf32>,
        %get3A_1054 = arith.index_cast %add3A_926 : i32 to index
        %get3A_1055 = arith.constant 112 : index
        %get3A_1056 = tpu.vector_load %arg15[%get3A_1054, %get3A_1055] {strides = array<i32>} : memref<80x128xf32, #tpu.memory_space<vmem>>, vector<16xf32>,
        %mul3A_1057 = arith.mulf %get3A_1056, %get3A_1053 : vector<16xf32>
        %add3A_1058 = arith.addf %add3A_1041, %mul3A_1057 : vector<16xf32>
        %add3A_1059 = arith.addf %add3A_1042, %get3A_1053 : vector<16xf32>
        %swap3A_1060 = arith.constant 102 : index
        %swap3A_1061 = tpu.vector_load %arg19[%swap3A_1060] {strides = array<i32>} : memref<272xf32, #tpu.memory_space<vmem>>, vector<16xf32>,
        tpu.vector_store %arg19[%swap3A_1060], %add3A_1050 {strides = array<i32>} : memref<272xf32, #tpu.memory_space<vmem>>, vector<16xf32>,
        %swap3A_1062 = arith.constant 102 : index
        %swap3A_1063 = tpu.vector_load %arg20[%swap3A_1062] {strides = array<i32>} : memref<272xf32, #tpu.memory_space<vmem>>, vector<16xf32>,
        tpu.vector_store %arg20[%swap3A_1062], %add3A_1058 {strides = array<i32>} : memref<272xf32, #tpu.memory_space<vmem>>, vector<16xf32>,
        %swap3A_1064 = arith.constant 102 : index
        %swap3A_1065 = tpu.vector_load %arg21[%swap3A_1064] {strides = array<i32>} : memref<272xf32, #tpu.memory_space<vmem>>, vector<16xf32>,
        tpu.vector_store %arg21[%swap3A_1064], %add3A_1059 {strides = array<i32>} : memref<272xf32, #tpu.memory_space<vmem>>, vector<16xf32>,
        %add3A_1066 = arith.constant 7 : i32
        %add3A_1067 = arith.addi %mul3A_80, %add3A_1066 : i32
        %get3A_1068 = arith.index_cast %add3A_1067 : i32 to index
        %get3A_1069 = arith.constant 0 : index
        %get3A_1070 = tpu.vector_load %arg14[%get3A_1068, %get3A_1069] {strides = array<i32>} : memref<80x128xf32, #tpu.memory_space<vmem>>, vector<16xf32>,
        %get3A_1071 = arith.index_cast %add3A_1067 : i32 to index
        %get3A_1072 = arith.constant 0 : index
        %get3A_1073 = tpu.vector_load %arg17[%get3A_1071, %get3A_1072] {strides = array<i32>} : memref<80x128xf32, #tpu.memory_space<vmem>>, vector<16xf32>,
        %mul3A_1074 = arith.mulf %get3A_1070, %get3A_1073 : vector<16xf32>
        %get3A_1075 = arith.index_cast %add3A_1067 : i32 to index
        %get3A_1076 = arith.constant 0 : index
        %get3A_1077 = tpu.vector_load %arg16[%get3A_1075, %get3A_1076] {strides = array<i32>} : memref<80x128xf32, #tpu.memory_space<vmem>>, vector<16xf32>,
        %get3A_1078 = arith.index_cast %add3A_1067 : i32 to index
        %get3A_1079 = arith.constant 0 : index
        %get3A_1080 = tpu.vector_load %arg15[%get3A_1078, %get3A_1079] {strides = array<i32>} : memref<80x128xf32, #tpu.memory_space<vmem>>, vector<16xf32>,
        %mul3A_1081 = arith.mulf %get3A_1080, %get3A_1077 : vector<16xf32>
        %get3A_1082 = arith.index_cast %add3A_1067 : i32 to index
        %get3A_1083 = arith.constant 16 : index
        %get3A_1084 = tpu.vector_load %arg14[%get3A_1082, %get3A_1083] {strides = array<i32>} : memref<80x128xf32, #tpu.memory_space<vmem>>, vector<16xf32>,
        %get3A_1085 = arith.index_cast %add3A_1067 : i32 to index
        %get3A_1086 = arith.constant 16 : index
        %get3A_1087 = tpu.vector_load %arg17[%get3A_1085, %get3A_1086] {strides = array<i32>} : memref<80x128xf32, #tpu.memory_space<vmem>>, vector<16xf32>,
        %mul3A_1088 = arith.mulf %get3A_1084, %get3A_1087 : vector<16xf32>
        %add3A_1089 = arith.addf %mul3A_1074, %mul3A_1088 : vector<16xf32>
        %get3A_1090 = arith.index_cast %add3A_1067 : i32 to index
        %get3A_1091 = arith.constant 16 : index
        %get3A_1092 = tpu.vector_load %arg16[%get3A_1090, %get3A_1091] {strides = array<i32>} : memref<80x128xf32, #tpu.memory_space<vmem>>, vector<16xf32>,
        %get3A_1093 = arith.index_cast %add3A_1067 : i32 to index
        %get3A_1094 = arith.constant 16 : index
        %get3A_1095 = tpu.vector_load %arg15[%get3A_1093, %get3A_1094] {strides = array<i32>} : memref<80x128xf32, #tpu.memory_space<vmem>>, vector<16xf32>,
        %mul3A_1096 = arith.mulf %get3A_1095, %get3A_1092 : vector<16xf32>
        %add3A_1097 = arith.addf %mul3A_1081, %mul3A_1096 : vector<16xf32>
        %add3A_1098 = arith.addf %get3A_1077, %get3A_1092 : vector<16xf32>
        %get3A_1099 = arith.index_cast %add3A_1067 : i32 to index
        %get3A_1100 = arith.constant 32 : index
        %get3A_1101 = tpu.vector_load %arg14[%get3A_1099, %get3A_1100] {strides = array<i32>} : memref<80x128xf32, #tpu.memory_space<vmem>>, vector<16xf32>,
        %get3A_1102 = arith.index_cast %add3A_1067 : i32 to index
        %get3A_1103 = arith.constant 32 : index
        %get3A_1104 = tpu.vector_load %arg17[%get3A_1102, %get3A_1103] {strides = array<i32>} : memref<80x128xf32, #tpu.memory_space<vmem>>, vector<16xf32>,
        %mul3A_1105 = arith.mulf %get3A_1101, %get3A_1104 : vector<16xf32>
        %add3A_1106 = arith.addf %add3A_1089, %mul3A_1105 : vector<16xf32>
        %get3A_1107 = arith.index_cast %add3A_1067 : i32 to index
        %get3A_1108 = arith.constant 32 : index
        %get3A_1109 = tpu.vector_load %arg16[%get3A_1107, %get3A_1108] {strides = array<i32>} : memref<80x128xf32, #tpu.memory_space<vmem>>, vector<16xf32>,
        %get3A_1110 = arith.index_cast %add3A_1067 : i32 to index
        %get3A_1111 = arith.constant 32 : index
        %get3A_1112 = tpu.vector_load %arg15[%get3A_1110, %get3A_1111] {strides = array<i32>} : memref<80x128xf32, #tpu.memory_space<vmem>>, vector<16xf32>,
        %mul3A_1113 = arith.mulf %get3A_1112, %get3A_1109 : vector<16xf32>
        %add3A_1114 = arith.addf %add3A_1097, %mul3A_1113 : vector<16xf32>
        %add3A_1115 = arith.addf %add3A_1098, %get3A_1109 : vector<16xf32>
        %get3A_1116 = arith.index_cast %add3A_1067 : i32 to index
        %get3A_1117 = arith.constant 48 : index
        %get3A_1118 = tpu.vector_load %arg14[%get3A_1116, %get3A_1117] {strides = array<i32>} : memref<80x128xf32, #tpu.memory_space<vmem>>, vector<16xf32>,
        %get3A_1119 = arith.index_cast %add3A_1067 : i32 to index
        %get3A_1120 = arith.constant 48 : index
        %get3A_1121 = tpu.vector_load %arg17[%get3A_1119, %get3A_1120] {strides = array<i32>} : memref<80x128xf32, #tpu.memory_space<vmem>>, vector<16xf32>,
        %mul3A_1122 = arith.mulf %get3A_1118, %get3A_1121 : vector<16xf32>
        %add3A_1123 = arith.addf %add3A_1106, %mul3A_1122 : vector<16xf32>
        %get3A_1124 = arith.index_cast %add3A_1067 : i32 to index
        %get3A_1125 = arith.constant 48 : index
        %get3A_1126 = tpu.vector_load %arg16[%get3A_1124, %get3A_1125] {strides = array<i32>} : memref<80x128xf32, #tpu.memory_space<vmem>>, vector<16xf32>,
        %get3A_1127 = arith.index_cast %add3A_1067 : i32 to index
        %get3A_1128 = arith.constant 48 : index
        %get3A_1129 = tpu.vector_load %arg15[%get3A_1127, %get3A_1128] {strides = array<i32>} : memref<80x128xf32, #tpu.memory_space<vmem>>, vector<16xf32>,
        %mul3A_1130 = arith.mulf %get3A_1129, %get3A_1126 : vector<16xf32>
        %add3A_1131 = arith.addf %add3A_1114, %mul3A_1130 : vector<16xf32>
        %add3A_1132 = arith.addf %add3A_1115, %get3A_1126 : vector<16xf32>
        %get3A_1133 = arith.index_cast %add3A_1067 : i32 to index
        %get3A_1134 = arith.constant 64 : index
        %get3A_1135 = tpu.vector_load %arg14[%get3A_1133, %get3A_1134] {strides = array<i32>} : memref<80x128xf32, #tpu.memory_space<vmem>>, vector<16xf32>,
        %get3A_1136 = arith.index_cast %add3A_1067 : i32 to index
        %get3A_1137 = arith.constant 64 : index
        %get3A_1138 = tpu.vector_load %arg17[%get3A_1136, %get3A_1137] {strides = array<i32>} : memref<80x128xf32, #tpu.memory_space<vmem>>, vector<16xf32>,
        %mul3A_1139 = arith.mulf %get3A_1135, %get3A_1138 : vector<16xf32>
        %add3A_1140 = arith.addf %add3A_1123, %mul3A_1139 : vector<16xf32>
        %get3A_1141 = arith.index_cast %add3A_1067 : i32 to index
        %get3A_1142 = arith.constant 64 : index
        %get3A_1143 = tpu.vector_load %arg16[%get3A_1141, %get3A_1142] {strides = array<i32>} : memref<80x128xf32, #tpu.memory_space<vmem>>, vector<16xf32>,
        %get3A_1144 = arith.index_cast %add3A_1067 : i32 to index
        %get3A_1145 = arith.constant 64 : index
        %get3A_1146 = tpu.vector_load %arg15[%get3A_1144, %get3A_1145] {strides = array<i32>} : memref<80x128xf32, #tpu.memory_space<vmem>>, vector<16xf32>,
        %mul3A_1147 = arith.mulf %get3A_1146, %get3A_1143 : vector<16xf32>
        %add3A_1148 = arith.addf %add3A_1131, %mul3A_1147 : vector<16xf32>
        %add3A_1149 = arith.addf %add3A_1132, %get3A_1143 : vector<16xf32>
        %get3A_1150 = arith.index_cast %add3A_1067 : i32 to index
        %get3A_1151 = arith.constant 80 : index
        %get3A_1152 = tpu.vector_load %arg14[%get3A_1150, %get3A_1151] {strides = array<i32>} : memref<80x128xf32, #tpu.memory_space<vmem>>, vector<16xf32>,
        %get3A_1153 = arith.index_cast %add3A_1067 : i32 to index
        %get3A_1154 = arith.constant 80 : index
        %get3A_1155 = tpu.vector_load %arg17[%get3A_1153, %get3A_1154] {strides = array<i32>} : memref<80x128xf32, #tpu.memory_space<vmem>>, vector<16xf32>,
        %mul3A_1156 = arith.mulf %get3A_1152, %get3A_1155 : vector<16xf32>
        %add3A_1157 = arith.addf %add3A_1140, %mul3A_1156 : vector<16xf32>
        %get3A_1158 = arith.index_cast %add3A_1067 : i32 to index
        %get3A_1159 = arith.constant 80 : index
        %get3A_1160 = tpu.vector_load %arg16[%get3A_1158, %get3A_1159] {strides = array<i32>} : memref<80x128xf32, #tpu.memory_space<vmem>>, vector<16xf32>,
        %get3A_1161 = arith.index_cast %add3A_1067 : i32 to index
        %get3A_1162 = arith.constant 80 : index
        %get3A_1163 = tpu.vector_load %arg15[%get3A_1161, %get3A_1162] {strides = array<i32>} : memref<80x128xf32, #tpu.memory_space<vmem>>, vector<16xf32>,
        %mul3A_1164 = arith.mulf %get3A_1163, %get3A_1160 : vector<16xf32>
        %add3A_1165 = arith.addf %add3A_1148, %mul3A_1164 : vector<16xf32>
        %add3A_1166 = arith.addf %add3A_1149, %get3A_1160 : vector<16xf32>
        %get3A_1167 = arith.index_cast %add3A_1067 : i32 to index
        %get3A_1168 = arith.constant 96 : index
        %get3A_1169 = tpu.vector_load %arg14[%get3A_1167, %get3A_1168] {strides = array<i32>} : memref<80x128xf32, #tpu.memory_space<vmem>>, vector<16xf32>,
        %get3A_1170 = arith.index_cast %add3A_1067 : i32 to index
        %get3A_1171 = arith.constant 96 : index
        %get3A_1172 = tpu.vector_load %arg17[%get3A_1170, %get3A_1171] {strides = array<i32>} : memref<80x128xf32, #tpu.memory_space<vmem>>, vector<16xf32>,
        %mul3A_1173 = arith.mulf %get3A_1169, %get3A_1172 : vector<16xf32>
        %add3A_1174 = arith.addf %add3A_1157, %mul3A_1173 : vector<16xf32>
        %get3A_1175 = arith.index_cast %add3A_1067 : i32 to index
        %get3A_1176 = arith.constant 96 : index
        %get3A_1177 = tpu.vector_load %arg16[%get3A_1175, %get3A_1176] {strides = array<i32>} : memref<80x128xf32, #tpu.memory_space<vmem>>, vector<16xf32>,
        %get3A_1178 = arith.index_cast %add3A_1067 : i32 to index
        %get3A_1179 = arith.constant 96 : index
        %get3A_1180 = tpu.vector_load %arg15[%get3A_1178, %get3A_1179] {strides = array<i32>} : memref<80x128xf32, #tpu.memory_space<vmem>>, vector<16xf32>,
        %mul3A_1181 = arith.mulf %get3A_1180, %get3A_1177 : vector<16xf32>
        %add3A_1182 = arith.addf %add3A_1165, %mul3A_1181 : vector<16xf32>
        %add3A_1183 = arith.addf %add3A_1166, %get3A_1177 : vector<16xf32>
        %get3A_1184 = arith.index_cast %add3A_1067 : i32 to index
        %get3A_1185 = arith.constant 112 : index
        %get3A_1186 = tpu.vector_load %arg14[%get3A_1184, %get3A_1185] {strides = array<i32>} : memref<80x128xf32, #tpu.memory_space<vmem>>, vector<16xf32>,
        %get3A_1187 = arith.index_cast %add3A_1067 : i32 to index
        %get3A_1188 = arith.constant 112 : index
        %get3A_1189 = tpu.vector_load %arg17[%get3A_1187, %get3A_1188] {strides = array<i32>} : memref<80x128xf32, #tpu.memory_space<vmem>>, vector<16xf32>,
        %mul3A_1190 = arith.mulf %get3A_1186, %get3A_1189 : vector<16xf32>
        %add3A_1191 = arith.addf %add3A_1174, %mul3A_1190 : vector<16xf32>
        %get3A_1192 = arith.index_cast %add3A_1067 : i32 to index
        %get3A_1193 = arith.constant 112 : index
        %get3A_1194 = tpu.vector_load %arg16[%get3A_1192, %get3A_1193] {strides = array<i32>} : memref<80x128xf32, #tpu.memory_space<vmem>>, vector<16xf32>,
        %get3A_1195 = arith.index_cast %add3A_1067 : i32 to index
        %get3A_1196 = arith.constant 112 : index
        %get3A_1197 = tpu.vector_load %arg15[%get3A_1195, %get3A_1196] {strides = array<i32>} : memref<80x128xf32, #tpu.memory_space<vmem>>, vector<16xf32>,
        %mul3A_1198 = arith.mulf %get3A_1197, %get3A_1194 : vector<16xf32>
        %add3A_1199 = arith.addf %add3A_1182, %mul3A_1198 : vector<16xf32>
        %add3A_1200 = arith.addf %add3A_1183, %get3A_1194 : vector<16xf32>
        %swap3A_1201 = arith.constant 119 : index
        %swap3A_1202 = tpu.vector_load %arg19[%swap3A_1201] {strides = array<i32>} : memref<272xf32, #tpu.memory_space<vmem>>, vector<16xf32>,
        tpu.vector_store %arg19[%swap3A_1201], %add3A_1191 {strides = array<i32>} : memref<272xf32, #tpu.memory_space<vmem>>, vector<16xf32>,
        %swap3A_1203 = arith.constant 119 : index
        %swap3A_1204 = tpu.vector_load %arg20[%swap3A_1203] {strides = array<i32>} : memref<272xf32, #tpu.memory_space<vmem>>, vector<16xf32>,
        tpu.vector_store %arg20[%swap3A_1203], %add3A_1199 {strides = array<i32>} : memref<272xf32, #tpu.memory_space<vmem>>, vector<16xf32>,
        %swap3A_1205 = arith.constant 119 : index
        %swap3A_1206 = tpu.vector_load %arg21[%swap3A_1205] {strides = array<i32>} : memref<272xf32, #tpu.memory_space<vmem>>, vector<16xf32>,
        tpu.vector_store %arg21[%swap3A_1205], %add3A_1200 {strides = array<i32>} : memref<272xf32, #tpu.memory_space<vmem>>, vector<16xf32>,
        %add3A_1207 = arith.constant 8 : i32
        %add3A_1208 = arith.addi %mul3A_80, %add3A_1207 : i32
        %get3A_1209 = arith.index_cast %add3A_1208 : i32 to index
        %get3A_1210 = arith.constant 0 : index
        %get3A_1211 = tpu.vector_load %arg14[%get3A_1209, %get3A_1210] {strides = array<i32>} : memref<80x128xf32, #tpu.memory_space<vmem>>, vector<16xf32>,
        %get3A_1212 = arith.index_cast %add3A_1208 : i32 to index
        %get3A_1213 = arith.constant 0 : index
        %get3A_1214 = tpu.vector_load %arg17[%get3A_1212, %get3A_1213] {strides = array<i32>} : memref<80x128xf32, #tpu.memory_space<vmem>>, vector<16xf32>,
        %mul3A_1215 = arith.mulf %get3A_1211, %get3A_1214 : vector<16xf32>
        %get3A_1216 = arith.index_cast %add3A_1208 : i32 to index
        %get3A_1217 = arith.constant 0 : index
        %get3A_1218 = tpu.vector_load %arg16[%get3A_1216, %get3A_1217] {strides = array<i32>} : memref<80x128xf32, #tpu.memory_space<vmem>>, vector<16xf32>,
        %get3A_1219 = arith.index_cast %add3A_1208 : i32 to index
        %get3A_1220 = arith.constant 0 : index
        %get3A_1221 = tpu.vector_load %arg15[%get3A_1219, %get3A_1220] {strides = array<i32>} : memref<80x128xf32, #tpu.memory_space<vmem>>, vector<16xf32>,
        %mul3A_1222 = arith.mulf %get3A_1221, %get3A_1218 : vector<16xf32>
        %get3A_1223 = arith.index_cast %add3A_1208 : i32 to index
        %get3A_1224 = arith.constant 16 : index
        %get3A_1225 = tpu.vector_load %arg14[%get3A_1223, %get3A_1224] {strides = array<i32>} : memref<80x128xf32, #tpu.memory_space<vmem>>, vector<16xf32>,
        %get3A_1226 = arith.index_cast %add3A_1208 : i32 to index
        %get3A_1227 = arith.constant 16 : index
        %get3A_1228 = tpu.vector_load %arg17[%get3A_1226, %get3A_1227] {strides = array<i32>} : memref<80x128xf32, #tpu.memory_space<vmem>>, vector<16xf32>,
        %mul3A_1229 = arith.mulf %get3A_1225, %get3A_1228 : vector<16xf32>
        %add3A_1230 = arith.addf %mul3A_1215, %mul3A_1229 : vector<16xf32>
        %get3A_1231 = arith.index_cast %add3A_1208 : i32 to index
        %get3A_1232 = arith.constant 16 : index
        %get3A_1233 = tpu.vector_load %arg16[%get3A_1231, %get3A_1232] {strides = array<i32>} : memref<80x128xf32, #tpu.memory_space<vmem>>, vector<16xf32>,
        %get3A_1234 = arith.index_cast %add3A_1208 : i32 to index
        %get3A_1235 = arith.constant 16 : index
        %get3A_1236 = tpu.vector_load %arg15[%get3A_1234, %get3A_1235] {strides = array<i32>} : memref<80x128xf32, #tpu.memory_space<vmem>>, vector<16xf32>,
        %mul3A_1237 = arith.mulf %get3A_1236, %get3A_1233 : vector<16xf32>
        %add3A_1238 = arith.addf %mul3A_1222, %mul3A_1237 : vector<16xf32>
        %add3A_1239 = arith.addf %get3A_1218, %get3A_1233 : vector<16xf32>
        %get3A_1240 = arith.index_cast %add3A_1208 : i32 to index
        %get3A_1241 = arith.constant 32 : index
        %get3A_1242 = tpu.vector_load %arg14[%get3A_1240, %get3A_1241] {strides = array<i32>} : memref<80x128xf32, #tpu.memory_space<vmem>>, vector<16xf32>,
        %get3A_1243 = arith.index_cast %add3A_1208 : i32 to index
        %get3A_1244 = arith.constant 32 : index
        %get3A_1245 = tpu.vector_load %arg17[%get3A_1243, %get3A_1244] {strides = array<i32>} : memref<80x128xf32, #tpu.memory_space<vmem>>, vector<16xf32>,
        %mul3A_1246 = arith.mulf %get3A_1242, %get3A_1245 : vector<16xf32>
        %add3A_1247 = arith.addf %add3A_1230, %mul3A_1246 : vector<16xf32>
        %get3A_1248 = arith.index_cast %add3A_1208 : i32 to index
        %get3A_1249 = arith.constant 32 : index
        %get3A_1250 = tpu.vector_load %arg16[%get3A_1248, %get3A_1249] {strides = array<i32>} : memref<80x128xf32, #tpu.memory_space<vmem>>, vector<16xf32>,
        %get3A_1251 = arith.index_cast %add3A_1208 : i32 to index
        %get3A_1252 = arith.constant 32 : index
        %get3A_1253 = tpu.vector_load %arg15[%get3A_1251, %get3A_1252] {strides = array<i32>} : memref<80x128xf32, #tpu.memory_space<vmem>>, vector<16xf32>,
        %mul3A_1254 = arith.mulf %get3A_1253, %get3A_1250 : vector<16xf32>
        %add3A_1255 = arith.addf %add3A_1238, %mul3A_1254 : vector<16xf32>
        %add3A_1256 = arith.addf %add3A_1239, %get3A_1250 : vector<16xf32>
        %get3A_1257 = arith.index_cast %add3A_1208 : i32 to index
        %get3A_1258 = arith.constant 48 : index
        %get3A_1259 = tpu.vector_load %arg14[%get3A_1257, %get3A_1258] {strides = array<i32>} : memref<80x128xf32, #tpu.memory_space<vmem>>, vector<16xf32>,
        %get3A_1260 = arith.index_cast %add3A_1208 : i32 to index
        %get3A_1261 = arith.constant 48 : index
        %get3A_1262 = tpu.vector_load %arg17[%get3A_1260, %get3A_1261] {strides = array<i32>} : memref<80x128xf32, #tpu.memory_space<vmem>>, vector<16xf32>,
        %mul3A_1263 = arith.mulf %get3A_1259, %get3A_1262 : vector<16xf32>
        %add3A_1264 = arith.addf %add3A_1247, %mul3A_1263 : vector<16xf32>
        %get3A_1265 = arith.index_cast %add3A_1208 : i32 to index
        %get3A_1266 = arith.constant 48 : index
        %get3A_1267 = tpu.vector_load %arg16[%get3A_1265, %get3A_1266] {strides = array<i32>} : memref<80x128xf32, #tpu.memory_space<vmem>>, vector<16xf32>,
        %get3A_1268 = arith.index_cast %add3A_1208 : i32 to index
        %get3A_1269 = arith.constant 48 : index
        %get3A_1270 = tpu.vector_load %arg15[%get3A_1268, %get3A_1269] {strides = array<i32>} : memref<80x128xf32, #tpu.memory_space<vmem>>, vector<16xf32>,
        %mul3A_1271 = arith.mulf %get3A_1270, %get3A_1267 : vector<16xf32>
        %add3A_1272 = arith.addf %add3A_1255, %mul3A_1271 : vector<16xf32>
        %add3A_1273 = arith.addf %add3A_1256, %get3A_1267 : vector<16xf32>
        %get3A_1274 = arith.index_cast %add3A_1208 : i32 to index
        %get3A_1275 = arith.constant 64 : index
        %get3A_1276 = tpu.vector_load %arg14[%get3A_1274, %get3A_1275] {strides = array<i32>} : memref<80x128xf32, #tpu.memory_space<vmem>>, vector<16xf32>,
        %get3A_1277 = arith.index_cast %add3A_1208 : i32 to index
        %get3A_1278 = arith.constant 64 : index
        %get3A_1279 = tpu.vector_load %arg17[%get3A_1277, %get3A_1278] {strides = array<i32>} : memref<80x128xf32, #tpu.memory_space<vmem>>, vector<16xf32>,
        %mul3A_1280 = arith.mulf %get3A_1276, %get3A_1279 : vector<16xf32>
        %add3A_1281 = arith.addf %add3A_1264, %mul3A_1280 : vector<16xf32>
        %get3A_1282 = arith.index_cast %add3A_1208 : i32 to index
        %get3A_1283 = arith.constant 64 : index
        %get3A_1284 = tpu.vector_load %arg16[%get3A_1282, %get3A_1283] {strides = array<i32>} : memref<80x128xf32, #tpu.memory_space<vmem>>, vector<16xf32>,
        %get3A_1285 = arith.index_cast %add3A_1208 : i32 to index
        %get3A_1286 = arith.constant 64 : index
        %get3A_1287 = tpu.vector_load %arg15[%get3A_1285, %get3A_1286] {strides = array<i32>} : memref<80x128xf32, #tpu.memory_space<vmem>>, vector<16xf32>,
        %mul3A_1288 = arith.mulf %get3A_1287, %get3A_1284 : vector<16xf32>
        %add3A_1289 = arith.addf %add3A_1272, %mul3A_1288 : vector<16xf32>
        %add3A_1290 = arith.addf %add3A_1273, %get3A_1284 : vector<16xf32>
        %get3A_1291 = arith.index_cast %add3A_1208 : i32 to index
        %get3A_1292 = arith.constant 80 : index
        %get3A_1293 = tpu.vector_load %arg14[%get3A_1291, %get3A_1292] {strides = array<i32>} : memref<80x128xf32, #tpu.memory_space<vmem>>, vector<16xf32>,
        %get3A_1294 = arith.index_cast %add3A_1208 : i32 to index
        %get3A_1295 = arith.constant 80 : index
        %get3A_1296 = tpu.vector_load %arg17[%get3A_1294, %get3A_1295] {strides = array<i32>} : memref<80x128xf32, #tpu.memory_space<vmem>>, vector<16xf32>,
        %mul3A_1297 = arith.mulf %get3A_1293, %get3A_1296 : vector<16xf32>
        %add3A_1298 = arith.addf %add3A_1281, %mul3A_1297 : vector<16xf32>
        %get3A_1299 = arith.index_cast %add3A_1208 : i32 to index
        %get3A_1300 = arith.constant 80 : index
        %get3A_1301 = tpu.vector_load %arg16[%get3A_1299, %get3A_1300] {strides = array<i32>} : memref<80x128xf32, #tpu.memory_space<vmem>>, vector<16xf32>,
        %get3A_1302 = arith.index_cast %add3A_1208 : i32 to index
        %get3A_1303 = arith.constant 80 : index
        %get3A_1304 = tpu.vector_load %arg15[%get3A_1302, %get3A_1303] {strides = array<i32>} : memref<80x128xf32, #tpu.memory_space<vmem>>, vector<16xf32>,
        %mul3A_1305 = arith.mulf %get3A_1304, %get3A_1301 : vector<16xf32>
        %add3A_1306 = arith.addf %add3A_1289, %mul3A_1305 : vector<16xf32>
        %add3A_1307 = arith.addf %add3A_1290, %get3A_1301 : vector<16xf32>
        %get3A_1308 = arith.index_cast %add3A_1208 : i32 to index
        %get3A_1309 = arith.constant 96 : index
        %get3A_1310 = tpu.vector_load %arg14[%get3A_1308, %get3A_1309] {strides = array<i32>} : memref<80x128xf32, #tpu.memory_space<vmem>>, vector<16xf32>,
        %get3A_1311 = arith.index_cast %add3A_1208 : i32 to index
        %get3A_1312 = arith.constant 96 : index
        %get3A_1313 = tpu.vector_load %arg17[%get3A_1311, %get3A_1312] {strides = array<i32>} : memref<80x128xf32, #tpu.memory_space<vmem>>, vector<16xf32>,
        %mul3A_1314 = arith.mulf %get3A_1310, %get3A_1313 : vector<16xf32>
        %add3A_1315 = arith.addf %add3A_1298, %mul3A_1314 : vector<16xf32>
        %get3A_1316 = arith.index_cast %add3A_1208 : i32 to index
        %get3A_1317 = arith.constant 96 : index
        %get3A_1318 = tpu.vector_load %arg16[%get3A_1316, %get3A_1317] {strides = array<i32>} : memref<80x128xf32, #tpu.memory_space<vmem>>, vector<16xf32>,
        %get3A_1319 = arith.index_cast %add3A_1208 : i32 to index
        %get3A_1320 = arith.constant 96 : index
        %get3A_1321 = tpu.vector_load %arg15[%get3A_1319, %get3A_1320] {strides = array<i32>} : memref<80x128xf32, #tpu.memory_space<vmem>>, vector<16xf32>,
        %mul3A_1322 = arith.mulf %get3A_1321, %get3A_1318 : vector<16xf32>
        %add3A_1323 = arith.addf %add3A_1306, %mul3A_1322 : vector<16xf32>
        %add3A_1324 = arith.addf %add3A_1307, %get3A_1318 : vector<16xf32>
        %get3A_1325 = arith.index_cast %add3A_1208 : i32 to index
        %get3A_1326 = arith.constant 112 : index
        %get3A_1327 = tpu.vector_load %arg14[%get3A_1325, %get3A_1326] {strides = array<i32>} : memref<80x128xf32, #tpu.memory_space<vmem>>, vector<16xf32>,
        %get3A_1328 = arith.index_cast %add3A_1208 : i32 to index
        %get3A_1329 = arith.constant 112 : index
        %get3A_1330 = tpu.vector_load %arg17[%get3A_1328, %get3A_1329] {strides = array<i32>} : memref<80x128xf32, #tpu.memory_space<vmem>>, vector<16xf32>,
        %mul3A_1331 = arith.mulf %get3A_1327, %get3A_1330 : vector<16xf32>
        %add3A_1332 = arith.addf %add3A_1315, %mul3A_1331 : vector<16xf32>
        %get3A_1333 = arith.index_cast %add3A_1208 : i32 to index
        %get3A_1334 = arith.constant 112 : index
        %get3A_1335 = tpu.vector_load %arg16[%get3A_1333, %get3A_1334] {strides = array<i32>} : memref<80x128xf32, #tpu.memory_space<vmem>>, vector<16xf32>,
        %get3A_1336 = arith.index_cast %add3A_1208 : i32 to index
        %get3A_1337 = arith.constant 112 : index
        %get3A_1338 = tpu.vector_load %arg15[%get3A_1336, %get3A_1337] {strides = array<i32>} : memref<80x128xf32, #tpu.memory_space<vmem>>, vector<16xf32>,
        %mul3A_1339 = arith.mulf %get3A_1338, %get3A_1335 : vector<16xf32>
        %add3A_1340 = arith.addf %add3A_1323, %mul3A_1339 : vector<16xf32>
        %add3A_1341 = arith.addf %add3A_1324, %get3A_1335 : vector<16xf32>
        %swap3A_1342 = arith.constant 136 : index
        %swap3A_1343 = tpu.vector_load %arg19[%swap3A_1342] {strides = array<i32>} : memref<272xf32, #tpu.memory_space<vmem>>, vector<16xf32>,
        tpu.vector_store %arg19[%swap3A_1342], %add3A_1332 {strides = array<i32>} : memref<272xf32, #tpu.memory_space<vmem>>, vector<16xf32>,
        %swap3A_1344 = arith.constant 136 : index
        %swap3A_1345 = tpu.vector_load %arg20[%swap3A_1344] {strides = array<i32>} : memref<272xf32, #tpu.memory_space<vmem>>, vector<16xf32>,
        tpu.vector_store %arg20[%swap3A_1344], %add3A_1340 {strides = array<i32>} : memref<272xf32, #tpu.memory_space<vmem>>, vector<16xf32>,
        %swap3A_1346 = arith.constant 136 : index
        %swap3A_1347 = tpu.vector_load %arg21[%swap3A_1346] {strides = array<i32>} : memref<272xf32, #tpu.memory_space<vmem>>, vector<16xf32>,
        tpu.vector_store %arg21[%swap3A_1346], %add3A_1341 {strides = array<i32>} : memref<272xf32, #tpu.memory_space<vmem>>, vector<16xf32>,
        %add3A_1348 = arith.constant 9 : i32
        %add3A_1349 = arith.addi %mul3A_80, %add3A_1348 : i32
        %get3A_1350 = arith.index_cast %add3A_1349 : i32 to index
        %get3A_1351 = arith.constant 0 : index
        %get3A_1352 = tpu.vector_load %arg14[%get3A_1350, %get3A_1351] {strides = array<i32>} : memref<80x128xf32, #tpu.memory_space<vmem>>, vector<16xf32>,
        %get3A_1353 = arith.index_cast %add3A_1349 : i32 to index
        %get3A_1354 = arith.constant 0 : index
        %get3A_1355 = tpu.vector_load %arg17[%get3A_1353, %get3A_1354] {strides = array<i32>} : memref<80x128xf32, #tpu.memory_space<vmem>>, vector<16xf32>,
        %mul3A_1356 = arith.mulf %get3A_1352, %get3A_1355 : vector<16xf32>
        %get3A_1357 = arith.index_cast %add3A_1349 : i32 to index
        %get3A_1358 = arith.constant 0 : index
        %get3A_1359 = tpu.vector_load %arg16[%get3A_1357, %get3A_1358] {strides = array<i32>} : memref<80x128xf32, #tpu.memory_space<vmem>>, vector<16xf32>,
        %get3A_1360 = arith.index_cast %add3A_1349 : i32 to index
        %get3A_1361 = arith.constant 0 : index
        %get3A_1362 = tpu.vector_load %arg15[%get3A_1360, %get3A_1361] {strides = array<i32>} : memref<80x128xf32, #tpu.memory_space<vmem>>, vector<16xf32>,
        %mul3A_1363 = arith.mulf %get3A_1362, %get3A_1359 : vector<16xf32>
        %get3A_1364 = arith.index_cast %add3A_1349 : i32 to index
        %get3A_1365 = arith.constant 16 : index
        %get3A_1366 = tpu.vector_load %arg14[%get3A_1364, %get3A_1365] {strides = array<i32>} : memref<80x128xf32, #tpu.memory_space<vmem>>, vector<16xf32>,
        %get3A_1367 = arith.index_cast %add3A_1349 : i32 to index
        %get3A_1368 = arith.constant 16 : index
        %get3A_1369 = tpu.vector_load %arg17[%get3A_1367, %get3A_1368] {strides = array<i32>} : memref<80x128xf32, #tpu.memory_space<vmem>>, vector<16xf32>,
        %mul3A_1370 = arith.mulf %get3A_1366, %get3A_1369 : vector<16xf32>
        %add3A_1371 = arith.addf %mul3A_1356, %mul3A_1370 : vector<16xf32>
        %get3A_1372 = arith.index_cast %add3A_1349 : i32 to index
        %get3A_1373 = arith.constant 16 : index
        %get3A_1374 = tpu.vector_load %arg16[%get3A_1372, %get3A_1373] {strides = array<i32>} : memref<80x128xf32, #tpu.memory_space<vmem>>, vector<16xf32>,
        %get3A_1375 = arith.index_cast %add3A_1349 : i32 to index
        %get3A_1376 = arith.constant 16 : index
        %get3A_1377 = tpu.vector_load %arg15[%get3A_1375, %get3A_1376] {strides = array<i32>} : memref<80x128xf32, #tpu.memory_space<vmem>>, vector<16xf32>,
        %mul3A_1378 = arith.mulf %get3A_1377, %get3A_1374 : vector<16xf32>
        %add3A_1379 = arith.addf %mul3A_1363, %mul3A_1378 : vector<16xf32>
        %add3A_1380 = arith.addf %get3A_1359, %get3A_1374 : vector<16xf32>
        %get3A_1381 = arith.index_cast %add3A_1349 : i32 to index
        %get3A_1382 = arith.constant 32 : index
        %get3A_1383 = tpu.vector_load %arg14[%get3A_1381, %get3A_1382] {strides = array<i32>} : memref<80x128xf32, #tpu.memory_space<vmem>>, vector<16xf32>,
        %get3A_1384 = arith.index_cast %add3A_1349 : i32 to index
        %get3A_1385 = arith.constant 32 : index
        %get3A_1386 = tpu.vector_load %arg17[%get3A_1384, %get3A_1385] {strides = array<i32>} : memref<80x128xf32, #tpu.memory_space<vmem>>, vector<16xf32>,
        %mul3A_1387 = arith.mulf %get3A_1383, %get3A_1386 : vector<16xf32>
        %add3A_1388 = arith.addf %add3A_1371, %mul3A_1387 : vector<16xf32>
        %get3A_1389 = arith.index_cast %add3A_1349 : i32 to index
        %get3A_1390 = arith.constant 32 : index
        %get3A_1391 = tpu.vector_load %arg16[%get3A_1389, %get3A_1390] {strides = array<i32>} : memref<80x128xf32, #tpu.memory_space<vmem>>, vector<16xf32>,
        %get3A_1392 = arith.index_cast %add3A_1349 : i32 to index
        %get3A_1393 = arith.constant 32 : index
        %get3A_1394 = tpu.vector_load %arg15[%get3A_1392, %get3A_1393] {strides = array<i32>} : memref<80x128xf32, #tpu.memory_space<vmem>>, vector<16xf32>,
        %mul3A_1395 = arith.mulf %get3A_1394, %get3A_1391 : vector<16xf32>
        %add3A_1396 = arith.addf %add3A_1379, %mul3A_1395 : vector<16xf32>
        %add3A_1397 = arith.addf %add3A_1380, %get3A_1391 : vector<16xf32>
        %get3A_1398 = arith.index_cast %add3A_1349 : i32 to index
        %get3A_1399 = arith.constant 48 : index
        %get3A_1400 = tpu.vector_load %arg14[%get3A_1398, %get3A_1399] {strides = array<i32>} : memref<80x128xf32, #tpu.memory_space<vmem>>, vector<16xf32>,
        %get3A_1401 = arith.index_cast %add3A_1349 : i32 to index
        %get3A_1402 = arith.constant 48 : index
        %get3A_1403 = tpu.vector_load %arg17[%get3A_1401, %get3A_1402] {strides = array<i32>} : memref<80x128xf32, #tpu.memory_space<vmem>>, vector<16xf32>,
        %mul3A_1404 = arith.mulf %get3A_1400, %get3A_1403 : vector<16xf32>
        %add3A_1405 = arith.addf %add3A_1388, %mul3A_1404 : vector<16xf32>
        %get3A_1406 = arith.index_cast %add3A_1349 : i32 to index
        %get3A_1407 = arith.constant 48 : index
        %get3A_1408 = tpu.vector_load %arg16[%get3A_1406, %get3A_1407] {strides = array<i32>} : memref<80x128xf32, #tpu.memory_space<vmem>>, vector<16xf32>,
        %get3A_1409 = arith.index_cast %add3A_1349 : i32 to index
        %get3A_1410 = arith.constant 48 : index
        %get3A_1411 = tpu.vector_load %arg15[%get3A_1409, %get3A_1410] {strides = array<i32>} : memref<80x128xf32, #tpu.memory_space<vmem>>, vector<16xf32>,
        %mul3A_1412 = arith.mulf %get3A_1411, %get3A_1408 : vector<16xf32>
        %add3A_1413 = arith.addf %add3A_1396, %mul3A_1412 : vector<16xf32>
        %add3A_1414 = arith.addf %add3A_1397, %get3A_1408 : vector<16xf32>
        %get3A_1415 = arith.index_cast %add3A_1349 : i32 to index
        %get3A_1416 = arith.constant 64 : index
        %get3A_1417 = tpu.vector_load %arg14[%get3A_1415, %get3A_1416] {strides = array<i32>} : memref<80x128xf32, #tpu.memory_space<vmem>>, vector<16xf32>,
        %get3A_1418 = arith.index_cast %add3A_1349 : i32 to index
        %get3A_1419 = arith.constant 64 : index
        %get3A_1420 = tpu.vector_load %arg17[%get3A_1418, %get3A_1419] {strides = array<i32>} : memref<80x128xf32, #tpu.memory_space<vmem>>, vector<16xf32>,
        %mul3A_1421 = arith.mulf %get3A_1417, %get3A_1420 : vector<16xf32>
        %add3A_1422 = arith.addf %add3A_1405, %mul3A_1421 : vector<16xf32>
        %get3A_1423 = arith.index_cast %add3A_1349 : i32 to index
        %get3A_1424 = arith.constant 64 : index
        %get3A_1425 = tpu.vector_load %arg16[%get3A_1423, %get3A_1424] {strides = array<i32>} : memref<80x128xf32, #tpu.memory_space<vmem>>, vector<16xf32>,
        %get3A_1426 = arith.index_cast %add3A_1349 : i32 to index
        %get3A_1427 = arith.constant 64 : index
        %get3A_1428 = tpu.vector_load %arg15[%get3A_1426, %get3A_1427] {strides = array<i32>} : memref<80x128xf32, #tpu.memory_space<vmem>>, vector<16xf32>,
        %mul3A_1429 = arith.mulf %get3A_1428, %get3A_1425 : vector<16xf32>
        %add3A_1430 = arith.addf %add3A_1413, %mul3A_1429 : vector<16xf32>
        %add3A_1431 = arith.addf %add3A_1414, %get3A_1425 : vector<16xf32>
        %get3A_1432 = arith.index_cast %add3A_1349 : i32 to index
        %get3A_1433 = arith.constant 80 : index
        %get3A_1434 = tpu.vector_load %arg14[%get3A_1432, %get3A_1433] {strides = array<i32>} : memref<80x128xf32, #tpu.memory_space<vmem>>, vector<16xf32>,
        %get3A_1435 = arith.index_cast %add3A_1349 : i32 to index
        %get3A_1436 = arith.constant 80 : index
        %get3A_1437 = tpu.vector_load %arg17[%get3A_1435, %get3A_1436] {strides = array<i32>} : memref<80x128xf32, #tpu.memory_space<vmem>>, vector<16xf32>,
        %mul3A_1438 = arith.mulf %get3A_1434, %get3A_1437 : vector<16xf32>
        %add3A_1439 = arith.addf %add3A_1422, %mul3A_1438 : vector<16xf32>
        %get3A_1440 = arith.index_cast %add3A_1349 : i32 to index
        %get3A_1441 = arith.constant 80 : index
        %get3A_1442 = tpu.vector_load %arg16[%get3A_1440, %get3A_1441] {strides = array<i32>} : memref<80x128xf32, #tpu.memory_space<vmem>>, vector<16xf32>,
        %get3A_1443 = arith.index_cast %add3A_1349 : i32 to index
        %get3A_1444 = arith.constant 80 : index
        %get3A_1445 = tpu.vector_load %arg15[%get3A_1443, %get3A_1444] {strides = array<i32>} : memref<80x128xf32, #tpu.memory_space<vmem>>, vector<16xf32>,
        %mul3A_1446 = arith.mulf %get3A_1445, %get3A_1442 : vector<16xf32>
        %add3A_1447 = arith.addf %add3A_1430, %mul3A_1446 : vector<16xf32>
        %add3A_1448 = arith.addf %add3A_1431, %get3A_1442 : vector<16xf32>
        %get3A_1449 = arith.index_cast %add3A_1349 : i32 to index
        %get3A_1450 = arith.constant 96 : index
        %get3A_1451 = tpu.vector_load %arg14[%get3A_1449, %get3A_1450] {strides = array<i32>} : memref<80x128xf32, #tpu.memory_space<vmem>>, vector<16xf32>,
        %get3A_1452 = arith.index_cast %add3A_1349 : i32 to index
        %get3A_1453 = arith.constant 96 : index
        %get3A_1454 = tpu.vector_load %arg17[%get3A_1452, %get3A_1453] {strides = array<i32>} : memref<80x128xf32, #tpu.memory_space<vmem>>, vector<16xf32>,
        %mul3A_1455 = arith.mulf %get3A_1451, %get3A_1454 : vector<16xf32>
        %add3A_1456 = arith.addf %add3A_1439, %mul3A_1455 : vector<16xf32>
        %get3A_1457 = arith.index_cast %add3A_1349 : i32 to index
        %get3A_1458 = arith.constant 96 : index
        %get3A_1459 = tpu.vector_load %arg16[%get3A_1457, %get3A_1458] {strides = array<i32>} : memref<80x128xf32, #tpu.memory_space<vmem>>, vector<16xf32>,
        %get3A_1460 = arith.index_cast %add3A_1349 : i32 to index
        %get3A_1461 = arith.constant 96 : index
        %get3A_1462 = tpu.vector_load %arg15[%get3A_1460, %get3A_1461] {strides = array<i32>} : memref<80x128xf32, #tpu.memory_space<vmem>>, vector<16xf32>,
        %mul3A_1463 = arith.mulf %get3A_1462, %get3A_1459 : vector<16xf32>
        %add3A_1464 = arith.addf %add3A_1447, %mul3A_1463 : vector<16xf32>
        %add3A_1465 = arith.addf %add3A_1448, %get3A_1459 : vector<16xf32>
        %get3A_1466 = arith.index_cast %add3A_1349 : i32 to index
        %get3A_1467 = arith.constant 112 : index
        %get3A_1468 = tpu.vector_load %arg14[%get3A_1466, %get3A_1467] {strides = array<i32>} : memref<80x128xf32, #tpu.memory_space<vmem>>, vector<16xf32>,
        %get3A_1469 = arith.index_cast %add3A_1349 : i32 to index
        %get3A_1470 = arith.constant 112 : index
        %get3A_1471 = tpu.vector_load %arg17[%get3A_1469, %get3A_1470] {strides = array<i32>} : memref<80x128xf32, #tpu.memory_space<vmem>>, vector<16xf32>,
        %mul3A_1472 = arith.mulf %get3A_1468, %get3A_1471 : vector<16xf32>
        %add3A_1473 = arith.addf %add3A_1456, %mul3A_1472 : vector<16xf32>
        %get3A_1474 = arith.index_cast %add3A_1349 : i32 to index
        %get3A_1475 = arith.constant 112 : index
        %get3A_1476 = tpu.vector_load %arg16[%get3A_1474, %get3A_1475] {strides = array<i32>} : memref<80x128xf32, #tpu.memory_space<vmem>>, vector<16xf32>,
        %get3A_1477 = arith.index_cast %add3A_1349 : i32 to index
        %get3A_1478 = arith.constant 112 : index
        %get3A_1479 = tpu.vector_load %arg15[%get3A_1477, %get3A_1478] {strides = array<i32>} : memref<80x128xf32, #tpu.memory_space<vmem>>, vector<16xf32>,
        %mul3A_1480 = arith.mulf %get3A_1479, %get3A_1476 : vector<16xf32>
        %add3A_1481 = arith.addf %add3A_1464, %mul3A_1480 : vector<16xf32>
        %add3A_1482 = arith.addf %add3A_1465, %get3A_1476 : vector<16xf32>
        %swap3A_1483 = arith.constant 153 : index
        %swap3A_1484 = tpu.vector_load %arg19[%swap3A_1483] {strides = array<i32>} : memref<272xf32, #tpu.memory_space<vmem>>, vector<16xf32>,
        tpu.vector_store %arg19[%swap3A_1483], %add3A_1473 {strides = array<i32>} : memref<272xf32, #tpu.memory_space<vmem>>, vector<16xf32>,
        %swap3A_1485 = arith.constant 153 : index
        %swap3A_1486 = tpu.vector_load %arg20[%swap3A_1485] {strides = array<i32>} : memref<272xf32, #tpu.memory_space<vmem>>, vector<16xf32>,
        tpu.vector_store %arg20[%swap3A_1485], %add3A_1481 {strides = array<i32>} : memref<272xf32, #tpu.memory_space<vmem>>, vector<16xf32>,
        %swap3A_1487 = arith.constant 153 : index
        %swap3A_1488 = tpu.vector_load %arg21[%swap3A_1487] {strides = array<i32>} : memref<272xf32, #tpu.memory_space<vmem>>, vector<16xf32>,
        tpu.vector_store %arg21[%swap3A_1487], %add3A_1482 {strides = array<i32>} : memref<272xf32, #tpu.memory_space<vmem>>, vector<16xf32>,
        %add3A_1489 = arith.constant 10 : i32
        %add3A_1490 = arith.addi %mul3A_80, %add3A_1489 : i32
        %get3A_1491 = arith.index_cast %add3A_1490 : i32 to index
        %get3A_1492 = arith.constant 0 : index
        %get3A_1493 = tpu.vector_load %arg14[%get3A_1491, %get3A_1492] {strides = array<i32>} : memref<80x128xf32, #tpu.memory_space<vmem>>, vector<16xf32>,
        %get3A_1494 = arith.index_cast %add3A_1490 : i32 to index
        %get3A_1495 = arith.constant 0 : index
        %get3A_1496 = tpu.vector_load %arg17[%get3A_1494, %get3A_1495] {strides = array<i32>} : memref<80x128xf32, #tpu.memory_space<vmem>>, vector<16xf32>,
        %mul3A_1497 = arith.mulf %get3A_1493, %get3A_1496 : vector<16xf32>
        %get3A_1498 = arith.index_cast %add3A_1490 : i32 to index
        %get3A_1499 = arith.constant 0 : index
        %get3A_1500 = tpu.vector_load %arg16[%get3A_1498, %get3A_1499] {strides = array<i32>} : memref<80x128xf32, #tpu.memory_space<vmem>>, vector<16xf32>,
        %get3A_1501 = arith.index_cast %add3A_1490 : i32 to index
        %get3A_1502 = arith.constant 0 : index
        %get3A_1503 = tpu.vector_load %arg15[%get3A_1501, %get3A_1502] {strides = array<i32>} : memref<80x128xf32, #tpu.memory_space<vmem>>, vector<16xf32>,
        %mul3A_1504 = arith.mulf %get3A_1503, %get3A_1500 : vector<16xf32>
        %get3A_1505 = arith.index_cast %add3A_1490 : i32 to index
        %get3A_1506 = arith.constant 16 : index
        %get3A_1507 = tpu.vector_load %arg14[%get3A_1505, %get3A_1506] {strides = array<i32>} : memref<80x128xf32, #tpu.memory_space<vmem>>, vector<16xf32>,
        %get3A_1508 = arith.index_cast %add3A_1490 : i32 to index
        %get3A_1509 = arith.constant 16 : index
        %get3A_1510 = tpu.vector_load %arg17[%get3A_1508, %get3A_1509] {strides = array<i32>} : memref<80x128xf32, #tpu.memory_space<vmem>>, vector<16xf32>,
        %mul3A_1511 = arith.mulf %get3A_1507, %get3A_1510 : vector<16xf32>
        %add3A_1512 = arith.addf %mul3A_1497, %mul3A_1511 : vector<16xf32>
        %get3A_1513 = arith.index_cast %add3A_1490 : i32 to index
        %get3A_1514 = arith.constant 16 : index
        %get3A_1515 = tpu.vector_load %arg16[%get3A_1513, %get3A_1514] {strides = array<i32>} : memref<80x128xf32, #tpu.memory_space<vmem>>, vector<16xf32>,
        %get3A_1516 = arith.index_cast %add3A_1490 : i32 to index
        %get3A_1517 = arith.constant 16 : index
        %get3A_1518 = tpu.vector_load %arg15[%get3A_1516, %get3A_1517] {strides = array<i32>} : memref<80x128xf32, #tpu.memory_space<vmem>>, vector<16xf32>,
        %mul3A_1519 = arith.mulf %get3A_1518, %get3A_1515 : vector<16xf32>
        %add3A_1520 = arith.addf %mul3A_1504, %mul3A_1519 : vector<16xf32>
        %add3A_1521 = arith.addf %get3A_1500, %get3A_1515 : vector<16xf32>
        %get3A_1522 = arith.index_cast %add3A_1490 : i32 to index
        %get3A_1523 = arith.constant 32 : index
        %get3A_1524 = tpu.vector_load %arg14[%get3A_1522, %get3A_1523] {strides = array<i32>} : memref<80x128xf32, #tpu.memory_space<vmem>>, vector<16xf32>,
        %get3A_1525 = arith.index_cast %add3A_1490 : i32 to index
        %get3A_1526 = arith.constant 32 : index
        %get3A_1527 = tpu.vector_load %arg17[%get3A_1525, %get3A_1526] {strides = array<i32>} : memref<80x128xf32, #tpu.memory_space<vmem>>, vector<16xf32>,
        %mul3A_1528 = arith.mulf %get3A_1524, %get3A_1527 : vector<16xf32>
        %add3A_1529 = arith.addf %add3A_1512, %mul3A_1528 : vector<16xf32>
        %get3A_1530 = arith.index_cast %add3A_1490 : i32 to index
        %get3A_1531 = arith.constant 32 : index
        %get3A_1532 = tpu.vector_load %arg16[%get3A_1530, %get3A_1531] {strides = array<i32>} : memref<80x128xf32, #tpu.memory_space<vmem>>, vector<16xf32>,
        %get3A_1533 = arith.index_cast %add3A_1490 : i32 to index
        %get3A_1534 = arith.constant 32 : index
        %get3A_1535 = tpu.vector_load %arg15[%get3A_1533, %get3A_1534] {strides = array<i32>} : memref<80x128xf32, #tpu.memory_space<vmem>>, vector<16xf32>,
        %mul3A_1536 = arith.mulf %get3A_1535, %get3A_1532 : vector<16xf32>
        %add3A_1537 = arith.addf %add3A_1520, %mul3A_1536 : vector<16xf32>
        %add3A_1538 = arith.addf %add3A_1521, %get3A_1532 : vector<16xf32>
        %get3A_1539 = arith.index_cast %add3A_1490 : i32 to index
        %get3A_1540 = arith.constant 48 : index
        %get3A_1541 = tpu.vector_load %arg14[%get3A_1539, %get3A_1540] {strides = array<i32>} : memref<80x128xf32, #tpu.memory_space<vmem>>, vector<16xf32>,
        %get3A_1542 = arith.index_cast %add3A_1490 : i32 to index
        %get3A_1543 = arith.constant 48 : index
        %get3A_1544 = tpu.vector_load %arg17[%get3A_1542, %get3A_1543] {strides = array<i32>} : memref<80x128xf32, #tpu.memory_space<vmem>>, vector<16xf32>,
        %mul3A_1545 = arith.mulf %get3A_1541, %get3A_1544 : vector<16xf32>
        %add3A_1546 = arith.addf %add3A_1529, %mul3A_1545 : vector<16xf32>
        %get3A_1547 = arith.index_cast %add3A_1490 : i32 to index
        %get3A_1548 = arith.constant 48 : index
        %get3A_1549 = tpu.vector_load %arg16[%get3A_1547, %get3A_1548] {strides = array<i32>} : memref<80x128xf32, #tpu.memory_space<vmem>>, vector<16xf32>,
        %get3A_1550 = arith.index_cast %add3A_1490 : i32 to index
        %get3A_1551 = arith.constant 48 : index
        %get3A_1552 = tpu.vector_load %arg15[%get3A_1550, %get3A_1551] {strides = array<i32>} : memref<80x128xf32, #tpu.memory_space<vmem>>, vector<16xf32>,
        %mul3A_1553 = arith.mulf %get3A_1552, %get3A_1549 : vector<16xf32>
        %add3A_1554 = arith.addf %add3A_1537, %mul3A_1553 : vector<16xf32>
        %add3A_1555 = arith.addf %add3A_1538, %get3A_1549 : vector<16xf32>
        %get3A_1556 = arith.index_cast %add3A_1490 : i32 to index
        %get3A_1557 = arith.constant 64 : index
        %get3A_1558 = tpu.vector_load %arg14[%get3A_1556, %get3A_1557] {strides = array<i32>} : memref<80x128xf32, #tpu.memory_space<vmem>>, vector<16xf32>,
        %get3A_1559 = arith.index_cast %add3A_1490 : i32 to index
        %get3A_1560 = arith.constant 64 : index
        %get3A_1561 = tpu.vector_load %arg17[%get3A_1559, %get3A_1560] {strides = array<i32>} : memref<80x128xf32, #tpu.memory_space<vmem>>, vector<16xf32>,
        %mul3A_1562 = arith.mulf %get3A_1558, %get3A_1561 : vector<16xf32>
        %add3A_1563 = arith.addf %add3A_1546, %mul3A_1562 : vector<16xf32>
        %get3A_1564 = arith.index_cast %add3A_1490 : i32 to index
        %get3A_1565 = arith.constant 64 : index
        %get3A_1566 = tpu.vector_load %arg16[%get3A_1564, %get3A_1565] {strides = array<i32>} : memref<80x128xf32, #tpu.memory_space<vmem>>, vector<16xf32>,
        %get3A_1567 = arith.index_cast %add3A_1490 : i32 to index
        %get3A_1568 = arith.constant 64 : index
        %get3A_1569 = tpu.vector_load %arg15[%get3A_1567, %get3A_1568] {strides = array<i32>} : memref<80x128xf32, #tpu.memory_space<vmem>>, vector<16xf32>,
        %mul3A_1570 = arith.mulf %get3A_1569, %get3A_1566 : vector<16xf32>
        %add3A_1571 = arith.addf %add3A_1554, %mul3A_1570 : vector<16xf32>
        %add3A_1572 = arith.addf %add3A_1555, %get3A_1566 : vector<16xf32>
        %get3A_1573 = arith.index_cast %add3A_1490 : i32 to index
        %get3A_1574 = arith.constant 80 : index
        %get3A_1575 = tpu.vector_load %arg14[%get3A_1573, %get3A_1574] {strides = array<i32>} : memref<80x128xf32, #tpu.memory_space<vmem>>, vector<16xf32>,
        %get3A_1576 = arith.index_cast %add3A_1490 : i32 to index
        %get3A_1577 = arith.constant 80 : index
        %get3A_1578 = tpu.vector_load %arg17[%get3A_1576, %get3A_1577] {strides = array<i32>} : memref<80x128xf32, #tpu.memory_space<vmem>>, vector<16xf32>,
        %mul3A_1579 = arith.mulf %get3A_1575, %get3A_1578 : vector<16xf32>
        %add3A_1580 = arith.addf %add3A_1563, %mul3A_1579 : vector<16xf32>
        %get3A_1581 = arith.index_cast %add3A_1490 : i32 to index
        %get3A_1582 = arith.constant 80 : index
        %get3A_1583 = tpu.vector_load %arg16[%get3A_1581, %get3A_1582] {strides = array<i32>} : memref<80x128xf32, #tpu.memory_space<vmem>>, vector<16xf32>,
        %get3A_1584 = arith.index_cast %add3A_1490 : i32 to index
        %get3A_1585 = arith.constant 80 : index
        %get3A_1586 = tpu.vector_load %arg15[%get3A_1584, %get3A_1585] {strides = array<i32>} : memref<80x128xf32, #tpu.memory_space<vmem>>, vector<16xf32>,
        %mul3A_1587 = arith.mulf %get3A_1586, %get3A_1583 : vector<16xf32>
        %add3A_1588 = arith.addf %add3A_1571, %mul3A_1587 : vector<16xf32>
        %add3A_1589 = arith.addf %add3A_1572, %get3A_1583 : vector<16xf32>
        %get3A_1590 = arith.index_cast %add3A_1490 : i32 to index
        %get3A_1591 = arith.constant 96 : index
        %get3A_1592 = tpu.vector_load %arg14[%get3A_1590, %get3A_1591] {strides = array<i32>} : memref<80x128xf32, #tpu.memory_space<vmem>>, vector<16xf32>,
        %get3A_1593 = arith.index_cast %add3A_1490 : i32 to index
        %get3A_1594 = arith.constant 96 : index
        %get3A_1595 = tpu.vector_load %arg17[%get3A_1593, %get3A_1594] {strides = array<i32>} : memref<80x128xf32, #tpu.memory_space<vmem>>, vector<16xf32>,
        %mul3A_1596 = arith.mulf %get3A_1592, %get3A_1595 : vector<16xf32>
        %add3A_1597 = arith.addf %add3A_1580, %mul3A_1596 : vector<16xf32>
        %get3A_1598 = arith.index_cast %add3A_1490 : i32 to index
        %get3A_1599 = arith.constant 96 : index
        %get3A_1600 = tpu.vector_load %arg16[%get3A_1598, %get3A_1599] {strides = array<i32>} : memref<80x128xf32, #tpu.memory_space<vmem>>, vector<16xf32>,
        %get3A_1601 = arith.index_cast %add3A_1490 : i32 to index
        %get3A_1602 = arith.constant 96 : index
        %get3A_1603 = tpu.vector_load %arg15[%get3A_1601, %get3A_1602] {strides = array<i32>} : memref<80x128xf32, #tpu.memory_space<vmem>>, vector<16xf32>,
        %mul3A_1604 = arith.mulf %get3A_1603, %get3A_1600 : vector<16xf32>
        %add3A_1605 = arith.addf %add3A_1588, %mul3A_1604 : vector<16xf32>
        %add3A_1606 = arith.addf %add3A_1589, %get3A_1600 : vector<16xf32>
        %get3A_1607 = arith.index_cast %add3A_1490 : i32 to index
        %get3A_1608 = arith.constant 112 : index
        %get3A_1609 = tpu.vector_load %arg14[%get3A_1607, %get3A_1608] {strides = array<i32>} : memref<80x128xf32, #tpu.memory_space<vmem>>, vector<16xf32>,
        %get3A_1610 = arith.index_cast %add3A_1490 : i32 to index
        %get3A_1611 = arith.constant 112 : index
        %get3A_1612 = tpu.vector_load %arg17[%get3A_1610, %get3A_1611] {strides = array<i32>} : memref<80x128xf32, #tpu.memory_space<vmem>>, vector<16xf32>,
        %mul3A_1613 = arith.mulf %get3A_1609, %get3A_1612 : vector<16xf32>
        %add3A_1614 = arith.addf %add3A_1597, %mul3A_1613 : vector<16xf32>
        %get3A_1615 = arith.index_cast %add3A_1490 : i32 to index
        %get3A_1616 = arith.constant 112 : index
        %get3A_1617 = tpu.vector_load %arg16[%get3A_1615, %get3A_1616] {strides = array<i32>} : memref<80x128xf32, #tpu.memory_space<vmem>>, vector<16xf32>,
        %get3A_1618 = arith.index_cast %add3A_1490 : i32 to index
        %get3A_1619 = arith.constant 112 : index
        %get3A_1620 = tpu.vector_load %arg15[%get3A_1618, %get3A_1619] {strides = array<i32>} : memref<80x128xf32, #tpu.memory_space<vmem>>, vector<16xf32>,
        %mul3A_1621 = arith.mulf %get3A_1620, %get3A_1617 : vector<16xf32>
        %add3A_1622 = arith.addf %add3A_1605, %mul3A_1621 : vector<16xf32>
        %add3A_1623 = arith.addf %add3A_1606, %get3A_1617 : vector<16xf32>
        %swap3A_1624 = arith.constant 170 : index
        %swap3A_1625 = tpu.vector_load %arg19[%swap3A_1624] {strides = array<i32>} : memref<272xf32, #tpu.memory_space<vmem>>, vector<16xf32>,
        tpu.vector_store %arg19[%swap3A_1624], %add3A_1614 {strides = array<i32>} : memref<272xf32, #tpu.memory_space<vmem>>, vector<16xf32>,
        %swap3A_1626 = arith.constant 170 : index
        %swap3A_1627 = tpu.vector_load %arg20[%swap3A_1626] {strides = array<i32>} : memref<272xf32, #tpu.memory_space<vmem>>, vector<16xf32>,
        tpu.vector_store %arg20[%swap3A_1626], %add3A_1622 {strides = array<i32>} : memref<272xf32, #tpu.memory_space<vmem>>, vector<16xf32>,
        %swap3A_1628 = arith.constant 170 : index
        %swap3A_1629 = tpu.vector_load %arg21[%swap3A_1628] {strides = array<i32>} : memref<272xf32, #tpu.memory_space<vmem>>, vector<16xf32>,
        tpu.vector_store %arg21[%swap3A_1628], %add3A_1623 {strides = array<i32>} : memref<272xf32, #tpu.memory_space<vmem>>, vector<16xf32>,
        %add3A_1630 = arith.constant 11 : i32
        %add3A_1631 = arith.addi %mul3A_80, %add3A_1630 : i32
        %get3A_1632 = arith.index_cast %add3A_1631 : i32 to index
        %get3A_1633 = arith.constant 0 : index
        %get3A_1634 = tpu.vector_load %arg14[%get3A_1632, %get3A_1633] {strides = array<i32>} : memref<80x128xf32, #tpu.memory_space<vmem>>, vector<16xf32>,
        %get3A_1635 = arith.index_cast %add3A_1631 : i32 to index
        %get3A_1636 = arith.constant 0 : index
        %get3A_1637 = tpu.vector_load %arg17[%get3A_1635, %get3A_1636] {strides = array<i32>} : memref<80x128xf32, #tpu.memory_space<vmem>>, vector<16xf32>,
        %mul3A_1638 = arith.mulf %get3A_1634, %get3A_1637 : vector<16xf32>
        %get3A_1639 = arith.index_cast %add3A_1631 : i32 to index
        %get3A_1640 = arith.constant 0 : index
        %get3A_1641 = tpu.vector_load %arg16[%get3A_1639, %get3A_1640] {strides = array<i32>} : memref<80x128xf32, #tpu.memory_space<vmem>>, vector<16xf32>,
        %get3A_1642 = arith.index_cast %add3A_1631 : i32 to index
        %get3A_1643 = arith.constant 0 : index
        %get3A_1644 = tpu.vector_load %arg15[%get3A_1642, %get3A_1643] {strides = array<i32>} : memref<80x128xf32, #tpu.memory_space<vmem>>, vector<16xf32>,
        %mul3A_1645 = arith.mulf %get3A_1644, %get3A_1641 : vector<16xf32>
        %get3A_1646 = arith.index_cast %add3A_1631 : i32 to index
        %get3A_1647 = arith.constant 16 : index
        %get3A_1648 = tpu.vector_load %arg14[%get3A_1646, %get3A_1647] {strides = array<i32>} : memref<80x128xf32, #tpu.memory_space<vmem>>, vector<16xf32>,
        %get3A_1649 = arith.index_cast %add3A_1631 : i32 to index
        %get3A_1650 = arith.constant 16 : index
        %get3A_1651 = tpu.vector_load %arg17[%get3A_1649, %get3A_1650] {strides = array<i32>} : memref<80x128xf32, #tpu.memory_space<vmem>>, vector<16xf32>,
        %mul3A_1652 = arith.mulf %get3A_1648, %get3A_1651 : vector<16xf32>
        %add3A_1653 = arith.addf %mul3A_1638, %mul3A_1652 : vector<16xf32>
        %get3A_1654 = arith.index_cast %add3A_1631 : i32 to index
        %get3A_1655 = arith.constant 16 : index
        %get3A_1656 = tpu.vector_load %arg16[%get3A_1654, %get3A_1655] {strides = array<i32>} : memref<80x128xf32, #tpu.memory_space<vmem>>, vector<16xf32>,
        %get3A_1657 = arith.index_cast %add3A_1631 : i32 to index
        %get3A_1658 = arith.constant 16 : index
        %get3A_1659 = tpu.vector_load %arg15[%get3A_1657, %get3A_1658] {strides = array<i32>} : memref<80x128xf32, #tpu.memory_space<vmem>>, vector<16xf32>,
        %mul3A_1660 = arith.mulf %get3A_1659, %get3A_1656 : vector<16xf32>
        %add3A_1661 = arith.addf %mul3A_1645, %mul3A_1660 : vector<16xf32>
        %add3A_1662 = arith.addf %get3A_1641, %get3A_1656 : vector<16xf32>
        %get3A_1663 = arith.index_cast %add3A_1631 : i32 to index
        %get3A_1664 = arith.constant 32 : index
        %get3A_1665 = tpu.vector_load %arg14[%get3A_1663, %get3A_1664] {strides = array<i32>} : memref<80x128xf32, #tpu.memory_space<vmem>>, vector<16xf32>,
        %get3A_1666 = arith.index_cast %add3A_1631 : i32 to index
        %get3A_1667 = arith.constant 32 : index
        %get3A_1668 = tpu.vector_load %arg17[%get3A_1666, %get3A_1667] {strides = array<i32>} : memref<80x128xf32, #tpu.memory_space<vmem>>, vector<16xf32>,
        %mul3A_1669 = arith.mulf %get3A_1665, %get3A_1668 : vector<16xf32>
        %add3A_1670 = arith.addf %add3A_1653, %mul3A_1669 : vector<16xf32>
        %get3A_1671 = arith.index_cast %add3A_1631 : i32 to index
        %get3A_1672 = arith.constant 32 : index
        %get3A_1673 = tpu.vector_load %arg16[%get3A_1671, %get3A_1672] {strides = array<i32>} : memref<80x128xf32, #tpu.memory_space<vmem>>, vector<16xf32>,
        %get3A_1674 = arith.index_cast %add3A_1631 : i32 to index
        %get3A_1675 = arith.constant 32 : index
        %get3A_1676 = tpu.vector_load %arg15[%get3A_1674, %get3A_1675] {strides = array<i32>} : memref<80x128xf32, #tpu.memory_space<vmem>>, vector<16xf32>,
        %mul3A_1677 = arith.mulf %get3A_1676, %get3A_1673 : vector<16xf32>
        %add3A_1678 = arith.addf %add3A_1661, %mul3A_1677 : vector<16xf32>
        %add3A_1679 = arith.addf %add3A_1662, %get3A_1673 : vector<16xf32>
        %get3A_1680 = arith.index_cast %add3A_1631 : i32 to index
        %get3A_1681 = arith.constant 48 : index
        %get3A_1682 = tpu.vector_load %arg14[%get3A_1680, %get3A_1681] {strides = array<i32>} : memref<80x128xf32, #tpu.memory_space<vmem>>, vector<16xf32>,
        %get3A_1683 = arith.index_cast %add3A_1631 : i32 to index
        %get3A_1684 = arith.constant 48 : index
        %get3A_1685 = tpu.vector_load %arg17[%get3A_1683, %get3A_1684] {strides = array<i32>} : memref<80x128xf32, #tpu.memory_space<vmem>>, vector<16xf32>,
        %mul3A_1686 = arith.mulf %get3A_1682, %get3A_1685 : vector<16xf32>
        %add3A_1687 = arith.addf %add3A_1670, %mul3A_1686 : vector<16xf32>
        %get3A_1688 = arith.index_cast %add3A_1631 : i32 to index
        %get3A_1689 = arith.constant 48 : index
        %get3A_1690 = tpu.vector_load %arg16[%get3A_1688, %get3A_1689] {strides = array<i32>} : memref<80x128xf32, #tpu.memory_space<vmem>>, vector<16xf32>,
        %get3A_1691 = arith.index_cast %add3A_1631 : i32 to index
        %get3A_1692 = arith.constant 48 : index
        %get3A_1693 = tpu.vector_load %arg15[%get3A_1691, %get3A_1692] {strides = array<i32>} : memref<80x128xf32, #tpu.memory_space<vmem>>, vector<16xf32>,
        %mul3A_1694 = arith.mulf %get3A_1693, %get3A_1690 : vector<16xf32>
        %add3A_1695 = arith.addf %add3A_1678, %mul3A_1694 : vector<16xf32>
        %add3A_1696 = arith.addf %add3A_1679, %get3A_1690 : vector<16xf32>
        %get3A_1697 = arith.index_cast %add3A_1631 : i32 to index
        %get3A_1698 = arith.constant 64 : index
        %get3A_1699 = tpu.vector_load %arg14[%get3A_1697, %get3A_1698] {strides = array<i32>} : memref<80x128xf32, #tpu.memory_space<vmem>>, vector<16xf32>,
        %get3A_1700 = arith.index_cast %add3A_1631 : i32 to index
        %get3A_1701 = arith.constant 64 : index
        %get3A_1702 = tpu.vector_load %arg17[%get3A_1700, %get3A_1701] {strides = array<i32>} : memref<80x128xf32, #tpu.memory_space<vmem>>, vector<16xf32>,
        %mul3A_1703 = arith.mulf %get3A_1699, %get3A_1702 : vector<16xf32>
        %add3A_1704 = arith.addf %add3A_1687, %mul3A_1703 : vector<16xf32>
        %get3A_1705 = arith.index_cast %add3A_1631 : i32 to index
        %get3A_1706 = arith.constant 64 : index
        %get3A_1707 = tpu.vector_load %arg16[%get3A_1705, %get3A_1706] {strides = array<i32>} : memref<80x128xf32, #tpu.memory_space<vmem>>, vector<16xf32>,
        %get3A_1708 = arith.index_cast %add3A_1631 : i32 to index
        %get3A_1709 = arith.constant 64 : index
        %get3A_1710 = tpu.vector_load %arg15[%get3A_1708, %get3A_1709] {strides = array<i32>} : memref<80x128xf32, #tpu.memory_space<vmem>>, vector<16xf32>,
        %mul3A_1711 = arith.mulf %get3A_1710, %get3A_1707 : vector<16xf32>
        %add3A_1712 = arith.addf %add3A_1695, %mul3A_1711 : vector<16xf32>
        %add3A_1713 = arith.addf %add3A_1696, %get3A_1707 : vector<16xf32>
        %get3A_1714 = arith.index_cast %add3A_1631 : i32 to index
        %get3A_1715 = arith.constant 80 : index
        %get3A_1716 = tpu.vector_load %arg14[%get3A_1714, %get3A_1715] {strides = array<i32>} : memref<80x128xf32, #tpu.memory_space<vmem>>, vector<16xf32>,
        %get3A_1717 = arith.index_cast %add3A_1631 : i32 to index
        %get3A_1718 = arith.constant 80 : index
        %get3A_1719 = tpu.vector_load %arg17[%get3A_1717, %get3A_1718] {strides = array<i32>} : memref<80x128xf32, #tpu.memory_space<vmem>>, vector<16xf32>,
        %mul3A_1720 = arith.mulf %get3A_1716, %get3A_1719 : vector<16xf32>
        %add3A_1721 = arith.addf %add3A_1704, %mul3A_1720 : vector<16xf32>
        %get3A_1722 = arith.index_cast %add3A_1631 : i32 to index
        %get3A_1723 = arith.constant 80 : index
        %get3A_1724 = tpu.vector_load %arg16[%get3A_1722, %get3A_1723] {strides = array<i32>} : memref<80x128xf32, #tpu.memory_space<vmem>>, vector<16xf32>,
        %get3A_1725 = arith.index_cast %add3A_1631 : i32 to index
        %get3A_1726 = arith.constant 80 : index
        %get3A_1727 = tpu.vector_load %arg15[%get3A_1725, %get3A_1726] {strides = array<i32>} : memref<80x128xf32, #tpu.memory_space<vmem>>, vector<16xf32>,
        %mul3A_1728 = arith.mulf %get3A_1727, %get3A_1724 : vector<16xf32>
        %add3A_1729 = arith.addf %add3A_1712, %mul3A_1728 : vector<16xf32>
        %add3A_1730 = arith.addf %add3A_1713, %get3A_1724 : vector<16xf32>
        %get3A_1731 = arith.index_cast %add3A_1631 : i32 to index
        %get3A_1732 = arith.constant 96 : index
        %get3A_1733 = tpu.vector_load %arg14[%get3A_1731, %get3A_1732] {strides = array<i32>} : memref<80x128xf32, #tpu.memory_space<vmem>>, vector<16xf32>,
        %get3A_1734 = arith.index_cast %add3A_1631 : i32 to index
        %get3A_1735 = arith.constant 96 : index
        %get3A_1736 = tpu.vector_load %arg17[%get3A_1734, %get3A_1735] {strides = array<i32>} : memref<80x128xf32, #tpu.memory_space<vmem>>, vector<16xf32>,
        %mul3A_1737 = arith.mulf %get3A_1733, %get3A_1736 : vector<16xf32>
        %add3A_1738 = arith.addf %add3A_1721, %mul3A_1737 : vector<16xf32>
        %get3A_1739 = arith.index_cast %add3A_1631 : i32 to index
        %get3A_1740 = arith.constant 96 : index
        %get3A_1741 = tpu.vector_load %arg16[%get3A_1739, %get3A_1740] {strides = array<i32>} : memref<80x128xf32, #tpu.memory_space<vmem>>, vector<16xf32>,
        %get3A_1742 = arith.index_cast %add3A_1631 : i32 to index
        %get3A_1743 = arith.constant 96 : index
        %get3A_1744 = tpu.vector_load %arg15[%get3A_1742, %get3A_1743] {strides = array<i32>} : memref<80x128xf32, #tpu.memory_space<vmem>>, vector<16xf32>,
        %mul3A_1745 = arith.mulf %get3A_1744, %get3A_1741 : vector<16xf32>
        %add3A_1746 = arith.addf %add3A_1729, %mul3A_1745 : vector<16xf32>
        %add3A_1747 = arith.addf %add3A_1730, %get3A_1741 : vector<16xf32>
        %get3A_1748 = arith.index_cast %add3A_1631 : i32 to index
        %get3A_1749 = arith.constant 112 : index
        %get3A_1750 = tpu.vector_load %arg14[%get3A_1748, %get3A_1749] {strides = array<i32>} : memref<80x128xf32, #tpu.memory_space<vmem>>, vector<16xf32>,
        %get3A_1751 = arith.index_cast %add3A_1631 : i32 to index
        %get3A_1752 = arith.constant 112 : index
        %get3A_1753 = tpu.vector_load %arg17[%get3A_1751, %get3A_1752] {strides = array<i32>} : memref<80x128xf32, #tpu.memory_space<vmem>>, vector<16xf32>,
        %mul3A_1754 = arith.mulf %get3A_1750, %get3A_1753 : vector<16xf32>
        %add3A_1755 = arith.addf %add3A_1738, %mul3A_1754 : vector<16xf32>
        %get3A_1756 = arith.index_cast %add3A_1631 : i32 to index
        %get3A_1757 = arith.constant 112 : index
        %get3A_1758 = tpu.vector_load %arg16[%get3A_1756, %get3A_1757] {strides = array<i32>} : memref<80x128xf32, #tpu.memory_space<vmem>>, vector<16xf32>,
        %get3A_1759 = arith.index_cast %add3A_1631 : i32 to index
        %get3A_1760 = arith.constant 112 : index
        %get3A_1761 = tpu.vector_load %arg15[%get3A_1759, %get3A_1760] {strides = array<i32>} : memref<80x128xf32, #tpu.memory_space<vmem>>, vector<16xf32>,
        %mul3A_1762 = arith.mulf %get3A_1761, %get3A_1758 : vector<16xf32>
        %add3A_1763 = arith.addf %add3A_1746, %mul3A_1762 : vector<16xf32>
        %add3A_1764 = arith.addf %add3A_1747, %get3A_1758 : vector<16xf32>
        %swap3A_1765 = arith.constant 187 : index
        %swap3A_1766 = tpu.vector_load %arg19[%swap3A_1765] {strides = array<i32>} : memref<272xf32, #tpu.memory_space<vmem>>, vector<16xf32>,
        tpu.vector_store %arg19[%swap3A_1765], %add3A_1755 {strides = array<i32>} : memref<272xf32, #tpu.memory_space<vmem>>, vector<16xf32>,
        %swap3A_1767 = arith.constant 187 : index
        %swap3A_1768 = tpu.vector_load %arg20[%swap3A_1767] {strides = array<i32>} : memref<272xf32, #tpu.memory_space<vmem>>, vector<16xf32>,
        tpu.vector_store %arg20[%swap3A_1767], %add3A_1763 {strides = array<i32>} : memref<272xf32, #tpu.memory_space<vmem>>, vector<16xf32>,
        %swap3A_1769 = arith.constant 187 : index
        %swap3A_1770 = tpu.vector_load %arg21[%swap3A_1769] {strides = array<i32>} : memref<272xf32, #tpu.memory_space<vmem>>, vector<16xf32>,
        tpu.vector_store %arg21[%swap3A_1769], %add3A_1764 {strides = array<i32>} : memref<272xf32, #tpu.memory_space<vmem>>, vector<16xf32>,
        %add3A_1771 = arith.constant 12 : i32
        %add3A_1772 = arith.addi %mul3A_80, %add3A_1771 : i32
        %get3A_1773 = arith.index_cast %add3A_1772 : i32 to index
        %get3A_1774 = arith.constant 0 : index
        %get3A_1775 = tpu.vector_load %arg14[%get3A_1773, %get3A_1774] {strides = array<i32>} : memref<80x128xf32, #tpu.memory_space<vmem>>, vector<16xf32>,
        %get3A_1776 = arith.index_cast %add3A_1772 : i32 to index
        %get3A_1777 = arith.constant 0 : index
        %get3A_1778 = tpu.vector_load %arg17[%get3A_1776, %get3A_1777] {strides = array<i32>} : memref<80x128xf32, #tpu.memory_space<vmem>>, vector<16xf32>,
        %mul3A_1779 = arith.mulf %get3A_1775, %get3A_1778 : vector<16xf32>
        %get3A_1780 = arith.index_cast %add3A_1772 : i32 to index
        %get3A_1781 = arith.constant 0 : index
        %get3A_1782 = tpu.vector_load %arg16[%get3A_1780, %get3A_1781] {strides = array<i32>} : memref<80x128xf32, #tpu.memory_space<vmem>>, vector<16xf32>,
        %get3A_1783 = arith.index_cast %add3A_1772 : i32 to index
        %get3A_1784 = arith.constant 0 : index
        %get3A_1785 = tpu.vector_load %arg15[%get3A_1783, %get3A_1784] {strides = array<i32>} : memref<80x128xf32, #tpu.memory_space<vmem>>, vector<16xf32>,
        %mul3A_1786 = arith.mulf %get3A_1785, %get3A_1782 : vector<16xf32>
        %get3A_1787 = arith.index_cast %add3A_1772 : i32 to index
        %get3A_1788 = arith.constant 16 : index
        %get3A_1789 = tpu.vector_load %arg14[%get3A_1787, %get3A_1788] {strides = array<i32>} : memref<80x128xf32, #tpu.memory_space<vmem>>, vector<16xf32>,
        %get3A_1790 = arith.index_cast %add3A_1772 : i32 to index
        %get3A_1791 = arith.constant 16 : index
        %get3A_1792 = tpu.vector_load %arg17[%get3A_1790, %get3A_1791] {strides = array<i32>} : memref<80x128xf32, #tpu.memory_space<vmem>>, vector<16xf32>,
        %mul3A_1793 = arith.mulf %get3A_1789, %get3A_1792 : vector<16xf32>
        %add3A_1794 = arith.addf %mul3A_1779, %mul3A_1793 : vector<16xf32>
        %get3A_1795 = arith.index_cast %add3A_1772 : i32 to index
        %get3A_1796 = arith.constant 16 : index
        %get3A_1797 = tpu.vector_load %arg16[%get3A_1795, %get3A_1796] {strides = array<i32>} : memref<80x128xf32, #tpu.memory_space<vmem>>, vector<16xf32>,
        %get3A_1798 = arith.index_cast %add3A_1772 : i32 to index
        %get3A_1799 = arith.constant 16 : index
        %get3A_1800 = tpu.vector_load %arg15[%get3A_1798, %get3A_1799] {strides = array<i32>} : memref<80x128xf32, #tpu.memory_space<vmem>>, vector<16xf32>,
        %mul3A_1801 = arith.mulf %get3A_1800, %get3A_1797 : vector<16xf32>
        %add3A_1802 = arith.addf %mul3A_1786, %mul3A_1801 : vector<16xf32>
        %add3A_1803 = arith.addf %get3A_1782, %get3A_1797 : vector<16xf32>
        %get3A_1804 = arith.index_cast %add3A_1772 : i32 to index
        %get3A_1805 = arith.constant 32 : index
        %get3A_1806 = tpu.vector_load %arg14[%get3A_1804, %get3A_1805] {strides = array<i32>} : memref<80x128xf32, #tpu.memory_space<vmem>>, vector<16xf32>,
        %get3A_1807 = arith.index_cast %add3A_1772 : i32 to index
        %get3A_1808 = arith.constant 32 : index
        %get3A_1809 = tpu.vector_load %arg17[%get3A_1807, %get3A_1808] {strides = array<i32>} : memref<80x128xf32, #tpu.memory_space<vmem>>, vector<16xf32>,
        %mul3A_1810 = arith.mulf %get3A_1806, %get3A_1809 : vector<16xf32>
        %add3A_1811 = arith.addf %add3A_1794, %mul3A_1810 : vector<16xf32>
        %get3A_1812 = arith.index_cast %add3A_1772 : i32 to index
        %get3A_1813 = arith.constant 32 : index
        %get3A_1814 = tpu.vector_load %arg16[%get3A_1812, %get3A_1813] {strides = array<i32>} : memref<80x128xf32, #tpu.memory_space<vmem>>, vector<16xf32>,
        %get3A_1815 = arith.index_cast %add3A_1772 : i32 to index
        %get3A_1816 = arith.constant 32 : index
        %get3A_1817 = tpu.vector_load %arg15[%get3A_1815, %get3A_1816] {strides = array<i32>} : memref<80x128xf32, #tpu.memory_space<vmem>>, vector<16xf32>,
        %mul3A_1818 = arith.mulf %get3A_1817, %get3A_1814 : vector<16xf32>
        %add3A_1819 = arith.addf %add3A_1802, %mul3A_1818 : vector<16xf32>
        %add3A_1820 = arith.addf %add3A_1803, %get3A_1814 : vector<16xf32>
        %get3A_1821 = arith.index_cast %add3A_1772 : i32 to index
        %get3A_1822 = arith.constant 48 : index
        %get3A_1823 = tpu.vector_load %arg14[%get3A_1821, %get3A_1822] {strides = array<i32>} : memref<80x128xf32, #tpu.memory_space<vmem>>, vector<16xf32>,
        %get3A_1824 = arith.index_cast %add3A_1772 : i32 to index
        %get3A_1825 = arith.constant 48 : index
        %get3A_1826 = tpu.vector_load %arg17[%get3A_1824, %get3A_1825] {strides = array<i32>} : memref<80x128xf32, #tpu.memory_space<vmem>>, vector<16xf32>,
        %mul3A_1827 = arith.mulf %get3A_1823, %get3A_1826 : vector<16xf32>
        %add3A_1828 = arith.addf %add3A_1811, %mul3A_1827 : vector<16xf32>
        %get3A_1829 = arith.index_cast %add3A_1772 : i32 to index
        %get3A_1830 = arith.constant 48 : index
        %get3A_1831 = tpu.vector_load %arg16[%get3A_1829, %get3A_1830] {strides = array<i32>} : memref<80x128xf32, #tpu.memory_space<vmem>>, vector<16xf32>,
        %get3A_1832 = arith.index_cast %add3A_1772 : i32 to index
        %get3A_1833 = arith.constant 48 : index
        %get3A_1834 = tpu.vector_load %arg15[%get3A_1832, %get3A_1833] {strides = array<i32>} : memref<80x128xf32, #tpu.memory_space<vmem>>, vector<16xf32>,
        %mul3A_1835 = arith.mulf %get3A_1834, %get3A_1831 : vector<16xf32>
        %add3A_1836 = arith.addf %add3A_1819, %mul3A_1835 : vector<16xf32>
        %add3A_1837 = arith.addf %add3A_1820, %get3A_1831 : vector<16xf32>
        %get3A_1838 = arith.index_cast %add3A_1772 : i32 to index
        %get3A_1839 = arith.constant 64 : index
        %get3A_1840 = tpu.vector_load %arg14[%get3A_1838, %get3A_1839] {strides = array<i32>} : memref<80x128xf32, #tpu.memory_space<vmem>>, vector<16xf32>,
        %get3A_1841 = arith.index_cast %add3A_1772 : i32 to index
        %get3A_1842 = arith.constant 64 : index
        %get3A_1843 = tpu.vector_load %arg17[%get3A_1841, %get3A_1842] {strides = array<i32>} : memref<80x128xf32, #tpu.memory_space<vmem>>, vector<16xf32>,
        %mul3A_1844 = arith.mulf %get3A_1840, %get3A_1843 : vector<16xf32>
        %add3A_1845 = arith.addf %add3A_1828, %mul3A_1844 : vector<16xf32>
        %get3A_1846 = arith.index_cast %add3A_1772 : i32 to index
        %get3A_1847 = arith.constant 64 : index
        %get3A_1848 = tpu.vector_load %arg16[%get3A_1846, %get3A_1847] {strides = array<i32>} : memref<80x128xf32, #tpu.memory_space<vmem>>, vector<16xf32>,
        %get3A_1849 = arith.index_cast %add3A_1772 : i32 to index
        %get3A_1850 = arith.constant 64 : index
        %get3A_1851 = tpu.vector_load %arg15[%get3A_1849, %get3A_1850] {strides = array<i32>} : memref<80x128xf32, #tpu.memory_space<vmem>>, vector<16xf32>,
        %mul3A_1852 = arith.mulf %get3A_1851, %get3A_1848 : vector<16xf32>
        %add3A_1853 = arith.addf %add3A_1836, %mul3A_1852 : vector<16xf32>
        %add3A_1854 = arith.addf %add3A_1837, %get3A_1848 : vector<16xf32>
        %get3A_1855 = arith.index_cast %add3A_1772 : i32 to index
        %get3A_1856 = arith.constant 80 : index
        %get3A_1857 = tpu.vector_load %arg14[%get3A_1855, %get3A_1856] {strides = array<i32>} : memref<80x128xf32, #tpu.memory_space<vmem>>, vector<16xf32>,
        %get3A_1858 = arith.index_cast %add3A_1772 : i32 to index
        %get3A_1859 = arith.constant 80 : index
        %get3A_1860 = tpu.vector_load %arg17[%get3A_1858, %get3A_1859] {strides = array<i32>} : memref<80x128xf32, #tpu.memory_space<vmem>>, vector<16xf32>,
        %mul3A_1861 = arith.mulf %get3A_1857, %get3A_1860 : vector<16xf32>
        %add3A_1862 = arith.addf %add3A_1845, %mul3A_1861 : vector<16xf32>
        %get3A_1863 = arith.index_cast %add3A_1772 : i32 to index
        %get3A_1864 = arith.constant 80 : index
        %get3A_1865 = tpu.vector_load %arg16[%get3A_1863, %get3A_1864] {strides = array<i32>} : memref<80x128xf32, #tpu.memory_space<vmem>>, vector<16xf32>,
        %get3A_1866 = arith.index_cast %add3A_1772 : i32 to index
        %get3A_1867 = arith.constant 80 : index
        %get3A_1868 = tpu.vector_load %arg15[%get3A_1866, %get3A_1867] {strides = array<i32>} : memref<80x128xf32, #tpu.memory_space<vmem>>, vector<16xf32>,
        %mul3A_1869 = arith.mulf %get3A_1868, %get3A_1865 : vector<16xf32>
        %add3A_1870 = arith.addf %add3A_1853, %mul3A_1869 : vector<16xf32>
        %add3A_1871 = arith.addf %add3A_1854, %get3A_1865 : vector<16xf32>
        %get3A_1872 = arith.index_cast %add3A_1772 : i32 to index
        %get3A_1873 = arith.constant 96 : index
        %get3A_1874 = tpu.vector_load %arg14[%get3A_1872, %get3A_1873] {strides = array<i32>} : memref<80x128xf32, #tpu.memory_space<vmem>>, vector<16xf32>,
        %get3A_1875 = arith.index_cast %add3A_1772 : i32 to index
        %get3A_1876 = arith.constant 96 : index
        %get3A_1877 = tpu.vector_load %arg17[%get3A_1875, %get3A_1876] {strides = array<i32>} : memref<80x128xf32, #tpu.memory_space<vmem>>, vector<16xf32>,
        %mul3A_1878 = arith.mulf %get3A_1874, %get3A_1877 : vector<16xf32>
        %add3A_1879 = arith.addf %add3A_1862, %mul3A_1878 : vector<16xf32>
        %get3A_1880 = arith.index_cast %add3A_1772 : i32 to index
        %get3A_1881 = arith.constant 96 : index
        %get3A_1882 = tpu.vector_load %arg16[%get3A_1880, %get3A_1881] {strides = array<i32>} : memref<80x128xf32, #tpu.memory_space<vmem>>, vector<16xf32>,
        %get3A_1883 = arith.index_cast %add3A_1772 : i32 to index
        %get3A_1884 = arith.constant 96 : index
        %get3A_1885 = tpu.vector_load %arg15[%get3A_1883, %get3A_1884] {strides = array<i32>} : memref<80x128xf32, #tpu.memory_space<vmem>>, vector<16xf32>,
        %mul3A_1886 = arith.mulf %get3A_1885, %get3A_1882 : vector<16xf32>
        %add3A_1887 = arith.addf %add3A_1870, %mul3A_1886 : vector<16xf32>
        %add3A_1888 = arith.addf %add3A_1871, %get3A_1882 : vector<16xf32>
        %get3A_1889 = arith.index_cast %add3A_1772 : i32 to index
        %get3A_1890 = arith.constant 112 : index
        %get3A_1891 = tpu.vector_load %arg14[%get3A_1889, %get3A_1890] {strides = array<i32>} : memref<80x128xf32, #tpu.memory_space<vmem>>, vector<16xf32>,
        %get3A_1892 = arith.index_cast %add3A_1772 : i32 to index
        %get3A_1893 = arith.constant 112 : index
        %get3A_1894 = tpu.vector_load %arg17[%get3A_1892, %get3A_1893] {strides = array<i32>} : memref<80x128xf32, #tpu.memory_space<vmem>>, vector<16xf32>,
        %mul3A_1895 = arith.mulf %get3A_1891, %get3A_1894 : vector<16xf32>
        %add3A_1896 = arith.addf %add3A_1879, %mul3A_1895 : vector<16xf32>
        %get3A_1897 = arith.index_cast %add3A_1772 : i32 to index
        %get3A_1898 = arith.constant 112 : index
        %get3A_1899 = tpu.vector_load %arg16[%get3A_1897, %get3A_1898] {strides = array<i32>} : memref<80x128xf32, #tpu.memory_space<vmem>>, vector<16xf32>,
        %get3A_1900 = arith.index_cast %add3A_1772 : i32 to index
        %get3A_1901 = arith.constant 112 : index
        %get3A_1902 = tpu.vector_load %arg15[%get3A_1900, %get3A_1901] {strides = array<i32>} : memref<80x128xf32, #tpu.memory_space<vmem>>, vector<16xf32>,
        %mul3A_1903 = arith.mulf %get3A_1902, %get3A_1899 : vector<16xf32>
        %add3A_1904 = arith.addf %add3A_1887, %mul3A_1903 : vector<16xf32>
        %add3A_1905 = arith.addf %add3A_1888, %get3A_1899 : vector<16xf32>
        %swap3A_1906 = arith.constant 204 : index
        %swap3A_1907 = tpu.vector_load %arg19[%swap3A_1906] {strides = array<i32>} : memref<272xf32, #tpu.memory_space<vmem>>, vector<16xf32>,
        tpu.vector_store %arg19[%swap3A_1906], %add3A_1896 {strides = array<i32>} : memref<272xf32, #tpu.memory_space<vmem>>, vector<16xf32>,
        %swap3A_1908 = arith.constant 204 : index
        %swap3A_1909 = tpu.vector_load %arg20[%swap3A_1908] {strides = array<i32>} : memref<272xf32, #tpu.memory_space<vmem>>, vector<16xf32>,
        tpu.vector_store %arg20[%swap3A_1908], %add3A_1904 {strides = array<i32>} : memref<272xf32, #tpu.memory_space<vmem>>, vector<16xf32>,
        %swap3A_1910 = arith.constant 204 : index
        %swap3A_1911 = tpu.vector_load %arg21[%swap3A_1910] {strides = array<i32>} : memref<272xf32, #tpu.memory_space<vmem>>, vector<16xf32>,
        tpu.vector_store %arg21[%swap3A_1910], %add3A_1905 {strides = array<i32>} : memref<272xf32, #tpu.memory_space<vmem>>, vector<16xf32>,
        %add3A_1912 = arith.constant 13 : i32
        %add3A_1913 = arith.addi %mul3A_80, %add3A_1912 : i32
        %get3A_1914 = arith.index_cast %add3A_1913 : i32 to index
        %get3A_1915 = arith.constant 0 : index
        %get3A_1916 = tpu.vector_load %arg14[%get3A_1914, %get3A_1915] {strides = array<i32>} : memref<80x128xf32, #tpu.memory_space<vmem>>, vector<16xf32>,
        %get3A_1917 = arith.index_cast %add3A_1913 : i32 to index
        %get3A_1918 = arith.constant 0 : index
        %get3A_1919 = tpu.vector_load %arg17[%get3A_1917, %get3A_1918] {strides = array<i32>} : memref<80x128xf32, #tpu.memory_space<vmem>>, vector<16xf32>,
        %mul3A_1920 = arith.mulf %get3A_1916, %get3A_1919 : vector<16xf32>
        %get3A_1921 = arith.index_cast %add3A_1913 : i32 to index
        %get3A_1922 = arith.constant 0 : index
        %get3A_1923 = tpu.vector_load %arg16[%get3A_1921, %get3A_1922] {strides = array<i32>} : memref<80x128xf32, #tpu.memory_space<vmem>>, vector<16xf32>,
        %get3A_1924 = arith.index_cast %add3A_1913 : i32 to index
        %get3A_1925 = arith.constant 0 : index
        %get3A_1926 = tpu.vector_load %arg15[%get3A_1924, %get3A_1925] {strides = array<i32>} : memref<80x128xf32, #tpu.memory_space<vmem>>, vector<16xf32>,
        %mul3A_1927 = arith.mulf %get3A_1926, %get3A_1923 : vector<16xf32>
        %get3A_1928 = arith.index_cast %add3A_1913 : i32 to index
        %get3A_1929 = arith.constant 16 : index
        %get3A_1930 = tpu.vector_load %arg14[%get3A_1928, %get3A_1929] {strides = array<i32>} : memref<80x128xf32, #tpu.memory_space<vmem>>, vector<16xf32>,
        %get3A_1931 = arith.index_cast %add3A_1913 : i32 to index
        %get3A_1932 = arith.constant 16 : index
        %get3A_1933 = tpu.vector_load %arg17[%get3A_1931, %get3A_1932] {strides = array<i32>} : memref<80x128xf32, #tpu.memory_space<vmem>>, vector<16xf32>,
        %mul3A_1934 = arith.mulf %get3A_1930, %get3A_1933 : vector<16xf32>
        %add3A_1935 = arith.addf %mul3A_1920, %mul3A_1934 : vector<16xf32>
        %get3A_1936 = arith.index_cast %add3A_1913 : i32 to index
        %get3A_1937 = arith.constant 16 : index
        %get3A_1938 = tpu.vector_load %arg16[%get3A_1936, %get3A_1937] {strides = array<i32>} : memref<80x128xf32, #tpu.memory_space<vmem>>, vector<16xf32>,
        %get3A_1939 = arith.index_cast %add3A_1913 : i32 to index
        %get3A_1940 = arith.constant 16 : index
        %get3A_1941 = tpu.vector_load %arg15[%get3A_1939, %get3A_1940] {strides = array<i32>} : memref<80x128xf32, #tpu.memory_space<vmem>>, vector<16xf32>,
        %mul3A_1942 = arith.mulf %get3A_1941, %get3A_1938 : vector<16xf32>
        %add3A_1943 = arith.addf %mul3A_1927, %mul3A_1942 : vector<16xf32>
        %add3A_1944 = arith.addf %get3A_1923, %get3A_1938 : vector<16xf32>
        %get3A_1945 = arith.index_cast %add3A_1913 : i32 to index
        %get3A_1946 = arith.constant 32 : index
        %get3A_1947 = tpu.vector_load %arg14[%get3A_1945, %get3A_1946] {strides = array<i32>} : memref<80x128xf32, #tpu.memory_space<vmem>>, vector<16xf32>,
        %get3A_1948 = arith.index_cast %add3A_1913 : i32 to index
        %get3A_1949 = arith.constant 32 : index
        %get3A_1950 = tpu.vector_load %arg17[%get3A_1948, %get3A_1949] {strides = array<i32>} : memref<80x128xf32, #tpu.memory_space<vmem>>, vector<16xf32>,
        %mul3A_1951 = arith.mulf %get3A_1947, %get3A_1950 : vector<16xf32>
        %add3A_1952 = arith.addf %add3A_1935, %mul3A_1951 : vector<16xf32>
        %get3A_1953 = arith.index_cast %add3A_1913 : i32 to index
        %get3A_1954 = arith.constant 32 : index
        %get3A_1955 = tpu.vector_load %arg16[%get3A_1953, %get3A_1954] {strides = array<i32>} : memref<80x128xf32, #tpu.memory_space<vmem>>, vector<16xf32>,
        %get3A_1956 = arith.index_cast %add3A_1913 : i32 to index
        %get3A_1957 = arith.constant 32 : index
        %get3A_1958 = tpu.vector_load %arg15[%get3A_1956, %get3A_1957] {strides = array<i32>} : memref<80x128xf32, #tpu.memory_space<vmem>>, vector<16xf32>,
        %mul3A_1959 = arith.mulf %get3A_1958, %get3A_1955 : vector<16xf32>
        %add3A_1960 = arith.addf %add3A_1943, %mul3A_1959 : vector<16xf32>
        %add3A_1961 = arith.addf %add3A_1944, %get3A_1955 : vector<16xf32>
        %get3A_1962 = arith.index_cast %add3A_1913 : i32 to index
        %get3A_1963 = arith.constant 48 : index
        %get3A_1964 = tpu.vector_load %arg14[%get3A_1962, %get3A_1963] {strides = array<i32>} : memref<80x128xf32, #tpu.memory_space<vmem>>, vector<16xf32>,
        %get3A_1965 = arith.index_cast %add3A_1913 : i32 to index
        %get3A_1966 = arith.constant 48 : index
        %get3A_1967 = tpu.vector_load %arg17[%get3A_1965, %get3A_1966] {strides = array<i32>} : memref<80x128xf32, #tpu.memory_space<vmem>>, vector<16xf32>,
        %mul3A_1968 = arith.mulf %get3A_1964, %get3A_1967 : vector<16xf32>
        %add3A_1969 = arith.addf %add3A_1952, %mul3A_1968 : vector<16xf32>
        %get3A_1970 = arith.index_cast %add3A_1913 : i32 to index
        %get3A_1971 = arith.constant 48 : index
        %get3A_1972 = tpu.vector_load %arg16[%get3A_1970, %get3A_1971] {strides = array<i32>} : memref<80x128xf32, #tpu.memory_space<vmem>>, vector<16xf32>,
        %get3A_1973 = arith.index_cast %add3A_1913 : i32 to index
        %get3A_1974 = arith.constant 48 : index
        %get3A_1975 = tpu.vector_load %arg15[%get3A_1973, %get3A_1974] {strides = array<i32>} : memref<80x128xf32, #tpu.memory_space<vmem>>, vector<16xf32>,
        %mul3A_1976 = arith.mulf %get3A_1975, %get3A_1972 : vector<16xf32>
        %add3A_1977 = arith.addf %add3A_1960, %mul3A_1976 : vector<16xf32>
        %add3A_1978 = arith.addf %add3A_1961, %get3A_1972 : vector<16xf32>
        %get3A_1979 = arith.index_cast %add3A_1913 : i32 to index
        %get3A_1980 = arith.constant 64 : index
        %get3A_1981 = tpu.vector_load %arg14[%get3A_1979, %get3A_1980] {strides = array<i32>} : memref<80x128xf32, #tpu.memory_space<vmem>>, vector<16xf32>,
        %get3A_1982 = arith.index_cast %add3A_1913 : i32 to index
        %get3A_1983 = arith.constant 64 : index
        %get3A_1984 = tpu.vector_load %arg17[%get3A_1982, %get3A_1983] {strides = array<i32>} : memref<80x128xf32, #tpu.memory_space<vmem>>, vector<16xf32>,
        %mul3A_1985 = arith.mulf %get3A_1981, %get3A_1984 : vector<16xf32>
        %add3A_1986 = arith.addf %add3A_1969, %mul3A_1985 : vector<16xf32>
        %get3A_1987 = arith.index_cast %add3A_1913 : i32 to index
        %get3A_1988 = arith.constant 64 : index
        %get3A_1989 = tpu.vector_load %arg16[%get3A_1987, %get3A_1988] {strides = array<i32>} : memref<80x128xf32, #tpu.memory_space<vmem>>, vector<16xf32>,
        %get3A_1990 = arith.index_cast %add3A_1913 : i32 to index
        %get3A_1991 = arith.constant 64 : index
        %get3A_1992 = tpu.vector_load %arg15[%get3A_1990, %get3A_1991] {strides = array<i32>} : memref<80x128xf32, #tpu.memory_space<vmem>>, vector<16xf32>,
        %mul3A_1993 = arith.mulf %get3A_1992, %get3A_1989 : vector<16xf32>
        %add3A_1994 = arith.addf %add3A_1977, %mul3A_1993 : vector<16xf32>
        %add3A_1995 = arith.addf %add3A_1978, %get3A_1989 : vector<16xf32>
        %get3A_1996 = arith.index_cast %add3A_1913 : i32 to index
        %get3A_1997 = arith.constant 80 : index
        %get3A_1998 = tpu.vector_load %arg14[%get3A_1996, %get3A_1997] {strides = array<i32>} : memref<80x128xf32, #tpu.memory_space<vmem>>, vector<16xf32>,
        %get3A_1999 = arith.index_cast %add3A_1913 : i32 to index
        %get3A_2000 = arith.constant 80 : index
        %get3A_2001 = tpu.vector_load %arg17[%get3A_1999, %get3A_2000] {strides = array<i32>} : memref<80x128xf32, #tpu.memory_space<vmem>>, vector<16xf32>,
        %mul3A_2002 = arith.mulf %get3A_1998, %get3A_2001 : vector<16xf32>
        %add3A_2003 = arith.addf %add3A_1986, %mul3A_2002 : vector<16xf32>
        %get3A_2004 = arith.index_cast %add3A_1913 : i32 to index
        %get3A_2005 = arith.constant 80 : index
        %get3A_2006 = tpu.vector_load %arg16[%get3A_2004, %get3A_2005] {strides = array<i32>} : memref<80x128xf32, #tpu.memory_space<vmem>>, vector<16xf32>,
        %get3A_2007 = arith.index_cast %add3A_1913 : i32 to index
        %get3A_2008 = arith.constant 80 : index
        %get3A_2009 = tpu.vector_load %arg15[%get3A_2007, %get3A_2008] {strides = array<i32>} : memref<80x128xf32, #tpu.memory_space<vmem>>, vector<16xf32>,
        %mul3A_2010 = arith.mulf %get3A_2009, %get3A_2006 : vector<16xf32>
        %add3A_2011 = arith.addf %add3A_1994, %mul3A_2010 : vector<16xf32>
        %add3A_2012 = arith.addf %add3A_1995, %get3A_2006 : vector<16xf32>
        %get3A_2013 = arith.index_cast %add3A_1913 : i32 to index
        %get3A_2014 = arith.constant 96 : index
        %get3A_2015 = tpu.vector_load %arg14[%get3A_2013, %get3A_2014] {strides = array<i32>} : memref<80x128xf32, #tpu.memory_space<vmem>>, vector<16xf32>,
        %get3A_2016 = arith.index_cast %add3A_1913 : i32 to index
        %get3A_2017 = arith.constant 96 : index
        %get3A_2018 = tpu.vector_load %arg17[%get3A_2016, %get3A_2017] {strides = array<i32>} : memref<80x128xf32, #tpu.memory_space<vmem>>, vector<16xf32>,
        %mul3A_2019 = arith.mulf %get3A_2015, %get3A_2018 : vector<16xf32>
        %add3A_2020 = arith.addf %add3A_2003, %mul3A_2019 : vector<16xf32>
        %get3A_2021 = arith.index_cast %add3A_1913 : i32 to index
        %get3A_2022 = arith.constant 96 : index
        %get3A_2023 = tpu.vector_load %arg16[%get3A_2021, %get3A_2022] {strides = array<i32>} : memref<80x128xf32, #tpu.memory_space<vmem>>, vector<16xf32>,
        %get3A_2024 = arith.index_cast %add3A_1913 : i32 to index
        %get3A_2025 = arith.constant 96 : index
        %get3A_2026 = tpu.vector_load %arg15[%get3A_2024, %get3A_2025] {strides = array<i32>} : memref<80x128xf32, #tpu.memory_space<vmem>>, vector<16xf32>,
        %mul3A_2027 = arith.mulf %get3A_2026, %get3A_2023 : vector<16xf32>
        %add3A_2028 = arith.addf %add3A_2011, %mul3A_2027 : vector<16xf32>
        %add3A_2029 = arith.addf %add3A_2012, %get3A_2023 : vector<16xf32>
        %get3A_2030 = arith.index_cast %add3A_1913 : i32 to index
        %get3A_2031 = arith.constant 112 : index
        %get3A_2032 = tpu.vector_load %arg14[%get3A_2030, %get3A_2031] {strides = array<i32>} : memref<80x128xf32, #tpu.memory_space<vmem>>, vector<16xf32>,
        %get3A_2033 = arith.index_cast %add3A_1913 : i32 to index
        %get3A_2034 = arith.constant 112 : index
        %get3A_2035 = tpu.vector_load %arg17[%get3A_2033, %get3A_2034] {strides = array<i32>} : memref<80x128xf32, #tpu.memory_space<vmem>>, vector<16xf32>,
        %mul3A_2036 = arith.mulf %get3A_2032, %get3A_2035 : vector<16xf32>
        %add3A_2037 = arith.addf %add3A_2020, %mul3A_2036 : vector<16xf32>
        %get3A_2038 = arith.index_cast %add3A_1913 : i32 to index
        %get3A_2039 = arith.constant 112 : index
        %get3A_2040 = tpu.vector_load %arg16[%get3A_2038, %get3A_2039] {strides = array<i32>} : memref<80x128xf32, #tpu.memory_space<vmem>>, vector<16xf32>,
        %get3A_2041 = arith.index_cast %add3A_1913 : i32 to index
        %get3A_2042 = arith.constant 112 : index
        %get3A_2043 = tpu.vector_load %arg15[%get3A_2041, %get3A_2042] {strides = array<i32>} : memref<80x128xf32, #tpu.memory_space<vmem>>, vector<16xf32>,
        %mul3A_2044 = arith.mulf %get3A_2043, %get3A_2040 : vector<16xf32>
        %add3A_2045 = arith.addf %add3A_2028, %mul3A_2044 : vector<16xf32>
        %add3A_2046 = arith.addf %add3A_2029, %get3A_2040 : vector<16xf32>
        %swap3A_2047 = arith.constant 221 : index
        %swap3A_2048 = tpu.vector_load %arg19[%swap3A_2047] {strides = array<i32>} : memref<272xf32, #tpu.memory_space<vmem>>, vector<16xf32>,
        tpu.vector_store %arg19[%swap3A_2047], %add3A_2037 {strides = array<i32>} : memref<272xf32, #tpu.memory_space<vmem>>, vector<16xf32>,
        %swap3A_2049 = arith.constant 221 : index
        %swap3A_2050 = tpu.vector_load %arg20[%swap3A_2049] {strides = array<i32>} : memref<272xf32, #tpu.memory_space<vmem>>, vector<16xf32>,
        tpu.vector_store %arg20[%swap3A_2049], %add3A_2045 {strides = array<i32>} : memref<272xf32, #tpu.memory_space<vmem>>, vector<16xf32>,
        %swap3A_2051 = arith.constant 221 : index
        %swap3A_2052 = tpu.vector_load %arg21[%swap3A_2051] {strides = array<i32>} : memref<272xf32, #tpu.memory_space<vmem>>, vector<16xf32>,
        tpu.vector_store %arg21[%swap3A_2051], %add3A_2046 {strides = array<i32>} : memref<272xf32, #tpu.memory_space<vmem>>, vector<16xf32>,
        %add3A_2053 = arith.constant 14 : i32
        %add3A_2054 = arith.addi %mul3A_80, %add3A_2053 : i32
        %get3A_2055 = arith.index_cast %add3A_2054 : i32 to index
        %get3A_2056 = arith.constant 0 : index
        %get3A_2057 = tpu.vector_load %arg14[%get3A_2055, %get3A_2056] {strides = array<i32>} : memref<80x128xf32, #tpu.memory_space<vmem>>, vector<16xf32>,
        %get3A_2058 = arith.index_cast %add3A_2054 : i32 to index
        %get3A_2059 = arith.constant 0 : index
        %get3A_2060 = tpu.vector_load %arg17[%get3A_2058, %get3A_2059] {strides = array<i32>} : memref<80x128xf32, #tpu.memory_space<vmem>>, vector<16xf32>,
        %mul3A_2061 = arith.mulf %get3A_2057, %get3A_2060 : vector<16xf32>
        %get3A_2062 = arith.index_cast %add3A_2054 : i32 to index
        %get3A_2063 = arith.constant 0 : index
        %get3A_2064 = tpu.vector_load %arg16[%get3A_2062, %get3A_2063] {strides = array<i32>} : memref<80x128xf32, #tpu.memory_space<vmem>>, vector<16xf32>,
        %get3A_2065 = arith.index_cast %add3A_2054 : i32 to index
        %get3A_2066 = arith.constant 0 : index
        %get3A_2067 = tpu.vector_load %arg15[%get3A_2065, %get3A_2066] {strides = array<i32>} : memref<80x128xf32, #tpu.memory_space<vmem>>, vector<16xf32>,
        %mul3A_2068 = arith.mulf %get3A_2067, %get3A_2064 : vector<16xf32>
        %get3A_2069 = arith.index_cast %add3A_2054 : i32 to index
        %get3A_2070 = arith.constant 16 : index
        %get3A_2071 = tpu.vector_load %arg14[%get3A_2069, %get3A_2070] {strides = array<i32>} : memref<80x128xf32, #tpu.memory_space<vmem>>, vector<16xf32>,
        %get3A_2072 = arith.index_cast %add3A_2054 : i32 to index
        %get3A_2073 = arith.constant 16 : index
        %get3A_2074 = tpu.vector_load %arg17[%get3A_2072, %get3A_2073] {strides = array<i32>} : memref<80x128xf32, #tpu.memory_space<vmem>>, vector<16xf32>,
        %mul3A_2075 = arith.mulf %get3A_2071, %get3A_2074 : vector<16xf32>
        %add3A_2076 = arith.addf %mul3A_2061, %mul3A_2075 : vector<16xf32>
        %get3A_2077 = arith.index_cast %add3A_2054 : i32 to index
        %get3A_2078 = arith.constant 16 : index
        %get3A_2079 = tpu.vector_load %arg16[%get3A_2077, %get3A_2078] {strides = array<i32>} : memref<80x128xf32, #tpu.memory_space<vmem>>, vector<16xf32>,
        %get3A_2080 = arith.index_cast %add3A_2054 : i32 to index
        %get3A_2081 = arith.constant 16 : index
        %get3A_2082 = tpu.vector_load %arg15[%get3A_2080, %get3A_2081] {strides = array<i32>} : memref<80x128xf32, #tpu.memory_space<vmem>>, vector<16xf32>,
        %mul3A_2083 = arith.mulf %get3A_2082, %get3A_2079 : vector<16xf32>
        %add3A_2084 = arith.addf %mul3A_2068, %mul3A_2083 : vector<16xf32>
        %add3A_2085 = arith.addf %get3A_2064, %get3A_2079 : vector<16xf32>
        %get3A_2086 = arith.index_cast %add3A_2054 : i32 to index
        %get3A_2087 = arith.constant 32 : index
        %get3A_2088 = tpu.vector_load %arg14[%get3A_2086, %get3A_2087] {strides = array<i32>} : memref<80x128xf32, #tpu.memory_space<vmem>>, vector<16xf32>,
        %get3A_2089 = arith.index_cast %add3A_2054 : i32 to index
        %get3A_2090 = arith.constant 32 : index
        %get3A_2091 = tpu.vector_load %arg17[%get3A_2089, %get3A_2090] {strides = array<i32>} : memref<80x128xf32, #tpu.memory_space<vmem>>, vector<16xf32>,
        %mul3A_2092 = arith.mulf %get3A_2088, %get3A_2091 : vector<16xf32>
        %add3A_2093 = arith.addf %add3A_2076, %mul3A_2092 : vector<16xf32>
        %get3A_2094 = arith.index_cast %add3A_2054 : i32 to index
        %get3A_2095 = arith.constant 32 : index
        %get3A_2096 = tpu.vector_load %arg16[%get3A_2094, %get3A_2095] {strides = array<i32>} : memref<80x128xf32, #tpu.memory_space<vmem>>, vector<16xf32>,
        %get3A_2097 = arith.index_cast %add3A_2054 : i32 to index
        %get3A_2098 = arith.constant 32 : index
        %get3A_2099 = tpu.vector_load %arg15[%get3A_2097, %get3A_2098] {strides = array<i32>} : memref<80x128xf32, #tpu.memory_space<vmem>>, vector<16xf32>,
        %mul3A_2100 = arith.mulf %get3A_2099, %get3A_2096 : vector<16xf32>
        %add3A_2101 = arith.addf %add3A_2084, %mul3A_2100 : vector<16xf32>
        %add3A_2102 = arith.addf %add3A_2085, %get3A_2096 : vector<16xf32>
        %get3A_2103 = arith.index_cast %add3A_2054 : i32 to index
        %get3A_2104 = arith.constant 48 : index
        %get3A_2105 = tpu.vector_load %arg14[%get3A_2103, %get3A_2104] {strides = array<i32>} : memref<80x128xf32, #tpu.memory_space<vmem>>, vector<16xf32>,
        %get3A_2106 = arith.index_cast %add3A_2054 : i32 to index
        %get3A_2107 = arith.constant 48 : index
        %get3A_2108 = tpu.vector_load %arg17[%get3A_2106, %get3A_2107] {strides = array<i32>} : memref<80x128xf32, #tpu.memory_space<vmem>>, vector<16xf32>,
        %mul3A_2109 = arith.mulf %get3A_2105, %get3A_2108 : vector<16xf32>
        %add3A_2110 = arith.addf %add3A_2093, %mul3A_2109 : vector<16xf32>
        %get3A_2111 = arith.index_cast %add3A_2054 : i32 to index
        %get3A_2112 = arith.constant 48 : index
        %get3A_2113 = tpu.vector_load %arg16[%get3A_2111, %get3A_2112] {strides = array<i32>} : memref<80x128xf32, #tpu.memory_space<vmem>>, vector<16xf32>,
        %get3A_2114 = arith.index_cast %add3A_2054 : i32 to index
        %get3A_2115 = arith.constant 48 : index
        %get3A_2116 = tpu.vector_load %arg15[%get3A_2114, %get3A_2115] {strides = array<i32>} : memref<80x128xf32, #tpu.memory_space<vmem>>, vector<16xf32>,
        %mul3A_2117 = arith.mulf %get3A_2116, %get3A_2113 : vector<16xf32>
        %add3A_2118 = arith.addf %add3A_2101, %mul3A_2117 : vector<16xf32>
        %add3A_2119 = arith.addf %add3A_2102, %get3A_2113 : vector<16xf32>
        %get3A_2120 = arith.index_cast %add3A_2054 : i32 to index
        %get3A_2121 = arith.constant 64 : index
        %get3A_2122 = tpu.vector_load %arg14[%get3A_2120, %get3A_2121] {strides = array<i32>} : memref<80x128xf32, #tpu.memory_space<vmem>>, vector<16xf32>,
        %get3A_2123 = arith.index_cast %add3A_2054 : i32 to index
        %get3A_2124 = arith.constant 64 : index
        %get3A_2125 = tpu.vector_load %arg17[%get3A_2123, %get3A_2124] {strides = array<i32>} : memref<80x128xf32, #tpu.memory_space<vmem>>, vector<16xf32>,
        %mul3A_2126 = arith.mulf %get3A_2122, %get3A_2125 : vector<16xf32>
        %add3A_2127 = arith.addf %add3A_2110, %mul3A_2126 : vector<16xf32>
        %get3A_2128 = arith.index_cast %add3A_2054 : i32 to index
        %get3A_2129 = arith.constant 64 : index
        %get3A_2130 = tpu.vector_load %arg16[%get3A_2128, %get3A_2129] {strides = array<i32>} : memref<80x128xf32, #tpu.memory_space<vmem>>, vector<16xf32>,
        %get3A_2131 = arith.index_cast %add3A_2054 : i32 to index
        %get3A_2132 = arith.constant 64 : index
        %get3A_2133 = tpu.vector_load %arg15[%get3A_2131, %get3A_2132] {strides = array<i32>} : memref<80x128xf32, #tpu.memory_space<vmem>>, vector<16xf32>,
        %mul3A_2134 = arith.mulf %get3A_2133, %get3A_2130 : vector<16xf32>
        %add3A_2135 = arith.addf %add3A_2118, %mul3A_2134 : vector<16xf32>
        %add3A_2136 = arith.addf %add3A_2119, %get3A_2130 : vector<16xf32>
        %get3A_2137 = arith.index_cast %add3A_2054 : i32 to index
        %get3A_2138 = arith.constant 80 : index
        %get3A_2139 = tpu.vector_load %arg14[%get3A_2137, %get3A_2138] {strides = array<i32>} : memref<80x128xf32, #tpu.memory_space<vmem>>, vector<16xf32>,
        %get3A_2140 = arith.index_cast %add3A_2054 : i32 to index
        %get3A_2141 = arith.constant 80 : index
        %get3A_2142 = tpu.vector_load %arg17[%get3A_2140, %get3A_2141] {strides = array<i32>} : memref<80x128xf32, #tpu.memory_space<vmem>>, vector<16xf32>,
        %mul3A_2143 = arith.mulf %get3A_2139, %get3A_2142 : vector<16xf32>
        %add3A_2144 = arith.addf %add3A_2127, %mul3A_2143 : vector<16xf32>
        %get3A_2145 = arith.index_cast %add3A_2054 : i32 to index
        %get3A_2146 = arith.constant 80 : index
        %get3A_2147 = tpu.vector_load %arg16[%get3A_2145, %get3A_2146] {strides = array<i32>} : memref<80x128xf32, #tpu.memory_space<vmem>>, vector<16xf32>,
        %get3A_2148 = arith.index_cast %add3A_2054 : i32 to index
        %get3A_2149 = arith.constant 80 : index
        %get3A_2150 = tpu.vector_load %arg15[%get3A_2148, %get3A_2149] {strides = array<i32>} : memref<80x128xf32, #tpu.memory_space<vmem>>, vector<16xf32>,
        %mul3A_2151 = arith.mulf %get3A_2150, %get3A_2147 : vector<16xf32>
        %add3A_2152 = arith.addf %add3A_2135, %mul3A_2151 : vector<16xf32>
        %add3A_2153 = arith.addf %add3A_2136, %get3A_2147 : vector<16xf32>
        %get3A_2154 = arith.index_cast %add3A_2054 : i32 to index
        %get3A_2155 = arith.constant 96 : index
        %get3A_2156 = tpu.vector_load %arg14[%get3A_2154, %get3A_2155] {strides = array<i32>} : memref<80x128xf32, #tpu.memory_space<vmem>>, vector<16xf32>,
        %get3A_2157 = arith.index_cast %add3A_2054 : i32 to index
        %get3A_2158 = arith.constant 96 : index
        %get3A_2159 = tpu.vector_load %arg17[%get3A_2157, %get3A_2158] {strides = array<i32>} : memref<80x128xf32, #tpu.memory_space<vmem>>, vector<16xf32>,
        %mul3A_2160 = arith.mulf %get3A_2156, %get3A_2159 : vector<16xf32>
        %add3A_2161 = arith.addf %add3A_2144, %mul3A_2160 : vector<16xf32>
        %get3A_2162 = arith.index_cast %add3A_2054 : i32 to index
        %get3A_2163 = arith.constant 96 : index
        %get3A_2164 = tpu.vector_load %arg16[%get3A_2162, %get3A_2163] {strides = array<i32>} : memref<80x128xf32, #tpu.memory_space<vmem>>, vector<16xf32>,
        %get3A_2165 = arith.index_cast %add3A_2054 : i32 to index
        %get3A_2166 = arith.constant 96 : index
        %get3A_2167 = tpu.vector_load %arg15[%get3A_2165, %get3A_2166] {strides = array<i32>} : memref<80x128xf32, #tpu.memory_space<vmem>>, vector<16xf32>,
        %mul3A_2168 = arith.mulf %get3A_2167, %get3A_2164 : vector<16xf32>
        %add3A_2169 = arith.addf %add3A_2152, %mul3A_2168 : vector<16xf32>
        %add3A_2170 = arith.addf %add3A_2153, %get3A_2164 : vector<16xf32>
        %get3A_2171 = arith.index_cast %add3A_2054 : i32 to index
        %get3A_2172 = arith.constant 112 : index
        %get3A_2173 = tpu.vector_load %arg14[%get3A_2171, %get3A_2172] {strides = array<i32>} : memref<80x128xf32, #tpu.memory_space<vmem>>, vector<16xf32>,
        %get3A_2174 = arith.index_cast %add3A_2054 : i32 to index
        %get3A_2175 = arith.constant 112 : index
        %get3A_2176 = tpu.vector_load %arg17[%get3A_2174, %get3A_2175] {strides = array<i32>} : memref<80x128xf32, #tpu.memory_space<vmem>>, vector<16xf32>,
        %mul3A_2177 = arith.mulf %get3A_2173, %get3A_2176 : vector<16xf32>
        %add3A_2178 = arith.addf %add3A_2161, %mul3A_2177 : vector<16xf32>
        %get3A_2179 = arith.index_cast %add3A_2054 : i32 to index
        %get3A_2180 = arith.constant 112 : index
        %get3A_2181 = tpu.vector_load %arg16[%get3A_2179, %get3A_2180] {strides = array<i32>} : memref<80x128xf32, #tpu.memory_space<vmem>>, vector<16xf32>,
        %get3A_2182 = arith.index_cast %add3A_2054 : i32 to index
        %get3A_2183 = arith.constant 112 : index
        %get3A_2184 = tpu.vector_load %arg15[%get3A_2182, %get3A_2183] {strides = array<i32>} : memref<80x128xf32, #tpu.memory_space<vmem>>, vector<16xf32>,
        %mul3A_2185 = arith.mulf %get3A_2184, %get3A_2181 : vector<16xf32>
        %add3A_2186 = arith.addf %add3A_2169, %mul3A_2185 : vector<16xf32>
        %add3A_2187 = arith.addf %add3A_2170, %get3A_2181 : vector<16xf32>
        %swap3A_2188 = arith.constant 238 : index
        %swap3A_2189 = tpu.vector_load %arg19[%swap3A_2188] {strides = array<i32>} : memref<272xf32, #tpu.memory_space<vmem>>, vector<16xf32>,
        tpu.vector_store %arg19[%swap3A_2188], %add3A_2178 {strides = array<i32>} : memref<272xf32, #tpu.memory_space<vmem>>, vector<16xf32>,
        %swap3A_2190 = arith.constant 238 : index
        %swap3A_2191 = tpu.vector_load %arg20[%swap3A_2190] {strides = array<i32>} : memref<272xf32, #tpu.memory_space<vmem>>, vector<16xf32>,
        tpu.vector_store %arg20[%swap3A_2190], %add3A_2186 {strides = array<i32>} : memref<272xf32, #tpu.memory_space<vmem>>, vector<16xf32>,
        %swap3A_2192 = arith.constant 238 : index
        %swap3A_2193 = tpu.vector_load %arg21[%swap3A_2192] {strides = array<i32>} : memref<272xf32, #tpu.memory_space<vmem>>, vector<16xf32>,
        tpu.vector_store %arg21[%swap3A_2192], %add3A_2187 {strides = array<i32>} : memref<272xf32, #tpu.memory_space<vmem>>, vector<16xf32>,
        %add3A_2194 = arith.constant 15 : i32
        %add3A_2195 = arith.addi %mul3A_80, %add3A_2194 : i32
        %get3A_2196 = arith.index_cast %add3A_2195 : i32 to index
        %get3A_2197 = arith.constant 0 : index
        %get3A_2198 = tpu.vector_load %arg14[%get3A_2196, %get3A_2197] {strides = array<i32>} : memref<80x128xf32, #tpu.memory_space<vmem>>, vector<16xf32>,
        %get3A_2199 = arith.index_cast %add3A_2195 : i32 to index
        %get3A_2200 = arith.constant 0 : index
        %get3A_2201 = tpu.vector_load %arg17[%get3A_2199, %get3A_2200] {strides = array<i32>} : memref<80x128xf32, #tpu.memory_space<vmem>>, vector<16xf32>,
        %mul3A_2202 = arith.mulf %get3A_2198, %get3A_2201 : vector<16xf32>
        %get3A_2203 = arith.index_cast %add3A_2195 : i32 to index
        %get3A_2204 = arith.constant 0 : index
        %get3A_2205 = tpu.vector_load %arg16[%get3A_2203, %get3A_2204] {strides = array<i32>} : memref<80x128xf32, #tpu.memory_space<vmem>>, vector<16xf32>,
        %get3A_2206 = arith.index_cast %add3A_2195 : i32 to index
        %get3A_2207 = arith.constant 0 : index
        %get3A_2208 = tpu.vector_load %arg15[%get3A_2206, %get3A_2207] {strides = array<i32>} : memref<80x128xf32, #tpu.memory_space<vmem>>, vector<16xf32>,
        %mul3A_2209 = arith.mulf %get3A_2208, %get3A_2205 : vector<16xf32>
        %get3A_2210 = arith.index_cast %add3A_2195 : i32 to index
        %get3A_2211 = arith.constant 16 : index
        %get3A_2212 = tpu.vector_load %arg14[%get3A_2210, %get3A_2211] {strides = array<i32>} : memref<80x128xf32, #tpu.memory_space<vmem>>, vector<16xf32>,
        %get3A_2213 = arith.index_cast %add3A_2195 : i32 to index
        %get3A_2214 = arith.constant 16 : index
        %get3A_2215 = tpu.vector_load %arg17[%get3A_2213, %get3A_2214] {strides = array<i32>} : memref<80x128xf32, #tpu.memory_space<vmem>>, vector<16xf32>,
        %mul3A_2216 = arith.mulf %get3A_2212, %get3A_2215 : vector<16xf32>
        %add3A_2217 = arith.addf %mul3A_2202, %mul3A_2216 : vector<16xf32>
        %get3A_2218 = arith.index_cast %add3A_2195 : i32 to index
        %get3A_2219 = arith.constant 16 : index
        %get3A_2220 = tpu.vector_load %arg16[%get3A_2218, %get3A_2219] {strides = array<i32>} : memref<80x128xf32, #tpu.memory_space<vmem>>, vector<16xf32>,
        %get3A_2221 = arith.index_cast %add3A_2195 : i32 to index
        %get3A_2222 = arith.constant 16 : index
        %get3A_2223 = tpu.vector_load %arg15[%get3A_2221, %get3A_2222] {strides = array<i32>} : memref<80x128xf32, #tpu.memory_space<vmem>>, vector<16xf32>,
        %mul3A_2224 = arith.mulf %get3A_2223, %get3A_2220 : vector<16xf32>
        %add3A_2225 = arith.addf %mul3A_2209, %mul3A_2224 : vector<16xf32>
        %add3A_2226 = arith.addf %get3A_2205, %get3A_2220 : vector<16xf32>
        %get3A_2227 = arith.index_cast %add3A_2195 : i32 to index
        %get3A_2228 = arith.constant 32 : index
        %get3A_2229 = tpu.vector_load %arg14[%get3A_2227, %get3A_2228] {strides = array<i32>} : memref<80x128xf32, #tpu.memory_space<vmem>>, vector<16xf32>,
        %get3A_2230 = arith.index_cast %add3A_2195 : i32 to index
        %get3A_2231 = arith.constant 32 : index
        %get3A_2232 = tpu.vector_load %arg17[%get3A_2230, %get3A_2231] {strides = array<i32>} : memref<80x128xf32, #tpu.memory_space<vmem>>, vector<16xf32>,
        %mul3A_2233 = arith.mulf %get3A_2229, %get3A_2232 : vector<16xf32>
        %add3A_2234 = arith.addf %add3A_2217, %mul3A_2233 : vector<16xf32>
        %get3A_2235 = arith.index_cast %add3A_2195 : i32 to index
        %get3A_2236 = arith.constant 32 : index
        %get3A_2237 = tpu.vector_load %arg16[%get3A_2235, %get3A_2236] {strides = array<i32>} : memref<80x128xf32, #tpu.memory_space<vmem>>, vector<16xf32>,
        %get3A_2238 = arith.index_cast %add3A_2195 : i32 to index
        %get3A_2239 = arith.constant 32 : index
        %get3A_2240 = tpu.vector_load %arg15[%get3A_2238, %get3A_2239] {strides = array<i32>} : memref<80x128xf32, #tpu.memory_space<vmem>>, vector<16xf32>,
        %mul3A_2241 = arith.mulf %get3A_2240, %get3A_2237 : vector<16xf32>
        %add3A_2242 = arith.addf %add3A_2225, %mul3A_2241 : vector<16xf32>
        %add3A_2243 = arith.addf %add3A_2226, %get3A_2237 : vector<16xf32>
        %get3A_2244 = arith.index_cast %add3A_2195 : i32 to index
        %get3A_2245 = arith.constant 48 : index
        %get3A_2246 = tpu.vector_load %arg14[%get3A_2244, %get3A_2245] {strides = array<i32>} : memref<80x128xf32, #tpu.memory_space<vmem>>, vector<16xf32>,
        %get3A_2247 = arith.index_cast %add3A_2195 : i32 to index
        %get3A_2248 = arith.constant 48 : index
        %get3A_2249 = tpu.vector_load %arg17[%get3A_2247, %get3A_2248] {strides = array<i32>} : memref<80x128xf32, #tpu.memory_space<vmem>>, vector<16xf32>,
        %mul3A_2250 = arith.mulf %get3A_2246, %get3A_2249 : vector<16xf32>
        %add3A_2251 = arith.addf %add3A_2234, %mul3A_2250 : vector<16xf32>
        %get3A_2252 = arith.index_cast %add3A_2195 : i32 to index
        %get3A_2253 = arith.constant 48 : index
        %get3A_2254 = tpu.vector_load %arg16[%get3A_2252, %get3A_2253] {strides = array<i32>} : memref<80x128xf32, #tpu.memory_space<vmem>>, vector<16xf32>,
        %get3A_2255 = arith.index_cast %add3A_2195 : i32 to index
        %get3A_2256 = arith.constant 48 : index
        %get3A_2257 = tpu.vector_load %arg15[%get3A_2255, %get3A_2256] {strides = array<i32>} : memref<80x128xf32, #tpu.memory_space<vmem>>, vector<16xf32>,
        %mul3A_2258 = arith.mulf %get3A_2257, %get3A_2254 : vector<16xf32>
        %add3A_2259 = arith.addf %add3A_2242, %mul3A_2258 : vector<16xf32>
        %add3A_2260 = arith.addf %add3A_2243, %get3A_2254 : vector<16xf32>
        %get3A_2261 = arith.index_cast %add3A_2195 : i32 to index
        %get3A_2262 = arith.constant 64 : index
        %get3A_2263 = tpu.vector_load %arg14[%get3A_2261, %get3A_2262] {strides = array<i32>} : memref<80x128xf32, #tpu.memory_space<vmem>>, vector<16xf32>,
        %get3A_2264 = arith.index_cast %add3A_2195 : i32 to index
        %get3A_2265 = arith.constant 64 : index
        %get3A_2266 = tpu.vector_load %arg17[%get3A_2264, %get3A_2265] {strides = array<i32>} : memref<80x128xf32, #tpu.memory_space<vmem>>, vector<16xf32>,
        %mul3A_2267 = arith.mulf %get3A_2263, %get3A_2266 : vector<16xf32>
        %add3A_2268 = arith.addf %add3A_2251, %mul3A_2267 : vector<16xf32>
        %get3A_2269 = arith.index_cast %add3A_2195 : i32 to index
        %get3A_2270 = arith.constant 64 : index
        %get3A_2271 = tpu.vector_load %arg16[%get3A_2269, %get3A_2270] {strides = array<i32>} : memref<80x128xf32, #tpu.memory_space<vmem>>, vector<16xf32>,
        %get3A_2272 = arith.index_cast %add3A_2195 : i32 to index
        %get3A_2273 = arith.constant 64 : index
        %get3A_2274 = tpu.vector_load %arg15[%get3A_2272, %get3A_2273] {strides = array<i32>} : memref<80x128xf32, #tpu.memory_space<vmem>>, vector<16xf32>,
        %mul3A_2275 = arith.mulf %get3A_2274, %get3A_2271 : vector<16xf32>
        %add3A_2276 = arith.addf %add3A_2259, %mul3A_2275 : vector<16xf32>
        %add3A_2277 = arith.addf %add3A_2260, %get3A_2271 : vector<16xf32>
        %get3A_2278 = arith.index_cast %add3A_2195 : i32 to index
        %get3A_2279 = arith.constant 80 : index
        %get3A_2280 = tpu.vector_load %arg14[%get3A_2278, %get3A_2279] {strides = array<i32>} : memref<80x128xf32, #tpu.memory_space<vmem>>, vector<16xf32>,
        %get3A_2281 = arith.index_cast %add3A_2195 : i32 to index
        %get3A_2282 = arith.constant 80 : index
        %get3A_2283 = tpu.vector_load %arg17[%get3A_2281, %get3A_2282] {strides = array<i32>} : memref<80x128xf32, #tpu.memory_space<vmem>>, vector<16xf32>,
        %mul3A_2284 = arith.mulf %get3A_2280, %get3A_2283 : vector<16xf32>
        %add3A_2285 = arith.addf %add3A_2268, %mul3A_2284 : vector<16xf32>
        %get3A_2286 = arith.index_cast %add3A_2195 : i32 to index
        %get3A_2287 = arith.constant 80 : index
        %get3A_2288 = tpu.vector_load %arg16[%get3A_2286, %get3A_2287] {strides = array<i32>} : memref<80x128xf32, #tpu.memory_space<vmem>>, vector<16xf32>,
        %get3A_2289 = arith.index_cast %add3A_2195 : i32 to index
        %get3A_2290 = arith.constant 80 : index
        %get3A_2291 = tpu.vector_load %arg15[%get3A_2289, %get3A_2290] {strides = array<i32>} : memref<80x128xf32, #tpu.memory_space<vmem>>, vector<16xf32>,
        %mul3A_2292 = arith.mulf %get3A_2291, %get3A_2288 : vector<16xf32>
        %add3A_2293 = arith.addf %add3A_2276, %mul3A_2292 : vector<16xf32>
        %add3A_2294 = arith.addf %add3A_2277, %get3A_2288 : vector<16xf32>
        %get3A_2295 = arith.index_cast %add3A_2195 : i32 to index
        %get3A_2296 = arith.constant 96 : index
        %get3A_2297 = tpu.vector_load %arg14[%get3A_2295, %get3A_2296] {strides = array<i32>} : memref<80x128xf32, #tpu.memory_space<vmem>>, vector<16xf32>,
        %get3A_2298 = arith.index_cast %add3A_2195 : i32 to index
        %get3A_2299 = arith.constant 96 : index
        %get3A_2300 = tpu.vector_load %arg17[%get3A_2298, %get3A_2299] {strides = array<i32>} : memref<80x128xf32, #tpu.memory_space<vmem>>, vector<16xf32>,
        %mul3A_2301 = arith.mulf %get3A_2297, %get3A_2300 : vector<16xf32>
        %add3A_2302 = arith.addf %add3A_2285, %mul3A_2301 : vector<16xf32>
        %get3A_2303 = arith.index_cast %add3A_2195 : i32 to index
        %get3A_2304 = arith.constant 96 : index
        %get3A_2305 = tpu.vector_load %arg16[%get3A_2303, %get3A_2304] {strides = array<i32>} : memref<80x128xf32, #tpu.memory_space<vmem>>, vector<16xf32>,
        %get3A_2306 = arith.index_cast %add3A_2195 : i32 to index
        %get3A_2307 = arith.constant 96 : index
        %get3A_2308 = tpu.vector_load %arg15[%get3A_2306, %get3A_2307] {strides = array<i32>} : memref<80x128xf32, #tpu.memory_space<vmem>>, vector<16xf32>,
        %mul3A_2309 = arith.mulf %get3A_2308, %get3A_2305 : vector<16xf32>
        %add3A_2310 = arith.addf %add3A_2293, %mul3A_2309 : vector<16xf32>
        %add3A_2311 = arith.addf %add3A_2294, %get3A_2305 : vector<16xf32>
        %get3A_2312 = arith.index_cast %add3A_2195 : i32 to index
        %get3A_2313 = arith.constant 112 : index
        %get3A_2314 = tpu.vector_load %arg14[%get3A_2312, %get3A_2313] {strides = array<i32>} : memref<80x128xf32, #tpu.memory_space<vmem>>, vector<16xf32>,
        %get3A_2315 = arith.index_cast %add3A_2195 : i32 to index
        %get3A_2316 = arith.constant 112 : index
        %get3A_2317 = tpu.vector_load %arg17[%get3A_2315, %get3A_2316] {strides = array<i32>} : memref<80x128xf32, #tpu.memory_space<vmem>>, vector<16xf32>,
        %mul3A_2318 = arith.mulf %get3A_2314, %get3A_2317 : vector<16xf32>
        %add3A_2319 = arith.addf %add3A_2302, %mul3A_2318 : vector<16xf32>
        %get3A_2320 = arith.index_cast %add3A_2195 : i32 to index
        %get3A_2321 = arith.constant 112 : index
        %get3A_2322 = tpu.vector_load %arg16[%get3A_2320, %get3A_2321] {strides = array<i32>} : memref<80x128xf32, #tpu.memory_space<vmem>>, vector<16xf32>,
        %get3A_2323 = arith.index_cast %add3A_2195 : i32 to index
        %get3A_2324 = arith.constant 112 : index
        %get3A_2325 = tpu.vector_load %arg15[%get3A_2323, %get3A_2324] {strides = array<i32>} : memref<80x128xf32, #tpu.memory_space<vmem>>, vector<16xf32>,
        %mul3A_2326 = arith.mulf %get3A_2325, %get3A_2322 : vector<16xf32>
        %add3A_2327 = arith.addf %add3A_2310, %mul3A_2326 : vector<16xf32>
        %add3A_2328 = arith.addf %add3A_2311, %get3A_2322 : vector<16xf32>
        %swap3A_2329 = arith.constant 255 : index
        %swap3A_2330 = tpu.vector_load %arg19[%swap3A_2329] {strides = array<i32>} : memref<272xf32, #tpu.memory_space<vmem>>, vector<16xf32>,
        tpu.vector_store %arg19[%swap3A_2329], %add3A_2319 {strides = array<i32>} : memref<272xf32, #tpu.memory_space<vmem>>, vector<16xf32>,
        %swap3A_2331 = arith.constant 255 : index
        %swap3A_2332 = tpu.vector_load %arg20[%swap3A_2331] {strides = array<i32>} : memref<272xf32, #tpu.memory_space<vmem>>, vector<16xf32>,
        tpu.vector_store %arg20[%swap3A_2331], %add3A_2327 {strides = array<i32>} : memref<272xf32, #tpu.memory_space<vmem>>, vector<16xf32>,
        %swap3A_2333 = arith.constant 255 : index
        %swap3A_2334 = tpu.vector_load %arg21[%swap3A_2333] {strides = array<i32>} : memref<272xf32, #tpu.memory_space<vmem>>, vector<16xf32>,
        tpu.vector_store %arg21[%swap3A_2333], %add3A_2328 {strides = array<i32>} : memref<272xf32, #tpu.memory_space<vmem>>, vector<16xf32>,
        %mul3A_2335 = arith.constant 17 : i32
        %mul3A_2336 = vector.broadcast %mul3A_2335 : i32 to vector<16xi32>
        %mul3A_2337 = arith.muli %iota3A, %mul3A_2336 : vector<16xi32>
        %add3A_2338 = arith.constant 0 : i32
        %add3A_2339 = vector.broadcast %add3A_2338 : i32 to vector<16xi32>
        %add3A_2340 = arith.addi %mul3A_2337, %add3A_2339 : vector<16xi32>
        %gather3A = tpu.vector_load_idx %arg19[%add3A_2340] : memref<272xf32, #tpu.memory_space<vmem>>[vector<16xi32>], vector<16xf32>,
        %add3A_2341 = arith.addf %broadcast_in_dim3A_3, %gather3A : vector<16xf32>
        %gather3A_2342 = tpu.vector_load_idx %arg20[%add3A_2340] : memref<272xf32, #tpu.memory_space<vmem>>[vector<16xi32>], vector<16xf32>,
        %add3A_2343 = arith.addf %broadcast_in_dim3A_3, %gather3A_2342 : vector<16xf32>
        %gather3A_2344 = tpu.vector_load_idx %arg21[%add3A_2340] : memref<272xf32, #tpu.memory_space<vmem>>[vector<16xi32>], vector<16xf32>,
        %add3A_2345 = arith.addf %broadcast_in_dim3A_3, %gather3A_2344 : vector<16xf32>
        %add3A_2346 = arith.constant 1 : i32
        %add3A_2347 = vector.broadcast %add3A_2346 : i32 to vector<16xi32>
        %add3A_2348 = arith.addi %mul3A_2337, %add3A_2347 : vector<16xi32>
        %gather3A_2349 = tpu.vector_load_idx %arg19[%add3A_2348] : memref<272xf32, #tpu.memory_space<vmem>>[vector<16xi32>], vector<16xf32>,
        %add3A_2350 = arith.addf %add3A_2341, %gather3A_2349 : vector<16xf32>
        %gather3A_2351 = tpu.vector_load_idx %arg20[%add3A_2348] : memref<272xf32, #tpu.memory_space<vmem>>[vector<16xi32>], vector<16xf32>,
        %add3A_2352 = arith.addf %add3A_2343, %gather3A_2351 : vector<16xf32>
        %gather3A_2353 = tpu.vector_load_idx %arg21[%add3A_2348] : memref<272xf32, #tpu.memory_space<vmem>>[vector<16xi32>], vector<16xf32>,
        %add3A_2354 = arith.addf %add3A_2345, %gather3A_2353 : vector<16xf32>
        %add3A_2355 = arith.constant 2 : i32
        %add3A_2356 = vector.broadcast %add3A_2355 : i32 to vector<16xi32>
        %add3A_2357 = arith.addi %mul3A_2337, %add3A_2356 : vector<16xi32>
        %gather3A_2358 = tpu.vector_load_idx %arg19[%add3A_2357] : memref<272xf32, #tpu.memory_space<vmem>>[vector<16xi32>], vector<16xf32>,
        %add3A_2359 = arith.addf %add3A_2350, %gather3A_2358 : vector<16xf32>
        %gather3A_2360 = tpu.vector_load_idx %arg20[%add3A_2357] : memref<272xf32, #tpu.memory_space<vmem>>[vector<16xi32>], vector<16xf32>,
        %add3A_2361 = arith.addf %add3A_2352, %gather3A_2360 : vector<16xf32>
        %gather3A_2362 = tpu.vector_load_idx %arg21[%add3A_2357] : memref<272xf32, #tpu.memory_space<vmem>>[vector<16xi32>], vector<16xf32>,
        %add3A_2363 = arith.addf %add3A_2354, %gather3A_2362 : vector<16xf32>
        %add3A_2364 = arith.constant 3 : i32
        %add3A_2365 = vector.broadcast %add3A_2364 : i32 to vector<16xi32>
        %add3A_2366 = arith.addi %mul3A_2337, %add3A_2365 : vector<16xi32>
        %gather3A_2367 = tpu.vector_load_idx %arg19[%add3A_2366] : memref<272xf32, #tpu.memory_space<vmem>>[vector<16xi32>], vector<16xf32>,
        %add3A_2368 = arith.addf %add3A_2359, %gather3A_2367 : vector<16xf32>
        %gather3A_2369 = tpu.vector_load_idx %arg20[%add3A_2366] : memref<272xf32, #tpu.memory_space<vmem>>[vector<16xi32>], vector<16xf32>,
        %add3A_2370 = arith.addf %add3A_2361, %gather3A_2369 : vector<16xf32>
        %gather3A_2371 = tpu.vector_load_idx %arg21[%add3A_2366] : memref<272xf32, #tpu.memory_space<vmem>>[vector<16xi32>], vector<16xf32>,
        %add3A_2372 = arith.addf %add3A_2363, %gather3A_2371 : vector<16xf32>
        %add3A_2373 = arith.constant 4 : i32
        %add3A_2374 = vector.broadcast %add3A_2373 : i32 to vector<16xi32>
        %add3A_2375 = arith.addi %mul3A_2337, %add3A_2374 : vector<16xi32>
        %gather3A_2376 = tpu.vector_load_idx %arg19[%add3A_2375] : memref<272xf32, #tpu.memory_space<vmem>>[vector<16xi32>], vector<16xf32>,
        %add3A_2377 = arith.addf %add3A_2368, %gather3A_2376 : vector<16xf32>
        %gather3A_2378 = tpu.vector_load_idx %arg20[%add3A_2375] : memref<272xf32, #tpu.memory_space<vmem>>[vector<16xi32>], vector<16xf32>,
        %add3A_2379 = arith.addf %add3A_2370, %gather3A_2378 : vector<16xf32>
        %gather3A_2380 = tpu.vector_load_idx %arg21[%add3A_2375] : memref<272xf32, #tpu.memory_space<vmem>>[vector<16xi32>], vector<16xf32>,
        %add3A_2381 = arith.addf %add3A_2372, %gather3A_2380 : vector<16xf32>
        %add3A_2382 = arith.constant 5 : i32
        %add3A_2383 = vector.broadcast %add3A_2382 : i32 to vector<16xi32>
        %add3A_2384 = arith.addi %mul3A_2337, %add3A_2383 : vector<16xi32>
        %gather3A_2385 = tpu.vector_load_idx %arg19[%add3A_2384] : memref<272xf32, #tpu.memory_space<vmem>>[vector<16xi32>], vector<16xf32>,
        %add3A_2386 = arith.addf %add3A_2377, %gather3A_2385 : vector<16xf32>
        %gather3A_2387 = tpu.vector_load_idx %arg20[%add3A_2384] : memref<272xf32, #tpu.memory_space<vmem>>[vector<16xi32>], vector<16xf32>,
        %add3A_2388 = arith.addf %add3A_2379, %gather3A_2387 : vector<16xf32>
        %gather3A_2389 = tpu.vector_load_idx %arg21[%add3A_2384] : memref<272xf32, #tpu.memory_space<vmem>>[vector<16xi32>], vector<16xf32>,
        %add3A_2390 = arith.addf %add3A_2381, %gather3A_2389 : vector<16xf32>
        %add3A_2391 = arith.constant 6 : i32
        %add3A_2392 = vector.broadcast %add3A_2391 : i32 to vector<16xi32>
        %add3A_2393 = arith.addi %mul3A_2337, %add3A_2392 : vector<16xi32>
        %gather3A_2394 = tpu.vector_load_idx %arg19[%add3A_2393] : memref<272xf32, #tpu.memory_space<vmem>>[vector<16xi32>], vector<16xf32>,
        %add3A_2395 = arith.addf %add3A_2386, %gather3A_2394 : vector<16xf32>
        %gather3A_2396 = tpu.vector_load_idx %arg20[%add3A_2393] : memref<272xf32, #tpu.memory_space<vmem>>[vector<16xi32>], vector<16xf32>,
        %add3A_2397 = arith.addf %add3A_2388, %gather3A_2396 : vector<16xf32>
        %gather3A_2398 = tpu.vector_load_idx %arg21[%add3A_2393] : memref<272xf32, #tpu.memory_space<vmem>>[vector<16xi32>], vector<16xf32>,
        %add3A_2399 = arith.addf %add3A_2390, %gather3A_2398 : vector<16xf32>
        %add3A_2400 = arith.constant 7 : i32
        %add3A_2401 = vector.broadcast %add3A_2400 : i32 to vector<16xi32>
        %add3A_2402 = arith.addi %mul3A_2337, %add3A_2401 : vector<16xi32>
        %gather3A_2403 = tpu.vector_load_idx %arg19[%add3A_2402] : memref<272xf32, #tpu.memory_space<vmem>>[vector<16xi32>], vector<16xf32>,
        %add3A_2404 = arith.addf %add3A_2395, %gather3A_2403 : vector<16xf32>
        %gather3A_2405 = tpu.vector_load_idx %arg20[%add3A_2402] : memref<272xf32, #tpu.memory_space<vmem>>[vector<16xi32>], vector<16xf32>,
        %add3A_2406 = arith.addf %add3A_2397, %gather3A_2405 : vector<16xf32>
        %gather3A_2407 = tpu.vector_load_idx %arg21[%add3A_2402] : memref<272xf32, #tpu.memory_space<vmem>>[vector<16xi32>], vector<16xf32>,
        %add3A_2408 = arith.addf %add3A_2399, %gather3A_2407 : vector<16xf32>
        %add3A_2409 = arith.constant 8 : i32
        %add3A_2410 = vector.broadcast %add3A_2409 : i32 to vector<16xi32>
        %add3A_2411 = arith.addi %mul3A_2337, %add3A_2410 : vector<16xi32>
        %gather3A_2412 = tpu.vector_load_idx %arg19[%add3A_2411] : memref<272xf32, #tpu.memory_space<vmem>>[vector<16xi32>], vector<16xf32>,
        %add3A_2413 = arith.addf %add3A_2404, %gather3A_2412 : vector<16xf32>
        %gather3A_2414 = tpu.vector_load_idx %arg20[%add3A_2411] : memref<272xf32, #tpu.memory_space<vmem>>[vector<16xi32>], vector<16xf32>,
        %add3A_2415 = arith.addf %add3A_2406, %gather3A_2414 : vector<16xf32>
        %gather3A_2416 = tpu.vector_load_idx %arg21[%add3A_2411] : memref<272xf32, #tpu.memory_space<vmem>>[vector<16xi32>], vector<16xf32>,
        %add3A_2417 = arith.addf %add3A_2408, %gather3A_2416 : vector<16xf32>
        %add3A_2418 = arith.constant 9 : i32
        %add3A_2419 = vector.broadcast %add3A_2418 : i32 to vector<16xi32>
        %add3A_2420 = arith.addi %mul3A_2337, %add3A_2419 : vector<16xi32>
        %gather3A_2421 = tpu.vector_load_idx %arg19[%add3A_2420] : memref<272xf32, #tpu.memory_space<vmem>>[vector<16xi32>], vector<16xf32>,
        %add3A_2422 = arith.addf %add3A_2413, %gather3A_2421 : vector<16xf32>
        %gather3A_2423 = tpu.vector_load_idx %arg20[%add3A_2420] : memref<272xf32, #tpu.memory_space<vmem>>[vector<16xi32>], vector<16xf32>,
        %add3A_2424 = arith.addf %add3A_2415, %gather3A_2423 : vector<16xf32>
        %gather3A_2425 = tpu.vector_load_idx %arg21[%add3A_2420] : memref<272xf32, #tpu.memory_space<vmem>>[vector<16xi32>], vector<16xf32>,
        %add3A_2426 = arith.addf %add3A_2417, %gather3A_2425 : vector<16xf32>
        %add3A_2427 = arith.constant 10 : i32
        %add3A_2428 = vector.broadcast %add3A_2427 : i32 to vector<16xi32>
        %add3A_2429 = arith.addi %mul3A_2337, %add3A_2428 : vector<16xi32>
        %gather3A_2430 = tpu.vector_load_idx %arg19[%add3A_2429] : memref<272xf32, #tpu.memory_space<vmem>>[vector<16xi32>], vector<16xf32>,
        %add3A_2431 = arith.addf %add3A_2422, %gather3A_2430 : vector<16xf32>
        %gather3A_2432 = tpu.vector_load_idx %arg20[%add3A_2429] : memref<272xf32, #tpu.memory_space<vmem>>[vector<16xi32>], vector<16xf32>,
        %add3A_2433 = arith.addf %add3A_2424, %gather3A_2432 : vector<16xf32>
        %gather3A_2434 = tpu.vector_load_idx %arg21[%add3A_2429] : memref<272xf32, #tpu.memory_space<vmem>>[vector<16xi32>], vector<16xf32>,
        %add3A_2435 = arith.addf %add3A_2426, %gather3A_2434 : vector<16xf32>
        %add3A_2436 = arith.constant 11 : i32
        %add3A_2437 = vector.broadcast %add3A_2436 : i32 to vector<16xi32>
        %add3A_2438 = arith.addi %mul3A_2337, %add3A_2437 : vector<16xi32>
        %gather3A_2439 = tpu.vector_load_idx %arg19[%add3A_2438] : memref<272xf32, #tpu.memory_space<vmem>>[vector<16xi32>], vector<16xf32>,
        %add3A_2440 = arith.addf %add3A_2431, %gather3A_2439 : vector<16xf32>
        %gather3A_2441 = tpu.vector_load_idx %arg20[%add3A_2438] : memref<272xf32, #tpu.memory_space<vmem>>[vector<16xi32>], vector<16xf32>,
        %add3A_2442 = arith.addf %add3A_2433, %gather3A_2441 : vector<16xf32>
        %gather3A_2443 = tpu.vector_load_idx %arg21[%add3A_2438] : memref<272xf32, #tpu.memory_space<vmem>>[vector<16xi32>], vector<16xf32>,
        %add3A_2444 = arith.addf %add3A_2435, %gather3A_2443 : vector<16xf32>
        %add3A_2445 = arith.constant 12 : i32
        %add3A_2446 = vector.broadcast %add3A_2445 : i32 to vector<16xi32>
        %add3A_2447 = arith.addi %mul3A_2337, %add3A_2446 : vector<16xi32>
        %gather3A_2448 = tpu.vector_load_idx %arg19[%add3A_2447] : memref<272xf32, #tpu.memory_space<vmem>>[vector<16xi32>], vector<16xf32>,
        %add3A_2449 = arith.addf %add3A_2440, %gather3A_2448 : vector<16xf32>
        %gather3A_2450 = tpu.vector_load_idx %arg20[%add3A_2447] : memref<272xf32, #tpu.memory_space<vmem>>[vector<16xi32>], vector<16xf32>,
        %add3A_2451 = arith.addf %add3A_2442, %gather3A_2450 : vector<16xf32>
        %gather3A_2452 = tpu.vector_load_idx %arg21[%add3A_2447] : memref<272xf32, #tpu.memory_space<vmem>>[vector<16xi32>], vector<16xf32>,
        %add3A_2453 = arith.addf %add3A_2444, %gather3A_2452 : vector<16xf32>
        %add3A_2454 = arith.constant 13 : i32
        %add3A_2455 = vector.broadcast %add3A_2454 : i32 to vector<16xi32>
        %add3A_2456 = arith.addi %mul3A_2337, %add3A_2455 : vector<16xi32>
        %gather3A_2457 = tpu.vector_load_idx %arg19[%add3A_2456] : memref<272xf32, #tpu.memory_space<vmem>>[vector<16xi32>], vector<16xf32>,
        %add3A_2458 = arith.addf %add3A_2449, %gather3A_2457 : vector<16xf32>
        %gather3A_2459 = tpu.vector_load_idx %arg20[%add3A_2456] : memref<272xf32, #tpu.memory_space<vmem>>[vector<16xi32>], vector<16xf32>,
        %add3A_2460 = arith.addf %add3A_2451, %gather3A_2459 : vector<16xf32>
        %gather3A_2461 = tpu.vector_load_idx %arg21[%add3A_2456] : memref<272xf32, #tpu.memory_space<vmem>>[vector<16xi32>], vector<16xf32>,
        %add3A_2462 = arith.addf %add3A_2453, %gather3A_2461 : vector<16xf32>
        %add3A_2463 = arith.constant 14 : i32
        %add3A_2464 = vector.broadcast %add3A_2463 : i32 to vector<16xi32>
        %add3A_2465 = arith.addi %mul3A_2337, %add3A_2464 : vector<16xi32>
        %gather3A_2466 = tpu.vector_load_idx %arg19[%add3A_2465] : memref<272xf32, #tpu.memory_space<vmem>>[vector<16xi32>], vector<16xf32>,
        %add3A_2467 = arith.addf %add3A_2458, %gather3A_2466 : vector<16xf32>
        %gather3A_2468 = tpu.vector_load_idx %arg20[%add3A_2465] : memref<272xf32, #tpu.memory_space<vmem>>[vector<16xi32>], vector<16xf32>,
        %add3A_2469 = arith.addf %add3A_2460, %gather3A_2468 : vector<16xf32>
        %gather3A_2470 = tpu.vector_load_idx %arg21[%add3A_2465] : memref<272xf32, #tpu.memory_space<vmem>>[vector<16xi32>], vector<16xf32>,
        %add3A_2471 = arith.addf %add3A_2462, %gather3A_2470 : vector<16xf32>
        %add3A_2472 = arith.constant 15 : i32
        %add3A_2473 = vector.broadcast %add3A_2472 : i32 to vector<16xi32>
        %add3A_2474 = arith.addi %mul3A_2337, %add3A_2473 : vector<16xi32>
        %gather3A_2475 = tpu.vector_load_idx %arg19[%add3A_2474] : memref<272xf32, #tpu.memory_space<vmem>>[vector<16xi32>], vector<16xf32>,
        %add3A_2476 = arith.addf %add3A_2467, %gather3A_2475 : vector<16xf32>
        %gather3A_2477 = tpu.vector_load_idx %arg20[%add3A_2474] : memref<272xf32, #tpu.memory_space<vmem>>[vector<16xi32>], vector<16xf32>,
        %add3A_2478 = arith.addf %add3A_2469, %gather3A_2477 : vector<16xf32>
        %gather3A_2479 = tpu.vector_load_idx %arg21[%add3A_2474] : memref<272xf32, #tpu.memory_space<vmem>>[vector<16xi32>], vector<16xf32>,
        %add3A_2480 = arith.addf %add3A_2471, %gather3A_2479 : vector<16xf32>
        %add3A_2481 = arith.addi %mul3A_36, %mul3A_80 : i32
        %get3A_2482 = arith.index_cast %add3A_2481 : i32 to index
        %get3A_2483 = tpu.vector_load %arg13[%get3A_2482] {strides = array<i32>} : memref<10000xf32, #tpu.memory_space<vmem>>, vector<16xf32>,
        %add3A_2484 = arith.addi %mul3A_36, %mul3A_80 : i32
        %get3A_2485 = arith.index_cast %add3A_2484 : i32 to index
        %get3A_2486 = tpu.vector_load %arg12[%get3A_2485] {strides = array<i32>} : memref<10000xi32, #tpu.memory_space<vmem>>, vector<16xi32>,
        %add3A_2487 = arith.addf %add3A_2476, %get3A_2483 : vector<16xf32>
        %mul3A_2488 = arith.mulf %add3A_2487, %add3A_2480 : vector<16xf32>
        %add3A_2489 = arith.addf %mul3A_2488, %add3A_2478 : vector<16xf32>
        %exp3A = math.exp %add3A_2489 : vector<16xf32>
        %swap3A_2490 = arith.index_cast %mul3A_80 : i32 to index
        %swap3A_2491 = tpu.vector_load %arg22[%swap3A_2490] {strides = array<i32>} : memref<80xf32, #tpu.memory_space<vmem>>, vector<16xf32>,
        tpu.vector_store %arg22[%swap3A_2490], %exp3A {strides = array<i32>} : memref<80xf32, #tpu.memory_space<vmem>>, vector<16xf32>,
        tpu.vector_store_idx %arg18[%get3A_2486], %exp3A {add = true} : memref<10240xf32, #tpu.memory_space<vmem>>[vector<16xi32>], vector<16xf32>,
        %scan3A_2492 = arith.constant 0 : i32
        scf.yield %scan3A_2492 : i32
      }
      %scan3A_74 = arith.constant 5 : i32
      %add3A_75 = arith.addi %mul3A_2, %mul3A_36 : i32
      "tpu.region"() ({
        %run_scoped3A = tpu.sem_alloc : memref<!tpu.dma_semaphore, #tpu.memory_space<semaphore_mem>>
        %dma_start3A_77 = tpu.memref_slice %arg9[%add3A_75] : memref<320000xf32, #tpu.memory_space<hbm>> -> memref<80xf32, #tpu.memory_space<hbm>>
        %dma_start3A_78 = tpu.memref_slice %arg9[%add3A_75] : memref<320000xf32, #tpu.memory_space<hbm>> -> memref<80xf32, #tpu.memory_space<hbm>>
        tpu.enqueue_dma source(%arg22 : memref<80xf32, #tpu.memory_space<vmem>>) target(%dma_start3A_78 : memref<80xf32, #tpu.memory_space<hbm>>) target_semaphore(%run_scoped3A : memref<!tpu.dma_semaphore, #tpu.memory_space<semaphore_mem>>)
        %dma_wait3A_79 = tpu.memref_slice %arg9[%add3A_75] : memref<320000xf32, #tpu.memory_space<hbm>> -> memref<80xf32, #tpu.memory_space<hbm>>
        %dma_wait3A_80 = tpu.memref_slice %arg9[%add3A_75] : memref<320000xf32, #tpu.memory_space<hbm>> -> memref<80xf32, #tpu.memory_space<hbm>>
        tpu.wait_dma2 semaphore(%run_scoped3A : memref<!tpu.dma_semaphore, #tpu.memory_space<semaphore_mem>>) src(%arg22 : memref<80xf32, #tpu.memory_space<vmem>>) dst(%dma_wait3A_80 : memref<80xf32, #tpu.memory_space<hbm>>)
        tpu.yield
      }) : () -> ()
      %scan3A_76 = arith.constant 0 : i32
      scf.yield %scan3A_76 : i32
    }
    %scan3A_16 = arith.constant 125 : i32
    "tpu.region"() ({
      %run_scoped3A = tpu.sem_alloc : memref<!tpu.dma_semaphore, #tpu.memory_space<semaphore_mem>>
      %dma_start3A = arith.constant 0 : i32
      %dma_start3A_33 = tpu.memref_slice %arg23[%arg1, %dma_start3A] : memref<16x10240xf32, #tpu.memory_space<vmem_shared>> -> memref<1x10240xf32, #tpu.memory_space<vmem_shared>>
      %dma_start3A_34 = tpu.memref_squeeze %dma_start3A_33 : memref<1x10240xf32, #tpu.memory_space<vmem_shared>> -> memref<10240xf32, #tpu.memory_space<vmem_shared>>
      %dma_start3A_35 = arith.constant 0 : i32
      %dma_start3A_36 = tpu.memref_slice %arg23[%arg1, %dma_start3A_35] : memref<16x10240xf32, #tpu.memory_space<vmem_shared>> -> memref<1x10240xf32, #tpu.memory_space<vmem_shared>>
      %dma_start3A_37 = tpu.memref_squeeze %dma_start3A_36 : memref<1x10240xf32, #tpu.memory_space<vmem_shared>> -> memref<10240xf32, #tpu.memory_space<vmem_shared>>
      tpu.enqueue_dma source(%arg18 : memref<10240xf32, #tpu.memory_space<vmem>>) target(%dma_start3A_37 : memref<10240xf32, #tpu.memory_space<vmem_shared>>) target_semaphore(%run_scoped3A : memref<!tpu.dma_semaphore, #tpu.memory_space<semaphore_mem>>)
      %dma_wait3A = arith.constant 0 : i32
      %dma_wait3A_38 = tpu.memref_slice %arg23[%arg1, %dma_wait3A] : memref<16x10240xf32, #tpu.memory_space<vmem_shared>> -> memref<1x10240xf32, #tpu.memory_space<vmem_shared>>
      %dma_wait3A_39 = tpu.memref_squeeze %dma_wait3A_38 : memref<1x10240xf32, #tpu.memory_space<vmem_shared>> -> memref<10240xf32, #tpu.memory_space<vmem_shared>>
      %dma_wait3A_40 = arith.constant 0 : i32
      %dma_wait3A_41 = tpu.memref_slice %arg23[%arg1, %dma_wait3A_40] : memref<16x10240xf32, #tpu.memory_space<vmem_shared>> -> memref<1x10240xf32, #tpu.memory_space<vmem_shared>>
      %dma_wait3A_42 = tpu.memref_squeeze %dma_wait3A_41 : memref<1x10240xf32, #tpu.memory_space<vmem_shared>> -> memref<10240xf32, #tpu.memory_space<vmem_shared>>
      tpu.wait_dma2 semaphore(%run_scoped3A : memref<!tpu.dma_semaphore, #tpu.memory_space<semaphore_mem>>) src(%arg18 : memref<10240xf32, #tpu.memory_space<vmem>>) dst(%dma_wait3A_42 : memref<10240xf32, #tpu.memory_space<vmem_shared>>)
      tpu.yield
    }) : () -> ()
    %barrier3A = arith.constant 0 : index
    tpu.barrier barrier_id(%barrier3A)
    %mul3A_17 = arith.constant 640 : i32
    %mul3A_18 = arith.muli %arg1, %mul3A_17 : i32
    %scan3A_19 = arith.constant 0 : i32
    %scan3A_20 = arith.constant 0 : i32
    %scan3A_21 = arith.constant 40 : i32
    %scan3A_22 = arith.addi %scan3A_20, %scan3A_21 : i32
    %scan3A_23 = arith.constant 1 : i32
    %scan3A_24 = scf.for %scan3A_33 = %scan3A_20 to %scan3A_22 step %scan3A_23 iter_args(%scan3A_34 = %scan3A_19) -> (i32)  : i32 {
      %mul3A_35 = arith.constant 16 : i32
      %mul3A_36 = arith.muli %scan3A_33, %mul3A_35 : i32
      %swap3A = arith.index_cast %mul3A_36 : i32 to index
      %swap3A_37 = tpu.vector_load %arg25[%swap3A] {strides = array<i32>} : memref<640xf32, #tpu.memory_space<vmem>>, vector<16xf32>,
      tpu.vector_store %arg25[%swap3A], %broadcast_in_dim3A_3 {strides = array<i32>} : memref<640xf32, #tpu.memory_space<vmem>>, vector<16xf32>,
      %scan3A_38 = arith.constant 0 : i32
      scf.yield %scan3A_38 : i32
    }
    %scan3A_25 = arith.constant 40 : i32
    %scan3A_26 = arith.constant 0 : i32
    %scan3A_27 = arith.constant 0 : i32
    %scan3A_28 = arith.constant 16 : i32
    %scan3A_29 = arith.addi %scan3A_27, %scan3A_28 : i32
    %scan3A_30 = arith.constant 1 : i32
    %scan3A_31 = scf.for %scan3A_33 = %scan3A_27 to %scan3A_29 step %scan3A_30 iter_args(%scan3A_34 = %scan3A_26) -> (i32)  : i32 {
      "tpu.region"() ({
        %run_scoped3A = tpu.sem_alloc : memref<!tpu.dma_semaphore, #tpu.memory_space<semaphore_mem>>
        %dma_start3A = tpu.memref_slice %arg23[%scan3A_33, %mul3A_18] : memref<16x10240xf32, #tpu.memory_space<vmem_shared>> -> memref<1x640xf32, #tpu.memory_space<vmem_shared>>
        %dma_start3A_43 = tpu.memref_squeeze %dma_start3A : memref<1x640xf32, #tpu.memory_space<vmem_shared>> -> memref<640xf32, #tpu.memory_space<vmem_shared>>
        %dma_start3A_44 = tpu.memref_slice %arg23[%scan3A_33, %mul3A_18] : memref<16x10240xf32, #tpu.memory_space<vmem_shared>> -> memref<1x640xf32, #tpu.memory_space<vmem_shared>>
        %dma_start3A_45 = tpu.memref_squeeze %dma_start3A_44 : memref<1x640xf32, #tpu.memory_space<vmem_shared>> -> memref<640xf32, #tpu.memory_space<vmem_shared>>
        tpu.enqueue_dma source(%dma_start3A_45 : memref<640xf32, #tpu.memory_space<vmem_shared>>) target(%arg24 : memref<640xf32, #tpu.memory_space<vmem>>) target_semaphore(%run_scoped3A : memref<!tpu.dma_semaphore, #tpu.memory_space<semaphore_mem>>)
        %dma_wait3A = tpu.memref_slice %arg23[%scan3A_33, %mul3A_18] : memref<16x10240xf32, #tpu.memory_space<vmem_shared>> -> memref<1x640xf32, #tpu.memory_space<vmem_shared>>
        %dma_wait3A_46 = tpu.memref_squeeze %dma_wait3A : memref<1x640xf32, #tpu.memory_space<vmem_shared>> -> memref<640xf32, #tpu.memory_space<vmem_shared>>
        %dma_wait3A_47 = tpu.memref_slice %arg23[%scan3A_33, %mul3A_18] : memref<16x10240xf32, #tpu.memory_space<vmem_shared>> -> memref<1x640xf32, #tpu.memory_space<vmem_shared>>
        %dma_wait3A_48 = tpu.memref_squeeze %dma_wait3A_47 : memref<1x640xf32, #tpu.memory_space<vmem_shared>> -> memref<640xf32, #tpu.memory_space<vmem_shared>>
        tpu.wait_dma2 semaphore(%run_scoped3A : memref<!tpu.dma_semaphore, #tpu.memory_space<semaphore_mem>>) src(%dma_wait3A_48 : memref<640xf32, #tpu.memory_space<vmem_shared>>) dst(%arg24 : memref<640xf32, #tpu.memory_space<vmem>>)
        tpu.yield
      }) : () -> ()
      %scan3A_35 = arith.constant 0 : i32
      %scan3A_36 = arith.constant 0 : i32
      %scan3A_37 = arith.constant 40 : i32
      %scan3A_38 = arith.addi %scan3A_36, %scan3A_37 : i32
      %scan3A_39 = arith.constant 1 : i32
      %scan3A_40 = scf.for %scan3A_43 = %scan3A_36 to %scan3A_38 step %scan3A_39 iter_args(%scan3A_44 = %scan3A_35) -> (i32)  : i32 {
        %mul3A_45 = arith.constant 16 : i32
        %mul3A_46 = arith.muli %scan3A_43, %mul3A_45 : i32
        %get3A = arith.index_cast %mul3A_46 : i32 to index
        %get3A_47 = tpu.vector_load %arg25[%get3A] {strides = array<i32>} : memref<640xf32, #tpu.memory_space<vmem>>, vector<16xf32>,
        %mul3A_48 = arith.constant 16 : i32
        %mul3A_49 = arith.muli %scan3A_43, %mul3A_48 : i32
        %get3A_50 = arith.index_cast %mul3A_49 : i32 to index
        %get3A_51 = tpu.vector_load %arg24[%get3A_50] {strides = array<i32>} : memref<640xf32, #tpu.memory_space<vmem>>, vector<16xf32>,
        %add3A_52 = arith.addf %get3A_47, %get3A_51 : vector<16xf32>
        %mul3A_53 = arith.constant 16 : i32
        %mul3A_54 = arith.muli %scan3A_43, %mul3A_53 : i32
        %swap3A = arith.index_cast %mul3A_54 : i32 to index
        %swap3A_55 = tpu.vector_load %arg25[%swap3A] {strides = array<i32>} : memref<640xf32, #tpu.memory_space<vmem>>, vector<16xf32>,
        tpu.vector_store %arg25[%swap3A], %add3A_52 {strides = array<i32>} : memref<640xf32, #tpu.memory_space<vmem>>, vector<16xf32>,
        %scan3A_56 = arith.constant 0 : i32
        scf.yield %scan3A_56 : i32
      }
      %scan3A_41 = arith.constant 40 : i32
      %scan3A_42 = arith.constant 0 : i32
      scf.yield %scan3A_42 : i32
    }
    %scan3A_32 = arith.constant 16 : i32
    "tpu.region"() ({
      %run_scoped3A = tpu.sem_alloc : memref<!tpu.dma_semaphore, #tpu.memory_space<semaphore_mem>>
      %dma_start3A = tpu.memref_slice %arg10[%arg0, %mul3A_18] : memref<2x10240xf32, #tpu.memory_space<hbm>> -> memref<1x640xf32, #tpu.memory_space<hbm>>
      %dma_start3A_33 = tpu.memref_squeeze %dma_start3A : memref<1x640xf32, #tpu.memory_space<hbm>> -> memref<640xf32, #tpu.memory_space<hbm>>
      %dma_start3A_34 = tpu.memref_slice %arg10[%arg0, %mul3A_18] : memref<2x10240xf32, #tpu.memory_space<hbm>> -> memref<1x640xf32, #tpu.memory_space<hbm>>
      %dma_start3A_35 = tpu.memref_squeeze %dma_start3A_34 : memref<1x640xf32, #tpu.memory_space<hbm>> -> memref<640xf32, #tpu.memory_space<hbm>>
      tpu.enqueue_dma source(%arg25 : memref<640xf32, #tpu.memory_space<vmem>>) target(%dma_start3A_35 : memref<640xf32, #tpu.memory_space<hbm>>) target_semaphore(%run_scoped3A : memref<!tpu.dma_semaphore, #tpu.memory_space<semaphore_mem>>)
      %dma_wait3A = tpu.memref_slice %arg10[%arg0, %mul3A_18] : memref<2x10240xf32, #tpu.memory_space<hbm>> -> memref<1x640xf32, #tpu.memory_space<hbm>>
      %dma_wait3A_36 = tpu.memref_squeeze %dma_wait3A : memref<1x640xf32, #tpu.memory_space<hbm>> -> memref<640xf32, #tpu.memory_space<hbm>>
      %dma_wait3A_37 = tpu.memref_slice %arg10[%arg0, %mul3A_18] : memref<2x10240xf32, #tpu.memory_space<hbm>> -> memref<1x640xf32, #tpu.memory_space<hbm>>
      %dma_wait3A_38 = tpu.memref_squeeze %dma_wait3A_37 : memref<1x640xf32, #tpu.memory_space<hbm>> -> memref<640xf32, #tpu.memory_space<hbm>>
      tpu.wait_dma2 semaphore(%run_scoped3A : memref<!tpu.dma_semaphore, #tpu.memory_space<semaphore_mem>>) src(%arg25 : memref<640xf32, #tpu.memory_space<vmem>>) dst(%dma_wait3A_38 : memref<640xf32, #tpu.memory_space<hbm>>)
      tpu.yield
    }) : () -> ()
    return
  }
}

module attributes {stable_mosaic.version = 14 : i64} {
  func.func @_g_body(%arg0: i32, %arg1: memref<400x128xf32, #tpu.memory_space<vmem>>, %arg2: memref<400x128xf32, #tpu.memory_space<vmem>>, %arg3: memref<400x128xf32, #tpu.memory_space<vmem>>, %arg4: memref<400x128xf32, #tpu.memory_space<vmem>>) attributes {dimension_semantics = [#tpu.dimension_semantics<arbitrary>], iteration_bounds = array<i64: 25>, scalar_prefetch = 0 : i64, scratch_operands = 0 : i64, tpu.core_type = #tpu.core_type<tc>, window_params = [{transform_indices = @transform_0, window_bounds = array<i64: 400, 128>}, {transform_indices = @transform_1, window_bounds = array<i64: 400, 128>}, {transform_indices = @transform_2, window_bounds = array<i64: 400, 128>}, {transform_indices = @transform_3, window_bounds = array<i64: 400, 128>}]} {
    %get3A = arith.constant 0 : index
    %get3A_0 = arith.constant 0 : index
    %get3A_1 = vector.load %arg1[%get3A, %get3A_0] : memref<400x128xf32, #tpu.memory_space<vmem>>, vector<400x128xf32>
    %get3A_2 = arith.constant 0 : index
    %get3A_3 = arith.constant 0 : index
    %get3A_4 = vector.load %arg2[%get3A_2, %get3A_3] : memref<400x128xf32, #tpu.memory_space<vmem>>, vector<400x128xf32>
    %add3A = arith.constant 1.000000e+00 : f32
    %add3A_5 = vector.broadcast %add3A : f32 to vector<400x128xf32>
    %add3A_6 = arith.addf %add3A_5, %get3A_4 : vector<400x128xf32>
    %mul3A = arith.mulf %get3A_1, %add3A_6 : vector<400x128xf32>
    %get3A_7 = arith.constant 0 : index
    %get3A_8 = arith.constant 0 : index
    %get3A_9 = vector.load %arg3[%get3A_7, %get3A_8] : memref<400x128xf32, #tpu.memory_space<vmem>>, vector<400x128xf32>
    %add3A_10 = arith.addf %mul3A, %get3A_9 : vector<400x128xf32>
    %swap3A = arith.constant 0 : index
    %swap3A_11 = arith.constant 0 : index
    %swap3A_12 = vector.load %arg4[%swap3A, %swap3A_11] : memref<400x128xf32, #tpu.memory_space<vmem>>, vector<400x128xf32>
    tpu.vector_store %arg4[%swap3A, %swap3A_11], %add3A_10 {strides = array<i32>} : memref<400x128xf32, #tpu.memory_space<vmem>>, vector<400x128xf32>,
    return
  }
  func.func @transform_0(%arg0: i32) -> (i32, i32) {
    %c0_i32 = arith.constant 0 : i32
    %c0_i32_0 = arith.constant 0 : i32
    return %arg0, %c0_i32 : i32, i32
  }
  func.func @transform_1(%arg0: i32) -> (i32, i32) {
    %c0_i32 = arith.constant 0 : i32
    %c0_i32_0 = arith.constant 0 : i32
    return %arg0, %c0_i32 : i32, i32
  }
  func.func @transform_2(%arg0: i32) -> (i32, i32) {
    %c0_i32 = arith.constant 0 : i32
    %c0_i32_0 = arith.constant 0 : i32
    return %arg0, %c0_i32 : i32, i32
  }
  func.func @transform_3(%arg0: i32) -> (i32, i32) {
    %c0_i32 = arith.constant 0 : i32
    %c0_i32_0 = arith.constant 0 : i32
    return %arg0, %c0_i32 : i32, i32
  }
}

</mosaic_0001>

<sc_bundles>
// kernel: kernel.5.cloned.1.call-start
scs
__scs_entry_jumppad:
0x0: {  	(pc) =	sbr.rel $0x88, $3  }
0x1: {  	(tag) =	ssettag $0x0;
	lr =	simm.s32 $0x1  }
0x2: {  	[smem:$0x3F9A] =	sst lr;
	_ =	strace $0xD0000000  }
0x3: {  	_ = 	snop  }
0x4: {  	_ = 	snop  }
0x5: {  	_ = 	snop  }
0x6: {  	_ = 	snop  }
0x7: {  	_ = 	snop  }
__scs_overlays_trampoline_lowered:
0x8: {  	[smem:$0x3FA9] =	sst s0  }
0x9: {  	[smem:$0x3FAA] =	sst s1  }
0xa: {  	[smem:$0x3FAB] =	sst s2  }
0xb: {  	[smem:$0x3FAC] =	sst s3  }
0xc: {  	[smem:$0x3FAD] =	sst s4  }
0xd: {  	[smem:$0x3FAE] =	sst s5  }
0xe: {  	[smem:$0x3FAF] =	sst s6  }
0xf: {  	[smem:$0x3FB0] =	sst s7  }
0x10: {  	[smem:$0x3FB1] =	sst s8  }
0x11: {  	[smem:$0x3FB2] =	sst s9;
	s0 =	simm.s32 @!p0 $0x0  }
0x12: {  	s1 =	sld [smem:$0x3F98];
	s0 =	simm.s32 @p0 $0x1  }
0x13: {  	[smem:$0x3FB3] =	sst s0;
	s0 =	simm.s32 @!p1 $0x0  }
0x14: {  	s2 =	sld [smem:$0x3F97];
	s0 =	simm.s32 @p1 $0x1  }
0x15: {  	[smem:$0x3FB4] =	sst s0;
	s0 =	simm.s32 @!p2 $0x0  }
0x16: {  	s3 =	sld [smem:$0x3FDB];
	s0 =	simm.s32 @p2 $0x1  }
0x17: {  	s4 =	simm.s32 $0x1BF5;
	[smem:$0x3FB6] =	sst s0  }
0x18: {  	s0 =	sld [smem:$0x3F99];
	_ =	swait.ge [sflag:s4], $0x0  }
0x19: {  	s7 =	sld [smem:$0x3F9A]  }
0x1a: {  	s8 =	sadd.s32 $0xFFFFE003, lr  }
0x1b: {  	s9 =	sadd.s32 $0xFFFFFEF7, lr;
	s5 =	simm.s32 $0xFFFFFFFF;
	p2 =	slt.u32 s8, $0xFFFFF086  }
0x1c: {  	p1 =	slt.u32 s9, $0xF7A;
	s5 =	simm.s32 @!p2 $0x0  }
0x1d: {  	s5 =	simm.s32 @p1 $0x1;
	p0 =	seq.s32 s7, s2  }
0x1e: {  	s7 =	smul.u32 @!p0 $0xF7A, s2;
	p2 =	seq.s32 @!p0 s5, $0x0  }
0x1f: {  	s9 =	smul.u32 $0xF7A, s1;
	s8 =	simm.s32 @!p0 $0x1BF5;
	p2 =	por !p2, p0  }
0x20: {  	[sflag:s8] =	ssyncset.s32 @!p0 $0xFFFFF086;
	s6 =	sadd.s32 @!p0 s3, s7;
	s7 =	simm.s32 @!p0 $0x108  }
0x21: {  	s3 =	sadd.s32 s3, s9;
	s6 =	sadd.s32 @!p0 $0x88, s6;
	s7 =	simm.s32 @p2 $0x1082  }
0x22: {  	[simem:s7], [sflag:s8] =	dma.local @!p0 [hbm:s6], $0xF7A  }
0x23: {  	s9 =	sor.u32 $0xD0000000, s2;
	s6 =	simm.s32 $0x108;
	_ =	swait.ge @!p0 [sflag:s8], $0x0  }
0x24: {  	s3 =	sadd.s32 $0x88, s3;
	s6 =	simm.s32 @!p1 $0x1082;
	[sflag:s4] =	ssyncset.s32 $0xFFFFF086  }
0x25: {  	[simem:s6], [sflag:s4] =	dma.local [hbm:s3], $0xF7A  }
0x26: {  	[smem:$0x3F9A] =	sst s1;
	(tag) =	ssettag s2;
	_ =	strace s9  }
0x27: {  	s1 =	sld [smem:$0x3FAA]  }
0x28: {  	s2 =	sld [smem:$0x3FAB]  }
0x29: {  	s4 =	sld [smem:$0x3FAD]  }
0x2a: {  	p0 =	seq.s32 s5, $0x0;
	s5 =	sld [smem:$0x3FAE]  }
0x2b: {  	s6 =	sld [smem:$0x3FAF]  }
0x2c: {  	s7 =	sld [smem:$0x3FB0]  }
0x2d: {  	s3 =	simm.s32 $0x108;
	s8 =	sld [smem:$0x3FB1]  }
0x2e: {  	s3 =	simm.s32 @!p0 $0x1082;
	s9 =	sld [smem:$0x3FB2]  }
0x2f: {  	lr =	sadd.s32 s0, s3;
	s0 =	sld [smem:$0x3FA9]  }
0x30: {  	s3 =	sld [smem:$0x3FAC]  }
0x31: {  	[smem:$0x3FB5] =	sst s10  }
0x32: {  	s10 =	sld [smem:$0x3FB3];
	_ =	sdelay $0x3  }
0x33: {  	p0 =	seq.s32 s10, $0x1;
	s10 =	sld [smem:$0x3FB5];
	_ =	sdelay $0x3  }
0x34: {  	[smem:$0x3FB5] =	sst s10  }
0x35: {  	s10 =	sld [smem:$0x3FB4];
	_ =	sdelay $0x3  }
0x36: {  	p1 =	seq.s32 s10, $0x1;
	s10 =	sld [smem:$0x3FB5];
	_ =	sdelay $0x3  }
0x37: {  	[smem:$0x3FB5] =	sst s10  }
0x38: {  	s10 =	sld [smem:$0x3FB6]  }
0x39: {  	_ = 	snop;
	(pc) =	sbr.ind lr, $3  }
0x3a: {  	_ = 	snop  }
0x3b: {  	_ = 	snop  }
0x3c: {  	p2 =	seq.s32 s10, $0x1;
	s10 =	sld [smem:$0x3FB5]  }
0x3d: {  	_ =	shalt  }
0x3e: {  	_ =	shalt  }
0x3f: {  	_ =	shalt  }
0x40: {  	_ =	shalt  }
0x41: {  	_ =	shalt  }
0x42: {  	_ =	shalt  }
0x43: {  	_ =	shalt  }
0x44: {  	_ =	shalt  }
0x45: {  	_ =	shalt  }
0x46: {  	_ =	shalt  }
0x47: {  	_ =	shalt  }
0x48: {  	_ =	shalt  }
0x49: {  	_ =	shalt  }
0x4a: {  	_ =	shalt  }
0x4b: {  	_ =	shalt  }
0x4c: {  	_ =	shalt  }
0x4d: {  	_ =	shalt  }
0x4e: {  	_ =	shalt  }
0x4f: {  	_ =	shalt  }
0x50: {  	_ =	shalt  }
0x51: {  	_ =	shalt  }
0x52: {  	_ =	shalt  }
0x53: {  	_ =	shalt  }
0x54: {  	_ =	shalt  }
0x55: {  	_ =	shalt  }
0x56: {  	_ =	shalt  }
0x57: {  	_ =	shalt  }
0x58: {  	_ =	shalt  }
0x59: {  	_ =	shalt  }
0x5a: {  	_ =	shalt  }
0x5b: {  	_ =	shalt  }
0x5c: {  	_ =	shalt  }
0x5d: {  	_ =	shalt  }
0x5e: {  	_ =	shalt  }
0x5f: {  	_ =	shalt  }
0x60: {  	_ =	shalt  }
0x61: {  	_ =	shalt  }
0x62: {  	_ =	shalt  }
0x63: {  	_ =	shalt  }
0x64: {  	_ =	shalt  }
0x65: {  	_ =	shalt  }
0x66: {  	_ =	shalt  }
0x67: {  	_ =	shalt  }
0x68: {  	_ =	shalt  }
0x69: {  	_ =	shalt  }
0x6a: {  	_ =	shalt  }
0x6b: {  	_ =	shalt  }
0x6c: {  	_ =	shalt  }
0x6d: {  	_ =	shalt  }
0x6e: {  	_ =	shalt  }
0x6f: {  	_ =	shalt  }
0x70: {  	_ =	shalt  }
0x71: {  	_ =	shalt  }
0x72: {  	_ =	shalt  }
0x73: {  	_ =	shalt  }
0x74: {  	_ =	shalt  }
0x75: {  	_ =	shalt  }
0x76: {  	_ =	shalt  }
0x77: {  	_ =	shalt  }
0x78: {  	_ =	shalt  }
0x79: {  	_ =	shalt  }
0x7a: {  	_ =	shalt  }
0x7b: {  	_ =	shalt  }
0x7c: {  	_ =	shalt  }
0x7d: {  	_ =	shalt  }
0x7e: {  	_ =	shalt  }
0x7f: {  	_ =	shalt  }
0x80: {  	_ =	shalt  }
0x81: {  	_ =	shalt  }
0x82: {  	_ =	shalt  }
0x83: {  	_ =	shalt  }
0x84: {  	_ =	shalt  }
0x85: {  	_ =	shalt  }
0x86: {  	_ =	shalt  }
0x87: {  	_ =	shalt  }
.Lfunc_end0:
.L_simem_size_0:
called_computation_lowered:
.L_overlay_start_0:
0x88: {  	s2 =	sld [smem:$0x3FD9]  }
0x89: {  	s3 =	sld [smem:$0x3FFE];
	_ =	sdelay $0x1  }
0x8a: {  	s1 =	srdreg.scid  }
0x8b: {  	s0 =	sand.u32 $0x1, s1  }
0x8c: {  	s17 =	sshll.u32 s0, $0xA;
	s2 =	sadd.s32 s3, s2  }
0x8d: {  	s2 =	sadd.s32 s2, s17  }
0x8e: {  	[smem:$0x3FC1] =	sst s2  }
0x8f: {  	_ = 	snop  }
0x90: {  	s2 =	sld [smem:$0x3FC9]  }
0x91: {  	s18 =	sld [smem:$0x3FC5]  }
0x92: {  	s4 =	sld [smem:$0x3FC4]  }
0x93: {  	s5 =	sld [smem:$0x3FD0];
	(tm) =	ssettm $0x1  }
0x94: {  	s6 =	sld [smem:$0x3FFB];
	_ =	sdelay $0x3  }
0x95: {  	_ =	strace s6  }
0x96: {  	s6 =	sld [smem:$0x3FFC];
	_ =	sdelay $0x3  }
0x97: {  	_ =	strace s6  }
0x98: {  	s6 =	sld [smem:$0x3FFD];
	_ =	sdelay $0x3  }
0x99: {  	_ =	strace s6  }
0x9a: {  	_ =	strace $0x8FFFFFFF  }
0x9b: {  	s19 =	sld [smem:$0x3FDB];
	_ =	sdelay $0x1  }
0x9c: {  	s7 =	simm.s32 $_scs_section_size  }
0x9d: {  	s8 =	simm.s32 $_size__tile_overlayer_lowered;
	s9 =	simm.s32 $_tile_overlayer_lowered  }
0x9e: {  	s22 =	simm.s32 $0x1BFF;
	s21 =	sshll.u32 s9, $0x1;
	s6 =	sadd.s32 s7, s19  }
0x9f: {  	s10 =	simm.s32 $0x0;
	s20 =	sshll.u32 s8, $0x1;
	s8 =	sadd.s32 s21, s6  }
0xa0: {  	[timem:s10], [sflag:s22] =	dma.local [hbm:s8], s20  }
0xa1: {  	_ =	swait.ge [sflag:s22], s20  }
0xa2: {  	s7 =	ssub.s32 $0x0, s20;
	[sflag:s22] =	ssyncset.done $0x0  }
0xa3: {  	[sflag:s22] =	ssyncadd.s32 s7;
	_ =	sdelay $0x1  }
0xa4: {  	s23 =	simm.s32 $0x1B8B  }
0xa5: {  	_ =	swait.ge [sflag:s23], $0x1  }
0xa6: {  	[sflag:s23] =	ssyncset.done $0x0  }
0xa7: {  	s25 =	simm.s32 $0x1B8E;
	s24 =	sld [smem:$0x3FFE];
	[sflag:s23] =	ssyncadd.s32 $0xFFFFFFFF  }
0xa8: {  	s26 =	simm.s32 $execute0_lowered;
	[smem:$0x3FD2] =	sst s25  }
0xa9: {  	s8 =	sshll.u32 s26, $0x1;
	_ =	strace $0x80000046;
	[dreg:$0x1] =	wrdreg $0xFFFFFFFF  }
0xaa: {  	s28 =	simm.s32 $_size_execute0_lowered;
	s6 =	sadd.s32 s6, s8;
	[dreg:$0x0] =	wrdreg $0x0  }
0xab: {  	s8 =	sshll.u32 s28, $0x1;
	[dreg:$0x2] =	wrdreg s6  }
0xac: {  	[dreg:$0x3] =	wrdreg s8  }
0xad: {  	[dreg:$0x4] =	wrdreg $0xC0  }
0xae: {  	_ =	task [dreg:s10], $0x5FFFF  }
0xaf: {  	[dreg:$0x1] =	wrdreg $0xFFFFFFFF  }
0xb0: {  	[dreg:$0x0] =	wrdreg $0x60  }
0xb1: {  	[dreg:$0x2] =	wrdreg s2  }
0xb2: {  	[dreg:$0x3] =	wrdreg s24  }
0xb3: {  	[dreg:$0x4] =	wrdreg s18  }
0xb4: {  	[dreg:$0x5] =	wrdreg s4  }
0xb5: {  	[dreg:$0x6] =	wrdreg s5  }
0xb6: {  	[dreg:$0x7] =	wrdreg $0x143800  }
0xb7: {  	[dreg:$0x8] =	wrdreg $0x9  }
0xb8: {  	_ =	task.clear_ibuf [dreg:s10], $0x9FFFF;
	_ =	strace $0x90000046  }
0xb9: {  	s29 =	simm.s32 $0x9;
	_ =	strace $0x80000048  }
0xba: {  	_ =	swait.ge [sflag:s29], $0x1  }
0xbb: {  	[sflag:s29] =	ssyncadd.s32 $0xFFFFFFFF  }
0xbc: {  	_ =	strace $0x90000048  }
0xbd: {  	_ =	sfence  }
0xbe: {  	s30 =	sld [smem:$0x0];
	_ =	sdelay $0x2  }
0xbf: {  	s31 =	sshll.u32 s1, $0xD;
	s1 =	sshrl.u32 s1, $0x2  }
0xc0: {  	s3 =	sand.u32 $0x4000, s31;
	s1 =	sadd.s32 s1, s30  }
0xc1: {  	s0 =	sor.u32 s3, s0;
	s1 =	sshll.u32 s1, $0x11  }
0xc2: {  	s0 =	sor.u32 s1, s0  }
0xc3: {  	s0 =	sadd.s32 $0x8F2B, s0  }
0xc4: {  	[sflag:s0] =	ssyncadd.remote.s32 $0x1  }
0xc5: {  	_ =	sfence.sel $0xFFFF  }
0xc6: {  	[dreg:$0x0] =	wrdreg $0xFFFFFFFF;
	(pc) =	sbr.abs _section_cstart, $3  }
0xc7: {  	[dreg:$0x1] =	wrdreg $0xFFFFFFFF  }
0xc8: {  	_ =	task.clear_ibuf [dreg:s10], $0x2FFFF;
	_ =	strace $0x9FFFFFFF  }
0xc9: {  	(tm) =	ssettm $0x7FFFFFFF  }
tec
execute0_lowered:
.L_overlay_start_1:
0x0: {  	(tag) =	ssettag $0x1  }
0x1: {  	s0 =	rddreg [dreg:$0x0]  }
0x2: {  	s2 =	rddreg [dreg:$0x1]  }
0x3: {  	s1 =	rddreg [dreg:$0x2]  }
0x4: {  	s3 =	rddreg [dreg:$0x3]  }
0x5: {  	s4 =	srdreg.scid;
	s9 =	rddreg [dreg:$0x4]  }
0x6: {  	s14 =	stileid.u32;
	s10 =	rddreg [dreg:$0x5]  }
0x7: {  	s16 =	simm.s32 $0x2;
	s28 =	simm.s32 $0x14180;
	s29 =	simm.s32 $0x11680  }
0x8: {  	s30 =	simm.s32 $0x14300;
	s31 =	simm.s32 $0x80;
	s17 =	simm.s32 $0x0  }
0x9: {  	s18 =	simm.s32 $0x0;
	s4 =	sand.u32 $0x1, s4;
	s7 =	sadd.s32 $0x1E000, s2  }
0xa: {  	s13 =	sshrl.u32 s14, $0x3;
	s23 =	smul.u32 $0x500, s14;
	s24 =	sshll.u32 s14, $0x7  }
0xb: {  	s5 =	sshll.u32 s4, $0x4;
	s12 =	ssub.s32 $0x2, s4;
	s21 =	smul.u32 $0x50000, s13  }
0xc: {  	s4 =	sshll.u32 s4, $0x7;
	s13 =	sand.u32 $0x380, s24;
	s24 =	simm.s32 $0x1  }
0xd: {  	s6 =	sor.u32 s14, s5;
	s5 =	simm.s32 $0x0;
	s14 =	smul.u32 $0x5000, s14  }
0xe: {  	s19 =	sshrl.u32 s12, $0x1;
	s4 =	sor.u32 s4, s23;
	s6 =	smul.u32 $0x2710, s6  }
0xf: {  	s23 =	simm.s32 $0xEE80;
	[smem:$0x7FF] =	sst s5;
	s4 =	sshrl.u32 s4, $0x3  }
0x10: {  	_ =	strace $0x80000047;
	s26 =	sshrl.u32 s14, $0x2;
	s8 =	sshrl.u32 s6, $0x3  }
0x11: {  	v0 =	vlaneseq.u32;
	s14 =	sadd.s32 s9, s4;
	s4 =	simm.s32 $0x400;
	s11 =	sadd.s32 s8, s2  }
0x12: {  	v0 =	vmul.u32 $0x11, v0;
	s8 =	sadd.s32 $0x45200, s2;
	s2 =	ssub.s32 s12, s19;
	s12 =	sshrl.u32 s21, $0x2  }
0x13: {  	v1 =	vimm.f32 $0.0e+00;
	s19 =	simm.s32 $0x50;
	s21 =	simm.s32 $0x9E80;
	s20 =	sadd.s32 $0x600, s11  }
0x14: {  	v2 =	vadd.s32 $0x1, v0;
	v3 =	vadd.s32 $0x2, v0;
	v4 =	vadd.s32 $0x3, v0;
	s22 =	sadd.s32 $0xA400, s11;
	s11 =	sadd.s32 $0x14200, s11;
	[dreg:$0x7] =	wrdreg s20  }
0x15: {  	v5 =	vadd.s32 $0x4, v0;
	v6 =	vadd.s32 $0x5, v0;
	v7 =	vadd.s32 $0x6, v0;
	s25 =	sadd.s32 s12, s10;
	s15 =	smax.u32 s2, $0x1;
	[dreg:$0x8] =	wrdreg s22  }
0x16: {  	v8 =	vadd.s32 $0x7, v0;
	v9 =	vadd.s32 $0x8, v0;
	v10 =	vadd.s32 $0x9, v0;
	s2 =	simm.s32 $0x16B80;
	[dreg:$0x9] =	wrdreg s11;
	s11 =	sadd.s32 s13, s25  }
0x17: {  	v11 =	vadd.s32 $0xA, v0;
	v12 =	vadd.s32 $0xB, v0;
	v13 =	vadd.s32 $0xC, v0;
	s13 =	sadd.s32 s26, s10;
	s20 =	simm.s32 $0x7680;
	s22 =	simm.s32 $0xC680  }
0x18: {  	v14 =	vadd.s32 $0xD, v0;
	v15 =	vadd.s32 $0xE, v0;
	v16 =	vadd.s32 $0xF, v0;
	s25 =	simm.s32 $0x13E80;
	s26 =	simm.s32 $0x14000;
	[dreg:$0xa] =	wrdreg s11  }
.LBB2_1:
0x19: {  	s9 =	rddreg [dreg:$0x7]  }
0x1a: {  	[tilespmem:s5], [sflag:$0x2] =	stream.linear.gather [hbm4b:s9+s5], $0x2710, $0x38;
	[tilespmem:$0x17080] =	vst v63  }
0x1b: {  	_ =	swait.ge [sflag:s16], $0x2710  }
0x1c: {  	[sflag:s16] =	ssyncset.done $0x0  }
0x1d: {  	s10 =	simm.s32 $0x2780;
	s12 =	rddreg [dreg:$0x8];
	[sflag:s16] =	ssyncadd.s32 $0xFFFFD8F0  }
0x1e: {  	[tilespmem:s10], [sflag:$0x2] =	stream.linear.gather [hbm4b:s12+s5], $0x2710, $0x38;
	[tilespmem:$0x17080] =	vst v63  }
0x1f: {  	_ =	swait.ge [sflag:s16], $0x2710  }
0x20: {  	[sflag:s16] =	ssyncset.done $0x0  }
0x21: {  	s12 =	simm.s32 $0x4F00;
	s11 =	rddreg [dreg:$0x9];
	[sflag:s16] =	ssyncadd.s32 $0xFFFFD8F0  }
0x22: {  	[tilespmem:s12], [sflag:$0x2] =	stream.linear.gather [hbm4b:s11+s5], $0x2710, $0x38;
	[tilespmem:$0x17080] =	vst v63  }
0x23: {  	_ =	swait.ge [sflag:s16], $0x2710  }
0x24: {  	[sflag:s16] =	ssyncset.done $0x0  }
0x25: {  	s9 =	simm.s32 $0x40;
	s10 =	simm.s32 $0x0;
	[sflag:s16] =	ssyncadd.s32 $0xFFFFD8F0  }
.LBB2_2:
0x26: {  	p0 =	sne.s32 s9, $0x9FC0;
	[tilespmem:s10+$0x11680] =	vst v1;
	s10 =	smov.u32 s9;
	s9 =	sadd.s32 $0x40, s9  }
.Ltmp0:
0x27: {  	(pc) =	sbr.rel @p0 .LBB2_2-.Ltmp0, $2  }
0x28: {  	_ =	sdelay $0x2  }
0x29: {  	s10 =	sshra.s32 s10, $0x2  }
0x2a: {  	[tilespmem:s10+$0x11680] =	vst v1;
	s9 =	simm.s32 $0x0  }
.LBB2_4:
0x2b: {  	s11 =	smul.u32 $0x50, s9;
	_ =	sdelay $0x1  }
0x2c: {  	[tilespmem:s20], [sflag:$0x1] =	stream.indirect.gather [hbm4b:s0+s19], $0x80, s11, s19, $0xb8;
	[tilespmem:$0x17080] =	vst v63  }
0x2d: {  	_ = 	snop  }
0x2e: {  	[tilespmem:s21], [sflag:$0x1] =	stream.indirect.gather [hbm4b:s7+s19], $0x80, s11, s19, $0xb8;
	[tilespmem:$0x17080] =	vst v63  }
0x2f: {  	s10 =	sadd.s32 $0x2780, s11  }
0x30: {  	[tilespmem:s22], [sflag:$0x1] =	stream.indirect.gather [hbm4b:s1+s19], $0x80, s10, s19, $0xb8;
	[tilespmem:$0x17080] =	vst v63  }
0x31: {  	s10 =	sadd.s32 s6, s11  }
0x32: {  	s12 =	sshll.u32 s10, $0x4  }
0x33: {  	s12 =	sadd.s32 s3, s12  }
0x34: {  	[tilespmem:s23], [sflag:$0x1] =	stream.linear.gather [hbm4b:s12+s18], $0x2800, $0x38;
	[tilespmem:$0x17080] =	vst v63  }
0x35: {  	_ =	swait.ge [sflag:s24], $0x2800  }
0x36: {  	[sflag:s24] =	ssyncset.done $0x0  }
0x37: {  	[sflag:s24] =	ssyncadd.s32 $0xFFFFD800  }
0x38: {  	_ =	swait.ge [sflag:s24], $0x2800  }
0x39: {  	[sflag:s24] =	ssyncset.done $0x0  }
0x3a: {  	[sflag:s24] =	ssyncadd.s32 $0xFFFFD800  }
0x3b: {  	_ =	swait.ge [sflag:s24], $0x2800  }
0x3c: {  	[sflag:s24] =	ssyncset.done $0x0  }
0x3d: {  	[sflag:s24] =	ssyncadd.s32 $0xFFFFD800  }
0x3e: {  	_ =	swait.ge [sflag:s24], $0x2800  }
0x3f: {  	[sflag:s24] =	ssyncset.done $0x0  }
0x40: {  	v17 =	vmov s11;
	s11 =	simm.s32 $0x0;
	[sflag:s24] =	ssyncadd.s32 $0xFFFFD800  }
.LBB2_5:
0x41: {  	s12 =	sshll.u32 s11, $0xB  }
0x42: {  	v18 =	vld [tilespmem:s12+$0x7680]  }
0x43: {  	v19 =	vld [tilespmem:s12+$0xEE80]  }
0x44: {  	v20 =	vld [tilespmem:s12+$0xC680]  }
0x45: {  	v21 =	vld [tilespmem:s12+$0x9E80]  }
0x46: {  	v22 =	vld [tilespmem:s12+$0x7690]  }
0x47: {  	v23 =	vld [tilespmem:s12+$0xEE90]  }
0x48: {  	v24 =	vld [tilespmem:s12+$0xC690]  }
0x49: {  	v25 =	vld [tilespmem:s12+$0x9E90]  }
0x4a: {  	v26 =	vld [tilespmem:s12+$0x76A0]  }
0x4b: {  	v27 =	vld [tilespmem:s12+$0xEEA0]  }
0x4c: {  	v28 =	vld [tilespmem:s12+$0xC6A0]  }
0x4d: {  	v29 =	vld [tilespmem:s12+$0x9EA0]  }
0x4e: {  	v30 =	vld [tilespmem:s12+$0x76B0]  }
0x4f: {  	v31 =	vld [tilespmem:s12+$0xEEB0]  }
0x50: {  	v32 =	vld [tilespmem:s12+$0xC6B0]  }
0x51: {  	v33 =	vld [tilespmem:s12+$0x9EB0]  }
0x52: {  	v34 =	vld [tilespmem:s12+$0x76C0]  }
0x53: {  	v35 =	vld [tilespmem:s12+$0xEEC0]  }
0x54: {  	v36 =	vld [tilespmem:s12+$0xC6C0]  }
0x55: {  	v37 =	vld [tilespmem:s12+$0x9EC0]  }
0x56: {  	v38 =	vld [tilespmem:s12+$0x76D0]  }
0x57: {  	v39 =	vld [tilespmem:s12+$0xEED0]  }
0x58: {  	v40 =	vld [tilespmem:s12+$0xC6D0]  }
0x59: {  	v56 =	vld [tilespmem:s12+$0x9ED0];
	v18 =	vmul.f32 v19, v18;
	v19 =	vmul.f32 v23, v22  }
0x5a: {  	v58 =	vld [tilespmem:s12+$0x76E0];
	v21 =	vmul.f32 v21, v20;
	v57 =	vmul.f32 v25, v24;
	v20 =	vadd.f32 v24, v20  }
0x5b: {  	v59 =	vld [tilespmem:s12+$0xEEE0];
	v18 =	vadd.f32 v19, v18;
	v19 =	vmul.f32 v27, v26  }
0x5c: {  	v61 =	vld [tilespmem:s12+$0xC6E0];
	v60 =	vmul.f32 v29, v28;
	v21 =	vadd.f32 v57, v21;
	v20 =	vadd.f32 v28, v20  }
0x5d: {  	v62 =	vld [tilespmem:s12+$0x9EE0];
	v18 =	vadd.f32 v19, v18;
	v19 =	vmul.f32 v31, v30  }
0x5e: {  	v42 =	vld [tilespmem:s12+$0xC6F0];
	v63 =	vmul.f32 v33, v32;
	v21 =	vadd.f32 v60, v21;
	v20 =	vadd.f32 v32, v20  }
0x5f: {  	v33 =	vld [tilespmem:s12+$0x76F0];
	v18 =	vadd.f32 v19, v18;
	v19 =	vmul.f32 v35, v34  }
0x60: {  	v41 =	vmul.f32 v37, v36;
	v35 =	vld [tilespmem:s12+$0xEEF0];
	v21 =	vadd.f32 v63, v21;
	v20 =	vadd.f32 v36, v20  }
0x61: {  	v43 =	vld [tilespmem:s12+$0x9EF0];
	v18 =	vadd.f32 v19, v18;
	v19 =	vmul.f32 v39, v38  }
0x62: {  	v22 =	vmul.f32 v56, v40;
	v21 =	vadd.f32 v41, v21;
	v20 =	vadd.f32 v40, v20  }
0x63: {  	v18 =	vadd.f32 v19, v18;
	v19 =	vmul.f32 v59, v58  }
0x64: {  	v44 =	vmul.f32 v62, v61;
	v21 =	vadd.f32 v22, v21;
	v20 =	vadd.f32 v61, v20  }
0x65: {  	v18 =	vadd.f32 v19, v18;
	v19 =	vmul.f32 v35, v33  }
0x66: {  	v45 =	vmul.f32 v43, v42;
	v21 =	vadd.f32 v44, v21;
	v20 =	vadd.f32 v42, v20  }
0x67: {  	v18 =	vadd.f32 v19, v18  }
0x68: {  	v19 =	vadd.f32 v45, v21;
	[tilespmem:$0x14180] =	vst v20  }
0x69: {  	[tilespmem:$0x13E80] =	vst v18  }
0x6a: {  	[tilespmem:$0x14000] =	vst v19  }
0x6b: {  	v18 =	vld [tilespmem:s12+$0x7700]  }
0x6c: {  	v19 =	vld [tilespmem:s12+$0xEF00]  }
0x6d: {  	v20 =	vld [tilespmem:s12+$0xC700]  }
0x6e: {  	v46 =	vld [tilespmem:s12+$0x9F00]  }
0x6f: {  	v47 =	vld [tilespmem:s12+$0x7710]  }
0x70: {  	v48 =	vld [tilespmem:s12+$0xEF10]  }
0x71: {  	v24 =	vld [tilespmem:s12+$0xC710]  }
0x72: {  	v49 =	vld [tilespmem:s12+$0x9F10]  }
0x73: {  	v50 =	vld [tilespmem:s12+$0x7720]  }
0x74: {  	v51 =	vld [tilespmem:s12+$0xEF20]  }
0x75: {  	v28 =	vld [tilespmem:s12+$0xC720]  }
0x76: {  	v52 =	vld [tilespmem:s12+$0x9F20]  }
0x77: {  	v53 =	vld [tilespmem:s12+$0x7730]  }
0x78: {  	v54 =	vld [tilespmem:s12+$0xEF30]  }
0x79: {  	v55 =	vld [tilespmem:s12+$0xC730]  }
0x7a: {  	v56 =	vld [tilespmem:s12+$0x9F30]  }
0x7b: {  	v57 =	vld [tilespmem:s12+$0x7740]  }
0x7c: {  	v58 =	vld [tilespmem:s12+$0xEF40]  }
0x7d: {  	v59 =	vld [tilespmem:s12+$0xC740]  }
0x7e: {  	v60 =	vld [tilespmem:s12+$0x9F40]  }
0x7f: {  	v61 =	vld [tilespmem:s12+$0x7750]  }
0x80: {  	v62 =	vld [tilespmem:s12+$0xEF50]  }
0x81: {  	v63 =	vld [tilespmem:s12+$0xC750]  }
0x82: {  	v43 =	vld [tilespmem:s12+$0x9F50];
	v18 =	vmul.f32 v19, v18;
	v19 =	vmul.f32 v48, v47  }
0x83: {  	v45 =	vld [tilespmem:s12+$0x7760];
	v21 =	vmul.f32 v46, v20;
	v44 =	vmul.f32 v49, v24;
	v20 =	vadd.f32 v24, v20  }
0x84: {  	v46 =	vld [tilespmem:s12+$0xEF60];
	v18 =	vadd.f32 v19, v18;
	v19 =	vmul.f32 v51, v50  }
0x85: {  	v47 =	vmul.f32 v52, v28;
	v48 =	vld [tilespmem:s12+$0xC760];
	v21 =	vadd.f32 v44, v21;
	v20 =	vadd.f32 v28, v20  }
0x86: {  	v49 =	vld [tilespmem:s12+$0x9F60];
	v18 =	vadd.f32 v19, v18;
	v19 =	vmul.f32 v54, v53  }
0x87: {  	v52 =	vld [tilespmem:s12+$0xEF70];
	v50 =	vmul.f32 v56, v55;
	v21 =	vadd.f32 v47, v21;
	v20 =	vadd.f32 v55, v20  }
0x88: {  	v51 =	vld [tilespmem:s12+$0x7770];
	v18 =	vadd.f32 v19, v18;
	v19 =	vmul.f32 v58, v57  }
0x89: {  	v53 =	vmul.f32 v60, v59;
	v54 =	vld [tilespmem:s12+$0xC770];
	v21 =	vadd.f32 v50, v21;
	v20 =	vadd.f32 v59, v20  }
0x8a: {  	v55 =	vld [tilespmem:s12+$0x9F70];
	v18 =	vadd.f32 v19, v18;
	v19 =	vmul.f32 v62, v61  }
0x8b: {  	v22 =	vmul.f32 v43, v63;
	v21 =	vadd.f32 v53, v21;
	v20 =	vadd.f32 v63, v20  }
0x8c: {  	v18 =	vadd.f32 v19, v18;
	v19 =	vmul.f32 v46, v45  }
0x8d: {  	v56 =	vmul.f32 v49, v48;
	v21 =	vadd.f32 v22, v21;
	v20 =	vadd.f32 v48, v20  }
0x8e: {  	v18 =	vadd.f32 v19, v18;
	v19 =	vmul.f32 v52, v51  }
0x8f: {  	v57 =	vmul.f32 v55, v54;
	v21 =	vadd.f32 v56, v21;
	v20 =	vadd.f32 v54, v20  }
0x90: {  	v18 =	vadd.f32 v19, v18  }
0x91: {  	v19 =	vadd.f32 v57, v21;
	[tilespmem:$0x14191] =	vst v20  }
0x92: {  	[tilespmem:$0x13E91] =	vst v18  }
0x93: {  	[tilespmem:$0x14011] =	vst v19  }
0x94: {  	v18 =	vld [tilespmem:s12+$0x7780]  }
0x95: {  	v19 =	vld [tilespmem:s12+$0xEF80]  }
0x96: {  	v20 =	vld [tilespmem:s12+$0xC780]  }
0x97: {  	v58 =	vld [tilespmem:s12+$0x9F80]  }
0x98: {  	v59 =	vld [tilespmem:s12+$0x7790]  }
0x99: {  	v60 =	vld [tilespmem:s12+$0xEF90]  }
0x9a: {  	v24 =	vld [tilespmem:s12+$0xC790]  }
0x9b: {  	v61 =	vld [tilespmem:s12+$0x9F90]  }
0x9c: {  	v62 =	vld [tilespmem:s12+$0x77A0]  }
0x9d: {  	v63 =	vld [tilespmem:s12+$0xEFA0]  }
0x9e: {  	v28 =	vld [tilespmem:s12+$0xC7A0]  }
0x9f: {  	v44 =	vld [tilespmem:s12+$0x9FA0]  }
0xa0: {  	v45 =	vld [tilespmem:s12+$0x77B0]  }
0xa1: {  	v46 =	vld [tilespmem:s12+$0xEFB0]  }
0xa2: {  	v47 =	vld [tilespmem:s12+$0xC7B0]  }
0xa3: {  	v48 =	vld [tilespmem:s12+$0x9FB0]  }
0xa4: {  	v49 =	vld [tilespmem:s12+$0x77C0]  }
0xa5: {  	v50 =	vld [tilespmem:s12+$0xEFC0]  }
0xa6: {  	v51 =	vld [tilespmem:s12+$0xC7C0]  }
0xa7: {  	v52 =	vld [tilespmem:s12+$0x9FC0]  }
0xa8: {  	v53 =	vld [tilespmem:s12+$0x77D0]  }
0xa9: {  	v54 =	vld [tilespmem:s12+$0xEFD0]  }
0xaa: {  	v55 =	vld [tilespmem:s12+$0xC7D0]  }
0xab: {  	v56 =	vld [tilespmem:s12+$0x9FD0];
	v18 =	vmul.f32 v19, v18;
	v19 =	vmul.f32 v60, v59  }
0xac: {  	v33 =	vld [tilespmem:s12+$0x77F0];
	v21 =	vmul.f32 v58, v20;
	v57 =	vmul.f32 v61, v24;
	v20 =	vadd.f32 v24, v20  }
0xad: {  	v35 =	vld [tilespmem:s12+$0xEFF0];
	v18 =	vadd.f32 v19, v18;
	v19 =	vmul.f32 v63, v62  }
0xae: {  	v58 =	vld [tilespmem:s12+$0x77E0];
	v60 =	vmul.f32 v44, v28;
	v21 =	vadd.f32 v57, v21;
	v20 =	vadd.f32 v28, v20  }
0xaf: {  	v59 =	vld [tilespmem:s12+$0xEFE0];
	v18 =	vadd.f32 v19, v18;
	v19 =	vmul.f32 v46, v45  }
0xb0: {  	v61 =	vld [tilespmem:s12+$0xC7E0];
	v63 =	vmul.f32 v48, v47;
	v21 =	vadd.f32 v60, v21;
	v20 =	vadd.f32 v47, v20  }
0xb1: {  	v62 =	vld [tilespmem:s12+$0x9FE0];
	v18 =	vadd.f32 v19, v18;
	v19 =	vmul.f32 v50, v49  }
0xb2: {  	v42 =	vld [tilespmem:s12+$0xC7F0];
	v41 =	vmul.f32 v52, v51;
	v21 =	vadd.f32 v63, v21;
	v20 =	vadd.f32 v51, v20  }
0xb3: {  	v43 =	vld [tilespmem:s12+$0x9FF0];
	v18 =	vadd.f32 v19, v18;
	v19 =	vmul.f32 v54, v53  }
0xb4: {  	v22 =	vmul.f32 v56, v55;
	v21 =	vadd.f32 v41, v21;
	v20 =	vadd.f32 v55, v20  }
0xb5: {  	v18 =	vadd.f32 v19, v18;
	v19 =	vmul.f32 v59, v58  }
0xb6: {  	v44 =	vmul.f32 v62, v61;
	v21 =	vadd.f32 v22, v21;
	v20 =	vadd.f32 v61, v20  }
0xb7: {  	v18 =	vadd.f32 v19, v18;
	v19 =	vmul.f32 v35, v33  }
0xb8: {  	v45 =	vmul.f32 v43, v42;
	v21 =	vadd.f32 v44, v21;
	v20 =	vadd.f32 v42, v20  }
0xb9: {  	v18 =	vadd.f32 v19, v18  }
0xba: {  	v19 =	vadd.f32 v45, v21;
	[tilespmem:$0x141A2] =	vst v20  }
0xbb: {  	[tilespmem:$0x13EA2] =	vst v18  }
0xbc: {  	[tilespmem:$0x14022] =	vst v19  }
0xbd: {  	v18 =	vld [tilespmem:s12+$0x7800]  }
0xbe: {  	v19 =	vld [tilespmem:s12+$0xF000]  }
0xbf: {  	v20 =	vld [tilespmem:s12+$0xC800]  }
0xc0: {  	v46 =	vld [tilespmem:s12+$0xA000]  }
0xc1: {  	v47 =	vld [tilespmem:s12+$0x7810]  }
0xc2: {  	v48 =	vld [tilespmem:s12+$0xF010]  }
0xc3: {  	v24 =	vld [tilespmem:s12+$0xC810]  }
0xc4: {  	v49 =	vld [tilespmem:s12+$0xA010]  }
0xc5: {  	v50 =	vld [tilespmem:s12+$0x7820]  }
0xc6: {  	v51 =	vld [tilespmem:s12+$0xF020]  }
0xc7: {  	v28 =	vld [tilespmem:s12+$0xC820]  }
0xc8: {  	v52 =	vld [tilespmem:s12+$0xA020]  }
0xc9: {  	v53 =	vld [tilespmem:s12+$0x7830]  }
0xca: {  	v54 =	vld [tilespmem:s12+$0xF030]  }
0xcb: {  	v55 =	vld [tilespmem:s12+$0xC830]  }
0xcc: {  	v56 =	vld [tilespmem:s12+$0xA030]  }
0xcd: {  	v57 =	vld [tilespmem:s12+$0x7840]  }
0xce: {  	v58 =	vld [tilespmem:s12+$0xF040]  }
0xcf: {  	v59 =	vld [tilespmem:s12+$0xC840]  }
0xd0: {  	v60 =	vld [tilespmem:s12+$0xA040]  }
0xd1: {  	v61 =	vld [tilespmem:s12+$0x7850]  }
0xd2: {  	v62 =	vld [tilespmem:s12+$0xF050]  }
0xd3: {  	v63 =	vld [tilespmem:s12+$0xC850]  }
0xd4: {  	v43 =	vld [tilespmem:s12+$0xA050];
	v18 =	vmul.f32 v19, v18;
	v19 =	vmul.f32 v48, v47  }
0xd5: {  	v45 =	vld [tilespmem:s12+$0x7860];
	v21 =	vmul.f32 v46, v20;
	v44 =	vmul.f32 v49, v24;
	v20 =	vadd.f32 v24, v20  }
0xd6: {  	v46 =	vld [tilespmem:s12+$0xF060];
	v18 =	vadd.f32 v19, v18;
	v19 =	vmul.f32 v51, v50  }
0xd7: {  	v47 =	vmul.f32 v52, v28;
	v48 =	vld [tilespmem:s12+$0xC860];
	v21 =	vadd.f32 v44, v21;
	v20 =	vadd.f32 v28, v20  }
0xd8: {  	v49 =	vld [tilespmem:s12+$0xA060];
	v18 =	vadd.f32 v19, v18;
	v19 =	vmul.f32 v54, v53  }
0xd9: {  	v52 =	vld [tilespmem:s12+$0xF070];
	v50 =	vmul.f32 v56, v55;
	v21 =	vadd.f32 v47, v21;
	v20 =	vadd.f32 v55, v20  }
0xda: {  	v51 =	vld [tilespmem:s12+$0x7870];
	v18 =	vadd.f32 v19, v18;
	v19 =	vmul.f32 v58, v57  }
0xdb: {  	v53 =	vmul.f32 v60, v59;
	v54 =	vld [tilespmem:s12+$0xC870];
	v21 =	vadd.f32 v50, v21;
	v20 =	vadd.f32 v59, v20  }
0xdc: {  	v55 =	vld [tilespmem:s12+$0xA070];
	v18 =	vadd.f32 v19, v18;
	v19 =	vmul.f32 v62, v61  }
0xdd: {  	v22 =	vmul.f32 v43, v63;
	v21 =	vadd.f32 v53, v21;
	v20 =	vadd.f32 v63, v20  }
0xde: {  	v18 =	vadd.f32 v19, v18;
	v19 =	vmul.f32 v46, v45  }
0xdf: {  	v56 =	vmul.f32 v49, v48;
	v21 =	vadd.f32 v22, v21;
	v20 =	vadd.f32 v48, v20  }
0xe0: {  	v18 =	vadd.f32 v19, v18;
	v19 =	vmul.f32 v52, v51  }
0xe1: {  	v57 =	vmul.f32 v55, v54;
	v21 =	vadd.f32 v56, v21;
	v20 =	vadd.f32 v54, v20  }
0xe2: {  	v18 =	vadd.f32 v19, v18  }
0xe3: {  	v19 =	vadd.f32 v57, v21;
	[tilespmem:$0x141B3] =	vst v20  }
0xe4: {  	[tilespmem:$0x13EB3] =	vst v18  }
0xe5: {  	[tilespmem:$0x14033] =	vst v19  }
0xe6: {  	v18 =	vld [tilespmem:s12+$0x7880]  }
0xe7: {  	v19 =	vld [tilespmem:s12+$0xF080]  }
0xe8: {  	v20 =	vld [tilespmem:s12+$0xC880]  }
0xe9: {  	v58 =	vld [tilespmem:s12+$0xA080]  }
0xea: {  	v59 =	vld [tilespmem:s12+$0x7890]  }
0xeb: {  	v60 =	vld [tilespmem:s12+$0xF090]  }
0xec: {  	v24 =	vld [tilespmem:s12+$0xC890]  }
0xed: {  	v61 =	vld [tilespmem:s12+$0xA090]  }
0xee: {  	v62 =	vld [tilespmem:s12+$0x78A0]  }
0xef: {  	v63 =	vld [tilespmem:s12+$0xF0A0]  }
0xf0: {  	v28 =	vld [tilespmem:s12+$0xC8A0]  }
0xf1: {  	v44 =	vld [tilespmem:s12+$0xA0A0]  }
0xf2: {  	v45 =	vld [tilespmem:s12+$0x78B0]  }
0xf3: {  	v46 =	vld [tilespmem:s12+$0xF0B0]  }
0xf4: {  	v47 =	vld [tilespmem:s12+$0xC8B0]  }
0xf5: {  	v48 =	vld [tilespmem:s12+$0xA0B0]  }
0xf6: {  	v49 =	vld [tilespmem:s12+$0x78C0]  }
0xf7: {  	v50 =	vld [tilespmem:s12+$0xF0C0]  }
0xf8: {  	v51 =	vld [tilespmem:s12+$0xC8C0]  }
0xf9: {  	v52 =	vld [tilespmem:s12+$0xA0C0]  }
0xfa: {  	v53 =	vld [tilespmem:s12+$0x78D0]  }
0xfb: {  	v54 =	vld [tilespmem:s12+$0xF0D0]  }
0xfc: {  	v55 =	vld [tilespmem:s12+$0xC8D0]  }
0xfd: {  	v56 =	vld [tilespmem:s12+$0xA0D0];
	v18 =	vmul.f32 v19, v18;
	v19 =	vmul.f32 v60, v59  }
0xfe: {  	v33 =	vld [tilespmem:s12+$0x78F0];
	v21 =	vmul.f32 v58, v20;
	v57 =	vmul.f32 v61, v24;
	v20 =	vadd.f32 v24, v20  }
0xff: {  	v35 =	vld [tilespmem:s12+$0xF0F0];
	v18 =	vadd.f32 v19, v18;
	v19 =	vmul.f32 v63, v62  }
0x100: {  	v58 =	vld [tilespmem:s12+$0x78E0];
	v60 =	vmul.f32 v44, v28;
	v21 =	vadd.f32 v57, v21;
	v20 =	vadd.f32 v28, v20  }
0x101: {  	v59 =	vld [tilespmem:s12+$0xF0E0];
	v18 =	vadd.f32 v19, v18;
	v19 =	vmul.f32 v46, v45  }
0x102: {  	v61 =	vld [tilespmem:s12+$0xC8E0];
	v63 =	vmul.f32 v48, v47;
	v21 =	vadd.f32 v60, v21;
	v20 =	vadd.f32 v47, v20  }
0x103: {  	v62 =	vld [tilespmem:s12+$0xA0E0];
	v18 =	vadd.f32 v19, v18;
	v19 =	vmul.f32 v50, v49  }
0x104: {  	v42 =	vld [tilespmem:s12+$0xC8F0];
	v41 =	vmul.f32 v52, v51;
	v21 =	vadd.f32 v63, v21;
	v20 =	vadd.f32 v51, v20  }
0x105: {  	v43 =	vld [tilespmem:s12+$0xA0F0];
	v18 =	vadd.f32 v19, v18;
	v19 =	vmul.f32 v54, v53  }
0x106: {  	v22 =	vmul.f32 v56, v55;
	v21 =	vadd.f32 v41, v21;
	v20 =	vadd.f32 v55, v20  }
0x107: {  	v18 =	vadd.f32 v19, v18;
	v19 =	vmul.f32 v59, v58  }
0x108: {  	v44 =	vmul.f32 v62, v61;
	v21 =	vadd.f32 v22, v21;
	v20 =	vadd.f32 v61, v20  }
0x109: {  	v18 =	vadd.f32 v19, v18;
	v19 =	vmul.f32 v35, v33  }
0x10a: {  	v45 =	vmul.f32 v43, v42;
	v21 =	vadd.f32 v44, v21;
	v20 =	vadd.f32 v42, v20  }
0x10b: {  	v18 =	vadd.f32 v19, v18  }
0x10c: {  	v19 =	vadd.f32 v45, v21;
	[tilespmem:$0x141C4] =	vst v20  }
0x10d: {  	[tilespmem:$0x13EC4] =	vst v18  }
0x10e: {  	[tilespmem:$0x14044] =	vst v19  }
0x10f: {  	v18 =	vld [tilespmem:s12+$0x7900]  }
0x110: {  	v19 =	vld [tilespmem:s12+$0xF100]  }
0x111: {  	v20 =	vld [tilespmem:s12+$0xC900]  }
0x112: {  	v46 =	vld [tilespmem:s12+$0xA100]  }
0x113: {  	v47 =	vld [tilespmem:s12+$0x7910]  }
0x114: {  	v48 =	vld [tilespmem:s12+$0xF110]  }
0x115: {  	v24 =	vld [tilespmem:s12+$0xC910]  }
0x116: {  	v49 =	vld [tilespmem:s12+$0xA110]  }
0x117: {  	v50 =	vld [tilespmem:s12+$0x7920]  }
0x118: {  	v51 =	vld [tilespmem:s12+$0xF120]  }
0x119: {  	v28 =	vld [tilespmem:s12+$0xC920]  }
0x11a: {  	v52 =	vld [tilespmem:s12+$0xA120]  }
0x11b: {  	v53 =	vld [tilespmem:s12+$0x7930]  }
0x11c: {  	v54 =	vld [tilespmem:s12+$0xF130]  }
0x11d: {  	v55 =	vld [tilespmem:s12+$0xC930]  }
0x11e: {  	v56 =	vld [tilespmem:s12+$0xA130]  }
0x11f: {  	v57 =	vld [tilespmem:s12+$0x7940]  }
0x120: {  	v58 =	vld [tilespmem:s12+$0xF140]  }
0x121: {  	v59 =	vld [tilespmem:s12+$0xC940]  }
0x122: {  	v60 =	vld [tilespmem:s12+$0xA140]  }
0x123: {  	v61 =	vld [tilespmem:s12+$0x7950]  }
0x124: {  	v62 =	vld [tilespmem:s12+$0xF150]  }
0x125: {  	v63 =	vld [tilespmem:s12+$0xC950]  }
0x126: {  	v43 =	vld [tilespmem:s12+$0xA150];
	v18 =	vmul.f32 v19, v18;
	v19 =	vmul.f32 v48, v47  }
0x127: {  	v45 =	vld [tilespmem:s12+$0x7960];
	v21 =	vmul.f32 v46, v20;
	v44 =	vmul.f32 v49, v24;
	v20 =	vadd.f32 v24, v20  }
0x128: {  	v46 =	vld [tilespmem:s12+$0xF160];
	v18 =	vadd.f32 v19, v18;
	v19 =	vmul.f32 v51, v50  }
0x129: {  	v47 =	vmul.f32 v52, v28;
	v48 =	vld [tilespmem:s12+$0xC960];
	v21 =	vadd.f32 v44, v21;
	v20 =	vadd.f32 v28, v20  }
0x12a: {  	v49 =	vld [tilespmem:s12+$0xA160];
	v18 =	vadd.f32 v19, v18;
	v19 =	vmul.f32 v54, v53  }
0x12b: {  	v52 =	vld [tilespmem:s12+$0xF170];
	v50 =	vmul.f32 v56, v55;
	v21 =	vadd.f32 v47, v21;
	v20 =	vadd.f32 v55, v20  }
0x12c: {  	v51 =	vld [tilespmem:s12+$0x7970];
	v18 =	vadd.f32 v19, v18;
	v19 =	vmul.f32 v58, v57  }
0x12d: {  	v53 =	vmul.f32 v60, v59;
	v54 =	vld [tilespmem:s12+$0xC970];
	v21 =	vadd.f32 v50, v21;
	v20 =	vadd.f32 v59, v20  }
0x12e: {  	v55 =	vld [tilespmem:s12+$0xA170];
	v18 =	vadd.f32 v19, v18;
	v19 =	vmul.f32 v62, v61  }
0x12f: {  	v22 =	vmul.f32 v43, v63;
	v21 =	vadd.f32 v53, v21;
	v20 =	vadd.f32 v63, v20  }
0x130: {  	v18 =	vadd.f32 v19, v18;
	v19 =	vmul.f32 v46, v45  }
0x131: {  	v56 =	vmul.f32 v49, v48;
	v21 =	vadd.f32 v22, v21;
	v20 =	vadd.f32 v48, v20  }
0x132: {  	v18 =	vadd.f32 v19, v18;
	v19 =	vmul.f32 v52, v51  }
0x133: {  	v57 =	vmul.f32 v55, v54;
	v21 =	vadd.f32 v56, v21;
	v20 =	vadd.f32 v54, v20  }
0x134: {  	v18 =	vadd.f32 v19, v18  }
0x135: {  	v19 =	vadd.f32 v57, v21;
	[tilespmem:$0x141D5] =	vst v20  }
0x136: {  	[tilespmem:$0x13ED5] =	vst v18  }
0x137: {  	[tilespmem:$0x14055] =	vst v19  }
0x138: {  	v18 =	vld [tilespmem:s12+$0x7980]  }
0x139: {  	v19 =	vld [tilespmem:s12+$0xF180]  }
0x13a: {  	v20 =	vld [tilespmem:s12+$0xC980]  }
0x13b: {  	v58 =	vld [tilespmem:s12+$0xA180]  }
0x13c: {  	v59 =	vld [tilespmem:s12+$0x7990]  }
0x13d: {  	v60 =	vld [tilespmem:s12+$0xF190]  }
0x13e: {  	v24 =	vld [tilespmem:s12+$0xC990]  }
0x13f: {  	v61 =	vld [tilespmem:s12+$0xA190]  }
0x140: {  	v62 =	vld [tilespmem:s12+$0x79A0]  }
0x141: {  	v63 =	vld [tilespmem:s12+$0xF1A0]  }
0x142: {  	v28 =	vld [tilespmem:s12+$0xC9A0]  }
0x143: {  	v44 =	vld [tilespmem:s12+$0xA1A0]  }
0x144: {  	v45 =	vld [tilespmem:s12+$0x79B0]  }
0x145: {  	v46 =	vld [tilespmem:s12+$0xF1B0]  }
0x146: {  	v47 =	vld [tilespmem:s12+$0xC9B0]  }
0x147: {  	v48 =	vld [tilespmem:s12+$0xA1B0]  }
0x148: {  	v49 =	vld [tilespmem:s12+$0x79C0]  }
0x149: {  	v50 =	vld [tilespmem:s12+$0xF1C0]  }
0x14a: {  	v51 =	vld [tilespmem:s12+$0xC9C0]  }
0x14b: {  	v52 =	vld [tilespmem:s12+$0xA1C0]  }
0x14c: {  	v53 =	vld [tilespmem:s12+$0x79D0]  }
0x14d: {  	v54 =	vld [tilespmem:s12+$0xF1D0]  }
0x14e: {  	v55 =	vld [tilespmem:s12+$0xC9D0]  }
0x14f: {  	v56 =	vld [tilespmem:s12+$0xA1D0];
	v18 =	vmul.f32 v19, v18;
	v19 =	vmul.f32 v60, v59  }
0x150: {  	v33 =	vld [tilespmem:s12+$0x79F0];
	v21 =	vmul.f32 v58, v20;
	v57 =	vmul.f32 v61, v24;
	v20 =	vadd.f32 v24, v20  }
0x151: {  	v35 =	vld [tilespmem:s12+$0xF1F0];
	v18 =	vadd.f32 v19, v18;
	v19 =	vmul.f32 v63, v62  }
0x152: {  	v58 =	vld [tilespmem:s12+$0x79E0];
	v60 =	vmul.f32 v44, v28;
	v21 =	vadd.f32 v57, v21;
	v20 =	vadd.f32 v28, v20  }
0x153: {  	v59 =	vld [tilespmem:s12+$0xF1E0];
	v18 =	vadd.f32 v19, v18;
	v19 =	vmul.f32 v46, v45  }
0x154: {  	v61 =	vld [tilespmem:s12+$0xC9E0];
	v63 =	vmul.f32 v48, v47;
	v21 =	vadd.f32 v60, v21;
	v20 =	vadd.f32 v47, v20  }
0x155: {  	v62 =	vld [tilespmem:s12+$0xA1E0];
	v18 =	vadd.f32 v19, v18;
	v19 =	vmul.f32 v50, v49  }
0x156: {  	v42 =	vld [tilespmem:s12+$0xC9F0];
	v41 =	vmul.f32 v52, v51;
	v21 =	vadd.f32 v63, v21;
	v20 =	vadd.f32 v51, v20  }
0x157: {  	v43 =	vld [tilespmem:s12+$0xA1F0];
	v18 =	vadd.f32 v19, v18;
	v19 =	vmul.f32 v54, v53  }
0x158: {  	v22 =	vmul.f32 v56, v55;
	v21 =	vadd.f32 v41, v21;
	v20 =	vadd.f32 v55, v20  }
0x159: {  	v18 =	vadd.f32 v19, v18;
	v19 =	vmul.f32 v59, v58  }
0x15a: {  	v44 =	vmul.f32 v62, v61;
	v21 =	vadd.f32 v22, v21;
	v20 =	vadd.f32 v61, v20  }
0x15b: {  	v18 =	vadd.f32 v19, v18;
	v19 =	vmul.f32 v35, v33  }
0x15c: {  	v45 =	vmul.f32 v43, v42;
	v21 =	vadd.f32 v44, v21;
	v20 =	vadd.f32 v42, v20  }
0x15d: {  	v18 =	vadd.f32 v19, v18  }
0x15e: {  	v19 =	vadd.f32 v45, v21;
	[tilespmem:$0x141E6] =	vst v20  }
0x15f: {  	[tilespmem:$0x13EE6] =	vst v18  }
0x160: {  	[tilespmem:$0x14066] =	vst v19  }
0x161: {  	v18 =	vld [tilespmem:s12+$0x7A00]  }
0x162: {  	v19 =	vld [tilespmem:s12+$0xF200]  }
0x163: {  	v20 =	vld [tilespmem:s12+$0xCA00]  }
0x164: {  	v46 =	vld [tilespmem:s12+$0xA200]  }
0x165: {  	v47 =	vld [tilespmem:s12+$0x7A10]  }
0x166: {  	v48 =	vld [tilespmem:s12+$0xF210]  }
0x167: {  	v24 =	vld [tilespmem:s12+$0xCA10]  }
0x168: {  	v49 =	vld [tilespmem:s12+$0xA210]  }
0x169: {  	v50 =	vld [tilespmem:s12+$0x7A20]  }
0x16a: {  	v51 =	vld [tilespmem:s12+$0xF220]  }
0x16b: {  	v28 =	vld [tilespmem:s12+$0xCA20]  }
0x16c: {  	v52 =	vld [tilespmem:s12+$0xA220]  }
0x16d: {  	v53 =	vld [tilespmem:s12+$0x7A30]  }
0x16e: {  	v54 =	vld [tilespmem:s12+$0xF230]  }
0x16f: {  	v55 =	vld [tilespmem:s12+$0xCA30]  }
0x170: {  	v56 =	vld [tilespmem:s12+$0xA230]  }
0x171: {  	v57 =	vld [tilespmem:s12+$0x7A40]  }
0x172: {  	v58 =	vld [tilespmem:s12+$0xF240]  }
0x173: {  	v59 =	vld [tilespmem:s12+$0xCA40]  }
0x174: {  	v60 =	vld [tilespmem:s12+$0xA240]  }
0x175: {  	v61 =	vld [tilespmem:s12+$0x7A50]  }
0x176: {  	v62 =	vld [tilespmem:s12+$0xF250]  }
0x177: {  	v63 =	vld [tilespmem:s12+$0xCA50]  }
0x178: {  	v43 =	vld [tilespmem:s12+$0xA250];
	v18 =	vmul.f32 v19, v18;
	v19 =	vmul.f32 v48, v47  }
0x179: {  	v45 =	vld [tilespmem:s12+$0x7A60];
	v21 =	vmul.f32 v46, v20;
	v44 =	vmul.f32 v49, v24;
	v20 =	vadd.f32 v24, v20  }
0x17a: {  	v46 =	vld [tilespmem:s12+$0xF260];
	v18 =	vadd.f32 v19, v18;
	v19 =	vmul.f32 v51, v50  }
0x17b: {  	v47 =	vmul.f32 v52, v28;
	v48 =	vld [tilespmem:s12+$0xCA60];
	v21 =	vadd.f32 v44, v21;
	v20 =	vadd.f32 v28, v20  }
0x17c: {  	v49 =	vld [tilespmem:s12+$0xA260];
	v18 =	vadd.f32 v19, v18;
	v19 =	vmul.f32 v54, v53  }
0x17d: {  	v52 =	vld [tilespmem:s12+$0xF270];
	v50 =	vmul.f32 v56, v55;
	v21 =	vadd.f32 v47, v21;
	v20 =	vadd.f32 v55, v20  }
0x17e: {  	v51 =	vld [tilespmem:s12+$0x7A70];
	v18 =	vadd.f32 v19, v18;
	v19 =	vmul.f32 v58, v57  }
0x17f: {  	v53 =	vmul.f32 v60, v59;
	v54 =	vld [tilespmem:s12+$0xCA70];
	v21 =	vadd.f32 v50, v21;
	v20 =	vadd.f32 v59, v20  }
0x180: {  	v55 =	vld [tilespmem:s12+$0xA270];
	v18 =	vadd.f32 v19, v18;
	v19 =	vmul.f32 v62, v61  }
0x181: {  	v22 =	vmul.f32 v43, v63;
	v21 =	vadd.f32 v53, v21;
	v20 =	vadd.f32 v63, v20  }
0x182: {  	v18 =	vadd.f32 v19, v18;
	v19 =	vmul.f32 v46, v45  }
0x183: {  	v56 =	vmul.f32 v49, v48;
	v21 =	vadd.f32 v22, v21;
	v20 =	vadd.f32 v48, v20  }
0x184: {  	v18 =	vadd.f32 v19, v18;
	v19 =	vmul.f32 v52, v51  }
0x185: {  	v57 =	vmul.f32 v55, v54;
	v21 =	vadd.f32 v56, v21;
	v20 =	vadd.f32 v54, v20  }
0x186: {  	v18 =	vadd.f32 v19, v18  }
0x187: {  	v19 =	vadd.f32 v57, v21;
	[tilespmem:$0x141F7] =	vst v20  }
0x188: {  	[tilespmem:$0x13EF7] =	vst v18  }
0x189: {  	[tilespmem:$0x14077] =	vst v19  }
0x18a: {  	v18 =	vld [tilespmem:s12+$0x7A80]  }
0x18b: {  	v19 =	vld [tilespmem:s12+$0xF280]  }
0x18c: {  	v20 =	vld [tilespmem:s12+$0xCA80]  }
0x18d: {  	v58 =	vld [tilespmem:s12+$0xA280]  }
0x18e: {  	v59 =	vld [tilespmem:s12+$0x7A90]  }
0x18f: {  	v60 =	vld [tilespmem:s12+$0xF290]  }
0x190: {  	v24 =	vld [tilespmem:s12+$0xCA90]  }
0x191: {  	v61 =	vld [tilespmem:s12+$0xA290]  }
0x192: {  	v62 =	vld [tilespmem:s12+$0x7AA0]  }
0x193: {  	v63 =	vld [tilespmem:s12+$0xF2A0]  }
0x194: {  	v28 =	vld [tilespmem:s12+$0xCAA0]  }
0x195: {  	v44 =	vld [tilespmem:s12+$0xA2A0]  }
0x196: {  	v45 =	vld [tilespmem:s12+$0x7AB0]  }
0x197: {  	v46 =	vld [tilespmem:s12+$0xF2B0]  }
0x198: {  	v47 =	vld [tilespmem:s12+$0xCAB0]  }
0x199: {  	v48 =	vld [tilespmem:s12+$0xA2B0]  }
0x19a: {  	v49 =	vld [tilespmem:s12+$0x7AC0]  }
0x19b: {  	v50 =	vld [tilespmem:s12+$0xF2C0]  }
0x19c: {  	v51 =	vld [tilespmem:s12+$0xCAC0]  }
0x19d: {  	v52 =	vld [tilespmem:s12+$0xA2C0]  }
0x19e: {  	v53 =	vld [tilespmem:s12+$0x7AD0]  }
0x19f: {  	v54 =	vld [tilespmem:s12+$0xF2D0]  }
0x1a0: {  	v55 =	vld [tilespmem:s12+$0xCAD0]  }
0x1a1: {  	v56 =	vld [tilespmem:s12+$0xA2D0];
	v18 =	vmul.f32 v19, v18;
	v19 =	vmul.f32 v60, v59  }
0x1a2: {  	v33 =	vld [tilespmem:s12+$0x7AF0];
	v21 =	vmul.f32 v58, v20;
	v57 =	vmul.f32 v61, v24;
	v20 =	vadd.f32 v24, v20  }
0x1a3: {  	v35 =	vld [tilespmem:s12+$0xF2F0];
	v18 =	vadd.f32 v19, v18;
	v19 =	vmul.f32 v63, v62  }
0x1a4: {  	v58 =	vld [tilespmem:s12+$0x7AE0];
	v60 =	vmul.f32 v44, v28;
	v21 =	vadd.f32 v57, v21;
	v20 =	vadd.f32 v28, v20  }
0x1a5: {  	v59 =	vld [tilespmem:s12+$0xF2E0];
	v18 =	vadd.f32 v19, v18;
	v19 =	vmul.f32 v46, v45  }
0x1a6: {  	v61 =	vld [tilespmem:s12+$0xCAE0];
	v63 =	vmul.f32 v48, v47;
	v21 =	vadd.f32 v60, v21;
	v20 =	vadd.f32 v47, v20  }
0x1a7: {  	v62 =	vld [tilespmem:s12+$0xA2E0];
	v18 =	vadd.f32 v19, v18;
	v19 =	vmul.f32 v50, v49  }
0x1a8: {  	v42 =	vld [tilespmem:s12+$0xCAF0];
	v41 =	vmul.f32 v52, v51;
	v21 =	vadd.f32 v63, v21;
	v20 =	vadd.f32 v51, v20  }
0x1a9: {  	v43 =	vld [tilespmem:s12+$0xA2F0];
	v18 =	vadd.f32 v19, v18;
	v19 =	vmul.f32 v54, v53  }
0x1aa: {  	v22 =	vmul.f32 v56, v55;
	v21 =	vadd.f32 v41, v21;
	v20 =	vadd.f32 v55, v20  }
0x1ab: {  	v18 =	vadd.f32 v19, v18;
	v19 =	vmul.f32 v59, v58  }
0x1ac: {  	v44 =	vmul.f32 v62, v61;
	v21 =	vadd.f32 v22, v21;
	v20 =	vadd.f32 v61, v20  }
0x1ad: {  	v18 =	vadd.f32 v19, v18;
	v19 =	vmul.f32 v35, v33  }
0x1ae: {  	v45 =	vmul.f32 v43, v42;
	v21 =	vadd.f32 v44, v21;
	v20 =	vadd.f32 v42, v20  }
0x1af: {  	v18 =	vadd.f32 v19, v18  }
0x1b0: {  	v19 =	vadd.f32 v45, v21;
	[tilespmem:$0x14208] =	vst v20  }
0x1b1: {  	[tilespmem:$0x13F08] =	vst v18  }
0x1b2: {  	[tilespmem:$0x14088] =	vst v19  }
0x1b3: {  	v18 =	vld [tilespmem:s12+$0x7B00]  }
0x1b4: {  	v19 =	vld [tilespmem:s12+$0xF300]  }
0x1b5: {  	v20 =	vld [tilespmem:s12+$0xCB00]  }
0x1b6: {  	v46 =	vld [tilespmem:s12+$0xA300]  }
0x1b7: {  	v47 =	vld [tilespmem:s12+$0x7B10]  }
0x1b8: {  	v48 =	vld [tilespmem:s12+$0xF310]  }
0x1b9: {  	v24 =	vld [tilespmem:s12+$0xCB10]  }
0x1ba: {  	v49 =	vld [tilespmem:s12+$0xA310]  }
0x1bb: {  	v50 =	vld [tilespmem:s12+$0x7B20]  }
0x1bc: {  	v51 =	vld [tilespmem:s12+$0xF320]  }
0x1bd: {  	v28 =	vld [tilespmem:s12+$0xCB20]  }
0x1be: {  	v52 =	vld [tilespmem:s12+$0xA320]  }
0x1bf: {  	v53 =	vld [tilespmem:s12+$0x7B30]  }
0x1c0: {  	v54 =	vld [tilespmem:s12+$0xF330]  }
0x1c1: {  	v55 =	vld [tilespmem:s12+$0xCB30]  }
0x1c2: {  	v56 =	vld [tilespmem:s12+$0xA330]  }
0x1c3: {  	v57 =	vld [tilespmem:s12+$0x7B40]  }
0x1c4: {  	v58 =	vld [tilespmem:s12+$0xF340]  }
0x1c5: {  	v59 =	vld [tilespmem:s12+$0xCB40]  }
0x1c6: {  	v60 =	vld [tilespmem:s12+$0xA340]  }
0x1c7: {  	v61 =	vld [tilespmem:s12+$0x7B50]  }
0x1c8: {  	v62 =	vld [tilespmem:s12+$0xF350]  }
0x1c9: {  	v63 =	vld [tilespmem:s12+$0xCB50]  }
0x1ca: {  	v43 =	vld [tilespmem:s12+$0xA350];
	v18 =	vmul.f32 v19, v18;
	v19 =	vmul.f32 v48, v47  }
0x1cb: {  	v45 =	vld [tilespmem:s12+$0x7B60];
	v21 =	vmul.f32 v46, v20;
	v44 =	vmul.f32 v49, v24;
	v20 =	vadd.f32 v24, v20  }
0x1cc: {  	v46 =	vld [tilespmem:s12+$0xF360];
	v18 =	vadd.f32 v19, v18;
	v19 =	vmul.f32 v51, v50  }
0x1cd: {  	v47 =	vmul.f32 v52, v28;
	v48 =	vld [tilespmem:s12+$0xCB60];
	v21 =	vadd.f32 v44, v21;
	v20 =	vadd.f32 v28, v20  }
0x1ce: {  	v49 =	vld [tilespmem:s12+$0xA360];
	v18 =	vadd.f32 v19, v18;
	v19 =	vmul.f32 v54, v53  }
0x1cf: {  	v52 =	vld [tilespmem:s12+$0xF370];
	v50 =	vmul.f32 v56, v55;
	v21 =	vadd.f32 v47, v21;
	v20 =	vadd.f32 v55, v20  }
0x1d0: {  	v51 =	vld [tilespmem:s12+$0x7B70];
	v18 =	vadd.f32 v19, v18;
	v19 =	vmul.f32 v58, v57  }
0x1d1: {  	v53 =	vmul.f32 v60, v59;
	v54 =	vld [tilespmem:s12+$0xCB70];
	v21 =	vadd.f32 v50, v21;
	v20 =	vadd.f32 v59, v20  }
0x1d2: {  	v55 =	vld [tilespmem:s12+$0xA370];
	v18 =	vadd.f32 v19, v18;
	v19 =	vmul.f32 v62, v61  }
0x1d3: {  	v22 =	vmul.f32 v43, v63;
	v21 =	vadd.f32 v53, v21;
	v20 =	vadd.f32 v63, v20  }
0x1d4: {  	v18 =	vadd.f32 v19, v18;
	v19 =	vmul.f32 v46, v45  }
0x1d5: {  	v56 =	vmul.f32 v49, v48;
	v21 =	vadd.f32 v22, v21;
	v20 =	vadd.f32 v48, v20  }
0x1d6: {  	v18 =	vadd.f32 v19, v18;
	v19 =	vmul.f32 v52, v51  }
0x1d7: {  	v57 =	vmul.f32 v55, v54;
	v21 =	vadd.f32 v56, v21;
	v20 =	vadd.f32 v54, v20  }
0x1d8: {  	v18 =	vadd.f32 v19, v18  }
0x1d9: {  	v19 =	vadd.f32 v57, v21;
	[tilespmem:$0x14219] =	vst v20  }
0x1da: {  	[tilespmem:$0x13F19] =	vst v18  }
0x1db: {  	[tilespmem:$0x14099] =	vst v19  }
0x1dc: {  	v18 =	vld [tilespmem:s12+$0x7B80]  }
0x1dd: {  	v19 =	vld [tilespmem:s12+$0xF380]  }
0x1de: {  	v20 =	vld [tilespmem:s12+$0xCB80]  }
0x1df: {  	v58 =	vld [tilespmem:s12+$0xA380]  }
0x1e0: {  	v59 =	vld [tilespmem:s12+$0x7B90]  }
0x1e1: {  	v60 =	vld [tilespmem:s12+$0xF390]  }
0x1e2: {  	v24 =	vld [tilespmem:s12+$0xCB90]  }
0x1e3: {  	v61 =	vld [tilespmem:s12+$0xA390]  }
0x1e4: {  	v62 =	vld [tilespmem:s12+$0x7BA0]  }
0x1e5: {  	v63 =	vld [tilespmem:s12+$0xF3A0]  }
0x1e6: {  	v28 =	vld [tilespmem:s12+$0xCBA0]  }
0x1e7: {  	v44 =	vld [tilespmem:s12+$0xA3A0]  }
0x1e8: {  	v45 =	vld [tilespmem:s12+$0x7BB0]  }
0x1e9: {  	v46 =	vld [tilespmem:s12+$0xF3B0]  }
0x1ea: {  	v47 =	vld [tilespmem:s12+$0xCBB0]  }
0x1eb: {  	v48 =	vld [tilespmem:s12+$0xA3B0]  }
0x1ec: {  	v49 =	vld [tilespmem:s12+$0x7BC0]  }
0x1ed: {  	v50 =	vld [tilespmem:s12+$0xF3C0]  }
0x1ee: {  	v51 =	vld [tilespmem:s12+$0xCBC0]  }
0x1ef: {  	v52 =	vld [tilespmem:s12+$0xA3C0]  }
0x1f0: {  	v53 =	vld [tilespmem:s12+$0x7BD0]  }
0x1f1: {  	v54 =	vld [tilespmem:s12+$0xF3D0]  }
0x1f2: {  	v55 =	vld [tilespmem:s12+$0xCBD0]  }
0x1f3: {  	v56 =	vld [tilespmem:s12+$0xA3D0];
	v18 =	vmul.f32 v19, v18;
	v19 =	vmul.f32 v60, v59  }
0x1f4: {  	v33 =	vld [tilespmem:s12+$0x7BF0];
	v21 =	vmul.f32 v58, v20;
	v57 =	vmul.f32 v61, v24;
	v20 =	vadd.f32 v24, v20  }
0x1f5: {  	v35 =	vld [tilespmem:s12+$0xF3F0];
	v18 =	vadd.f32 v19, v18;
	v19 =	vmul.f32 v63, v62  }
0x1f6: {  	v58 =	vld [tilespmem:s12+$0x7BE0];
	v60 =	vmul.f32 v44, v28;
	v21 =	vadd.f32 v57, v21;
	v20 =	vadd.f32 v28, v20  }
0x1f7: {  	v59 =	vld [tilespmem:s12+$0xF3E0];
	v18 =	vadd.f32 v19, v18;
	v19 =	vmul.f32 v46, v45  }
0x1f8: {  	v61 =	vld [tilespmem:s12+$0xCBE0];
	v63 =	vmul.f32 v48, v47;
	v21 =	vadd.f32 v60, v21;
	v20 =	vadd.f32 v47, v20  }
0x1f9: {  	v62 =	vld [tilespmem:s12+$0xA3E0];
	v18 =	vadd.f32 v19, v18;
	v19 =	vmul.f32 v50, v49  }
0x1fa: {  	v42 =	vld [tilespmem:s12+$0xCBF0];
	v41 =	vmul.f32 v52, v51;
	v21 =	vadd.f32 v63, v21;
	v20 =	vadd.f32 v51, v20  }
0x1fb: {  	v43 =	vld [tilespmem:s12+$0xA3F0];
	v18 =	vadd.f32 v19, v18;
	v19 =	vmul.f32 v54, v53  }
0x1fc: {  	v22 =	vmul.f32 v56, v55;
	v21 =	vadd.f32 v41, v21;
	v20 =	vadd.f32 v55, v20  }
0x1fd: {  	v18 =	vadd.f32 v19, v18;
	v19 =	vmul.f32 v59, v58  }
0x1fe: {  	v44 =	vmul.f32 v62, v61;
	v21 =	vadd.f32 v22, v21;
	v20 =	vadd.f32 v61, v20  }
0x1ff: {  	v18 =	vadd.f32 v19, v18;
	v19 =	vmul.f32 v35, v33  }
0x200: {  	v45 =	vmul.f32 v43, v42;
	v21 =	vadd.f32 v44, v21;
	v20 =	vadd.f32 v42, v20  }
0x201: {  	v18 =	vadd.f32 v19, v18  }
0x202: {  	v19 =	vadd.f32 v45, v21;
	[tilespmem:$0x1422A] =	vst v20  }
0x203: {  	[tilespmem:$0x13F2A] =	vst v18  }
0x204: {  	[tilespmem:$0x140AA] =	vst v19  }
0x205: {  	v18 =	vld [tilespmem:s12+$0x7C00]  }
0x206: {  	v19 =	vld [tilespmem:s12+$0xF400]  }
0x207: {  	v20 =	vld [tilespmem:s12+$0xCC00]  }
0x208: {  	v46 =	vld [tilespmem:s12+$0xA400]  }
0x209: {  	v47 =	vld [tilespmem:s12+$0x7C10]  }
0x20a: {  	v48 =	vld [tilespmem:s12+$0xF410]  }
0x20b: {  	v24 =	vld [tilespmem:s12+$0xCC10]  }
0x20c: {  	v49 =	vld [tilespmem:s12+$0xA410]  }
0x20d: {  	v50 =	vld [tilespmem:s12+$0x7C20]  }
0x20e: {  	v51 =	vld [tilespmem:s12+$0xF420]  }
0x20f: {  	v28 =	vld [tilespmem:s12+$0xCC20]  }
0x210: {  	v52 =	vld [tilespmem:s12+$0xA420]  }
0x211: {  	v53 =	vld [tilespmem:s12+$0x7C30]  }
0x212: {  	v54 =	vld [tilespmem:s12+$0xF430]  }
0x213: {  	v55 =	vld [tilespmem:s12+$0xCC30]  }
0x214: {  	v56 =	vld [tilespmem:s12+$0xA430]  }
0x215: {  	v57 =	vld [tilespmem:s12+$0x7C40]  }
0x216: {  	v58 =	vld [tilespmem:s12+$0xF440]  }
0x217: {  	v59 =	vld [tilespmem:s12+$0xCC40]  }
0x218: {  	v60 =	vld [tilespmem:s12+$0xA440]  }
0x219: {  	v61 =	vld [tilespmem:s12+$0x7C50]  }
0x21a: {  	v62 =	vld [tilespmem:s12+$0xF450]  }
0x21b: {  	v63 =	vld [tilespmem:s12+$0xCC50]  }
0x21c: {  	v43 =	vld [tilespmem:s12+$0xA450];
	v18 =	vmul.f32 v19, v18;
	v19 =	vmul.f32 v48, v47  }
0x21d: {  	v45 =	vld [tilespmem:s12+$0x7C60];
	v21 =	vmul.f32 v46, v20;
	v44 =	vmul.f32 v49, v24;
	v20 =	vadd.f32 v24, v20  }
0x21e: {  	v46 =	vld [tilespmem:s12+$0xF460];
	v18 =	vadd.f32 v19, v18;
	v19 =	vmul.f32 v51, v50  }
0x21f: {  	v47 =	vmul.f32 v52, v28;
	v48 =	vld [tilespmem:s12+$0xCC60];
	v21 =	vadd.f32 v44, v21;
	v20 =	vadd.f32 v28, v20  }
0x220: {  	v49 =	vld [tilespmem:s12+$0xA460];
	v18 =	vadd.f32 v19, v18;
	v19 =	vmul.f32 v54, v53  }
0x221: {  	v52 =	vld [tilespmem:s12+$0xF470];
	v50 =	vmul.f32 v56, v55;
	v21 =	vadd.f32 v47, v21;
	v20 =	vadd.f32 v55, v20  }
0x222: {  	v51 =	vld [tilespmem:s12+$0x7C70];
	v18 =	vadd.f32 v19, v18;
	v19 =	vmul.f32 v58, v57  }
0x223: {  	v53 =	vmul.f32 v60, v59;
	v54 =	vld [tilespmem:s12+$0xCC70];
	v21 =	vadd.f32 v50, v21;
	v20 =	vadd.f32 v59, v20  }
0x224: {  	v55 =	vld [tilespmem:s12+$0xA470];
	v18 =	vadd.f32 v19, v18;
	v19 =	vmul.f32 v62, v61  }
0x225: {  	v22 =	vmul.f32 v43, v63;
	v21 =	vadd.f32 v53, v21;
	v20 =	vadd.f32 v63, v20  }
0x226: {  	v18 =	vadd.f32 v19, v18;
	v19 =	vmul.f32 v46, v45  }
0x227: {  	v56 =	vmul.f32 v49, v48;
	v21 =	vadd.f32 v22, v21;
	v20 =	vadd.f32 v48, v20  }
0x228: {  	v18 =	vadd.f32 v19, v18;
	v19 =	vmul.f32 v52, v51  }
0x229: {  	v57 =	vmul.f32 v55, v54;
	v21 =	vadd.f32 v56, v21;
	v20 =	vadd.f32 v54, v20  }
0x22a: {  	v18 =	vadd.f32 v19, v18  }
0x22b: {  	v19 =	vadd.f32 v57, v21;
	[tilespmem:$0x1423B] =	vst v20  }
0x22c: {  	[tilespmem:$0x13F3B] =	vst v18  }
0x22d: {  	[tilespmem:$0x140BB] =	vst v19  }
0x22e: {  	v18 =	vld [tilespmem:s12+$0x7C80]  }
0x22f: {  	v19 =	vld [tilespmem:s12+$0xF480]  }
0x230: {  	v20 =	vld [tilespmem:s12+$0xCC80]  }
0x231: {  	v58 =	vld [tilespmem:s12+$0xA480]  }
0x232: {  	v59 =	vld [tilespmem:s12+$0x7C90]  }
0x233: {  	v60 =	vld [tilespmem:s12+$0xF490]  }
0x234: {  	v24 =	vld [tilespmem:s12+$0xCC90]  }
0x235: {  	v61 =	vld [tilespmem:s12+$0xA490]  }
0x236: {  	v62 =	vld [tilespmem:s12+$0x7CA0]  }
0x237: {  	v63 =	vld [tilespmem:s12+$0xF4A0]  }
0x238: {  	v28 =	vld [tilespmem:s12+$0xCCA0]  }
0x239: {  	v44 =	vld [tilespmem:s12+$0xA4A0]  }
0x23a: {  	v45 =	vld [tilespmem:s12+$0x7CB0]  }
0x23b: {  	v46 =	vld [tilespmem:s12+$0xF4B0]  }
0x23c: {  	v47 =	vld [tilespmem:s12+$0xCCB0]  }
0x23d: {  	v48 =	vld [tilespmem:s12+$0xA4B0]  }
0x23e: {  	v49 =	vld [tilespmem:s12+$0x7CC0]  }
0x23f: {  	v50 =	vld [tilespmem:s12+$0xF4C0]  }
0x240: {  	v51 =	vld [tilespmem:s12+$0xCCC0]  }
0x241: {  	v52 =	vld [tilespmem:s12+$0xA4C0]  }
0x242: {  	v53 =	vld [tilespmem:s12+$0x7CD0]  }
0x243: {  	v54 =	vld [tilespmem:s12+$0xF4D0]  }
0x244: {  	v55 =	vld [tilespmem:s12+$0xCCD0]  }
0x245: {  	v56 =	vld [tilespmem:s12+$0xA4D0];
	v18 =	vmul.f32 v19, v18;
	v19 =	vmul.f32 v60, v59  }
0x246: {  	v33 =	vld [tilespmem:s12+$0x7CF0];
	v21 =	vmul.f32 v58, v20;
	v57 =	vmul.f32 v61, v24;
	v20 =	vadd.f32 v24, v20  }
0x247: {  	v41 =	vld [tilespmem:s12+$0xF4F0];
	v18 =	vadd.f32 v19, v18;
	v19 =	vmul.f32 v63, v62  }
0x248: {  	v58 =	vld [tilespmem:s12+$0x7CE0];
	v60 =	vmul.f32 v44, v28;
	v21 =	vadd.f32 v57, v21;
	v20 =	vadd.f32 v28, v20  }
0x249: {  	v59 =	vld [tilespmem:s12+$0xF4E0];
	v18 =	vadd.f32 v19, v18;
	v19 =	vmul.f32 v46, v45  }
0x24a: {  	v61 =	vld [tilespmem:s12+$0xCCE0];
	v63 =	vmul.f32 v48, v47;
	v21 =	vadd.f32 v60, v21;
	v20 =	vadd.f32 v47, v20  }
0x24b: {  	v62 =	vld [tilespmem:s12+$0xA4E0];
	v18 =	vadd.f32 v19, v18;
	v19 =	vmul.f32 v50, v49  }
0x24c: {  	v43 =	vld [tilespmem:s12+$0xCCF0];
	v42 =	vmul.f32 v52, v51;
	v21 =	vadd.f32 v63, v21;
	v20 =	vadd.f32 v51, v20  }
0x24d: {  	v44 =	vld [tilespmem:s12+$0xA4F0];
	v18 =	vadd.f32 v19, v18;
	v19 =	vmul.f32 v54, v53  }
0x24e: {  	v22 =	vmul.f32 v56, v55;
	v21 =	vadd.f32 v42, v21;
	v20 =	vadd.f32 v55, v20  }
0x24f: {  	v18 =	vadd.f32 v19, v18;
	v19 =	vmul.f32 v59, v58  }
0x250: {  	v45 =	vmul.f32 v62, v61;
	v21 =	vadd.f32 v22, v21;
	v20 =	vadd.f32 v61, v20  }
0x251: {  	v18 =	vadd.f32 v19, v18;
	v19 =	vmul.f32 v41, v33  }
0x252: {  	v46 =	vmul.f32 v44, v43;
	v21 =	vadd.f32 v45, v21;
	v20 =	vadd.f32 v43, v20  }
0x253: {  	v18 =	vadd.f32 v19, v18  }
0x254: {  	v19 =	vadd.f32 v46, v21;
	[tilespmem:$0x1424C] =	vst v20  }
0x255: {  	[tilespmem:$0x13F4C] =	vst v18  }
0x256: {  	[tilespmem:$0x140CC] =	vst v19  }
0x257: {  	v18 =	vld [tilespmem:s12+$0x7D00]  }
0x258: {  	v19 =	vld [tilespmem:s12+$0xF500]  }
0x259: {  	v20 =	vld [tilespmem:s12+$0xCD00]  }
0x25a: {  	v47 =	vld [tilespmem:s12+$0xA500]  }
0x25b: {  	v48 =	vld [tilespmem:s12+$0x7D10]  }
0x25c: {  	v49 =	vld [tilespmem:s12+$0xF510]  }
0x25d: {  	v24 =	vld [tilespmem:s12+$0xCD10]  }
0x25e: {  	v50 =	vld [tilespmem:s12+$0xA510]  }
0x25f: {  	v51 =	vld [tilespmem:s12+$0x7D20]  }
0x260: {  	v52 =	vld [tilespmem:s12+$0xF520]  }
0x261: {  	v28 =	vld [tilespmem:s12+$0xCD20]  }
0x262: {  	v53 =	vld [tilespmem:s12+$0xA520]  }
0x263: {  	v54 =	vld [tilespmem:s12+$0x7D30]  }
0x264: {  	v55 =	vld [tilespmem:s12+$0xF530]  }
0x265: {  	v32 =	vld [tilespmem:s12+$0xCD30]  }
0x266: {  	v56 =	vld [tilespmem:s12+$0xA530]  }
0x267: {  	v57 =	vld [tilespmem:s12+$0x7D40]  }
0x268: {  	v58 =	vld [tilespmem:s12+$0xF540]  }
0x269: {  	v59 =	vld [tilespmem:s12+$0xCD40]  }
0x26a: {  	v60 =	vld [tilespmem:s12+$0xA540]  }
0x26b: {  	v61 =	vld [tilespmem:s12+$0x7D50]  }
0x26c: {  	v62 =	vld [tilespmem:s12+$0xF550]  }
0x26d: {  	v63 =	vld [tilespmem:s12+$0xCD50]  }
0x26e: {  	v44 =	vld [tilespmem:s12+$0xA550];
	v18 =	vmul.f32 v19, v18;
	v19 =	vmul.f32 v49, v48  }
0x26f: {  	v46 =	vld [tilespmem:s12+$0x7D60];
	v21 =	vmul.f32 v47, v20;
	v45 =	vmul.f32 v50, v24;
	v20 =	vadd.f32 v24, v20  }
0x270: {  	v47 =	vld [tilespmem:s12+$0xF560];
	v18 =	vadd.f32 v19, v18;
	v19 =	vmul.f32 v52, v51  }
0x271: {  	v48 =	vmul.f32 v53, v28;
	v49 =	vld [tilespmem:s12+$0xCD60];
	v21 =	vadd.f32 v45, v21;
	v20 =	vadd.f32 v28, v20  }
0x272: {  	v50 =	vld [tilespmem:s12+$0xA560];
	v18 =	vadd.f32 v19, v18;
	v19 =	vmul.f32 v55, v54  }
0x273: {  	v53 =	vld [tilespmem:s12+$0xF570];
	v51 =	vmul.f32 v56, v32;
	v21 =	vadd.f32 v48, v21;
	v20 =	vadd.f32 v32, v20  }
0x274: {  	v52 =	vld [tilespmem:s12+$0x7D70];
	v18 =	vadd.f32 v19, v18;
	v19 =	vmul.f32 v58, v57  }
0x275: {  	v56 =	vld [tilespmem:s12+$0xA570];
	v54 =	vmul.f32 v60, v59;
	v21 =	vadd.f32 v51, v21;
	v20 =	vadd.f32 v59, v20  }
0x276: {  	v55 =	vld [tilespmem:s12+$0xCD70];
	v18 =	vadd.f32 v19, v18;
	v19 =	vmul.f32 v62, v61  }
0x277: {  	v22 =	vmul.f32 v44, v63;
	v21 =	vadd.f32 v54, v21;
	v20 =	vadd.f32 v63, v20  }
0x278: {  	v18 =	vadd.f32 v19, v18;
	v19 =	vmul.f32 v47, v46  }
0x279: {  	v57 =	vmul.f32 v50, v49;
	v21 =	vadd.f32 v22, v21;
	v20 =	vadd.f32 v49, v20  }
0x27a: {  	v18 =	vadd.f32 v19, v18;
	v19 =	vmul.f32 v53, v52  }
0x27b: {  	v58 =	vmul.f32 v56, v55;
	v21 =	vadd.f32 v57, v21;
	v20 =	vadd.f32 v55, v20  }
0x27c: {  	v18 =	vadd.f32 v19, v18  }
0x27d: {  	v19 =	vadd.f32 v58, v21;
	[tilespmem:$0x1425D] =	vst v20  }
0x27e: {  	[tilespmem:$0x13F5D] =	vst v18  }
0x27f: {  	[tilespmem:$0x140DD] =	vst v19  }
0x280: {  	v18 =	vld [tilespmem:s12+$0x7D80]  }
0x281: {  	v19 =	vld [tilespmem:s12+$0xF580]  }
0x282: {  	v20 =	vld [tilespmem:s12+$0xCD80]  }
0x283: {  	v59 =	vld [tilespmem:s12+$0xA580]  }
0x284: {  	v60 =	vld [tilespmem:s12+$0x7D90]  }
0x285: {  	v61 =	vld [tilespmem:s12+$0xF590]  }
0x286: {  	v24 =	vld [tilespmem:s12+$0xCD90]  }
0x287: {  	v62 =	vld [tilespmem:s12+$0xA590]  }
0x288: {  	v63 =	vld [tilespmem:s12+$0x7DA0]  }
0x289: {  	v44 =	vld [tilespmem:s12+$0xF5A0]  }
0x28a: {  	v45 =	vld [tilespmem:s12+$0xCDA0]  }
0x28b: {  	v46 =	vld [tilespmem:s12+$0xA5A0]  }
0x28c: {  	v47 =	vld [tilespmem:s12+$0x7DB0]  }
0x28d: {  	v48 =	vld [tilespmem:s12+$0xF5B0]  }
0x28e: {  	v49 =	vld [tilespmem:s12+$0xCDB0]  }
0x28f: {  	v50 =	vld [tilespmem:s12+$0xA5B0]  }
0x290: {  	v51 =	vld [tilespmem:s12+$0x7DC0]  }
0x291: {  	v52 =	vld [tilespmem:s12+$0xF5C0]  }
0x292: {  	v53 =	vld [tilespmem:s12+$0xCDC0]  }
0x293: {  	v54 =	vld [tilespmem:s12+$0xA5C0]  }
0x294: {  	v55 =	vld [tilespmem:s12+$0x7DD0]  }
0x295: {  	v56 =	vld [tilespmem:s12+$0xF5D0]  }
0x296: {  	v57 =	vld [tilespmem:s12+$0xCDD0]  }
0x297: {  	v58 =	vld [tilespmem:s12+$0xA5D0];
	v18 =	vmul.f32 v19, v18;
	v19 =	vmul.f32 v61, v60  }
0x298: {  	v41 =	vld [tilespmem:s12+$0xA5E0];
	v21 =	vmul.f32 v59, v20;
	v59 =	vmul.f32 v62, v24;
	v20 =	vadd.f32 v24, v20  }
0x299: {  	v43 =	vld [tilespmem:s12+$0x7DF0];
	v18 =	vadd.f32 v19, v18;
	v19 =	vmul.f32 v44, v63  }
0x29a: {  	v60 =	vld [tilespmem:s12+$0x7DE0];
	v62 =	vmul.f32 v46, v45;
	v21 =	vadd.f32 v59, v21;
	v20 =	vadd.f32 v45, v20  }
0x29b: {  	v61 =	vld [tilespmem:s12+$0xF5E0];
	v18 =	vadd.f32 v19, v18;
	v19 =	vmul.f32 v48, v47  }
0x29c: {  	v42 =	vmul.f32 v50, v49;
	v46 =	vld [tilespmem:s12+$0xCDF0];
	v21 =	vadd.f32 v62, v21;
	v20 =	vadd.f32 v49, v20  }
0x29d: {  	v63 =	vld [tilespmem:s12+$0xCDE0];
	v18 =	vadd.f32 v19, v18;
	v19 =	vmul.f32 v52, v51  }
0x29e: {  	v44 =	vld [tilespmem:s12+$0xF5F0];
	v45 =	vmul.f32 v54, v53;
	v21 =	vadd.f32 v42, v21;
	v20 =	vadd.f32 v53, v20  }
0x29f: {  	v47 =	vld [tilespmem:s12+$0xA5F0];
	v18 =	vadd.f32 v19, v18;
	v19 =	vmul.f32 v56, v55  }
0x2a0: {  	v22 =	vmul.f32 v58, v57;
	v21 =	vadd.f32 v45, v21;
	v20 =	vadd.f32 v57, v20  }
0x2a1: {  	v18 =	vadd.f32 v19, v18;
	v19 =	vmul.f32 v61, v60  }
0x2a2: {  	v48 =	vmul.f32 v41, v63;
	v21 =	vadd.f32 v22, v21;
	v20 =	vadd.f32 v63, v20  }
0x2a3: {  	v18 =	vadd.f32 v19, v18;
	v19 =	vmul.f32 v44, v43  }
0x2a4: {  	v49 =	vmul.f32 v47, v46;
	v21 =	vadd.f32 v48, v21;
	v20 =	vadd.f32 v46, v20  }
0x2a5: {  	v18 =	vadd.f32 v19, v18  }
0x2a6: {  	v19 =	vadd.f32 v49, v21;
	[tilespmem:$0x1426E] =	vst v20  }
0x2a7: {  	[tilespmem:$0x13F6E] =	vst v18  }
0x2a8: {  	[tilespmem:$0x140EE] =	vst v19  }
0x2a9: {  	v18 =	vld [tilespmem:s12+$0x7E00]  }
0x2aa: {  	v19 =	vld [tilespmem:s12+$0xF600]  }
0x2ab: {  	v20 =	vld [tilespmem:s12+$0xCE00]  }
0x2ac: {  	v50 =	vld [tilespmem:s12+$0xA600]  }
0x2ad: {  	v51 =	vld [tilespmem:s12+$0x7E10]  }
0x2ae: {  	v52 =	vld [tilespmem:s12+$0xF610]  }
0x2af: {  	v24 =	vld [tilespmem:s12+$0xCE10]  }
0x2b0: {  	v53 =	vld [tilespmem:s12+$0xA610]  }
0x2b1: {  	v54 =	vld [tilespmem:s12+$0x7E20]  }
0x2b2: {  	v55 =	vld [tilespmem:s12+$0xF620]  }
0x2b3: {  	v28 =	vld [tilespmem:s12+$0xCE20]  }
0x2b4: {  	v56 =	vld [tilespmem:s12+$0xA620]  }
0x2b5: {  	v57 =	vld [tilespmem:s12+$0x7E30]  }
0x2b6: {  	v58 =	vld [tilespmem:s12+$0xF630]  }
0x2b7: {  	v32 =	vld [tilespmem:s12+$0xCE30]  }
0x2b8: {  	v59 =	vld [tilespmem:s12+$0xA630]  }
0x2b9: {  	v60 =	vld [tilespmem:s12+$0x7E40]  }
0x2ba: {  	v61 =	vld [tilespmem:s12+$0xF640]  }
0x2bb: {  	v62 =	vld [tilespmem:s12+$0xCE40]  }
0x2bc: {  	v63 =	vld [tilespmem:s12+$0xA640]  }
0x2bd: {  	v44 =	vld [tilespmem:s12+$0x7E50]  }
0x2be: {  	v45 =	vld [tilespmem:s12+$0xF650]  }
0x2bf: {  	v46 =	vld [tilespmem:s12+$0xCE50]  }
0x2c0: {  	v47 =	vld [tilespmem:s12+$0xA650];
	v18 =	vmul.f32 v19, v18;
	v19 =	vmul.f32 v52, v51  }
0x2c1: {  	v49 =	vld [tilespmem:s12+$0x7E60];
	v21 =	vmul.f32 v50, v20;
	v48 =	vmul.f32 v53, v24;
	v20 =	vadd.f32 v24, v20  }
0x2c2: {  	v50 =	vld [tilespmem:s12+$0xF660];
	v18 =	vadd.f32 v19, v18;
	v19 =	vmul.f32 v55, v54  }
0x2c3: {  	v51 =	vmul.f32 v56, v28;
	v52 =	vld [tilespmem:s12+$0xCE60];
	v21 =	vadd.f32 v48, v21;
	v20 =	vadd.f32 v28, v20  }
0x2c4: {  	v53 =	vld [tilespmem:s12+$0xA660];
	v18 =	vadd.f32 v19, v18;
	v19 =	vmul.f32 v58, v57  }
0x2c5: {  	v56 =	vld [tilespmem:s12+$0xF670];
	v54 =	vmul.f32 v59, v32;
	v21 =	vadd.f32 v51, v21;
	v20 =	vadd.f32 v32, v20  }
0x2c6: {  	v55 =	vld [tilespmem:s12+$0x7E70];
	v18 =	vadd.f32 v19, v18;
	v19 =	vmul.f32 v61, v60  }
0x2c7: {  	v59 =	vld [tilespmem:s12+$0xA670];
	v57 =	vmul.f32 v63, v62;
	v21 =	vadd.f32 v54, v21;
	v20 =	vadd.f32 v62, v20  }
0x2c8: {  	v58 =	vld [tilespmem:s12+$0xCE70];
	v18 =	vadd.f32 v19, v18;
	v19 =	vmul.f32 v45, v44  }
0x2c9: {  	v22 =	vmul.f32 v47, v46;
	v21 =	vadd.f32 v57, v21;
	v20 =	vadd.f32 v46, v20  }
0x2ca: {  	v18 =	vadd.f32 v19, v18;
	v19 =	vmul.f32 v50, v49  }
0x2cb: {  	v60 =	vmul.f32 v53, v52;
	v21 =	vadd.f32 v22, v21;
	v20 =	vadd.f32 v52, v20  }
0x2cc: {  	v18 =	vadd.f32 v19, v18;
	v19 =	vmul.f32 v56, v55  }
0x2cd: {  	v61 =	vmul.f32 v59, v58;
	v21 =	vadd.f32 v60, v21;
	v20 =	vadd.f32 v58, v20  }
0x2ce: {  	v18 =	vadd.f32 v19, v18  }
0x2cf: {  	v19 =	vadd.f32 v61, v21;
	[tilespmem:$0x1427F] =	vst v20  }
0x2d0: {  	[tilespmem:$0x13F7F] =	vst v18  }
0x2d1: {  	[tilespmem:$0x140FF] =	vst v19  }
0x2d2: {  	v18 =	vld.idx.msk [tilespmem:v0+s25+$0x0], $0xffff  }
0x2d3: {  	v19 =	vld.idx.msk [tilespmem:v0+s26+$0x0], $0xffff  }
0x2d4: {  	v20 =	vld.idx.msk [tilespmem:v0+s28+$0x0], $0xffff  }
0x2d5: {  	v62 =	vld.idx.msk [tilespmem:v2+s25+$0x0], $0xffff  }
0x2d6: {  	v22 =	vld.idx.msk [tilespmem:v2+s26+$0x0], $0xffff  }
0x2d7: {  	v63 =	vld.idx.msk [tilespmem:v2+s28+$0x0], $0xffff  }
0x2d8: {  	v44 =	vld.idx.msk [tilespmem:v3+s25+$0x0], $0xffff  }
0x2d9: {  	v45 =	vld.idx.msk [tilespmem:v3+s26+$0x0], $0xffff  }
0x2da: {  	v46 =	vld.idx.msk [tilespmem:v3+s28+$0x0], $0xffff  }
0x2db: {  	v47 =	vld.idx.msk [tilespmem:v4+s25+$0x0], $0xffff  }
0x2dc: {  	v48 =	vld.idx.msk [tilespmem:v4+s26+$0x0], $0xffff  }
0x2dd: {  	v49 =	vld.idx.msk [tilespmem:v4+s28+$0x0], $0xffff  }
0x2de: {  	v50 =	vld.idx.msk [tilespmem:v5+s25+$0x0], $0xffff  }
0x2df: {  	v51 =	vld.idx.msk [tilespmem:v5+s26+$0x0], $0xffff  }
0x2e0: {  	v52 =	vld.idx.msk [tilespmem:v5+s28+$0x0], $0xffff  }
0x2e1: {  	v53 =	vld.idx.msk [tilespmem:v6+s25+$0x0], $0xffff  }
0x2e2: {  	v54 =	vld.idx.msk [tilespmem:v6+s26+$0x0], $0xffff  }
0x2e3: {  	v55 =	vld.idx.msk [tilespmem:v6+s28+$0x0], $0xffff  }
0x2e4: {  	v56 =	vld.idx.msk [tilespmem:v7+s25+$0x0], $0xffff  }
0x2e5: {  	v57 =	vld.idx.msk [tilespmem:v7+s26+$0x0], $0xffff  }
0x2e6: {  	v58 =	vld.idx.msk [tilespmem:v7+s28+$0x0], $0xffff;
	v18 =	vadd.f32 $0.0e+00, v18  }
0x2e7: {  	v59 =	vld.idx.msk [tilespmem:v8+s25+$0x0], $0xffff  }
0x2e8: {  	v60 =	vld.idx.msk [tilespmem:v8+s26+$0x0], $0xffff;
	v20 =	vadd.f32 $0.0e+00, v20;
	v18 =	vadd.f32 v62, v18  }
0x2e9: {  	v61 =	vld.idx.msk [tilespmem:v8+s28+$0x0], $0xffff;
	v19 =	vadd.f32 $0.0e+00, v19  }
0x2ea: {  	v41 =	vld.idx.msk [tilespmem:v9+s28+$0x0], $0xffff;
	v20 =	vadd.f32 v63, v20;
	v18 =	vadd.f32 v44, v18  }
0x2eb: {  	v42 =	vld.idx.msk [tilespmem:v10+s25+$0x0], $0xffff;
	v19 =	vadd.f32 v22, v19  }
0x2ec: {  	v43 =	vld.idx.msk [tilespmem:v10+s26+$0x0], $0xffff;
	v20 =	vadd.f32 v46, v20;
	v18 =	vadd.f32 v47, v18  }
0x2ed: {  	v62 =	vld.idx.msk [tilespmem:v9+s25+$0x0], $0xffff;
	v19 =	vadd.f32 v45, v19  }
0x2ee: {  	v63 =	vld.idx.msk [tilespmem:v9+s26+$0x0], $0xffff;
	v20 =	vadd.f32 v49, v20;
	v18 =	vadd.f32 v50, v18  }
0x2ef: {  	v44 =	vld.idx.msk [tilespmem:v10+s28+$0x0], $0xffff;
	v19 =	vadd.f32 v48, v19  }
0x2f0: {  	v45 =	vld.idx.msk [tilespmem:v11+s25+$0x0], $0xffff;
	v20 =	vadd.f32 v52, v20;
	v18 =	vadd.f32 v53, v18  }
0x2f1: {  	v46 =	vld.idx.msk [tilespmem:v11+s26+$0x0], $0xffff;
	v19 =	vadd.f32 v51, v19  }
0x2f2: {  	v47 =	vld.idx.msk [tilespmem:v11+s28+$0x0], $0xffff;
	v20 =	vadd.f32 v55, v20;
	v18 =	vadd.f32 v56, v18  }
0x2f3: {  	v48 =	vld.idx.msk [tilespmem:v12+s25+$0x0], $0xffff;
	v19 =	vadd.f32 v54, v19  }
0x2f4: {  	v49 =	vld.idx.msk [tilespmem:v12+s26+$0x0], $0xffff;
	v20 =	vadd.f32 v58, v20;
	v18 =	vadd.f32 v59, v18  }
0x2f5: {  	v50 =	vld.idx.msk [tilespmem:v12+s28+$0x0], $0xffff;
	v19 =	vadd.f32 v57, v19  }
0x2f6: {  	v51 =	vld.idx.msk [tilespmem:v13+s25+$0x0], $0xffff;
	v20 =	vadd.f32 v61, v20;
	v18 =	vadd.f32 v62, v18  }
0x2f7: {  	v52 =	vld.idx.msk [tilespmem:v13+s26+$0x0], $0xffff;
	v19 =	vadd.f32 v60, v19  }
0x2f8: {  	v53 =	vld.idx.msk [tilespmem:v13+s28+$0x0], $0xffff;
	v20 =	vadd.f32 v41, v20;
	v18 =	vadd.f32 v42, v18  }
0x2f9: {  	v54 =	vld.idx.msk [tilespmem:v14+s25+$0x0], $0xffff;
	v19 =	vadd.f32 v63, v19  }
0x2fa: {  	v55 =	vld.idx.msk [tilespmem:v14+s26+$0x0], $0xffff;
	v20 =	vadd.f32 v44, v20;
	v18 =	vadd.f32 v45, v18  }
0x2fb: {  	v56 =	vld.idx.msk [tilespmem:v14+s28+$0x0], $0xffff;
	v19 =	vadd.f32 v43, v19  }
0x2fc: {  	v57 =	vld.idx.msk [tilespmem:v15+s25+$0x0], $0xffff;
	v20 =	vadd.f32 v47, v20;
	v18 =	vadd.f32 v48, v18  }
0x2fd: {  	v58 =	vld.idx.msk [tilespmem:v15+s26+$0x0], $0xffff;
	v19 =	vadd.f32 v46, v19  }
0x2fe: {  	v59 =	vld.idx.msk [tilespmem:v15+s28+$0x0], $0xffff;
	v20 =	vadd.f32 v50, v20;
	v18 =	vadd.f32 v51, v18  }
0x2ff: {  	v60 =	vld.idx.msk [tilespmem:v16+s25+$0x0], $0xffff;
	v19 =	vadd.f32 v49, v19  }
0x300: {  	s12 =	sshll.u32 s11, $0x4;
	v61 =	vld.idx.msk [tilespmem:v16+s28+$0x0], $0xffff;
	v20 =	vadd.f32 v53, v20;
	v18 =	vadd.f32 v54, v18  }
0x301: {  	v62 =	vld.idx.msk [tilespmem:v17+s12+$0x4F00 ss:$0x1], $0xffff;
	v19 =	vadd.f32 v52, v19  }
0x302: {  	v20 =	vadd.f32 v56, v20;
	v18 =	vadd.f32 v57, v18  }
0x303: {  	v63 =	vld.idx.msk [tilespmem:v16+s26+$0x0], $0xffff;
	v19 =	vadd.f32 v55, v19  }
0x304: {  	v20 =	vadd.f32 v59, v20;
	v18 =	vadd.f32 v60, v18  }
0x305: {  	v19 =	vadd.f32 v58, v19  }
0x306: {  	v20 =	vadd.f32 v61, v20;
	v18 =	vadd.f32 v62, v18;
	_ =	sdelay $0x1  }
0x307: {  	v19 =	vadd.f32 v63, v19;
	v18 =	vmul.f32 v18, v20;
	_ =	sdelay $0x1  }
0x308: {  	v18 =	vadd.f32 v18, v19;
	_ =	sdelay $0x1  }
0x309: {  	v18 =	vmul.f32 $1.442695020e+00, v18;
	_ =	sdelay $0x1  }
0x30a: {  	(erf) = vpow2.f32 v18;
	_ =	sdelay $0x2  }
0x30b: {  	v18 =	vld.idx.msk [tilespmem:v17+s12+$0x2780 ss:$0x1], $0xffff;
	_ =	sdelay $0x2  }
0x30c: {  	p0 =	sne.s32 s11, $0x4  }
.Ltmp1:
0x30d: {  	_ = 	snop;
	(pc) =	sbr.rel @p0 .LBB2_5-.Ltmp1, $4  }
0x30e: {  	_ = 	snop  }
0x30f: {  	v19 =	vpop (erf)  }
0x310: {  	[tilespmem:s12+$0x14300] =	vst v19  }
0x311: {  	s11 =	sadd.s32 $0x1, s11;
	[tilespmem:v18+s29+$0x0] =	vst.idx.add.f32.msk $0xffff, v19  }
0x312: {  	s9 =	sadd.s32 $0x1, s9  }
0x313: {  	s10 =	sshrl.u32 s10, $0x3;
	p0 =	sne.s32 s9, $0x7D  }
.Ltmp2:
0x314: {  	s10 =	sadd.s32 s8, s10;
	(pc) =	sbr.rel @p0 .LBB2_4-.Ltmp2, $4  }
0x315: {  	[hbm4b:s10+s5] =	stream.linear.scatter [tilespmem:s30], [sflag:$0x2], $0x50, $0x38;
	[tilespmem:$0x17080] =	vst v63  }
0x316: {  	_ =	swait.ge [sflag:s16], $0x50  }
0x317: {  	[sflag:s16] =	ssyncset.done $0x0  }
0x318: {  	[sflag:s16] =	ssyncadd.s32 $0xFFFFFFB0  }
0x319: {  	s9 =	rddreg [dreg:$0xa]  }
0x31a: {  	[spmem:s9] =	stream.strided.scatter [tilespmem:s29], [sflag:$0x2], $0x2800, s4, s31, $0x38;
	[tilespmem:$0x17080] =	vst v63  }
0x31b: {  	_ =	swait.ge [sflag:s16], $0x2800  }
0x31c: {  	[sflag:s16] =	ssyncset.done $0x0  }
0x31d: {  	[sflag:s16] =	ssyncadd.s32 $0xFFFFD800  }
0x31e: {  	[bflag:$0x0] =	sbarrier.arrive $0xFFFF  }
0x31f: {  	[tilespmem:$0x16E00] =	vst v1  }
0x320: {  	[tilespmem:$0x16E10] =	vst v1  }
0x321: {  	[tilespmem:$0x16E20] =	vst v1  }
0x322: {  	[tilespmem:$0x16E30] =	vst v1  }
0x323: {  	[tilespmem:$0x16E40] =	vst v1  }
0x324: {  	[tilespmem:$0x16E50] =	vst v1  }
0x325: {  	[tilespmem:$0x16E60] =	vst v1  }
0x326: {  	[tilespmem:$0x16E70] =	vst v1  }
0x327: {  	[tilespmem:$0x16E80] =	vst v1  }
0x328: {  	[tilespmem:$0x16E90] =	vst v1  }
0x329: {  	[tilespmem:$0x16EA0] =	vst v1  }
0x32a: {  	[tilespmem:$0x16EB0] =	vst v1  }
0x32b: {  	[tilespmem:$0x16EC0] =	vst v1  }
0x32c: {  	[tilespmem:$0x16ED0] =	vst v1  }
0x32d: {  	[tilespmem:$0x16EE0] =	vst v1  }
0x32e: {  	[tilespmem:$0x16EF0] =	vst v1  }
0x32f: {  	[tilespmem:$0x16F00] =	vst v1  }
0x330: {  	[tilespmem:$0x16F10] =	vst v1  }
0x331: {  	[tilespmem:$0x16F20] =	vst v1  }
0x332: {  	[tilespmem:$0x16F30] =	vst v1  }
0x333: {  	[tilespmem:$0x16F40] =	vst v1  }
0x334: {  	[tilespmem:$0x16F50] =	vst v1  }
0x335: {  	[tilespmem:$0x16F60] =	vst v1  }
0x336: {  	[tilespmem:$0x16F70] =	vst v1  }
0x337: {  	[tilespmem:$0x16F80] =	vst v1  }
0x338: {  	[tilespmem:$0x16F90] =	vst v1  }
0x339: {  	[tilespmem:$0x16FA0] =	vst v1  }
0x33a: {  	[tilespmem:$0x16FB0] =	vst v1  }
0x33b: {  	[tilespmem:$0x16FC0] =	vst v1  }
0x33c: {  	[tilespmem:$0x16FD0] =	vst v1  }
0x33d: {  	[tilespmem:$0x16FE0] =	vst v1  }
0x33e: {  	[tilespmem:$0x16FF0] =	vst v1  }
0x33f: {  	[tilespmem:$0x17000] =	vst v1  }
0x340: {  	[tilespmem:$0x17010] =	vst v1  }
0x341: {  	[tilespmem:$0x17020] =	vst v1  }
0x342: {  	[tilespmem:$0x17030] =	vst v1  }
0x343: {  	[tilespmem:$0x17040] =	vst v1  }
0x344: {  	[tilespmem:$0x17050] =	vst v1  }
0x345: {  	[tilespmem:$0x17060] =	vst v1  }
0x346: {  	s9 =	simm.s32 $0x0;
	[tilespmem:$0x17070] =	vst v1  }
.LBB2_8:
0x347: {  	s10 =	sshrl.u32 s9, $0x3  }
0x348: {  	s10 =	smul.u32 $0x50000, s10;
	_ =	sdelay $0x1  }
0x349: {  	s11 =	sshll.u32 s9, $0x7;
	s10 =	sshra.s32 s10, $0x2  }
0x34a: {  	s11 =	sand.u32 $0x380, s11;
	s10 =	sadd.s32 s10, s13  }
0x34b: {  	s10 =	sadd.s32 s11, s10  }
0x34c: {  	[tilespmem:s2], [sflag:$0x2] =	stream.strided.gather [spmem:s10], $0x280, s4, s31, $0x38;
	[tilespmem:$0x17080] =	vst v63  }
0x34d: {  	_ =	swait.ge [sflag:s16], $0x280  }
0x34e: {  	[sflag:s16] =	ssyncset.done $0x0  }
0x34f: {  	s10 =	simm.s32 $0x0;
	[sflag:s16] =	ssyncadd.s32 $0xFFFFFD80  }
0x350: {  	s11 =	simm.s32 $0x40;
	v17 =	vld [tilespmem:s10+$0x16B80]  }
.LBB2_9:
0x351: {  	p0 =	sne.s32 s11, $0x9C0;
	v18 =	vld [tilespmem:s10+$0x16E00];
	_ =	sdelay $0x2  }
.Ltmp3:
0x352: {  	(pc) =	sbr.rel @p0 .LBB2_9-.Ltmp3, $4  }
0x353: {  	_ = 	snop  }
0x354: {  	v18 =	vadd.f32 v17, v18  }
0x355: {  	s12 =	sshra.s32 s11, $0x2  }
0x356: {  	s11 =	sadd.s32 $0x40, s11;
	v17 =	vld [tilespmem:s12+$0x16B80];
	[tilespmem:s10+$0x16E00] =	vst v18;
	s10 =	smov.u32 s12  }
0x357: {  	v18 =	vld [tilespmem:s10+$0x16E00]  }
0x358: {  	s9 =	sadd.s32 $0x1, s9  }
0x359: {  	p0 =	sne.s32 s9, $0x10  }
.Ltmp4:
0x35a: {  	_ = 	snop;
	(pc) =	sbr.rel @p0 .LBB2_8-.Ltmp4, $3  }
0x35b: {  	_ = 	snop  }
0x35c: {  	v17 =	vadd.f32 v17, v18;
	_ =	sdelay $0x1  }
0x35d: {  	[tilespmem:s10+$0x16E00] =	vst v17  }
0x35e: {  	s17 =	sadd.s32 $0x1, s17  }
0x35f: {  	p0 =	sne.s32 s17, s15  }
.Ltmp5:
0x360: {  	s9 =	simm.s32 $0x100;
	s10 =	simm.s32 $0x16E00;
	(pc) =	sbr.rel @p0 .LBB2_1-.Ltmp5, $4  }
0x361: {  	[hbm4b:s14+s31] =	stream.strided.scatter [tilespmem:s10], [sflag:$0x2], $0x280, s9, s31, $0x38;
	[tilespmem:$0x17080] =	vst v63  }
0x362: {  	_ =	swait.ge [sflag:s16], $0x280  }
0x363: {  	[sflag:s16] =	ssyncset.done $0x0  }
0x364: {  	[sflag:s16] =	ssyncadd.s32 $0xFFFFFD80  }
0x365: {  	_ =	sfence.sel $0x180000  }
0x366: {  	[bflag:$0x0] =	sbarrier.arrive $0xFFFF  }
0x367: {  	_ =	strace $0x90000047  }
0x368: {  	s0 =	stileid.u32;
	[bflag:$0x2] =	sbarrier.arrive $0xFFFF  }
0x369: {  	p0 =	sne.s32 s0, $0x0;
	s0 =	rddreg [dreg:$0x6]  }
0x36a: {  	s0 =	sadd.s32 @!p0 $0x100000, s0  }
0x36b: {  	[sflag:s0] =	ssyncadd.tile.s32 @!p0 $0x1;
	_ =	shalt  }
.Lfunc_end2:
_tile_overlayer_lowered:
.L_overlay_start_2:
0x36c: {  	(tag) =	ssettag $0x2  }
0x36d: {  	s0 =	rddreg [dreg:$0x0];
	s2 =	stileid.u32  }
0x36e: {  	s1 =	rddreg [dreg:$0x1];
	p0 =	sne.s32 s2, $0x0  }
0x36f: {  	s3 =	rddreg [dreg:$0x2];
	[bflag:$0x3] =	sbarrier.arrive $0xFFFF;
	s2 =	simm.s32 @!p0 $0x1C02  }
0x370: {  	[timem:s3], [sflag:s2] =	dma.local @!p0 [hbm:s0], s1  }
0x371: {  	s0 =	simm.s32 @!p0 $0x2  }
0x372: {  	_ =	swait.ge @!p0 [sflag:s0], s1  }
0x373: {  	s1 =	ssub.s32 @!p0 $0x0, s1;
	[sflag:s0] =	ssyncset.done @!p0 $0x0  }
0x374: {  	[sflag:s0] =	ssyncadd.s32 @!p0 s1  }
0x375: {  	[bflag:$0x3] =	sbarrier.arrive $0xFFFF  }
0x376: {  	_ =	shalt  }

// kernel: kernel.8.cloned.1.call-start
scs
__scs_entry_jumppad:
0x0: {  	(pc) =	sbr.rel $0x88, $3  }
0x1: {  	(tag) =	ssettag $0x0;
	lr =	simm.s32 $0x1  }
0x2: {  	[smem:$0x3F9A] =	sst lr;
	_ =	strace $0xD0000000  }
0x3: {  	_ = 	snop  }
0x4: {  	_ = 	snop  }
0x5: {  	_ = 	snop  }
0x6: {  	_ = 	snop  }
0x7: {  	_ = 	snop  }
__scs_overlays_trampoline_lowered:
0x8: {  	[smem:$0x3FA9] =	sst s0  }
0x9: {  	[smem:$0x3FAA] =	sst s1  }
0xa: {  	[smem:$0x3FAB] =	sst s2  }
0xb: {  	[smem:$0x3FAC] =	sst s3  }
0xc: {  	[smem:$0x3FAD] =	sst s4  }
0xd: {  	[smem:$0x3FAE] =	sst s5  }
0xe: {  	[smem:$0x3FAF] =	sst s6  }
0xf: {  	[smem:$0x3FB0] =	sst s7  }
0x10: {  	[smem:$0x3FB1] =	sst s8  }
0x11: {  	[smem:$0x3FB2] =	sst s9;
	s0 =	simm.s32 @!p0 $0x0  }
0x12: {  	s1 =	sld [smem:$0x3F98];
	s0 =	simm.s32 @p0 $0x1  }
0x13: {  	[smem:$0x3FB3] =	sst s0;
	s0 =	simm.s32 @!p1 $0x0  }
0x14: {  	s2 =	sld [smem:$0x3F97];
	s0 =	simm.s32 @p1 $0x1  }
0x15: {  	[smem:$0x3FB4] =	sst s0;
	s0 =	simm.s32 @!p2 $0x0  }
0x16: {  	s3 =	sld [smem:$0x3FDB];
	s0 =	simm.s32 @p2 $0x1  }
0x17: {  	s4 =	simm.s32 $0x1BF5;
	[smem:$0x3FB6] =	sst s0  }
0x18: {  	s0 =	sld [smem:$0x3F99];
	_ =	swait.ge [sflag:s4], $0x0  }
0x19: {  	s7 =	sld [smem:$0x3F9A]  }
0x1a: {  	s8 =	sadd.s32 $0xFFFFE003, lr  }
0x1b: {  	s9 =	sadd.s32 $0xFFFFFEF7, lr;
	s5 =	simm.s32 $0xFFFFFFFF;
	p2 =	slt.u32 s8, $0xFFFFF086  }
0x1c: {  	p1 =	slt.u32 s9, $0xF7A;
	s5 =	simm.s32 @!p2 $0x0  }
0x1d: {  	s5 =	simm.s32 @p1 $0x1;
	p0 =	seq.s32 s7, s2  }
0x1e: {  	s7 =	smul.u32 @!p0 $0xF7A, s2;
	p2 =	seq.s32 @!p0 s5, $0x0  }
0x1f: {  	s9 =	smul.u32 $0xF7A, s1;
	s8 =	simm.s32 @!p0 $0x1BF5;
	p2 =	por !p2, p0  }
0x20: {  	[sflag:s8] =	ssyncset.s32 @!p0 $0xFFFFF086;
	s6 =	sadd.s32 @!p0 s3, s7;
	s7 =	simm.s32 @!p0 $0x108  }
0x21: {  	s3 =	sadd.s32 s3, s9;
	s6 =	sadd.s32 @!p0 $0x88, s6;
	s7 =	simm.s32 @p2 $0x1082  }
0x22: {  	[simem:s7], [sflag:s8] =	dma.local @!p0 [hbm:s6], $0xF7A  }
0x23: {  	s9 =	sor.u32 $0xD0000000, s2;
	s6 =	simm.s32 $0x108;
	_ =	swait.ge @!p0 [sflag:s8], $0x0  }
0x24: {  	s3 =	sadd.s32 $0x88, s3;
	s6 =	simm.s32 @!p1 $0x1082;
	[sflag:s4] =	ssyncset.s32 $0xFFFFF086  }
0x25: {  	[simem:s6], [sflag:s4] =	dma.local [hbm:s3], $0xF7A  }
0x26: {  	[smem:$0x3F9A] =	sst s1;
	(tag) =	ssettag s2;
	_ =	strace s9  }
0x27: {  	s1 =	sld [smem:$0x3FAA]  }
0x28: {  	s2 =	sld [smem:$0x3FAB]  }
0x29: {  	s4 =	sld [smem:$0x3FAD]  }
0x2a: {  	p0 =	seq.s32 s5, $0x0;
	s5 =	sld [smem:$0x3FAE]  }
0x2b: {  	s6 =	sld [smem:$0x3FAF]  }
0x2c: {  	s7 =	sld [smem:$0x3FB0]  }
0x2d: {  	s3 =	simm.s32 $0x108;
	s8 =	sld [smem:$0x3FB1]  }
0x2e: {  	s3 =	simm.s32 @!p0 $0x1082;
	s9 =	sld [smem:$0x3FB2]  }
0x2f: {  	lr =	sadd.s32 s0, s3;
	s0 =	sld [smem:$0x3FA9]  }
0x30: {  	s3 =	sld [smem:$0x3FAC]  }
0x31: {  	[smem:$0x3FB5] =	sst s10  }
0x32: {  	s10 =	sld [smem:$0x3FB3];
	_ =	sdelay $0x3  }
0x33: {  	p0 =	seq.s32 s10, $0x1;
	s10 =	sld [smem:$0x3FB5];
	_ =	sdelay $0x3  }
0x34: {  	[smem:$0x3FB5] =	sst s10  }
0x35: {  	s10 =	sld [smem:$0x3FB4];
	_ =	sdelay $0x3  }
0x36: {  	p1 =	seq.s32 s10, $0x1;
	s10 =	sld [smem:$0x3FB5];
	_ =	sdelay $0x3  }
0x37: {  	[smem:$0x3FB5] =	sst s10  }
0x38: {  	s10 =	sld [smem:$0x3FB6]  }
0x39: {  	_ = 	snop;
	(pc) =	sbr.ind lr, $3  }
0x3a: {  	_ = 	snop  }
0x3b: {  	_ = 	snop  }
0x3c: {  	p2 =	seq.s32 s10, $0x1;
	s10 =	sld [smem:$0x3FB5]  }
0x3d: {  	_ =	shalt  }
0x3e: {  	_ =	shalt  }
0x3f: {  	_ =	shalt  }
0x40: {  	_ =	shalt  }
0x41: {  	_ =	shalt  }
0x42: {  	_ =	shalt  }
0x43: {  	_ =	shalt  }
0x44: {  	_ =	shalt  }
0x45: {  	_ =	shalt  }
0x46: {  	_ =	shalt  }
0x47: {  	_ =	shalt  }
0x48: {  	_ =	shalt  }
0x49: {  	_ =	shalt  }
0x4a: {  	_ =	shalt  }
0x4b: {  	_ =	shalt  }
0x4c: {  	_ =	shalt  }
0x4d: {  	_ =	shalt  }
0x4e: {  	_ =	shalt  }
0x4f: {  	_ =	shalt  }
0x50: {  	_ =	shalt  }
0x51: {  	_ =	shalt  }
0x52: {  	_ =	shalt  }
0x53: {  	_ =	shalt  }
0x54: {  	_ =	shalt  }
0x55: {  	_ =	shalt  }
0x56: {  	_ =	shalt  }
0x57: {  	_ =	shalt  }
0x58: {  	_ =	shalt  }
0x59: {  	_ =	shalt  }
0x5a: {  	_ =	shalt  }
0x5b: {  	_ =	shalt  }
0x5c: {  	_ =	shalt  }
0x5d: {  	_ =	shalt  }
0x5e: {  	_ =	shalt  }
0x5f: {  	_ =	shalt  }
0x60: {  	_ =	shalt  }
0x61: {  	_ =	shalt  }
0x62: {  	_ =	shalt  }
0x63: {  	_ =	shalt  }
0x64: {  	_ =	shalt  }
0x65: {  	_ =	shalt  }
0x66: {  	_ =	shalt  }
0x67: {  	_ =	shalt  }
0x68: {  	_ =	shalt  }
0x69: {  	_ =	shalt  }
0x6a: {  	_ =	shalt  }
0x6b: {  	_ =	shalt  }
0x6c: {  	_ =	shalt  }
0x6d: {  	_ =	shalt  }
0x6e: {  	_ =	shalt  }
0x6f: {  	_ =	shalt  }
0x70: {  	_ =	shalt  }
0x71: {  	_ =	shalt  }
0x72: {  	_ =	shalt  }
0x73: {  	_ =	shalt  }
0x74: {  	_ =	shalt  }
0x75: {  	_ =	shalt  }
0x76: {  	_ =	shalt  }
0x77: {  	_ =	shalt  }
0x78: {  	_ =	shalt  }
0x79: {  	_ =	shalt  }
0x7a: {  	_ =	shalt  }
0x7b: {  	_ =	shalt  }
0x7c: {  	_ =	shalt  }
0x7d: {  	_ =	shalt  }
0x7e: {  	_ =	shalt  }
0x7f: {  	_ =	shalt  }
0x80: {  	_ =	shalt  }
0x81: {  	_ =	shalt  }
0x82: {  	_ =	shalt  }
0x83: {  	_ =	shalt  }
0x84: {  	_ =	shalt  }
0x85: {  	_ =	shalt  }
0x86: {  	_ =	shalt  }
0x87: {  	_ =	shalt  }
.Lfunc_end0:
.L_simem_size_0:
called_computation.1_lowered:
.L_overlay_start_0:
0x88: {  	s2 =	sld [smem:$0x3FD9]  }
0x89: {  	s3 =	sld [smem:$0x3FFE];
	_ =	sdelay $0x1  }
0x8a: {  	s1 =	srdreg.scid  }
0x8b: {  	s0 =	sand.u32 $0x1, s1  }
0x8c: {  	s17 =	sshll.u32 s0, $0xA;
	s2 =	sadd.s32 s3, s2  }
0x8d: {  	s2 =	sadd.s32 s2, s17  }
0x8e: {  	[smem:$0x3FC1] =	sst s2  }
0x8f: {  	_ = 	snop  }
0x90: {  	s2 =	sld [smem:$0x3FD0];
	(tm) =	ssettm $0x1  }
0x91: {  	s18 =	sld [smem:$0x3FFB];
	_ =	sdelay $0x3  }
0x92: {  	_ =	strace s18  }
0x93: {  	s3 =	sld [smem:$0x3FFC];
	_ =	sdelay $0x3  }
0x94: {  	_ =	strace s3  }
0x95: {  	s3 =	sld [smem:$0x3FFD];
	_ =	sdelay $0x3  }
0x96: {  	_ =	strace s3  }
0x97: {  	_ =	strace $0x8FFFFFFF  }
0x98: {  	s19 =	sld [smem:$0x3FDB];
	_ =	sdelay $0x1  }
0x99: {  	s4 =	simm.s32 $_scs_section_size  }
0x9a: {  	s5 =	simm.s32 $_size__tile_overlayer_lowered;
	s6 =	simm.s32 $_tile_overlayer_lowered  }
0x9b: {  	s22 =	simm.s32 $0x1BFF;
	s21 =	sshll.u32 s6, $0x1;
	s3 =	sadd.s32 s4, s19  }
0x9c: {  	s7 =	simm.s32 $0x0;
	s20 =	sshll.u32 s5, $0x1;
	s5 =	sadd.s32 s21, s3  }
0x9d: {  	[timem:s7], [sflag:s22] =	dma.local [hbm:s5], s20  }
0x9e: {  	_ =	swait.ge [sflag:s22], s20  }
0x9f: {  	s4 =	ssub.s32 $0x0, s20;
	[sflag:s22] =	ssyncset.done $0x0  }
0xa0: {  	[sflag:s22] =	ssyncadd.s32 s4;
	_ =	sdelay $0x1  }
0xa1: {  	s23 =	simm.s32 $0x1B8B  }
0xa2: {  	_ =	swait.ge [sflag:s23], $0x1  }
0xa3: {  	[sflag:s23] =	ssyncset.done $0x0  }
0xa4: {  	s25 =	simm.s32 $0x1B8E;
	s24 =	sld [smem:$0x3FFE];
	[sflag:s23] =	ssyncadd.s32 $0xFFFFFFFF  }
0xa5: {  	s26 =	simm.s32 $execute0_lowered;
	[smem:$0x3FD2] =	sst s25  }
0xa6: {  	s5 =	sshll.u32 s26, $0x1;
	_ =	strace $0x80000049;
	[dreg:$0x1] =	wrdreg $0xFFFFFFFF  }
0xa7: {  	s28 =	simm.s32 $_size_execute0_lowered;
	s3 =	sadd.s32 s3, s5;
	[dreg:$0x0] =	wrdreg $0x0  }
0xa8: {  	s5 =	sshll.u32 s28, $0x1;
	[dreg:$0x2] =	wrdreg s3  }
0xa9: {  	[dreg:$0x3] =	wrdreg s5  }
0xaa: {  	[dreg:$0x4] =	wrdreg $0xC0  }
0xab: {  	_ =	task [dreg:s7], $0x5FFFF  }
0xac: {  	[dreg:$0x1] =	wrdreg $0xFFFFFFFF  }
0xad: {  	[dreg:$0x0] =	wrdreg $0x60  }
0xae: {  	[dreg:$0x2] =	wrdreg s24  }
0xaf: {  	[dreg:$0x3] =	wrdreg s2  }
0xb0: {  	[dreg:$0x4] =	wrdreg $0x9  }
0xb1: {  	_ =	task.clear_ibuf [dreg:s7], $0x5FFFF;
	_ =	strace $0x90000049  }
0xb2: {  	s29 =	simm.s32 $0x9;
	_ =	strace $0x8000004B  }
0xb3: {  	_ =	swait.ge [sflag:s29], $0x1  }
0xb4: {  	[sflag:s29] =	ssyncadd.s32 $0xFFFFFFFF  }
0xb5: {  	_ =	strace $0x9000004B  }
0xb6: {  	_ =	sfence  }
0xb7: {  	s30 =	sld [smem:$0x0];
	_ =	sdelay $0x2  }
0xb8: {  	s31 =	sshll.u32 s1, $0xD;
	s1 =	sshrl.u32 s1, $0x2  }
0xb9: {  	s3 =	sand.u32 $0x4000, s31;
	s1 =	sadd.s32 s1, s30  }
0xba: {  	s0 =	sor.u32 s3, s0;
	s1 =	sshll.u32 s1, $0x11  }
0xbb: {  	s0 =	sor.u32 s1, s0  }
0xbc: {  	s0 =	sadd.s32 $0x8F2B, s0  }
0xbd: {  	[sflag:s0] =	ssyncadd.remote.s32 $0x1  }
0xbe: {  	_ =	sfence.sel $0xFFFF  }
0xbf: {  	[dreg:$0x0] =	wrdreg $0xFFFFFFFF;
	(pc) =	sbr.abs _section_cstart, $3  }
0xc0: {  	[dreg:$0x1] =	wrdreg $0xFFFFFFFF  }
0xc1: {  	_ =	task.clear_ibuf [dreg:s7], $0x2FFFF;
	_ =	strace $0x9FFFFFFF  }
0xc2: {  	(tm) =	ssettm $0x7FFFFFFF  }
0xc3: {  	_ =	shalt  }
tec
execute0_lowered:
.L_overlay_start_1:
0x0: {  	(tag) =	ssettag $0x1  }
0x1: {  	s0 =	srdreg.scid;
	s4 =	rddreg [dreg:$0x0]  }
0x2: {  	s2 =	rddreg [dreg:$0x1];
	s1 =	stileid.u32;
	s3 =	simm.s32 $0x0  }
0x3: {  	s10 =	simm.s32 $0x100;
	s11 =	simm.s32 $0x1;
	s5 =	sand.u32 $0x1, s0  }
0x4: {  	s12 =	simm.s32 $0x2800;
	s13 =	simm.s32 $0x5000;
	s6 =	sshll.u32 s5, $0x4  }
0x5: {  	s14 =	simm.s32 $0x7780;
	s15 =	simm.s32 $0x9F00;
	s6 =	sor.u32 s1, s6  }
0x6: {  	s0 =	rddreg [dreg:$0x2];
	s5 =	ssub.s32 $0x2, s5;
	s6 =	smul.u32 $0x4E2, s6  }
0x7: {  	s16 =	simm.s32 $0x0;
	[smem:$0x7FF] =	sst s3;
	s7 =	sshrl.u32 s5, $0x1  }
0x8: {  	_ =	strace $0x8000004A;
	s9 =	ssub.s32 s5, s7;
	s8 =	sadd.s32 s6, s4  }
0x9: {  	s4 =	sadd.s32 $0x10, s2;
	s5 =	sadd.s32 $0xA400, s8;
	s6 =	sadd.s32 $0x45200, s8  }
0xa: {  	s7 =	sadd.s32 $0x600, s8;
	s8 =	smax.u32 s9, $0x1;
	s9 =	simm.s32 $0x80  }
.LBB2_1:
0xb: {  	[tilespmem:s3], [sflag:$0x1] =	stream.strided.gather [hbm4b:s2+s9], $0x2800, s10, s9, $0x38;
	[tilespmem:$0xC680] =	vst v63  }
0xc: {  	_ =	swait.ge [sflag:s11], $0x2800  }
0xd: {  	[sflag:s11] =	ssyncset.done $0x0  }
0xe: {  	[sflag:s11] =	ssyncadd.s32 $0xFFFFD800  }
0xf: {  	[tilespmem:s12], [sflag:$0x1] =	stream.strided.gather [hbm4b:s4+s9], $0x2800, s10, s9, $0x38;
	[tilespmem:$0xC680] =	vst v63  }
0x10: {  	_ =	swait.ge [sflag:s11], $0x2800  }
0x11: {  	[sflag:s11] =	ssyncset.done $0x0  }
0x12: {  	s17 =	simm.s32 $0x0;
	[sflag:s11] =	ssyncadd.s32 $0xFFFFD800  }
0x13: {  	s18 =	simm.s32 $0x40;
	v0 =	vld [tilespmem:s17+$0x2800]  }
.LBB2_2:
0x14: {  	p0 =	sne.s32 s18, $0x9FC0;
	v1 =	vld [tilespmem:s17+$0x0];
	_ =	sdelay $0x2  }
.Ltmp0:
0x15: {  	(pc) =	sbr.rel @p0 .LBB2_2-.Ltmp0, $4  }
0x16: {  	_ = 	snop  }
0x17: {  	v1 =	vadd.f32 v0, v1  }
0x18: {  	s19 =	sshra.s32 s18, $0x2  }
0x19: {  	s18 =	sadd.s32 $0x40, s18;
	v0 =	vld [tilespmem:s19+$0x2800];
	[tilespmem:s17+$0x0] =	vst v1;
	s17 =	smov.u32 s19  }
0x1a: {  	v1 =	vld [tilespmem:s17+$0x0];
	_ =	sdelay $0x4  }
0x1b: {  	v0 =	vadd.f32 v0, v1;
	_ =	sdelay $0x1  }
0x1c: {  	s31 =	simm.s32 $0x0;
	[tilespmem:s17+$0x0] =	vst v0  }
0x1d: {  	[tilespmem:s13], [sflag:$0x1] =	stream.linear.gather [hbm4b:s5+s31], $0x2710, $0x38;
	[tilespmem:$0xC680] =	vst v63  }
0x1e: {  	_ =	swait.ge [sflag:s11], $0x2710  }
0x1f: {  	[sflag:s11] =	ssyncset.done $0x0  }
0x20: {  	[sflag:s11] =	ssyncadd.s32 $0xFFFFD8F0  }
0x21: {  	[tilespmem:s14], [sflag:$0x1] =	stream.linear.gather [hbm4b:s6+s31], $0x2710, $0x38;
	[tilespmem:$0xC680] =	vst v63  }
0x22: {  	_ =	swait.ge [sflag:s11], $0x2710  }
0x23: {  	[sflag:s11] =	ssyncset.done $0x0  }
0x24: {  	s17 =	simm.s32 $0x0;
	[sflag:s11] =	ssyncadd.s32 $0xFFFFD8F0  }
0x25: {  	v0 =	vld [tilespmem:s17+$0x5000];
	_ =	sdelay $0x7  }
0x26: {  	v0 =	vld.idx.msk [tilespmem:v0+s3+$0x0], $0xffff;
	_ =	sdelay $0x4  }
0x27: {  	vm0 =	vgt.f32 v0, $0.0e+00  }
0x28: {  	v0 =	vnsel vm0, $0x3F800000, v0  }
0x29: {  	(erf) = vrcp.f32 v0;
	_ =	sdelay $0x3  }
0x2a: {  	s19 =	simm.s32 $0x10;
	s18 =	simm.s32 $0x80;
	v0 =	vld [tilespmem:s17+$0x7780]  }
.LBB2_4:
0x2b: {  	p0 =	sne.s32 s18, $0x9C00;
	v1 =	vld [tilespmem:s19+$0x5000];
	_ =	sdelay $0x3  }
0x2c: {  	v2 =	vpop (erf)  }
0x2d: {  	v0 =	vmul.f32 v2, v0;
	_ =	sdelay $0x1  }
0x2e: {  	[tilespmem:s17+$0x9F00] =	vst v0;
	s17 =	smov.u32 s19  }
0x2f: {  	v0 =	vld.idx.msk [tilespmem:v1+s3+$0x0], $0xffff;
	_ =	sdelay $0x5  }
0x30: {  	vm0 =	vgt.f32 v0, $0.0e+00  }
0x31: {  	v0 =	vnsel vm0, $0x3F800000, v0  }
.Ltmp1:
0x32: {  	(erf) = vrcp.f32 v0;
	(pc) =	sbr.rel @p0 .LBB2_4-.Ltmp1, $2  }
0x33: {  	_ =	sdelay $0x2  }
0x34: {  	s19 =	sshra.s32 s18, $0x2;
	s18 =	sadd.s32 $0x40, s18;
	v0 =	vld [tilespmem:s17+$0x7780]  }
0x35: {  	v1 =	vld [tilespmem:s19+$0x5000];
	_ =	sdelay $0x3  }
0x36: {  	v2 =	vpop (erf)  }
0x37: {  	v0 =	vmul.f32 v2, v0;
	_ =	sdelay $0x1  }
0x38: {  	[tilespmem:s17+$0x9F00] =	vst v0  }
0x39: {  	v0 =	vld.idx.msk [tilespmem:v1+s3+$0x0], $0xffff;
	_ =	sdelay $0x4  }
0x3a: {  	vm0 =	vgt.f32 v0, $0.0e+00  }
0x3b: {  	v0 =	vnsel vm0, $0x3F800000, v0  }
0x3c: {  	(erf) = vrcp.f32 v0;
	_ =	sdelay $0x4  }
0x3d: {  	v62 =	vld [tilespmem:s19+$0x7780];
	_ =	sdelay $0x3  }
0x3e: {  	v63 =	vpop (erf)  }
0x3f: {  	s16 =	sadd.s32 $0x1, s16;
	v0 =	vmul.f32 v63, v62  }
0x40: {  	p0 =	sne.s32 s16, s8  }
.Ltmp2:
0x41: {  	[tilespmem:s19+$0x9F00] =	vst v0;
	(pc) =	sbr.rel @p0 .LBB2_1-.Ltmp2, $4  }
0x42: {  	[hbm4b:s7+s3] =	stream.linear.scatter [tilespmem:s15], [sflag:$0x1], $0x2710, $0x38;
	[tilespmem:$0xC680] =	vst v63  }
0x43: {  	_ =	swait.ge [sflag:s11], $0x2710  }
0x44: {  	[sflag:s11] =	ssyncset.done $0x0  }
0x45: {  	[sflag:s11] =	ssyncadd.s32 $0xFFFFD8F0  }
0x46: {  	_ =	sfence.sel $0x180000  }
0x47: {  	[bflag:$0x0] =	sbarrier.arrive $0xFFFF  }
0x48: {  	p0 =	sne.s32 s1, $0x0;
	_ =	strace $0x9000004A  }
0x49: {  	s0 =	sadd.s32 @!p0 $0x100000, s0;
	[bflag:$0x2] =	sbarrier.arrive $0xFFFF  }
0x4a: {  	[sflag:s0] =	ssyncadd.tile.s32 @!p0 $0x1;
	_ =	shalt  }
.Lfunc_end2:
_tile_overlayer_lowered:
.L_overlay_start_2:
0x4b: {  	(tag) =	ssettag $0x2  }
0x4c: {  	s0 =	rddreg [dreg:$0x0];
	s2 =	stileid.u32  }
0x4d: {  	s1 =	rddreg [dreg:$0x1];
	p0 =	sne.s32 s2, $0x0  }
0x4e: {  	s3 =	rddreg [dreg:$0x2];
	[bflag:$0x3] =	sbarrier.arrive $0xFFFF;
	s2 =	simm.s32 @!p0 $0x1C01  }
0x4f: {  	[timem:s3], [sflag:s2] =	dma.local @!p0 [hbm:s0], s1  }
0x50: {  	s0 =	simm.s32 @!p0 $0x1  }
0x51: {  	_ =	swait.ge @!p0 [sflag:s0], s1  }
0x52: {  	s1 =	ssub.s32 @!p0 $0x0, s1;
	[sflag:s0] =	ssyncset.done @!p0 $0x0  }
0x53: {  	[sflag:s0] =	ssyncadd.s32 @!p0 s1  }
0x54: {  	[bflag:$0x3] =	sbarrier.arrive $0xFFFF  }
0x55: {  	_ =	shalt  }

</sc_bundles>
